<compile_context>
chip_gen: v7x
topology: tpu7x:2x2x1
jax: 0.10.2.dev20260603
libtpu: 0.0.44.dev20260713+nightly
codegen_flags: <defaults>
</compile_context>

<pallas_src>
import functools

import jax
import jax.numpy as jnp
from jax import lax
from jax.experimental import pallas as pl
from jax.experimental.pallas import tpu as pltpu
from jax.experimental.pallas import tpu_sc as plsc

N = 10000
E = 320000
D = 128
G = 256

NC = 2
NS = 16
NW = NC * NS
L = 16

EPT = E // NW
CHUNK = 128
NCHUNK = 79
EPT_PAD = NCHUNK * CHUNK
ACC_ROWS = 10240
RPT_ACC = ACC_ROWS // NS

SEG_RPT = 320
SEG_ROWS = NW * SEG_RPT

_SC_MESH = plsc.VectorSubcoreMesh(
    core_axis_name="c", subcore_axis_name="s", num_cores=NC, num_subcores=NS)




@functools.partial(
    pl.kernel,
    out_type=jax.ShapeDtypeStruct((NW, N), jnp.float32),
    mesh=_SC_MESH,
    scratch_types=[
        pltpu.VMEM((EPT,), jnp.int32),
        pltpu.VMEM((N,), jnp.float32),
    ],
    compiler_params=pltpu.CompilerParams(needs_layout_passes=False),
)
def _deg_kernel(dst_hbm, out_hbm, dst_v, hist_v):
    c = lax.axis_index("c")
    s = lax.axis_index("s")
    wid = c * NS + s
    pltpu.sync_copy(dst_hbm.at[wid], dst_v)
    zeros = jnp.zeros((L,), jnp.float32)

    def zloop(i, carry):
        hist_v[pl.ds(i * L, L)] = zeros
        return carry

    lax.fori_loop(0, N // L, zloop, 0)
    ones = jnp.ones((L,), jnp.float32)

    def eloop(i, carry):
        idx = dst_v[pl.ds(i * L, L)]
        plsc.addupdate_scatter(hist_v, [idx], ones)
        return carry

    lax.fori_loop(0, EPT // L, eloop, 0)
    pltpu.sync_copy(hist_v, out_hbm.at[wid])


@functools.partial(
    pl.kernel,
    out_type=jax.ShapeDtypeStruct((NC, ACC_ROWS, D), jnp.float32),
    mesh=_SC_MESH,
    scratch_types=[
        pltpu.VMEM((CHUNK,), jnp.int32),
        pltpu.VMEM((CHUNK,), jnp.int32),
        pltpu.VMEM((CHUNK, D), jnp.float32),
        pltpu.VMEM_SHARED((ACC_ROWS, D), jnp.float32),
        pltpu.SemaphoreType.DMA,
    ],
    compiler_params=pltpu.CompilerParams(needs_layout_passes=False),
)
def _edge_kernel(y_hbm, srcp_hbm, dstp_hbm, out_hbm,
                 src_v, dst_v, rows_v, acc_sh, sem):
    c = lax.axis_index("c")
    s = lax.axis_index("s")
    wid = c * NS + s
    zeros = jnp.zeros((L,), jnp.float32)

    def zloop(i, carry):
        for j in range(D // L):
            rows_v[i, pl.ds(j * L, L)] = zeros
        return carry

    lax.fori_loop(0, 128, zloop, 0)
    base = s * RPT_ACC
    for k in range(RPT_ACC // 128):
        pltpu.sync_copy(rows_v.at[pl.ds(0, 128)],
                        acc_sh.at[pl.ds(base + k * 128, 128)])
    plsc.subcore_barrier()

    def chunk(i, carry):
        eb = i * CHUNK
        pltpu.sync_copy(srcp_hbm.at[wid, pl.ds(eb, CHUNK)], src_v)
        pltpu.sync_copy(dstp_hbm.at[wid, pl.ds(eb, CHUNK)], dst_v)
        pltpu.async_copy(y_hbm.at[src_v], rows_v, sem).wait()
        pltpu.sync_copy(rows_v, acc_sh.at[dst_v], add=True)
        return carry

    lax.fori_loop(0, NCHUNK, chunk, 0)
    plsc.subcore_barrier()
    for k in range(RPT_ACC // 128):
        pltpu.sync_copy(acc_sh.at[pl.ds(base + k * 128, 128)],
                        rows_v.at[pl.ds(0, 128)])
        pltpu.sync_copy(rows_v.at[pl.ds(0, 128)],
                        out_hbm.at[c, pl.ds(base + k * 128, 128)])


@functools.partial(
    pl.kernel,
    out_type=jax.ShapeDtypeStruct((NW, G, D), jnp.float32),
    mesh=_SC_MESH,
    scratch_types=[
        pltpu.VMEM((SEG_RPT, D), jnp.float32),
        pltpu.VMEM((SEG_RPT,), jnp.int32),
        pltpu.VMEM((G, D), jnp.float32),
    ],
    compiler_params=pltpu.CompilerParams(needs_layout_passes=False),
)
def _segmax_kernel(h_hbm, b_hbm, out_hbm, rows_v, bidx_v, out_v):
    c = lax.axis_index("c")
    s = lax.axis_index("s")
    wid = c * NS + s
    pltpu.sync_copy(h_hbm.at[pl.ds(wid * SEG_RPT, SEG_RPT)], rows_v)
    pltpu.sync_copy(b_hbm.at[wid], bidx_v)
    ninf = jnp.full((L,), -jnp.inf, jnp.float32)

    def iloop(i, carry):
        for j in range(D // L):
            out_v[i, pl.ds(j * L, L)] = ninf
        return carry

    lax.fori_loop(0, G, iloop, 0)
    iota = lax.iota(jnp.int32, L)

    def gloop(g, carry):
        seg_prev = carry[0]
        acc = list(carry[1:])
        bv = bidx_v[pl.ds(g * L, L)]
        for rr in range(L):
            r = g * L + rr
            seg = jnp.sum(jnp.where(iota == rr, bv, 0))
            new = seg != seg_prev
            segv = jnp.full((L,), seg, jnp.int32)
            for j in range(D // L):
                rj = plsc.load_gather(rows_v, [jnp.full((L,), r, jnp.int32),
                                               iota + j * L])
                acc[j] = jnp.where(new, rj, jnp.maximum(acc[j], rj))
                plsc.store_scatter(out_v, [segv, iota + j * L], acc[j])
            seg_prev = seg
        return (seg_prev, *acc)

    init = (jnp.int32(-1),) + tuple(ninf for _ in range(D // L))
    lax.fori_loop(0, SEG_RPT // L, gloop, init)
    pltpu.sync_copy(out_v, out_hbm.at[wid])



R1 = 1000


def _mm1_body(degp_ref, x_ref, w_ref, y_ref, dis_ref):
    deg = jnp.sum(degp_ref[...], axis=1) + 1.0
    dis = 1.0 / jnp.sqrt(deg)
    xw = jnp.dot(x_ref[...], w_ref[...], preferred_element_type=jnp.float32,
                 precision=lax.Precision.HIGHEST)
    y_ref[...] = xw * dis[:, None]
    dis_ref[...] = dis[:, None]


_mm1 = pl.pallas_call(
    _mm1_body,
    grid=(N // R1,),
    in_specs=[
        pl.BlockSpec((R1, NW), lambda i: (i, 0)),
        pl.BlockSpec((R1, D), lambda i: (i, 0)),
        pl.BlockSpec((D, D), lambda i: (0, 0)),
    ],
    out_specs=[
        pl.BlockSpec((R1, D), lambda i: (i, 0)),
        pl.BlockSpec((R1, 1), lambda i: (i, 0)),
    ],
    out_shape=[
        jax.ShapeDtypeStruct((N, D), jnp.float32),
        jax.ShapeDtypeStruct((N, 1), jnp.float32),
    ],
)


def _mid_body(accp_ref, y_ref, dis_ref, b_ref, w_ref, y2_ref):
    acc = accp_ref[0] + accp_ref[1] + y_ref[...]
    h = jnp.maximum(acc * dis_ref[...] + b_ref[...], 0.0)
    y2_ref[...] = jnp.dot(h, w_ref[...], preferred_element_type=jnp.float32,
                          precision=lax.Precision.HIGHEST) * dis_ref[...]


_mid = pl.pallas_call(
    _mid_body,
    grid=(N // R1,),
    in_specs=[
        pl.BlockSpec((NC, R1, D), lambda i: (0, i, 0)),
        pl.BlockSpec((R1, D), lambda i: (i, 0)),
        pl.BlockSpec((R1, 1), lambda i: (i, 0)),
        pl.BlockSpec((1, D), lambda i: (0, 0)),
        pl.BlockSpec((D, D), lambda i: (0, 0)),
    ],
    out_specs=pl.BlockSpec((R1, D), lambda i: (i, 0)),
    out_shape=jax.ShapeDtypeStruct((N, D), jnp.float32),
)


def _fin_body(accp_ref, y_ref, dis_ref, b_ref, h_ref):
    acc = accp_ref[0] + accp_ref[1] + y_ref[...]
    h_ref[...] = jnp.maximum(acc * dis_ref[...] + b_ref[...], 0.0)


_fin = pl.pallas_call(
    _fin_body,
    grid=(N // R1,),
    in_specs=[
        pl.BlockSpec((NC, R1, D), lambda i: (0, i, 0)),
        pl.BlockSpec((R1, D), lambda i: (i, 0)),
        pl.BlockSpec((R1, 1), lambda i: (i, 0)),
        pl.BlockSpec((1, D), lambda i: (0, 0)),
    ],
    out_specs=pl.BlockSpec((R1, D), lambda i: (i, 0)),
    out_shape=jax.ShapeDtypeStruct((N, D), jnp.float32),
)


def _pool_body(gp_ref, wfc_ref, bfc_ref, o_ref):
    g = jnp.max(gp_ref[...], axis=0)
    g = jnp.where(g > -jnp.inf, g, 0.0)
    o_ref[...] = jnp.dot(g, wfc_ref[...], preferred_element_type=jnp.float32,
                         precision=lax.Precision.HIGHEST) + bfc_ref[...]


_pool = pl.pallas_call(
    _pool_body,
    out_shape=jax.ShapeDtypeStruct((G, 1), jnp.float32),
)




def kernel(x, edge_index, batch, W1, b1, W2, b2, Wfc, bfc):
    src = edge_index[0]
    dst = edge_index[1]
    dst_r = dst.reshape(NW, EPT)
    degp = _deg_kernel(dst_r)
    y1, dis = _mm1(degp.T, x, W1)

    pad = jnp.zeros((NW, EPT_PAD - EPT), jnp.int32)
    srcp = jnp.concatenate([src.reshape(NW, EPT), pad], axis=1)
    dstp = jnp.concatenate([dst_r, pad + (N + 8)], axis=1)
    acc1 = _edge_kernel(y1, srcp, dstp)
    y2 = _mid(acc1, y1, dis, b1.reshape(1, D), W2)
    acc2 = _edge_kernel(y2, srcp, dstp)
    h2 = _fin(acc2, y2, dis, b2.reshape(1, D))

    h2p = jnp.concatenate(
        [h2, jnp.full((SEG_ROWS - N, D), -jnp.inf, jnp.float32)], axis=0)
    b2d = jnp.concatenate(
        [batch, jnp.full((SEG_ROWS - N,), G - 1, jnp.int32)]).reshape(NW, SEG_RPT)
    gp = _segmax_kernel(h2p, b2d)
    return _pool(gp, Wfc, bfc.reshape(1, 1))

# --- scband reference (transcript-rebuilt; emitter-appended) ---
"""Pipeline reference for scband-molecular-gcnpredictor-34892314312813 (READ-ONLY COPY).

The authoritative reference and input builder live on the scoring server;
editing this copy changes nothing except your own understanding.
"""

import jax, jax.numpy as jnp
import numpy as np

N = 10000
E = 320000
D_IN = 128
D_HID = 128
D_OUT = 1
G = 256


def gcn_conv(x, src, dst, W, b):
    n = x.shape[0]
    loop = jnp.arange(n, dtype=src.dtype)
    s = jnp.concatenate([src, loop])
    d = jnp.concatenate([dst, loop])
    deg = jnp.zeros((n,), x.dtype).at[d].add(1.0)
    dis = jnp.where(deg > 0, 1.0 / jnp.sqrt(deg), 0.0)
    norm = dis[s] * dis[d]
    xw = x @ W
    msg = xw[s] * norm[:, None]
    out = jnp.zeros((n, W.shape[1]), x.dtype).at[d].add(msg)
    return out + b


def setup_inputs(seed: int = 0) -> dict:
    key = jax.random.key(seed)
    ks = jax.random.split(key, 10)
    x = jax.random.normal(ks[0], (N, D_IN), dtype=jnp.float32)
    edge_index = jax.random.randint(ks[1], (2, E), 0, N, dtype=jnp.int32)
    batch = jnp.sort(jax.random.randint(ks[2], (N,), 0, G, dtype=jnp.int32))
    W1 = jax.random.normal(ks[3], (D_IN, D_HID), dtype=jnp.float32) * (1.0 / np.sqrt(D_IN))
    b1 = jnp.zeros((D_HID,), dtype=jnp.float32)
    W2 = jax.random.normal(ks[4], (D_HID, D_HID), dtype=jnp.float32) * (1.0 / np.sqrt(D_HID))
    b2 = jnp.zeros((D_HID,), dtype=jnp.float32)
    Wfc = jax.random.normal(ks[5], (D_HID, D_OUT), dtype=jnp.float32) * (1.0 / np.sqrt(D_HID))
    bfc = jnp.zeros((D_OUT,), dtype=jnp.float32)
    return {"x": x, "edge_index": edge_index, "batch": batch,
            "W1": W1, "b1": b1, "W2": W2, "b2": b2, "Wfc": Wfc, "bfc": bfc}


def reference(x, edge_index, batch, W1, b1, W2, b2, Wfc, bfc):
    src, dst = edge_index[0], edge_index[1]
    h = jax.nn.relu(gcn_conv(x, src, dst, W1, b1))
    h = jax.nn.relu(gcn_conv(h, src, dst, W2, b2))
    g = jax.ops.segment_max(h, batch, num_segments=G)
    g = jnp.where(jnp.isfinite(g), g, 0.0)
    return g @ Wfc + bfc

if __name__ == "__main__":
    import jax
    _d = setup_inputs()
    print(jax.jit(kernel)(*tuple(_d.values())))

</pallas_src>

<mosaic_0001>
#map = affine_map<(d0, d1) -> (0, 0)>
module attributes {stable_mosaic.version = 14 : i64} {
  func.func @_deg_kernel(%arg0: i32, %arg1: i32, %arg2: memref<32x10000xi32, #tpu.memory_space<hbm>>, %arg3: memref<32x10000xf32, #tpu.memory_space<hbm>>, %arg4: memref<10000xi32, #tpu.memory_space<vmem>>, %arg5: memref<10000xf32, #tpu.memory_space<vmem>>) attributes {dimension_semantics = [#tpu.dimension_semantics<core_parallel>, #tpu.dimension_semantics<subcore_parallel>], iteration_bounds = array<i64: 2, 16>, scalar_prefetch = 0 : i64, scratch_operands = 2 : i64, tpu.core_type = #tpu.core_type<sc_vector_subcore>, window_params = [{transform_indices = #map}, {transform_indices = #map}]} {
    %mul3A = arith.constant 16 : i32
    %mul3A_0 = arith.muli %arg0, %mul3A : i32
    %add3A = arith.addi %mul3A_0, %arg1 : i32
    "tpu.region"() ({
      %run_scoped3A = tpu.sem_alloc : memref<!tpu.dma_semaphore, #tpu.memory_space<semaphore_mem>>
      %dma_start3A = arith.constant 0 : i32
      %dma_start3A_15 = tpu.memref_slice %arg2[%add3A, %dma_start3A] : memref<32x10000xi32, #tpu.memory_space<hbm>> -> memref<1x10000xi32, #tpu.memory_space<hbm>>
      %dma_start3A_16 = tpu.memref_squeeze %dma_start3A_15 : memref<1x10000xi32, #tpu.memory_space<hbm>> -> memref<10000xi32, #tpu.memory_space<hbm>>
      %dma_start3A_17 = arith.constant 0 : i32
      %dma_start3A_18 = tpu.memref_slice %arg2[%add3A, %dma_start3A_17] : memref<32x10000xi32, #tpu.memory_space<hbm>> -> memref<1x10000xi32, #tpu.memory_space<hbm>>
      %dma_start3A_19 = tpu.memref_squeeze %dma_start3A_18 : memref<1x10000xi32, #tpu.memory_space<hbm>> -> memref<10000xi32, #tpu.memory_space<hbm>>
      tpu.enqueue_dma source(%dma_start3A_19 : memref<10000xi32, #tpu.memory_space<hbm>>) target(%arg4 : memref<10000xi32, #tpu.memory_space<vmem>>) target_semaphore(%run_scoped3A : memref<!tpu.dma_semaphore, #tpu.memory_space<semaphore_mem>>)
      %dma_wait3A = arith.constant 0 : i32
      %dma_wait3A_20 = tpu.memref_slice %arg2[%add3A, %dma_wait3A] : memref<32x10000xi32, #tpu.memory_space<hbm>> -> memref<1x10000xi32, #tpu.memory_space<hbm>>
      %dma_wait3A_21 = tpu.memref_squeeze %dma_wait3A_20 : memref<1x10000xi32, #tpu.memory_space<hbm>> -> memref<10000xi32, #tpu.memory_space<hbm>>
      %dma_wait3A_22 = arith.constant 0 : i32
      %dma_wait3A_23 = tpu.memref_slice %arg2[%add3A, %dma_wait3A_22] : memref<32x10000xi32, #tpu.memory_space<hbm>> -> memref<1x10000xi32, #tpu.memory_space<hbm>>
      %dma_wait3A_24 = tpu.memref_squeeze %dma_wait3A_23 : memref<1x10000xi32, #tpu.memory_space<hbm>> -> memref<10000xi32, #tpu.memory_space<hbm>>
      tpu.wait_dma2 semaphore(%run_scoped3A : memref<!tpu.dma_semaphore, #tpu.memory_space<semaphore_mem>>) src(%dma_wait3A_24 : memref<10000xi32, #tpu.memory_space<hbm>>) dst(%arg4 : memref<10000xi32, #tpu.memory_space<vmem>>)
      tpu.yield
    }) : () -> ()
    %broadcast_in_dim3A = arith.constant 0.000000e+00 : f32
    %broadcast_in_dim3A_1 = vector.broadcast %broadcast_in_dim3A : f32 to vector<16xf32>
    %scan3A = arith.constant 0 : i32
    %scan3A_2 = arith.constant 0 : i32
    %scan3A_3 = arith.constant 625 : i32
    %scan3A_4 = arith.addi %scan3A_2, %scan3A_3 : i32
    %scan3A_5 = arith.constant 1 : i32
    scf.for %scan3A_15 = %scan3A_2 to %scan3A_4 step %scan3A_5  : i32 {
      %mul3A_16 = arith.constant 16 : i32
      %mul3A_17 = arith.muli %scan3A_15, %mul3A_16 : i32
      %swap3A = arith.index_cast %mul3A_17 : i32 to index
      %swap3A_18 = tpu.vector_load %arg5[%swap3A] {strides = array<i32>} : memref<10000xf32, #tpu.memory_space<vmem>>, vector<16xf32>,
      tpu.vector_store %arg5[%swap3A], %broadcast_in_dim3A_1 {strides = array<i32>} : memref<10000xf32, #tpu.memory_space<vmem>>, vector<16xf32>,
    }
    %scan3A_6 = arith.constant 625 : i32
    %broadcast_in_dim3A_7 = arith.constant 1.000000e+00 : f32
    %broadcast_in_dim3A_8 = vector.broadcast %broadcast_in_dim3A_7 : f32 to vector<16xf32>
    %scan3A_9 = arith.constant 0 : i32
    %scan3A_10 = arith.constant 0 : i32
    %scan3A_11 = arith.constant 625 : i32
    %scan3A_12 = arith.addi %scan3A_10, %scan3A_11 : i32
    %scan3A_13 = arith.constant 1 : i32
    scf.for %scan3A_15 = %scan3A_10 to %scan3A_12 step %scan3A_13  : i32 {
      %mul3A_16 = arith.constant 16 : i32
      %mul3A_17 = arith.muli %scan3A_15, %mul3A_16 : i32
      %get3A = arith.index_cast %mul3A_17 : i32 to index
      %get3A_18 = tpu.vector_load %arg4[%get3A] {strides = array<i32>} : memref<10000xi32, #tpu.memory_space<vmem>>, vector<16xi32>,
      tpu.vector_store_idx %arg5[%get3A_18], %broadcast_in_dim3A_8 {add = true} : memref<10000xf32, #tpu.memory_space<vmem>>[vector<16xi32>], vector<16xf32>,
    }
    %scan3A_14 = arith.constant 625 : i32
    "tpu.region"() ({
      %run_scoped3A = tpu.sem_alloc : memref<!tpu.dma_semaphore, #tpu.memory_space<semaphore_mem>>
      %dma_start3A = arith.constant 0 : i32
      %dma_start3A_15 = tpu.memref_slice %arg3[%add3A, %dma_start3A] : memref<32x10000xf32, #tpu.memory_space<hbm>> -> memref<1x10000xf32, #tpu.memory_space<hbm>>
      %dma_start3A_16 = tpu.memref_squeeze %dma_start3A_15 : memref<1x10000xf32, #tpu.memory_space<hbm>> -> memref<10000xf32, #tpu.memory_space<hbm>>
      %dma_start3A_17 = arith.constant 0 : i32
      %dma_start3A_18 = tpu.memref_slice %arg3[%add3A, %dma_start3A_17] : memref<32x10000xf32, #tpu.memory_space<hbm>> -> memref<1x10000xf32, #tpu.memory_space<hbm>>
      %dma_start3A_19 = tpu.memref_squeeze %dma_start3A_18 : memref<1x10000xf32, #tpu.memory_space<hbm>> -> memref<10000xf32, #tpu.memory_space<hbm>>
      tpu.enqueue_dma source(%arg5 : memref<10000xf32, #tpu.memory_space<vmem>>) target(%dma_start3A_19 : memref<10000xf32, #tpu.memory_space<hbm>>) target_semaphore(%run_scoped3A : memref<!tpu.dma_semaphore, #tpu.memory_space<semaphore_mem>>)
      %dma_wait3A = arith.constant 0 : i32
      %dma_wait3A_20 = tpu.memref_slice %arg3[%add3A, %dma_wait3A] : memref<32x10000xf32, #tpu.memory_space<hbm>> -> memref<1x10000xf32, #tpu.memory_space<hbm>>
      %dma_wait3A_21 = tpu.memref_squeeze %dma_wait3A_20 : memref<1x10000xf32, #tpu.memory_space<hbm>> -> memref<10000xf32, #tpu.memory_space<hbm>>
      %dma_wait3A_22 = arith.constant 0 : i32
      %dma_wait3A_23 = tpu.memref_slice %arg3[%add3A, %dma_wait3A_22] : memref<32x10000xf32, #tpu.memory_space<hbm>> -> memref<1x10000xf32, #tpu.memory_space<hbm>>
      %dma_wait3A_24 = tpu.memref_squeeze %dma_wait3A_23 : memref<1x10000xf32, #tpu.memory_space<hbm>> -> memref<10000xf32, #tpu.memory_space<hbm>>
      tpu.wait_dma2 semaphore(%run_scoped3A : memref<!tpu.dma_semaphore, #tpu.memory_space<semaphore_mem>>) src(%arg5 : memref<10000xf32, #tpu.memory_space<vmem>>) dst(%dma_wait3A_24 : memref<10000xf32, #tpu.memory_space<hbm>>)
      tpu.yield
    }) : () -> ()
    return
  }
}

#map = affine_map<(d0, d1) -> (0, 0)>
#map1 = affine_map<(d0, d1) -> (0, 0, 0)>
module attributes {stable_mosaic.version = 14 : i64} {
  func.func @_segmax_kernel(%arg0: i32, %arg1: i32, %arg2: memref<10240x128xf32, #tpu.memory_space<hbm>>, %arg3: memref<32x320xi32, #tpu.memory_space<hbm>>, %arg4: memref<32x256x128xf32, #tpu.memory_space<hbm>>, %arg5: memref<320x128xf32, #tpu.memory_space<vmem>>, %arg6: memref<320xi32, #tpu.memory_space<vmem>>, %arg7: memref<256x128xf32, #tpu.memory_space<vmem>>) attributes {dimension_semantics = [#tpu.dimension_semantics<core_parallel>, #tpu.dimension_semantics<subcore_parallel>], iteration_bounds = array<i64: 2, 16>, scalar_prefetch = 0 : i64, scratch_operands = 3 : i64, tpu.core_type = #tpu.core_type<sc_vector_subcore>, window_params = [{transform_indices = #map}, {transform_indices = #map}, {transform_indices = #map1}]} {
    %mul3A = arith.constant 16 : i32
    %mul3A_0 = arith.muli %arg0, %mul3A : i32
    %add3A = arith.addi %mul3A_0, %arg1 : i32
    %mul3A_1 = arith.constant 320 : i32
    %mul3A_2 = arith.muli %add3A, %mul3A_1 : i32
    "tpu.region"() ({
      %run_scoped3A = tpu.sem_alloc : memref<!tpu.dma_semaphore, #tpu.memory_space<semaphore_mem>>
      %dma_start3A = arith.constant 0 : i32
      %dma_start3A_16 = tpu.memref_slice %arg2[%mul3A_2, %dma_start3A] : memref<10240x128xf32, #tpu.memory_space<hbm>> -> memref<320x128xf32, #tpu.memory_space<hbm>>
      %dma_start3A_17 = arith.constant 0 : i32
      %dma_start3A_18 = tpu.memref_slice %arg2[%mul3A_2, %dma_start3A_17] : memref<10240x128xf32, #tpu.memory_space<hbm>> -> memref<320x128xf32, #tpu.memory_space<hbm>>
      tpu.enqueue_dma source(%dma_start3A_18 : memref<320x128xf32, #tpu.memory_space<hbm>>) target(%arg5 : memref<320x128xf32, #tpu.memory_space<vmem>>) target_semaphore(%run_scoped3A : memref<!tpu.dma_semaphore, #tpu.memory_space<semaphore_mem>>)
      %dma_wait3A = arith.constant 0 : i32
      %dma_wait3A_19 = tpu.memref_slice %arg2[%mul3A_2, %dma_wait3A] : memref<10240x128xf32, #tpu.memory_space<hbm>> -> memref<320x128xf32, #tpu.memory_space<hbm>>
      %dma_wait3A_20 = arith.constant 0 : i32
      %dma_wait3A_21 = tpu.memref_slice %arg2[%mul3A_2, %dma_wait3A_20] : memref<10240x128xf32, #tpu.memory_space<hbm>> -> memref<320x128xf32, #tpu.memory_space<hbm>>
      tpu.wait_dma2 semaphore(%run_scoped3A : memref<!tpu.dma_semaphore, #tpu.memory_space<semaphore_mem>>) src(%dma_wait3A_21 : memref<320x128xf32, #tpu.memory_space<hbm>>) dst(%arg5 : memref<320x128xf32, #tpu.memory_space<vmem>>)
      tpu.yield
    }) : () -> ()
    "tpu.region"() ({
      %run_scoped3A = tpu.sem_alloc : memref<!tpu.dma_semaphore, #tpu.memory_space<semaphore_mem>>
      %dma_start3A = arith.constant 0 : i32
      %dma_start3A_16 = tpu.memref_slice %arg3[%add3A, %dma_start3A] : memref<32x320xi32, #tpu.memory_space<hbm>> -> memref<1x320xi32, #tpu.memory_space<hbm>>
      %dma_start3A_17 = tpu.memref_squeeze %dma_start3A_16 : memref<1x320xi32, #tpu.memory_space<hbm>> -> memref<320xi32, #tpu.memory_space<hbm>>
      %dma_start3A_18 = arith.constant 0 : i32
      %dma_start3A_19 = tpu.memref_slice %arg3[%add3A, %dma_start3A_18] : memref<32x320xi32, #tpu.memory_space<hbm>> -> memref<1x320xi32, #tpu.memory_space<hbm>>
      %dma_start3A_20 = tpu.memref_squeeze %dma_start3A_19 : memref<1x320xi32, #tpu.memory_space<hbm>> -> memref<320xi32, #tpu.memory_space<hbm>>
      tpu.enqueue_dma source(%dma_start3A_20 : memref<320xi32, #tpu.memory_space<hbm>>) target(%arg6 : memref<320xi32, #tpu.memory_space<vmem>>) target_semaphore(%run_scoped3A : memref<!tpu.dma_semaphore, #tpu.memory_space<semaphore_mem>>)
      %dma_wait3A = arith.constant 0 : i32
      %dma_wait3A_21 = tpu.memref_slice %arg3[%add3A, %dma_wait3A] : memref<32x320xi32, #tpu.memory_space<hbm>> -> memref<1x320xi32, #tpu.memory_space<hbm>>
      %dma_wait3A_22 = tpu.memref_squeeze %dma_wait3A_21 : memref<1x320xi32, #tpu.memory_space<hbm>> -> memref<320xi32, #tpu.memory_space<hbm>>
      %dma_wait3A_23 = arith.constant 0 : i32
      %dma_wait3A_24 = tpu.memref_slice %arg3[%add3A, %dma_wait3A_23] : memref<32x320xi32, #tpu.memory_space<hbm>> -> memref<1x320xi32, #tpu.memory_space<hbm>>
      %dma_wait3A_25 = tpu.memref_squeeze %dma_wait3A_24 : memref<1x320xi32, #tpu.memory_space<hbm>> -> memref<320xi32, #tpu.memory_space<hbm>>
      tpu.wait_dma2 semaphore(%run_scoped3A : memref<!tpu.dma_semaphore, #tpu.memory_space<semaphore_mem>>) src(%dma_wait3A_25 : memref<320xi32, #tpu.memory_space<hbm>>) dst(%arg6 : memref<320xi32, #tpu.memory_space<vmem>>)
      tpu.yield
    }) : () -> ()
    %broadcast_in_dim3A = arith.constant 0xFF800000 : f32
    %broadcast_in_dim3A_3 = vector.broadcast %broadcast_in_dim3A : f32 to vector<16xf32>
    %scan3A = arith.constant 0 : i32
    %scan3A_4 = arith.constant 0 : i32
    %scan3A_5 = arith.constant 256 : i32
    %scan3A_6 = arith.addi %scan3A_4, %scan3A_5 : i32
    %scan3A_7 = arith.constant 1 : i32
    scf.for %scan3A_16 = %scan3A_4 to %scan3A_6 step %scan3A_7  : i32 {
      %swap3A = arith.index_cast %scan3A_16 : i32 to index
      %swap3A_17 = arith.constant 0 : index
      %swap3A_18 = tpu.vector_load %arg7[%swap3A, %swap3A_17] {strides = array<i32>} : memref<256x128xf32, #tpu.memory_space<vmem>>, vector<16xf32>,
      tpu.vector_store %arg7[%swap3A, %swap3A_17], %broadcast_in_dim3A_3 {strides = array<i32>} : memref<256x128xf32, #tpu.memory_space<vmem>>, vector<16xf32>,
      %swap3A_19 = arith.index_cast %scan3A_16 : i32 to index
      %swap3A_20 = arith.constant 16 : index
      %swap3A_21 = tpu.vector_load %arg7[%swap3A_19, %swap3A_20] {strides = array<i32>} : memref<256x128xf32, #tpu.memory_space<vmem>>, vector<16xf32>,
      tpu.vector_store %arg7[%swap3A_19, %swap3A_20], %broadcast_in_dim3A_3 {strides = array<i32>} : memref<256x128xf32, #tpu.memory_space<vmem>>, vector<16xf32>,
      %swap3A_22 = arith.index_cast %scan3A_16 : i32 to index
      %swap3A_23 = arith.constant 32 : index
      %swap3A_24 = tpu.vector_load %arg7[%swap3A_22, %swap3A_23] {strides = array<i32>} : memref<256x128xf32, #tpu.memory_space<vmem>>, vector<16xf32>,
      tpu.vector_store %arg7[%swap3A_22, %swap3A_23], %broadcast_in_dim3A_3 {strides = array<i32>} : memref<256x128xf32, #tpu.memory_space<vmem>>, vector<16xf32>,
      %swap3A_25 = arith.index_cast %scan3A_16 : i32 to index
      %swap3A_26 = arith.constant 48 : index
      %swap3A_27 = tpu.vector_load %arg7[%swap3A_25, %swap3A_26] {strides = array<i32>} : memref<256x128xf32, #tpu.memory_space<vmem>>, vector<16xf32>,
      tpu.vector_store %arg7[%swap3A_25, %swap3A_26], %broadcast_in_dim3A_3 {strides = array<i32>} : memref<256x128xf32, #tpu.memory_space<vmem>>, vector<16xf32>,
      %swap3A_28 = arith.index_cast %scan3A_16 : i32 to index
      %swap3A_29 = arith.constant 64 : index
      %swap3A_30 = tpu.vector_load %arg7[%swap3A_28, %swap3A_29] {strides = array<i32>} : memref<256x128xf32, #tpu.memory_space<vmem>>, vector<16xf32>,
      tpu.vector_store %arg7[%swap3A_28, %swap3A_29], %broadcast_in_dim3A_3 {strides = array<i32>} : memref<256x128xf32, #tpu.memory_space<vmem>>, vector<16xf32>,
      %swap3A_31 = arith.index_cast %scan3A_16 : i32 to index
      %swap3A_32 = arith.constant 80 : index
      %swap3A_33 = tpu.vector_load %arg7[%swap3A_31, %swap3A_32] {strides = array<i32>} : memref<256x128xf32, #tpu.memory_space<vmem>>, vector<16xf32>,
      tpu.vector_store %arg7[%swap3A_31, %swap3A_32], %broadcast_in_dim3A_3 {strides = array<i32>} : memref<256x128xf32, #tpu.memory_space<vmem>>, vector<16xf32>,
      %swap3A_34 = arith.index_cast %scan3A_16 : i32 to index
      %swap3A_35 = arith.constant 96 : index
      %swap3A_36 = tpu.vector_load %arg7[%swap3A_34, %swap3A_35] {strides = array<i32>} : memref<256x128xf32, #tpu.memory_space<vmem>>, vector<16xf32>,
      tpu.vector_store %arg7[%swap3A_34, %swap3A_35], %broadcast_in_dim3A_3 {strides = array<i32>} : memref<256x128xf32, #tpu.memory_space<vmem>>, vector<16xf32>,
      %swap3A_37 = arith.index_cast %scan3A_16 : i32 to index
      %swap3A_38 = arith.constant 112 : index
      %swap3A_39 = tpu.vector_load %arg7[%swap3A_37, %swap3A_38] {strides = array<i32>} : memref<256x128xf32, #tpu.memory_space<vmem>>, vector<16xf32>,
      tpu.vector_store %arg7[%swap3A_37, %swap3A_38], %broadcast_in_dim3A_3 {strides = array<i32>} : memref<256x128xf32, #tpu.memory_space<vmem>>, vector<16xf32>,
    }
    %scan3A_8 = arith.constant 256 : i32
    %iota3A = tpu.iota {dimensions = array<i32: 0>} : vector<16xi32>
    %scan3A_9 = arith.constant -1 : i32
    %scan3A_10 = arith.constant 0 : i32
    %scan3A_11 = arith.constant 20 : i32
    %scan3A_12 = arith.addi %scan3A_10, %scan3A_11 : i32
    %scan3A_13 = arith.constant 1 : i32
    %scan3A_14:9 = scf.for %scan3A_16 = %scan3A_10 to %scan3A_12 step %scan3A_13 iter_args(%scan3A_17 = %scan3A_9, %scan3A_18 = %broadcast_in_dim3A_3, %scan3A_19 = %broadcast_in_dim3A_3, %scan3A_20 = %broadcast_in_dim3A_3, %scan3A_21 = %broadcast_in_dim3A_3, %scan3A_22 = %broadcast_in_dim3A_3, %scan3A_23 = %broadcast_in_dim3A_3, %scan3A_24 = %broadcast_in_dim3A_3, %scan3A_25 = %broadcast_in_dim3A_3) -> (i32, vector<16xf32>, vector<16xf32>, vector<16xf32>, vector<16xf32>, vector<16xf32>, vector<16xf32>, vector<16xf32>, vector<16xf32>)  : i32 {
      %mul3A_26 = arith.constant 16 : i32
      %mul3A_27 = arith.muli %scan3A_16, %mul3A_26 : i32
      %get3A = arith.index_cast %mul3A_27 : i32 to index
      %get3A_28 = tpu.vector_load %arg6[%get3A] {strides = array<i32>} : memref<320xi32, #tpu.memory_space<vmem>>, vector<16xi32>,
      %mul3A_29 = arith.constant 16 : i32
      %mul3A_30 = arith.muli %scan3A_16, %mul3A_29 : i32
      %add3A_31 = arith.constant 0 : i32
      %add3A_32 = arith.addi %mul3A_30, %add3A_31 : i32
      %eq3A = arith.constant 0 : i32
      %eq3A_33 = vector.broadcast %eq3A : i32 to vector<16xi32>
      %eq3A_34 = arith.cmpi eq, %iota3A, %eq3A_33 : vector<16xi32>
      %jit3A = arith.constant 0 : i32
      %broadcast_in_dim3A_35 = vector.broadcast %jit3A : i32 to vector<16xi32>
      %select_n3A = arith.select %eq3A_34, %get3A_28, %broadcast_in_dim3A_35 : vector<16xi1>, vector<16xi32>
      %reduce_sum3A = arith.constant true
      %reduce_sum3A_36 = vector.broadcast %reduce_sum3A : i1 to vector<16xi1>
      %reduce_sum3A_37 = tpu.scan <sum>, %select_n3A masked %reduce_sum3A_36 : vector<16xi32>, vector<16xi1> -> vector<16xi32>
      %reduce_sum3A_38 = vector.extract %reduce_sum3A_37[15] : i32 from vector<16xi32>
      %ne3A = arith.cmpi ne, %reduce_sum3A_38, %scan3A_17 : i32
      %broadcast_in_dim3A_39 = vector.broadcast %reduce_sum3A_38 : i32 to vector<16xi32>
      %broadcast_in_dim3A_40 = vector.broadcast %add3A_32 : i32 to vector<16xi32>
      %add3A_41 = arith.constant 0 : i32
      %add3A_42 = vector.broadcast %add3A_41 : i32 to vector<16xi32>
      %add3A_43 = arith.addi %iota3A, %add3A_42 : vector<16xi32>
      %gather3A = tpu.vector_load_idx %arg5[%broadcast_in_dim3A_40, %add3A_43] : memref<320x128xf32, #tpu.memory_space<vmem>>[vector<16xi32>, vector<16xi32>], vector<16xf32>,
      %max3A = arith.maximumf %scan3A_18, %gather3A : vector<16xf32>
      %select_n3A_44 = arith.select %ne3A, %gather3A, %max3A : vector<16xf32>
      %add3A_45 = arith.constant 0 : i32
      %add3A_46 = vector.broadcast %add3A_45 : i32 to vector<16xi32>
      %add3A_47 = arith.addi %iota3A, %add3A_46 : vector<16xi32>
      tpu.vector_store_idx %arg7[%broadcast_in_dim3A_39, %add3A_47], %select_n3A_44 : memref<256x128xf32, #tpu.memory_space<vmem>>[vector<16xi32>, vector<16xi32>], vector<16xf32>,
      %broadcast_in_dim3A_48 = vector.broadcast %add3A_32 : i32 to vector<16xi32>
      %add3A_49 = arith.constant 16 : i32
      %add3A_50 = vector.broadcast %add3A_49 : i32 to vector<16xi32>
      %add3A_51 = arith.addi %iota3A, %add3A_50 : vector<16xi32>
      %gather3A_52 = tpu.vector_load_idx %arg5[%broadcast_in_dim3A_48, %add3A_51] : memref<320x128xf32, #tpu.memory_space<vmem>>[vector<16xi32>, vector<16xi32>], vector<16xf32>,
      %max3A_53 = arith.maximumf %scan3A_19, %gather3A_52 : vector<16xf32>
      %select_n3A_54 = arith.select %ne3A, %gather3A_52, %max3A_53 : vector<16xf32>
      %add3A_55 = arith.constant 16 : i32
      %add3A_56 = vector.broadcast %add3A_55 : i32 to vector<16xi32>
      %add3A_57 = arith.addi %iota3A, %add3A_56 : vector<16xi32>
      tpu.vector_store_idx %arg7[%broadcast_in_dim3A_39, %add3A_57], %select_n3A_54 : memref<256x128xf32, #tpu.memory_space<vmem>>[vector<16xi32>, vector<16xi32>], vector<16xf32>,
      %broadcast_in_dim3A_58 = vector.broadcast %add3A_32 : i32 to vector<16xi32>
      %add3A_59 = arith.constant 32 : i32
      %add3A_60 = vector.broadcast %add3A_59 : i32 to vector<16xi32>
      %add3A_61 = arith.addi %iota3A, %add3A_60 : vector<16xi32>
      %gather3A_62 = tpu.vector_load_idx %arg5[%broadcast_in_dim3A_58, %add3A_61] : memref<320x128xf32, #tpu.memory_space<vmem>>[vector<16xi32>, vector<16xi32>], vector<16xf32>,
      %max3A_63 = arith.maximumf %scan3A_20, %gather3A_62 : vector<16xf32>
      %select_n3A_64 = arith.select %ne3A, %gather3A_62, %max3A_63 : vector<16xf32>
      %add3A_65 = arith.constant 32 : i32
      %add3A_66 = vector.broadcast %add3A_65 : i32 to vector<16xi32>
      %add3A_67 = arith.addi %iota3A, %add3A_66 : vector<16xi32>
      tpu.vector_store_idx %arg7[%broadcast_in_dim3A_39, %add3A_67], %select_n3A_64 : memref<256x128xf32, #tpu.memory_space<vmem>>[vector<16xi32>, vector<16xi32>], vector<16xf32>,
      %broadcast_in_dim3A_68 = vector.broadcast %add3A_32 : i32 to vector<16xi32>
      %add3A_69 = arith.constant 48 : i32
      %add3A_70 = vector.broadcast %add3A_69 : i32 to vector<16xi32>
      %add3A_71 = arith.addi %iota3A, %add3A_70 : vector<16xi32>
      %gather3A_72 = tpu.vector_load_idx %arg5[%broadcast_in_dim3A_68, %add3A_71] : memref<320x128xf32, #tpu.memory_space<vmem>>[vector<16xi32>, vector<16xi32>], vector<16xf32>,
      %max3A_73 = arith.maximumf %scan3A_21, %gather3A_72 : vector<16xf32>
      %select_n3A_74 = arith.select %ne3A, %gather3A_72, %max3A_73 : vector<16xf32>
      %add3A_75 = arith.constant 48 : i32
      %add3A_76 = vector.broadcast %add3A_75 : i32 to vector<16xi32>
      %add3A_77 = arith.addi %iota3A, %add3A_76 : vector<16xi32>
      tpu.vector_store_idx %arg7[%broadcast_in_dim3A_39, %add3A_77], %select_n3A_74 : memref<256x128xf32, #tpu.memory_space<vmem>>[vector<16xi32>, vector<16xi32>], vector<16xf32>,
      %broadcast_in_dim3A_78 = vector.broadcast %add3A_32 : i32 to vector<16xi32>
      %add3A_79 = arith.constant 64 : i32
      %add3A_80 = vector.broadcast %add3A_79 : i32 to vector<16xi32>
      %add3A_81 = arith.addi %iota3A, %add3A_80 : vector<16xi32>
      %gather3A_82 = tpu.vector_load_idx %arg5[%broadcast_in_dim3A_78, %add3A_81] : memref<320x128xf32, #tpu.memory_space<vmem>>[vector<16xi32>, vector<16xi32>], vector<16xf32>,
      %max3A_83 = arith.maximumf %scan3A_22, %gather3A_82 : vector<16xf32>
      %select_n3A_84 = arith.select %ne3A, %gather3A_82, %max3A_83 : vector<16xf32>
      %add3A_85 = arith.constant 64 : i32
      %add3A_86 = vector.broadcast %add3A_85 : i32 to vector<16xi32>
      %add3A_87 = arith.addi %iota3A, %add3A_86 : vector<16xi32>
      tpu.vector_store_idx %arg7[%broadcast_in_dim3A_39, %add3A_87], %select_n3A_84 : memref<256x128xf32, #tpu.memory_space<vmem>>[vector<16xi32>, vector<16xi32>], vector<16xf32>,
      %broadcast_in_dim3A_88 = vector.broadcast %add3A_32 : i32 to vector<16xi32>
      %add3A_89 = arith.constant 80 : i32
      %add3A_90 = vector.broadcast %add3A_89 : i32 to vector<16xi32>
      %add3A_91 = arith.addi %iota3A, %add3A_90 : vector<16xi32>
      %gather3A_92 = tpu.vector_load_idx %arg5[%broadcast_in_dim3A_88, %add3A_91] : memref<320x128xf32, #tpu.memory_space<vmem>>[vector<16xi32>, vector<16xi32>], vector<16xf32>,
      %max3A_93 = arith.maximumf %scan3A_23, %gather3A_92 : vector<16xf32>
      %select_n3A_94 = arith.select %ne3A, %gather3A_92, %max3A_93 : vector<16xf32>
      %add3A_95 = arith.constant 80 : i32
      %add3A_96 = vector.broadcast %add3A_95 : i32 to vector<16xi32>
      %add3A_97 = arith.addi %iota3A, %add3A_96 : vector<16xi32>
      tpu.vector_store_idx %arg7[%broadcast_in_dim3A_39, %add3A_97], %select_n3A_94 : memref<256x128xf32, #tpu.memory_space<vmem>>[vector<16xi32>, vector<16xi32>], vector<16xf32>,
      %broadcast_in_dim3A_98 = vector.broadcast %add3A_32 : i32 to vector<16xi32>
      %add3A_99 = arith.constant 96 : i32
      %add3A_100 = vector.broadcast %add3A_99 : i32 to vector<16xi32>
      %add3A_101 = arith.addi %iota3A, %add3A_100 : vector<16xi32>
      %gather3A_102 = tpu.vector_load_idx %arg5[%broadcast_in_dim3A_98, %add3A_101] : memref<320x128xf32, #tpu.memory_space<vmem>>[vector<16xi32>, vector<16xi32>], vector<16xf32>,
      %max3A_103 = arith.maximumf %scan3A_24, %gather3A_102 : vector<16xf32>
      %select_n3A_104 = arith.select %ne3A, %gather3A_102, %max3A_103 : vector<16xf32>
      %add3A_105 = arith.constant 96 : i32
      %add3A_106 = vector.broadcast %add3A_105 : i32 to vector<16xi32>
      %add3A_107 = arith.addi %iota3A, %add3A_106 : vector<16xi32>
      tpu.vector_store_idx %arg7[%broadcast_in_dim3A_39, %add3A_107], %select_n3A_104 : memref<256x128xf32, #tpu.memory_space<vmem>>[vector<16xi32>, vector<16xi32>], vector<16xf32>,
      %broadcast_in_dim3A_108 = vector.broadcast %add3A_32 : i32 to vector<16xi32>
      %add3A_109 = arith.constant 112 : i32
      %add3A_110 = vector.broadcast %add3A_109 : i32 to vector<16xi32>
      %add3A_111 = arith.addi %iota3A, %add3A_110 : vector<16xi32>
      %gather3A_112 = tpu.vector_load_idx %arg5[%broadcast_in_dim3A_108, %add3A_111] : memref<320x128xf32, #tpu.memory_space<vmem>>[vector<16xi32>, vector<16xi32>], vector<16xf32>,
      %max3A_113 = arith.maximumf %scan3A_25, %gather3A_112 : vector<16xf32>
      %select_n3A_114 = arith.select %ne3A, %gather3A_112, %max3A_113 : vector<16xf32>
      %add3A_115 = arith.constant 112 : i32
      %add3A_116 = vector.broadcast %add3A_115 : i32 to vector<16xi32>
      %add3A_117 = arith.addi %iota3A, %add3A_116 : vector<16xi32>
      tpu.vector_store_idx %arg7[%broadcast_in_dim3A_39, %add3A_117], %select_n3A_114 : memref<256x128xf32, #tpu.memory_space<vmem>>[vector<16xi32>, vector<16xi32>], vector<16xf32>,
      %mul3A_118 = arith.constant 16 : i32
      %mul3A_119 = arith.muli %scan3A_16, %mul3A_118 : i32
      %add3A_120 = arith.constant 1 : i32
      %add3A_121 = arith.addi %mul3A_119, %add3A_120 : i32
      %eq3A_122 = arith.constant 1 : i32
      %eq3A_123 = vector.broadcast %eq3A_122 : i32 to vector<16xi32>
      %eq3A_124 = arith.cmpi eq, %iota3A, %eq3A_123 : vector<16xi32>
      %jit3A_125 = arith.constant 0 : i32
      %broadcast_in_dim3A_126 = vector.broadcast %jit3A_125 : i32 to vector<16xi32>
      %select_n3A_127 = arith.select %eq3A_124, %get3A_28, %broadcast_in_dim3A_126 : vector<16xi1>, vector<16xi32>
      %reduce_sum3A_128 = arith.constant true
      %reduce_sum3A_129 = vector.broadcast %reduce_sum3A_128 : i1 to vector<16xi1>
      %reduce_sum3A_130 = tpu.scan <sum>, %select_n3A_127 masked %reduce_sum3A_129 : vector<16xi32>, vector<16xi1> -> vector<16xi32>
      %reduce_sum3A_131 = vector.extract %reduce_sum3A_130[15] : i32 from vector<16xi32>
      %ne3A_132 = arith.cmpi ne, %reduce_sum3A_131, %reduce_sum3A_38 : i32
      %broadcast_in_dim3A_133 = vector.broadcast %reduce_sum3A_131 : i32 to vector<16xi32>
      %broadcast_in_dim3A_134 = vector.broadcast %add3A_121 : i32 to vector<16xi32>
      %add3A_135 = arith.constant 0 : i32
      %add3A_136 = vector.broadcast %add3A_135 : i32 to vector<16xi32>
      %add3A_137 = arith.addi %iota3A, %add3A_136 : vector<16xi32>
      %gather3A_138 = tpu.vector_load_idx %arg5[%broadcast_in_dim3A_134, %add3A_137] : memref<320x128xf32, #tpu.memory_space<vmem>>[vector<16xi32>, vector<16xi32>], vector<16xf32>,
      %max3A_139 = arith.maximumf %select_n3A_44, %gather3A_138 : vector<16xf32>
      %select_n3A_140 = arith.select %ne3A_132, %gather3A_138, %max3A_139 : vector<16xf32>
      %add3A_141 = arith.constant 0 : i32
      %add3A_142 = vector.broadcast %add3A_141 : i32 to vector<16xi32>
      %add3A_143 = arith.addi %iota3A, %add3A_142 : vector<16xi32>
      tpu.vector_store_idx %arg7[%broadcast_in_dim3A_133, %add3A_143], %select_n3A_140 : memref<256x128xf32, #tpu.memory_space<vmem>>[vector<16xi32>, vector<16xi32>], vector<16xf32>,
      %broadcast_in_dim3A_144 = vector.broadcast %add3A_121 : i32 to vector<16xi32>
      %add3A_145 = arith.constant 16 : i32
      %add3A_146 = vector.broadcast %add3A_145 : i32 to vector<16xi32>
      %add3A_147 = arith.addi %iota3A, %add3A_146 : vector<16xi32>
      %gather3A_148 = tpu.vector_load_idx %arg5[%broadcast_in_dim3A_144, %add3A_147] : memref<320x128xf32, #tpu.memory_space<vmem>>[vector<16xi32>, vector<16xi32>], vector<16xf32>,
      %max3A_149 = arith.maximumf %select_n3A_54, %gather3A_148 : vector<16xf32>
      %select_n3A_150 = arith.select %ne3A_132, %gather3A_148, %max3A_149 : vector<16xf32>
      %add3A_151 = arith.constant 16 : i32
      %add3A_152 = vector.broadcast %add3A_151 : i32 to vector<16xi32>
      %add3A_153 = arith.addi %iota3A, %add3A_152 : vector<16xi32>
      tpu.vector_store_idx %arg7[%broadcast_in_dim3A_133, %add3A_153], %select_n3A_150 : memref<256x128xf32, #tpu.memory_space<vmem>>[vector<16xi32>, vector<16xi32>], vector<16xf32>,
      %broadcast_in_dim3A_154 = vector.broadcast %add3A_121 : i32 to vector<16xi32>
      %add3A_155 = arith.constant 32 : i32
      %add3A_156 = vector.broadcast %add3A_155 : i32 to vector<16xi32>
      %add3A_157 = arith.addi %iota3A, %add3A_156 : vector<16xi32>
      %gather3A_158 = tpu.vector_load_idx %arg5[%broadcast_in_dim3A_154, %add3A_157] : memref<320x128xf32, #tpu.memory_space<vmem>>[vector<16xi32>, vector<16xi32>], vector<16xf32>,
      %max3A_159 = arith.maximumf %select_n3A_64, %gather3A_158 : vector<16xf32>
      %select_n3A_160 = arith.select %ne3A_132, %gather3A_158, %max3A_159 : vector<16xf32>
      %add3A_161 = arith.constant 32 : i32
      %add3A_162 = vector.broadcast %add3A_161 : i32 to vector<16xi32>
      %add3A_163 = arith.addi %iota3A, %add3A_162 : vector<16xi32>
      tpu.vector_store_idx %arg7[%broadcast_in_dim3A_133, %add3A_163], %select_n3A_160 : memref<256x128xf32, #tpu.memory_space<vmem>>[vector<16xi32>, vector<16xi32>], vector<16xf32>,
      %broadcast_in_dim3A_164 = vector.broadcast %add3A_121 : i32 to vector<16xi32>
      %add3A_165 = arith.constant 48 : i32
      %add3A_166 = vector.broadcast %add3A_165 : i32 to vector<16xi32>
      %add3A_167 = arith.addi %iota3A, %add3A_166 : vector<16xi32>
      %gather3A_168 = tpu.vector_load_idx %arg5[%broadcast_in_dim3A_164, %add3A_167] : memref<320x128xf32, #tpu.memory_space<vmem>>[vector<16xi32>, vector<16xi32>], vector<16xf32>,
      %max3A_169 = arith.maximumf %select_n3A_74, %gather3A_168 : vector<16xf32>
      %select_n3A_170 = arith.select %ne3A_132, %gather3A_168, %max3A_169 : vector<16xf32>
      %add3A_171 = arith.constant 48 : i32
      %add3A_172 = vector.broadcast %add3A_171 : i32 to vector<16xi32>
      %add3A_173 = arith.addi %iota3A, %add3A_172 : vector<16xi32>
      tpu.vector_store_idx %arg7[%broadcast_in_dim3A_133, %add3A_173], %select_n3A_170 : memref<256x128xf32, #tpu.memory_space<vmem>>[vector<16xi32>, vector<16xi32>], vector<16xf32>,
      %broadcast_in_dim3A_174 = vector.broadcast %add3A_121 : i32 to vector<16xi32>
      %add3A_175 = arith.constant 64 : i32
      %add3A_176 = vector.broadcast %add3A_175 : i32 to vector<16xi32>
      %add3A_177 = arith.addi %iota3A, %add3A_176 : vector<16xi32>
      %gather3A_178 = tpu.vector_load_idx %arg5[%broadcast_in_dim3A_174, %add3A_177] : memref<320x128xf32, #tpu.memory_space<vmem>>[vector<16xi32>, vector<16xi32>], vector<16xf32>,
      %max3A_179 = arith.maximumf %select_n3A_84, %gather3A_178 : vector<16xf32>
      %select_n3A_180 = arith.select %ne3A_132, %gather3A_178, %max3A_179 : vector<16xf32>
      %add3A_181 = arith.constant 64 : i32
      %add3A_182 = vector.broadcast %add3A_181 : i32 to vector<16xi32>
      %add3A_183 = arith.addi %iota3A, %add3A_182 : vector<16xi32>
      tpu.vector_store_idx %arg7[%broadcast_in_dim3A_133, %add3A_183], %select_n3A_180 : memref<256x128xf32, #tpu.memory_space<vmem>>[vector<16xi32>, vector<16xi32>], vector<16xf32>,
      %broadcast_in_dim3A_184 = vector.broadcast %add3A_121 : i32 to vector<16xi32>
      %add3A_185 = arith.constant 80 : i32
      %add3A_186 = vector.broadcast %add3A_185 : i32 to vector<16xi32>
      %add3A_187 = arith.addi %iota3A, %add3A_186 : vector<16xi32>
      %gather3A_188 = tpu.vector_load_idx %arg5[%broadcast_in_dim3A_184, %add3A_187] : memref<320x128xf32, #tpu.memory_space<vmem>>[vector<16xi32>, vector<16xi32>], vector<16xf32>,
      %max3A_189 = arith.maximumf %select_n3A_94, %gather3A_188 : vector<16xf32>
      %select_n3A_190 = arith.select %ne3A_132, %gather3A_188, %max3A_189 : vector<16xf32>
      %add3A_191 = arith.constant 80 : i32
      %add3A_192 = vector.broadcast %add3A_191 : i32 to vector<16xi32>
      %add3A_193 = arith.addi %iota3A, %add3A_192 : vector<16xi32>
      tpu.vector_store_idx %arg7[%broadcast_in_dim3A_133, %add3A_193], %select_n3A_190 : memref<256x128xf32, #tpu.memory_space<vmem>>[vector<16xi32>, vector<16xi32>], vector<16xf32>,
      %broadcast_in_dim3A_194 = vector.broadcast %add3A_121 : i32 to vector<16xi32>
      %add3A_195 = arith.constant 96 : i32
      %add3A_196 = vector.broadcast %add3A_195 : i32 to vector<16xi32>
      %add3A_197 = arith.addi %iota3A, %add3A_196 : vector<16xi32>
      %gather3A_198 = tpu.vector_load_idx %arg5[%broadcast_in_dim3A_194, %add3A_197] : memref<320x128xf32, #tpu.memory_space<vmem>>[vector<16xi32>, vector<16xi32>], vector<16xf32>,
      %max3A_199 = arith.maximumf %select_n3A_104, %gather3A_198 : vector<16xf32>
      %select_n3A_200 = arith.select %ne3A_132, %gather3A_198, %max3A_199 : vector<16xf32>
      %add3A_201 = arith.constant 96 : i32
      %add3A_202 = vector.broadcast %add3A_201 : i32 to vector<16xi32>
      %add3A_203 = arith.addi %iota3A, %add3A_202 : vector<16xi32>
      tpu.vector_store_idx %arg7[%broadcast_in_dim3A_133, %add3A_203], %select_n3A_200 : memref<256x128xf32, #tpu.memory_space<vmem>>[vector<16xi32>, vector<16xi32>], vector<16xf32>,
      %broadcast_in_dim3A_204 = vector.broadcast %add3A_121 : i32 to vector<16xi32>
      %add3A_205 = arith.constant 112 : i32
      %add3A_206 = vector.broadcast %add3A_205 : i32 to vector<16xi32>
      %add3A_207 = arith.addi %iota3A, %add3A_206 : vector<16xi32>
      %gather3A_208 = tpu.vector_load_idx %arg5[%broadcast_in_dim3A_204, %add3A_207] : memref<320x128xf32, #tpu.memory_space<vmem>>[vector<16xi32>, vector<16xi32>], vector<16xf32>,
      %max3A_209 = arith.maximumf %select_n3A_114, %gather3A_208 : vector<16xf32>
      %select_n3A_210 = arith.select %ne3A_132, %gather3A_208, %max3A_209 : vector<16xf32>
      %add3A_211 = arith.constant 112 : i32
      %add3A_212 = vector.broadcast %add3A_211 : i32 to vector<16xi32>
      %add3A_213 = arith.addi %iota3A, %add3A_212 : vector<16xi32>
      tpu.vector_store_idx %arg7[%broadcast_in_dim3A_133, %add3A_213], %select_n3A_210 : memref<256x128xf32, #tpu.memory_space<vmem>>[vector<16xi32>, vector<16xi32>], vector<16xf32>,
      %mul3A_214 = arith.constant 16 : i32
      %mul3A_215 = arith.muli %scan3A_16, %mul3A_214 : i32
      %add3A_216 = arith.constant 2 : i32
      %add3A_217 = arith.addi %mul3A_215, %add3A_216 : i32
      %eq3A_218 = arith.constant 2 : i32
      %eq3A_219 = vector.broadcast %eq3A_218 : i32 to vector<16xi32>
      %eq3A_220 = arith.cmpi eq, %iota3A, %eq3A_219 : vector<16xi32>
      %jit3A_221 = arith.constant 0 : i32
      %broadcast_in_dim3A_222 = vector.broadcast %jit3A_221 : i32 to vector<16xi32>
      %select_n3A_223 = arith.select %eq3A_220, %get3A_28, %broadcast_in_dim3A_222 : vector<16xi1>, vector<16xi32>
      %reduce_sum3A_224 = arith.constant true
      %reduce_sum3A_225 = vector.broadcast %reduce_sum3A_224 : i1 to vector<16xi1>
      %reduce_sum3A_226 = tpu.scan <sum>, %select_n3A_223 masked %reduce_sum3A_225 : vector<16xi32>, vector<16xi1> -> vector<16xi32>
      %reduce_sum3A_227 = vector.extract %reduce_sum3A_226[15] : i32 from vector<16xi32>
      %ne3A_228 = arith.cmpi ne, %reduce_sum3A_227, %reduce_sum3A_131 : i32
      %broadcast_in_dim3A_229 = vector.broadcast %reduce_sum3A_227 : i32 to vector<16xi32>
      %broadcast_in_dim3A_230 = vector.broadcast %add3A_217 : i32 to vector<16xi32>
      %add3A_231 = arith.constant 0 : i32
      %add3A_232 = vector.broadcast %add3A_231 : i32 to vector<16xi32>
      %add3A_233 = arith.addi %iota3A, %add3A_232 : vector<16xi32>
      %gather3A_234 = tpu.vector_load_idx %arg5[%broadcast_in_dim3A_230, %add3A_233] : memref<320x128xf32, #tpu.memory_space<vmem>>[vector<16xi32>, vector<16xi32>], vector<16xf32>,
      %max3A_235 = arith.maximumf %select_n3A_140, %gather3A_234 : vector<16xf32>
      %select_n3A_236 = arith.select %ne3A_228, %gather3A_234, %max3A_235 : vector<16xf32>
      %add3A_237 = arith.constant 0 : i32
      %add3A_238 = vector.broadcast %add3A_237 : i32 to vector<16xi32>
      %add3A_239 = arith.addi %iota3A, %add3A_238 : vector<16xi32>
      tpu.vector_store_idx %arg7[%broadcast_in_dim3A_229, %add3A_239], %select_n3A_236 : memref<256x128xf32, #tpu.memory_space<vmem>>[vector<16xi32>, vector<16xi32>], vector<16xf32>,
      %broadcast_in_dim3A_240 = vector.broadcast %add3A_217 : i32 to vector<16xi32>
      %add3A_241 = arith.constant 16 : i32
      %add3A_242 = vector.broadcast %add3A_241 : i32 to vector<16xi32>
      %add3A_243 = arith.addi %iota3A, %add3A_242 : vector<16xi32>
      %gather3A_244 = tpu.vector_load_idx %arg5[%broadcast_in_dim3A_240, %add3A_243] : memref<320x128xf32, #tpu.memory_space<vmem>>[vector<16xi32>, vector<16xi32>], vector<16xf32>,
      %max3A_245 = arith.maximumf %select_n3A_150, %gather3A_244 : vector<16xf32>
      %select_n3A_246 = arith.select %ne3A_228, %gather3A_244, %max3A_245 : vector<16xf32>
      %add3A_247 = arith.constant 16 : i32
      %add3A_248 = vector.broadcast %add3A_247 : i32 to vector<16xi32>
      %add3A_249 = arith.addi %iota3A, %add3A_248 : vector<16xi32>
      tpu.vector_store_idx %arg7[%broadcast_in_dim3A_229, %add3A_249], %select_n3A_246 : memref<256x128xf32, #tpu.memory_space<vmem>>[vector<16xi32>, vector<16xi32>], vector<16xf32>,
      %broadcast_in_dim3A_250 = vector.broadcast %add3A_217 : i32 to vector<16xi32>
      %add3A_251 = arith.constant 32 : i32
      %add3A_252 = vector.broadcast %add3A_251 : i32 to vector<16xi32>
      %add3A_253 = arith.addi %iota3A, %add3A_252 : vector<16xi32>
      %gather3A_254 = tpu.vector_load_idx %arg5[%broadcast_in_dim3A_250, %add3A_253] : memref<320x128xf32, #tpu.memory_space<vmem>>[vector<16xi32>, vector<16xi32>], vector<16xf32>,
      %max3A_255 = arith.maximumf %select_n3A_160, %gather3A_254 : vector<16xf32>
      %select_n3A_256 = arith.select %ne3A_228, %gather3A_254, %max3A_255 : vector<16xf32>
      %add3A_257 = arith.constant 32 : i32
      %add3A_258 = vector.broadcast %add3A_257 : i32 to vector<16xi32>
      %add3A_259 = arith.addi %iota3A, %add3A_258 : vector<16xi32>
      tpu.vector_store_idx %arg7[%broadcast_in_dim3A_229, %add3A_259], %select_n3A_256 : memref<256x128xf32, #tpu.memory_space<vmem>>[vector<16xi32>, vector<16xi32>], vector<16xf32>,
      %broadcast_in_dim3A_260 = vector.broadcast %add3A_217 : i32 to vector<16xi32>
      %add3A_261 = arith.constant 48 : i32
      %add3A_262 = vector.broadcast %add3A_261 : i32 to vector<16xi32>
      %add3A_263 = arith.addi %iota3A, %add3A_262 : vector<16xi32>
      %gather3A_264 = tpu.vector_load_idx %arg5[%broadcast_in_dim3A_260, %add3A_263] : memref<320x128xf32, #tpu.memory_space<vmem>>[vector<16xi32>, vector<16xi32>], vector<16xf32>,
      %max3A_265 = arith.maximumf %select_n3A_170, %gather3A_264 : vector<16xf32>
      %select_n3A_266 = arith.select %ne3A_228, %gather3A_264, %max3A_265 : vector<16xf32>
      %add3A_267 = arith.constant 48 : i32
      %add3A_268 = vector.broadcast %add3A_267 : i32 to vector<16xi32>
      %add3A_269 = arith.addi %iota3A, %add3A_268 : vector<16xi32>
      tpu.vector_store_idx %arg7[%broadcast_in_dim3A_229, %add3A_269], %select_n3A_266 : memref<256x128xf32, #tpu.memory_space<vmem>>[vector<16xi32>, vector<16xi32>], vector<16xf32>,
      %broadcast_in_dim3A_270 = vector.broadcast %add3A_217 : i32 to vector<16xi32>
      %add3A_271 = arith.constant 64 : i32
      %add3A_272 = vector.broadcast %add3A_271 : i32 to vector<16xi32>
      %add3A_273 = arith.addi %iota3A, %add3A_272 : vector<16xi32>
      %gather3A_274 = tpu.vector_load_idx %arg5[%broadcast_in_dim3A_270, %add3A_273] : memref<320x128xf32, #tpu.memory_space<vmem>>[vector<16xi32>, vector<16xi32>], vector<16xf32>,
      %max3A_275 = arith.maximumf %select_n3A_180, %gather3A_274 : vector<16xf32>
      %select_n3A_276 = arith.select %ne3A_228, %gather3A_274, %max3A_275 : vector<16xf32>
      %add3A_277 = arith.constant 64 : i32
      %add3A_278 = vector.broadcast %add3A_277 : i32 to vector<16xi32>
      %add3A_279 = arith.addi %iota3A, %add3A_278 : vector<16xi32>
      tpu.vector_store_idx %arg7[%broadcast_in_dim3A_229, %add3A_279], %select_n3A_276 : memref<256x128xf32, #tpu.memory_space<vmem>>[vector<16xi32>, vector<16xi32>], vector<16xf32>,
      %broadcast_in_dim3A_280 = vector.broadcast %add3A_217 : i32 to vector<16xi32>
      %add3A_281 = arith.constant 80 : i32
      %add3A_282 = vector.broadcast %add3A_281 : i32 to vector<16xi32>
      %add3A_283 = arith.addi %iota3A, %add3A_282 : vector<16xi32>
      %gather3A_284 = tpu.vector_load_idx %arg5[%broadcast_in_dim3A_280, %add3A_283] : memref<320x128xf32, #tpu.memory_space<vmem>>[vector<16xi32>, vector<16xi32>], vector<16xf32>,
      %max3A_285 = arith.maximumf %select_n3A_190, %gather3A_284 : vector<16xf32>
      %select_n3A_286 = arith.select %ne3A_228, %gather3A_284, %max3A_285 : vector<16xf32>
      %add3A_287 = arith.constant 80 : i32
      %add3A_288 = vector.broadcast %add3A_287 : i32 to vector<16xi32>
      %add3A_289 = arith.addi %iota3A, %add3A_288 : vector<16xi32>
      tpu.vector_store_idx %arg7[%broadcast_in_dim3A_229, %add3A_289], %select_n3A_286 : memref<256x128xf32, #tpu.memory_space<vmem>>[vector<16xi32>, vector<16xi32>], vector<16xf32>,
      %broadcast_in_dim3A_290 = vector.broadcast %add3A_217 : i32 to vector<16xi32>
      %add3A_291 = arith.constant 96 : i32
      %add3A_292 = vector.broadcast %add3A_291 : i32 to vector<16xi32>
      %add3A_293 = arith.addi %iota3A, %add3A_292 : vector<16xi32>
      %gather3A_294 = tpu.vector_load_idx %arg5[%broadcast_in_dim3A_290, %add3A_293] : memref<320x128xf32, #tpu.memory_space<vmem>>[vector<16xi32>, vector<16xi32>], vector<16xf32>,
      %max3A_295 = arith.maximumf %select_n3A_200, %gather3A_294 : vector<16xf32>
      %select_n3A_296 = arith.select %ne3A_228, %gather3A_294, %max3A_295 : vector<16xf32>
      %add3A_297 = arith.constant 96 : i32
      %add3A_298 = vector.broadcast %add3A_297 : i32 to vector<16xi32>
      %add3A_299 = arith.addi %iota3A, %add3A_298 : vector<16xi32>
      tpu.vector_store_idx %arg7[%broadcast_in_dim3A_229, %add3A_299], %select_n3A_296 : memref<256x128xf32, #tpu.memory_space<vmem>>[vector<16xi32>, vector<16xi32>], vector<16xf32>,
      %broadcast_in_dim3A_300 = vector.broadcast %add3A_217 : i32 to vector<16xi32>
      %add3A_301 = arith.constant 112 : i32
      %add3A_302 = vector.broadcast %add3A_301 : i32 to vector<16xi32>
      %add3A_303 = arith.addi %iota3A, %add3A_302 : vector<16xi32>
      %gather3A_304 = tpu.vector_load_idx %arg5[%broadcast_in_dim3A_300, %add3A_303] : memref<320x128xf32, #tpu.memory_space<vmem>>[vector<16xi32>, vector<16xi32>], vector<16xf32>,
      %max3A_305 = arith.maximumf %select_n3A_210, %gather3A_304 : vector<16xf32>
      %select_n3A_306 = arith.select %ne3A_228, %gather3A_304, %max3A_305 : vector<16xf32>
      %add3A_307 = arith.constant 112 : i32
      %add3A_308 = vector.broadcast %add3A_307 : i32 to vector<16xi32>
      %add3A_309 = arith.addi %iota3A, %add3A_308 : vector<16xi32>
      tpu.vector_store_idx %arg7[%broadcast_in_dim3A_229, %add3A_309], %select_n3A_306 : memref<256x128xf32, #tpu.memory_space<vmem>>[vector<16xi32>, vector<16xi32>], vector<16xf32>,
      %mul3A_310 = arith.constant 16 : i32
      %mul3A_311 = arith.muli %scan3A_16, %mul3A_310 : i32
      %add3A_312 = arith.constant 3 : i32
      %add3A_313 = arith.addi %mul3A_311, %add3A_312 : i32
      %eq3A_314 = arith.constant 3 : i32
      %eq3A_315 = vector.broadcast %eq3A_314 : i32 to vector<16xi32>
      %eq3A_316 = arith.cmpi eq, %iota3A, %eq3A_315 : vector<16xi32>
      %jit3A_317 = arith.constant 0 : i32
      %broadcast_in_dim3A_318 = vector.broadcast %jit3A_317 : i32 to vector<16xi32>
      %select_n3A_319 = arith.select %eq3A_316, %get3A_28, %broadcast_in_dim3A_318 : vector<16xi1>, vector<16xi32>
      %reduce_sum3A_320 = arith.constant true
      %reduce_sum3A_321 = vector.broadcast %reduce_sum3A_320 : i1 to vector<16xi1>
      %reduce_sum3A_322 = tpu.scan <sum>, %select_n3A_319 masked %reduce_sum3A_321 : vector<16xi32>, vector<16xi1> -> vector<16xi32>
      %reduce_sum3A_323 = vector.extract %reduce_sum3A_322[15] : i32 from vector<16xi32>
      %ne3A_324 = arith.cmpi ne, %reduce_sum3A_323, %reduce_sum3A_227 : i32
      %broadcast_in_dim3A_325 = vector.broadcast %reduce_sum3A_323 : i32 to vector<16xi32>
      %broadcast_in_dim3A_326 = vector.broadcast %add3A_313 : i32 to vector<16xi32>
      %add3A_327 = arith.constant 0 : i32
      %add3A_328 = vector.broadcast %add3A_327 : i32 to vector<16xi32>
      %add3A_329 = arith.addi %iota3A, %add3A_328 : vector<16xi32>
      %gather3A_330 = tpu.vector_load_idx %arg5[%broadcast_in_dim3A_326, %add3A_329] : memref<320x128xf32, #tpu.memory_space<vmem>>[vector<16xi32>, vector<16xi32>], vector<16xf32>,
      %max3A_331 = arith.maximumf %select_n3A_236, %gather3A_330 : vector<16xf32>
      %select_n3A_332 = arith.select %ne3A_324, %gather3A_330, %max3A_331 : vector<16xf32>
      %add3A_333 = arith.constant 0 : i32
      %add3A_334 = vector.broadcast %add3A_333 : i32 to vector<16xi32>
      %add3A_335 = arith.addi %iota3A, %add3A_334 : vector<16xi32>
      tpu.vector_store_idx %arg7[%broadcast_in_dim3A_325, %add3A_335], %select_n3A_332 : memref<256x128xf32, #tpu.memory_space<vmem>>[vector<16xi32>, vector<16xi32>], vector<16xf32>,
      %broadcast_in_dim3A_336 = vector.broadcast %add3A_313 : i32 to vector<16xi32>
      %add3A_337 = arith.constant 16 : i32
      %add3A_338 = vector.broadcast %add3A_337 : i32 to vector<16xi32>
      %add3A_339 = arith.addi %iota3A, %add3A_338 : vector<16xi32>
      %gather3A_340 = tpu.vector_load_idx %arg5[%broadcast_in_dim3A_336, %add3A_339] : memref<320x128xf32, #tpu.memory_space<vmem>>[vector<16xi32>, vector<16xi32>], vector<16xf32>,
      %max3A_341 = arith.maximumf %select_n3A_246, %gather3A_340 : vector<16xf32>
      %select_n3A_342 = arith.select %ne3A_324, %gather3A_340, %max3A_341 : vector<16xf32>
      %add3A_343 = arith.constant 16 : i32
      %add3A_344 = vector.broadcast %add3A_343 : i32 to vector<16xi32>
      %add3A_345 = arith.addi %iota3A, %add3A_344 : vector<16xi32>
      tpu.vector_store_idx %arg7[%broadcast_in_dim3A_325, %add3A_345], %select_n3A_342 : memref<256x128xf32, #tpu.memory_space<vmem>>[vector<16xi32>, vector<16xi32>], vector<16xf32>,
      %broadcast_in_dim3A_346 = vector.broadcast %add3A_313 : i32 to vector<16xi32>
      %add3A_347 = arith.constant 32 : i32
      %add3A_348 = vector.broadcast %add3A_347 : i32 to vector<16xi32>
      %add3A_349 = arith.addi %iota3A, %add3A_348 : vector<16xi32>
      %gather3A_350 = tpu.vector_load_idx %arg5[%broadcast_in_dim3A_346, %add3A_349] : memref<320x128xf32, #tpu.memory_space<vmem>>[vector<16xi32>, vector<16xi32>], vector<16xf32>,
      %max3A_351 = arith.maximumf %select_n3A_256, %gather3A_350 : vector<16xf32>
      %select_n3A_352 = arith.select %ne3A_324, %gather3A_350, %max3A_351 : vector<16xf32>
      %add3A_353 = arith.constant 32 : i32
      %add3A_354 = vector.broadcast %add3A_353 : i32 to vector<16xi32>
      %add3A_355 = arith.addi %iota3A, %add3A_354 : vector<16xi32>
      tpu.vector_store_idx %arg7[%broadcast_in_dim3A_325, %add3A_355], %select_n3A_352 : memref<256x128xf32, #tpu.memory_space<vmem>>[vector<16xi32>, vector<16xi32>], vector<16xf32>,
      %broadcast_in_dim3A_356 = vector.broadcast %add3A_313 : i32 to vector<16xi32>
      %add3A_357 = arith.constant 48 : i32
      %add3A_358 = vector.broadcast %add3A_357 : i32 to vector<16xi32>
      %add3A_359 = arith.addi %iota3A, %add3A_358 : vector<16xi32>
      %gather3A_360 = tpu.vector_load_idx %arg5[%broadcast_in_dim3A_356, %add3A_359] : memref<320x128xf32, #tpu.memory_space<vmem>>[vector<16xi32>, vector<16xi32>], vector<16xf32>,
      %max3A_361 = arith.maximumf %select_n3A_266, %gather3A_360 : vector<16xf32>
      %select_n3A_362 = arith.select %ne3A_324, %gather3A_360, %max3A_361 : vector<16xf32>
      %add3A_363 = arith.constant 48 : i32
      %add3A_364 = vector.broadcast %add3A_363 : i32 to vector<16xi32>
      %add3A_365 = arith.addi %iota3A, %add3A_364 : vector<16xi32>
      tpu.vector_store_idx %arg7[%broadcast_in_dim3A_325, %add3A_365], %select_n3A_362 : memref<256x128xf32, #tpu.memory_space<vmem>>[vector<16xi32>, vector<16xi32>], vector<16xf32>,
      %broadcast_in_dim3A_366 = vector.broadcast %add3A_313 : i32 to vector<16xi32>
      %add3A_367 = arith.constant 64 : i32
      %add3A_368 = vector.broadcast %add3A_367 : i32 to vector<16xi32>
      %add3A_369 = arith.addi %iota3A, %add3A_368 : vector<16xi32>
      %gather3A_370 = tpu.vector_load_idx %arg5[%broadcast_in_dim3A_366, %add3A_369] : memref<320x128xf32, #tpu.memory_space<vmem>>[vector<16xi32>, vector<16xi32>], vector<16xf32>,
      %max3A_371 = arith.maximumf %select_n3A_276, %gather3A_370 : vector<16xf32>
      %select_n3A_372 = arith.select %ne3A_324, %gather3A_370, %max3A_371 : vector<16xf32>
      %add3A_373 = arith.constant 64 : i32
      %add3A_374 = vector.broadcast %add3A_373 : i32 to vector<16xi32>
      %add3A_375 = arith.addi %iota3A, %add3A_374 : vector<16xi32>
      tpu.vector_store_idx %arg7[%broadcast_in_dim3A_325, %add3A_375], %select_n3A_372 : memref<256x128xf32, #tpu.memory_space<vmem>>[vector<16xi32>, vector<16xi32>], vector<16xf32>,
      %broadcast_in_dim3A_376 = vector.broadcast %add3A_313 : i32 to vector<16xi32>
      %add3A_377 = arith.constant 80 : i32
      %add3A_378 = vector.broadcast %add3A_377 : i32 to vector<16xi32>
      %add3A_379 = arith.addi %iota3A, %add3A_378 : vector<16xi32>
      %gather3A_380 = tpu.vector_load_idx %arg5[%broadcast_in_dim3A_376, %add3A_379] : memref<320x128xf32, #tpu.memory_space<vmem>>[vector<16xi32>, vector<16xi32>], vector<16xf32>,
      %max3A_381 = arith.maximumf %select_n3A_286, %gather3A_380 : vector<16xf32>
      %select_n3A_382 = arith.select %ne3A_324, %gather3A_380, %max3A_381 : vector<16xf32>
      %add3A_383 = arith.constant 80 : i32
      %add3A_384 = vector.broadcast %add3A_383 : i32 to vector<16xi32>
      %add3A_385 = arith.addi %iota3A, %add3A_384 : vector<16xi32>
      tpu.vector_store_idx %arg7[%broadcast_in_dim3A_325, %add3A_385], %select_n3A_382 : memref<256x128xf32, #tpu.memory_space<vmem>>[vector<16xi32>, vector<16xi32>], vector<16xf32>,
      %broadcast_in_dim3A_386 = vector.broadcast %add3A_313 : i32 to vector<16xi32>
      %add3A_387 = arith.constant 96 : i32
      %add3A_388 = vector.broadcast %add3A_387 : i32 to vector<16xi32>
      %add3A_389 = arith.addi %iota3A, %add3A_388 : vector<16xi32>
      %gather3A_390 = tpu.vector_load_idx %arg5[%broadcast_in_dim3A_386, %add3A_389] : memref<320x128xf32, #tpu.memory_space<vmem>>[vector<16xi32>, vector<16xi32>], vector<16xf32>,
      %max3A_391 = arith.maximumf %select_n3A_296, %gather3A_390 : vector<16xf32>
      %select_n3A_392 = arith.select %ne3A_324, %gather3A_390, %max3A_391 : vector<16xf32>
      %add3A_393 = arith.constant 96 : i32
      %add3A_394 = vector.broadcast %add3A_393 : i32 to vector<16xi32>
      %add3A_395 = arith.addi %iota3A, %add3A_394 : vector<16xi32>
      tpu.vector_store_idx %arg7[%broadcast_in_dim3A_325, %add3A_395], %select_n3A_392 : memref<256x128xf32, #tpu.memory_space<vmem>>[vector<16xi32>, vector<16xi32>], vector<16xf32>,
      %broadcast_in_dim3A_396 = vector.broadcast %add3A_313 : i32 to vector<16xi32>
      %add3A_397 = arith.constant 112 : i32
      %add3A_398 = vector.broadcast %add3A_397 : i32 to vector<16xi32>
      %add3A_399 = arith.addi %iota3A, %add3A_398 : vector<16xi32>
      %gather3A_400 = tpu.vector_load_idx %arg5[%broadcast_in_dim3A_396, %add3A_399] : memref<320x128xf32, #tpu.memory_space<vmem>>[vector<16xi32>, vector<16xi32>], vector<16xf32>,
      %max3A_401 = arith.maximumf %select_n3A_306, %gather3A_400 : vector<16xf32>
      %select_n3A_402 = arith.select %ne3A_324, %gather3A_400, %max3A_401 : vector<16xf32>
      %add3A_403 = arith.constant 112 : i32
      %add3A_404 = vector.broadcast %add3A_403 : i32 to vector<16xi32>
      %add3A_405 = arith.addi %iota3A, %add3A_404 : vector<16xi32>
      tpu.vector_store_idx %arg7[%broadcast_in_dim3A_325, %add3A_405], %select_n3A_402 : memref<256x128xf32, #tpu.memory_space<vmem>>[vector<16xi32>, vector<16xi32>], vector<16xf32>,
      %mul3A_406 = arith.constant 16 : i32
      %mul3A_407 = arith.muli %scan3A_16, %mul3A_406 : i32
      %add3A_408 = arith.constant 4 : i32
      %add3A_409 = arith.addi %mul3A_407, %add3A_408 : i32
      %eq3A_410 = arith.constant 4 : i32
      %eq3A_411 = vector.broadcast %eq3A_410 : i32 to vector<16xi32>
      %eq3A_412 = arith.cmpi eq, %iota3A, %eq3A_411 : vector<16xi32>
      %jit3A_413 = arith.constant 0 : i32
      %broadcast_in_dim3A_414 = vector.broadcast %jit3A_413 : i32 to vector<16xi32>
      %select_n3A_415 = arith.select %eq3A_412, %get3A_28, %broadcast_in_dim3A_414 : vector<16xi1>, vector<16xi32>
      %reduce_sum3A_416 = arith.constant true
      %reduce_sum3A_417 = vector.broadcast %reduce_sum3A_416 : i1 to vector<16xi1>
      %reduce_sum3A_418 = tpu.scan <sum>, %select_n3A_415 masked %reduce_sum3A_417 : vector<16xi32>, vector<16xi1> -> vector<16xi32>
      %reduce_sum3A_419 = vector.extract %reduce_sum3A_418[15] : i32 from vector<16xi32>
      %ne3A_420 = arith.cmpi ne, %reduce_sum3A_419, %reduce_sum3A_323 : i32
      %broadcast_in_dim3A_421 = vector.broadcast %reduce_sum3A_419 : i32 to vector<16xi32>
      %broadcast_in_dim3A_422 = vector.broadcast %add3A_409 : i32 to vector<16xi32>
      %add3A_423 = arith.constant 0 : i32
      %add3A_424 = vector.broadcast %add3A_423 : i32 to vector<16xi32>
      %add3A_425 = arith.addi %iota3A, %add3A_424 : vector<16xi32>
      %gather3A_426 = tpu.vector_load_idx %arg5[%broadcast_in_dim3A_422, %add3A_425] : memref<320x128xf32, #tpu.memory_space<vmem>>[vector<16xi32>, vector<16xi32>], vector<16xf32>,
      %max3A_427 = arith.maximumf %select_n3A_332, %gather3A_426 : vector<16xf32>
      %select_n3A_428 = arith.select %ne3A_420, %gather3A_426, %max3A_427 : vector<16xf32>
      %add3A_429 = arith.constant 0 : i32
      %add3A_430 = vector.broadcast %add3A_429 : i32 to vector<16xi32>
      %add3A_431 = arith.addi %iota3A, %add3A_430 : vector<16xi32>
      tpu.vector_store_idx %arg7[%broadcast_in_dim3A_421, %add3A_431], %select_n3A_428 : memref<256x128xf32, #tpu.memory_space<vmem>>[vector<16xi32>, vector<16xi32>], vector<16xf32>,
      %broadcast_in_dim3A_432 = vector.broadcast %add3A_409 : i32 to vector<16xi32>
      %add3A_433 = arith.constant 16 : i32
      %add3A_434 = vector.broadcast %add3A_433 : i32 to vector<16xi32>
      %add3A_435 = arith.addi %iota3A, %add3A_434 : vector<16xi32>
      %gather3A_436 = tpu.vector_load_idx %arg5[%broadcast_in_dim3A_432, %add3A_435] : memref<320x128xf32, #tpu.memory_space<vmem>>[vector<16xi32>, vector<16xi32>], vector<16xf32>,
      %max3A_437 = arith.maximumf %select_n3A_342, %gather3A_436 : vector<16xf32>
      %select_n3A_438 = arith.select %ne3A_420, %gather3A_436, %max3A_437 : vector<16xf32>
      %add3A_439 = arith.constant 16 : i32
      %add3A_440 = vector.broadcast %add3A_439 : i32 to vector<16xi32>
      %add3A_441 = arith.addi %iota3A, %add3A_440 : vector<16xi32>
      tpu.vector_store_idx %arg7[%broadcast_in_dim3A_421, %add3A_441], %select_n3A_438 : memref<256x128xf32, #tpu.memory_space<vmem>>[vector<16xi32>, vector<16xi32>], vector<16xf32>,
      %broadcast_in_dim3A_442 = vector.broadcast %add3A_409 : i32 to vector<16xi32>
      %add3A_443 = arith.constant 32 : i32
      %add3A_444 = vector.broadcast %add3A_443 : i32 to vector<16xi32>
      %add3A_445 = arith.addi %iota3A, %add3A_444 : vector<16xi32>
      %gather3A_446 = tpu.vector_load_idx %arg5[%broadcast_in_dim3A_442, %add3A_445] : memref<320x128xf32, #tpu.memory_space<vmem>>[vector<16xi32>, vector<16xi32>], vector<16xf32>,
      %max3A_447 = arith.maximumf %select_n3A_352, %gather3A_446 : vector<16xf32>
      %select_n3A_448 = arith.select %ne3A_420, %gather3A_446, %max3A_447 : vector<16xf32>
      %add3A_449 = arith.constant 32 : i32
      %add3A_450 = vector.broadcast %add3A_449 : i32 to vector<16xi32>
      %add3A_451 = arith.addi %iota3A, %add3A_450 : vector<16xi32>
      tpu.vector_store_idx %arg7[%broadcast_in_dim3A_421, %add3A_451], %select_n3A_448 : memref<256x128xf32, #tpu.memory_space<vmem>>[vector<16xi32>, vector<16xi32>], vector<16xf32>,
      %broadcast_in_dim3A_452 = vector.broadcast %add3A_409 : i32 to vector<16xi32>
      %add3A_453 = arith.constant 48 : i32
      %add3A_454 = vector.broadcast %add3A_453 : i32 to vector<16xi32>
      %add3A_455 = arith.addi %iota3A, %add3A_454 : vector<16xi32>
      %gather3A_456 = tpu.vector_load_idx %arg5[%broadcast_in_dim3A_452, %add3A_455] : memref<320x128xf32, #tpu.memory_space<vmem>>[vector<16xi32>, vector<16xi32>], vector<16xf32>,
      %max3A_457 = arith.maximumf %select_n3A_362, %gather3A_456 : vector<16xf32>
      %select_n3A_458 = arith.select %ne3A_420, %gather3A_456, %max3A_457 : vector<16xf32>
      %add3A_459 = arith.constant 48 : i32
      %add3A_460 = vector.broadcast %add3A_459 : i32 to vector<16xi32>
      %add3A_461 = arith.addi %iota3A, %add3A_460 : vector<16xi32>
      tpu.vector_store_idx %arg7[%broadcast_in_dim3A_421, %add3A_461], %select_n3A_458 : memref<256x128xf32, #tpu.memory_space<vmem>>[vector<16xi32>, vector<16xi32>], vector<16xf32>,
      %broadcast_in_dim3A_462 = vector.broadcast %add3A_409 : i32 to vector<16xi32>
      %add3A_463 = arith.constant 64 : i32
      %add3A_464 = vector.broadcast %add3A_463 : i32 to vector<16xi32>
      %add3A_465 = arith.addi %iota3A, %add3A_464 : vector<16xi32>
      %gather3A_466 = tpu.vector_load_idx %arg5[%broadcast_in_dim3A_462, %add3A_465] : memref<320x128xf32, #tpu.memory_space<vmem>>[vector<16xi32>, vector<16xi32>], vector<16xf32>,
      %max3A_467 = arith.maximumf %select_n3A_372, %gather3A_466 : vector<16xf32>
      %select_n3A_468 = arith.select %ne3A_420, %gather3A_466, %max3A_467 : vector<16xf32>
      %add3A_469 = arith.constant 64 : i32
      %add3A_470 = vector.broadcast %add3A_469 : i32 to vector<16xi32>
      %add3A_471 = arith.addi %iota3A, %add3A_470 : vector<16xi32>
      tpu.vector_store_idx %arg7[%broadcast_in_dim3A_421, %add3A_471], %select_n3A_468 : memref<256x128xf32, #tpu.memory_space<vmem>>[vector<16xi32>, vector<16xi32>], vector<16xf32>,
      %broadcast_in_dim3A_472 = vector.broadcast %add3A_409 : i32 to vector<16xi32>
      %add3A_473 = arith.constant 80 : i32
      %add3A_474 = vector.broadcast %add3A_473 : i32 to vector<16xi32>
      %add3A_475 = arith.addi %iota3A, %add3A_474 : vector<16xi32>
      %gather3A_476 = tpu.vector_load_idx %arg5[%broadcast_in_dim3A_472, %add3A_475] : memref<320x128xf32, #tpu.memory_space<vmem>>[vector<16xi32>, vector<16xi32>], vector<16xf32>,
      %max3A_477 = arith.maximumf %select_n3A_382, %gather3A_476 : vector<16xf32>
      %select_n3A_478 = arith.select %ne3A_420, %gather3A_476, %max3A_477 : vector<16xf32>
      %add3A_479 = arith.constant 80 : i32
      %add3A_480 = vector.broadcast %add3A_479 : i32 to vector<16xi32>
      %add3A_481 = arith.addi %iota3A, %add3A_480 : vector<16xi32>
      tpu.vector_store_idx %arg7[%broadcast_in_dim3A_421, %add3A_481], %select_n3A_478 : memref<256x128xf32, #tpu.memory_space<vmem>>[vector<16xi32>, vector<16xi32>], vector<16xf32>,
      %broadcast_in_dim3A_482 = vector.broadcast %add3A_409 : i32 to vector<16xi32>
      %add3A_483 = arith.constant 96 : i32
      %add3A_484 = vector.broadcast %add3A_483 : i32 to vector<16xi32>
      %add3A_485 = arith.addi %iota3A, %add3A_484 : vector<16xi32>
      %gather3A_486 = tpu.vector_load_idx %arg5[%broadcast_in_dim3A_482, %add3A_485] : memref<320x128xf32, #tpu.memory_space<vmem>>[vector<16xi32>, vector<16xi32>], vector<16xf32>,
      %max3A_487 = arith.maximumf %select_n3A_392, %gather3A_486 : vector<16xf32>
      %select_n3A_488 = arith.select %ne3A_420, %gather3A_486, %max3A_487 : vector<16xf32>
      %add3A_489 = arith.constant 96 : i32
      %add3A_490 = vector.broadcast %add3A_489 : i32 to vector<16xi32>
      %add3A_491 = arith.addi %iota3A, %add3A_490 : vector<16xi32>
      tpu.vector_store_idx %arg7[%broadcast_in_dim3A_421, %add3A_491], %select_n3A_488 : memref<256x128xf32, #tpu.memory_space<vmem>>[vector<16xi32>, vector<16xi32>], vector<16xf32>,
      %broadcast_in_dim3A_492 = vector.broadcast %add3A_409 : i32 to vector<16xi32>
      %add3A_493 = arith.constant 112 : i32
      %add3A_494 = vector.broadcast %add3A_493 : i32 to vector<16xi32>
      %add3A_495 = arith.addi %iota3A, %add3A_494 : vector<16xi32>
      %gather3A_496 = tpu.vector_load_idx %arg5[%broadcast_in_dim3A_492, %add3A_495] : memref<320x128xf32, #tpu.memory_space<vmem>>[vector<16xi32>, vector<16xi32>], vector<16xf32>,
      %max3A_497 = arith.maximumf %select_n3A_402, %gather3A_496 : vector<16xf32>
      %select_n3A_498 = arith.select %ne3A_420, %gather3A_496, %max3A_497 : vector<16xf32>
      %add3A_499 = arith.constant 112 : i32
      %add3A_500 = vector.broadcast %add3A_499 : i32 to vector<16xi32>
      %add3A_501 = arith.addi %iota3A, %add3A_500 : vector<16xi32>
      tpu.vector_store_idx %arg7[%broadcast_in_dim3A_421, %add3A_501], %select_n3A_498 : memref<256x128xf32, #tpu.memory_space<vmem>>[vector<16xi32>, vector<16xi32>], vector<16xf32>,
      %mul3A_502 = arith.constant 16 : i32
      %mul3A_503 = arith.muli %scan3A_16, %mul3A_502 : i32
      %add3A_504 = arith.constant 5 : i32
      %add3A_505 = arith.addi %mul3A_503, %add3A_504 : i32
      %eq3A_506 = arith.constant 5 : i32
      %eq3A_507 = vector.broadcast %eq3A_506 : i32 to vector<16xi32>
      %eq3A_508 = arith.cmpi eq, %iota3A, %eq3A_507 : vector<16xi32>
      %jit3A_509 = arith.constant 0 : i32
      %broadcast_in_dim3A_510 = vector.broadcast %jit3A_509 : i32 to vector<16xi32>
      %select_n3A_511 = arith.select %eq3A_508, %get3A_28, %broadcast_in_dim3A_510 : vector<16xi1>, vector<16xi32>
      %reduce_sum3A_512 = arith.constant true
      %reduce_sum3A_513 = vector.broadcast %reduce_sum3A_512 : i1 to vector<16xi1>
      %reduce_sum3A_514 = tpu.scan <sum>, %select_n3A_511 masked %reduce_sum3A_513 : vector<16xi32>, vector<16xi1> -> vector<16xi32>
      %reduce_sum3A_515 = vector.extract %reduce_sum3A_514[15] : i32 from vector<16xi32>
      %ne3A_516 = arith.cmpi ne, %reduce_sum3A_515, %reduce_sum3A_419 : i32
      %broadcast_in_dim3A_517 = vector.broadcast %reduce_sum3A_515 : i32 to vector<16xi32>
      %broadcast_in_dim3A_518 = vector.broadcast %add3A_505 : i32 to vector<16xi32>
      %add3A_519 = arith.constant 0 : i32
      %add3A_520 = vector.broadcast %add3A_519 : i32 to vector<16xi32>
      %add3A_521 = arith.addi %iota3A, %add3A_520 : vector<16xi32>
      %gather3A_522 = tpu.vector_load_idx %arg5[%broadcast_in_dim3A_518, %add3A_521] : memref<320x128xf32, #tpu.memory_space<vmem>>[vector<16xi32>, vector<16xi32>], vector<16xf32>,
      %max3A_523 = arith.maximumf %select_n3A_428, %gather3A_522 : vector<16xf32>
      %select_n3A_524 = arith.select %ne3A_516, %gather3A_522, %max3A_523 : vector<16xf32>
      %add3A_525 = arith.constant 0 : i32
      %add3A_526 = vector.broadcast %add3A_525 : i32 to vector<16xi32>
      %add3A_527 = arith.addi %iota3A, %add3A_526 : vector<16xi32>
      tpu.vector_store_idx %arg7[%broadcast_in_dim3A_517, %add3A_527], %select_n3A_524 : memref<256x128xf32, #tpu.memory_space<vmem>>[vector<16xi32>, vector<16xi32>], vector<16xf32>,
      %broadcast_in_dim3A_528 = vector.broadcast %add3A_505 : i32 to vector<16xi32>
      %add3A_529 = arith.constant 16 : i32
      %add3A_530 = vector.broadcast %add3A_529 : i32 to vector<16xi32>
      %add3A_531 = arith.addi %iota3A, %add3A_530 : vector<16xi32>
      %gather3A_532 = tpu.vector_load_idx %arg5[%broadcast_in_dim3A_528, %add3A_531] : memref<320x128xf32, #tpu.memory_space<vmem>>[vector<16xi32>, vector<16xi32>], vector<16xf32>,
      %max3A_533 = arith.maximumf %select_n3A_438, %gather3A_532 : vector<16xf32>
      %select_n3A_534 = arith.select %ne3A_516, %gather3A_532, %max3A_533 : vector<16xf32>
      %add3A_535 = arith.constant 16 : i32
      %add3A_536 = vector.broadcast %add3A_535 : i32 to vector<16xi32>
      %add3A_537 = arith.addi %iota3A, %add3A_536 : vector<16xi32>
      tpu.vector_store_idx %arg7[%broadcast_in_dim3A_517, %add3A_537], %select_n3A_534 : memref<256x128xf32, #tpu.memory_space<vmem>>[vector<16xi32>, vector<16xi32>], vector<16xf32>,
      %broadcast_in_dim3A_538 = vector.broadcast %add3A_505 : i32 to vector<16xi32>
      %add3A_539 = arith.constant 32 : i32
      %add3A_540 = vector.broadcast %add3A_539 : i32 to vector<16xi32>
      %add3A_541 = arith.addi %iota3A, %add3A_540 : vector<16xi32>
      %gather3A_542 = tpu.vector_load_idx %arg5[%broadcast_in_dim3A_538, %add3A_541] : memref<320x128xf32, #tpu.memory_space<vmem>>[vector<16xi32>, vector<16xi32>], vector<16xf32>,
      %max3A_543 = arith.maximumf %select_n3A_448, %gather3A_542 : vector<16xf32>
      %select_n3A_544 = arith.select %ne3A_516, %gather3A_542, %max3A_543 : vector<16xf32>
      %add3A_545 = arith.constant 32 : i32
      %add3A_546 = vector.broadcast %add3A_545 : i32 to vector<16xi32>
      %add3A_547 = arith.addi %iota3A, %add3A_546 : vector<16xi32>
      tpu.vector_store_idx %arg7[%broadcast_in_dim3A_517, %add3A_547], %select_n3A_544 : memref<256x128xf32, #tpu.memory_space<vmem>>[vector<16xi32>, vector<16xi32>], vector<16xf32>,
      %broadcast_in_dim3A_548 = vector.broadcast %add3A_505 : i32 to vector<16xi32>
      %add3A_549 = arith.constant 48 : i32
      %add3A_550 = vector.broadcast %add3A_549 : i32 to vector<16xi32>
      %add3A_551 = arith.addi %iota3A, %add3A_550 : vector<16xi32>
      %gather3A_552 = tpu.vector_load_idx %arg5[%broadcast_in_dim3A_548, %add3A_551] : memref<320x128xf32, #tpu.memory_space<vmem>>[vector<16xi32>, vector<16xi32>], vector<16xf32>,
      %max3A_553 = arith.maximumf %select_n3A_458, %gather3A_552 : vector<16xf32>
      %select_n3A_554 = arith.select %ne3A_516, %gather3A_552, %max3A_553 : vector<16xf32>
      %add3A_555 = arith.constant 48 : i32
      %add3A_556 = vector.broadcast %add3A_555 : i32 to vector<16xi32>
      %add3A_557 = arith.addi %iota3A, %add3A_556 : vector<16xi32>
      tpu.vector_store_idx %arg7[%broadcast_in_dim3A_517, %add3A_557], %select_n3A_554 : memref<256x128xf32, #tpu.memory_space<vmem>>[vector<16xi32>, vector<16xi32>], vector<16xf32>,
      %broadcast_in_dim3A_558 = vector.broadcast %add3A_505 : i32 to vector<16xi32>
      %add3A_559 = arith.constant 64 : i32
      %add3A_560 = vector.broadcast %add3A_559 : i32 to vector<16xi32>
      %add3A_561 = arith.addi %iota3A, %add3A_560 : vector<16xi32>
      %gather3A_562 = tpu.vector_load_idx %arg5[%broadcast_in_dim3A_558, %add3A_561] : memref<320x128xf32, #tpu.memory_space<vmem>>[vector<16xi32>, vector<16xi32>], vector<16xf32>,
      %max3A_563 = arith.maximumf %select_n3A_468, %gather3A_562 : vector<16xf32>
      %select_n3A_564 = arith.select %ne3A_516, %gather3A_562, %max3A_563 : vector<16xf32>
      %add3A_565 = arith.constant 64 : i32
      %add3A_566 = vector.broadcast %add3A_565 : i32 to vector<16xi32>
      %add3A_567 = arith.addi %iota3A, %add3A_566 : vector<16xi32>
      tpu.vector_store_idx %arg7[%broadcast_in_dim3A_517, %add3A_567], %select_n3A_564 : memref<256x128xf32, #tpu.memory_space<vmem>>[vector<16xi32>, vector<16xi32>], vector<16xf32>,
      %broadcast_in_dim3A_568 = vector.broadcast %add3A_505 : i32 to vector<16xi32>
      %add3A_569 = arith.constant 80 : i32
      %add3A_570 = vector.broadcast %add3A_569 : i32 to vector<16xi32>
      %add3A_571 = arith.addi %iota3A, %add3A_570 : vector<16xi32>
      %gather3A_572 = tpu.vector_load_idx %arg5[%broadcast_in_dim3A_568, %add3A_571] : memref<320x128xf32, #tpu.memory_space<vmem>>[vector<16xi32>, vector<16xi32>], vector<16xf32>,
      %max3A_573 = arith.maximumf %select_n3A_478, %gather3A_572 : vector<16xf32>
      %select_n3A_574 = arith.select %ne3A_516, %gather3A_572, %max3A_573 : vector<16xf32>
      %add3A_575 = arith.constant 80 : i32
      %add3A_576 = vector.broadcast %add3A_575 : i32 to vector<16xi32>
      %add3A_577 = arith.addi %iota3A, %add3A_576 : vector<16xi32>
      tpu.vector_store_idx %arg7[%broadcast_in_dim3A_517, %add3A_577], %select_n3A_574 : memref<256x128xf32, #tpu.memory_space<vmem>>[vector<16xi32>, vector<16xi32>], vector<16xf32>,
      %broadcast_in_dim3A_578 = vector.broadcast %add3A_505 : i32 to vector<16xi32>
      %add3A_579 = arith.constant 96 : i32
      %add3A_580 = vector.broadcast %add3A_579 : i32 to vector<16xi32>
      %add3A_581 = arith.addi %iota3A, %add3A_580 : vector<16xi32>
      %gather3A_582 = tpu.vector_load_idx %arg5[%broadcast_in_dim3A_578, %add3A_581] : memref<320x128xf32, #tpu.memory_space<vmem>>[vector<16xi32>, vector<16xi32>], vector<16xf32>,
      %max3A_583 = arith.maximumf %select_n3A_488, %gather3A_582 : vector<16xf32>
      %select_n3A_584 = arith.select %ne3A_516, %gather3A_582, %max3A_583 : vector<16xf32>
      %add3A_585 = arith.constant 96 : i32
      %add3A_586 = vector.broadcast %add3A_585 : i32 to vector<16xi32>
      %add3A_587 = arith.addi %iota3A, %add3A_586 : vector<16xi32>
      tpu.vector_store_idx %arg7[%broadcast_in_dim3A_517, %add3A_587], %select_n3A_584 : memref<256x128xf32, #tpu.memory_space<vmem>>[vector<16xi32>, vector<16xi32>], vector<16xf32>,
      %broadcast_in_dim3A_588 = vector.broadcast %add3A_505 : i32 to vector<16xi32>
      %add3A_589 = arith.constant 112 : i32
      %add3A_590 = vector.broadcast %add3A_589 : i32 to vector<16xi32>
      %add3A_591 = arith.addi %iota3A, %add3A_590 : vector<16xi32>
      %gather3A_592 = tpu.vector_load_idx %arg5[%broadcast_in_dim3A_588, %add3A_591] : memref<320x128xf32, #tpu.memory_space<vmem>>[vector<16xi32>, vector<16xi32>], vector<16xf32>,
      %max3A_593 = arith.maximumf %select_n3A_498, %gather3A_592 : vector<16xf32>
      %select_n3A_594 = arith.select %ne3A_516, %gather3A_592, %max3A_593 : vector<16xf32>
      %add3A_595 = arith.constant 112 : i32
      %add3A_596 = vector.broadcast %add3A_595 : i32 to vector<16xi32>
      %add3A_597 = arith.addi %iota3A, %add3A_596 : vector<16xi32>
      tpu.vector_store_idx %arg7[%broadcast_in_dim3A_517, %add3A_597], %select_n3A_594 : memref<256x128xf32, #tpu.memory_space<vmem>>[vector<16xi32>, vector<16xi32>], vector<16xf32>,
      %mul3A_598 = arith.constant 16 : i32
      %mul3A_599 = arith.muli %scan3A_16, %mul3A_598 : i32
      %add3A_600 = arith.constant 6 : i32
      %add3A_601 = arith.addi %mul3A_599, %add3A_600 : i32
      %eq3A_602 = arith.constant 6 : i32
      %eq3A_603 = vector.broadcast %eq3A_602 : i32 to vector<16xi32>
      %eq3A_604 = arith.cmpi eq, %iota3A, %eq3A_603 : vector<16xi32>
      %jit3A_605 = arith.constant 0 : i32
      %broadcast_in_dim3A_606 = vector.broadcast %jit3A_605 : i32 to vector<16xi32>
      %select_n3A_607 = arith.select %eq3A_604, %get3A_28, %broadcast_in_dim3A_606 : vector<16xi1>, vector<16xi32>
      %reduce_sum3A_608 = arith.constant true
      %reduce_sum3A_609 = vector.broadcast %reduce_sum3A_608 : i1 to vector<16xi1>
      %reduce_sum3A_610 = tpu.scan <sum>, %select_n3A_607 masked %reduce_sum3A_609 : vector<16xi32>, vector<16xi1> -> vector<16xi32>
      %reduce_sum3A_611 = vector.extract %reduce_sum3A_610[15] : i32 from vector<16xi32>
      %ne3A_612 = arith.cmpi ne, %reduce_sum3A_611, %reduce_sum3A_515 : i32
      %broadcast_in_dim3A_613 = vector.broadcast %reduce_sum3A_611 : i32 to vector<16xi32>
      %broadcast_in_dim3A_614 = vector.broadcast %add3A_601 : i32 to vector<16xi32>
      %add3A_615 = arith.constant 0 : i32
      %add3A_616 = vector.broadcast %add3A_615 : i32 to vector<16xi32>
      %add3A_617 = arith.addi %iota3A, %add3A_616 : vector<16xi32>
      %gather3A_618 = tpu.vector_load_idx %arg5[%broadcast_in_dim3A_614, %add3A_617] : memref<320x128xf32, #tpu.memory_space<vmem>>[vector<16xi32>, vector<16xi32>], vector<16xf32>,
      %max3A_619 = arith.maximumf %select_n3A_524, %gather3A_618 : vector<16xf32>
      %select_n3A_620 = arith.select %ne3A_612, %gather3A_618, %max3A_619 : vector<16xf32>
      %add3A_621 = arith.constant 0 : i32
      %add3A_622 = vector.broadcast %add3A_621 : i32 to vector<16xi32>
      %add3A_623 = arith.addi %iota3A, %add3A_622 : vector<16xi32>
      tpu.vector_store_idx %arg7[%broadcast_in_dim3A_613, %add3A_623], %select_n3A_620 : memref<256x128xf32, #tpu.memory_space<vmem>>[vector<16xi32>, vector<16xi32>], vector<16xf32>,
      %broadcast_in_dim3A_624 = vector.broadcast %add3A_601 : i32 to vector<16xi32>
      %add3A_625 = arith.constant 16 : i32
      %add3A_626 = vector.broadcast %add3A_625 : i32 to vector<16xi32>
      %add3A_627 = arith.addi %iota3A, %add3A_626 : vector<16xi32>
      %gather3A_628 = tpu.vector_load_idx %arg5[%broadcast_in_dim3A_624, %add3A_627] : memref<320x128xf32, #tpu.memory_space<vmem>>[vector<16xi32>, vector<16xi32>], vector<16xf32>,
      %max3A_629 = arith.maximumf %select_n3A_534, %gather3A_628 : vector<16xf32>
      %select_n3A_630 = arith.select %ne3A_612, %gather3A_628, %max3A_629 : vector<16xf32>
      %add3A_631 = arith.constant 16 : i32
      %add3A_632 = vector.broadcast %add3A_631 : i32 to vector<16xi32>
      %add3A_633 = arith.addi %iota3A, %add3A_632 : vector<16xi32>
      tpu.vector_store_idx %arg7[%broadcast_in_dim3A_613, %add3A_633], %select_n3A_630 : memref<256x128xf32, #tpu.memory_space<vmem>>[vector<16xi32>, vector<16xi32>], vector<16xf32>,
      %broadcast_in_dim3A_634 = vector.broadcast %add3A_601 : i32 to vector<16xi32>
      %add3A_635 = arith.constant 32 : i32
      %add3A_636 = vector.broadcast %add3A_635 : i32 to vector<16xi32>
      %add3A_637 = arith.addi %iota3A, %add3A_636 : vector<16xi32>
      %gather3A_638 = tpu.vector_load_idx %arg5[%broadcast_in_dim3A_634, %add3A_637] : memref<320x128xf32, #tpu.memory_space<vmem>>[vector<16xi32>, vector<16xi32>], vector<16xf32>,
      %max3A_639 = arith.maximumf %select_n3A_544, %gather3A_638 : vector<16xf32>
      %select_n3A_640 = arith.select %ne3A_612, %gather3A_638, %max3A_639 : vector<16xf32>
      %add3A_641 = arith.constant 32 : i32
      %add3A_642 = vector.broadcast %add3A_641 : i32 to vector<16xi32>
      %add3A_643 = arith.addi %iota3A, %add3A_642 : vector<16xi32>
      tpu.vector_store_idx %arg7[%broadcast_in_dim3A_613, %add3A_643], %select_n3A_640 : memref<256x128xf32, #tpu.memory_space<vmem>>[vector<16xi32>, vector<16xi32>], vector<16xf32>,
      %broadcast_in_dim3A_644 = vector.broadcast %add3A_601 : i32 to vector<16xi32>
      %add3A_645 = arith.constant 48 : i32
      %add3A_646 = vector.broadcast %add3A_645 : i32 to vector<16xi32>
      %add3A_647 = arith.addi %iota3A, %add3A_646 : vector<16xi32>
      %gather3A_648 = tpu.vector_load_idx %arg5[%broadcast_in_dim3A_644, %add3A_647] : memref<320x128xf32, #tpu.memory_space<vmem>>[vector<16xi32>, vector<16xi32>], vector<16xf32>,
      %max3A_649 = arith.maximumf %select_n3A_554, %gather3A_648 : vector<16xf32>
      %select_n3A_650 = arith.select %ne3A_612, %gather3A_648, %max3A_649 : vector<16xf32>
      %add3A_651 = arith.constant 48 : i32
      %add3A_652 = vector.broadcast %add3A_651 : i32 to vector<16xi32>
      %add3A_653 = arith.addi %iota3A, %add3A_652 : vector<16xi32>
      tpu.vector_store_idx %arg7[%broadcast_in_dim3A_613, %add3A_653], %select_n3A_650 : memref<256x128xf32, #tpu.memory_space<vmem>>[vector<16xi32>, vector<16xi32>], vector<16xf32>,
      %broadcast_in_dim3A_654 = vector.broadcast %add3A_601 : i32 to vector<16xi32>
      %add3A_655 = arith.constant 64 : i32
      %add3A_656 = vector.broadcast %add3A_655 : i32 to vector<16xi32>
      %add3A_657 = arith.addi %iota3A, %add3A_656 : vector<16xi32>
      %gather3A_658 = tpu.vector_load_idx %arg5[%broadcast_in_dim3A_654, %add3A_657] : memref<320x128xf32, #tpu.memory_space<vmem>>[vector<16xi32>, vector<16xi32>], vector<16xf32>,
      %max3A_659 = arith.maximumf %select_n3A_564, %gather3A_658 : vector<16xf32>
      %select_n3A_660 = arith.select %ne3A_612, %gather3A_658, %max3A_659 : vector<16xf32>
      %add3A_661 = arith.constant 64 : i32
      %add3A_662 = vector.broadcast %add3A_661 : i32 to vector<16xi32>
      %add3A_663 = arith.addi %iota3A, %add3A_662 : vector<16xi32>
      tpu.vector_store_idx %arg7[%broadcast_in_dim3A_613, %add3A_663], %select_n3A_660 : memref<256x128xf32, #tpu.memory_space<vmem>>[vector<16xi32>, vector<16xi32>], vector<16xf32>,
      %broadcast_in_dim3A_664 = vector.broadcast %add3A_601 : i32 to vector<16xi32>
      %add3A_665 = arith.constant 80 : i32
      %add3A_666 = vector.broadcast %add3A_665 : i32 to vector<16xi32>
      %add3A_667 = arith.addi %iota3A, %add3A_666 : vector<16xi32>
      %gather3A_668 = tpu.vector_load_idx %arg5[%broadcast_in_dim3A_664, %add3A_667] : memref<320x128xf32, #tpu.memory_space<vmem>>[vector<16xi32>, vector<16xi32>], vector<16xf32>,
      %max3A_669 = arith.maximumf %select_n3A_574, %gather3A_668 : vector<16xf32>
      %select_n3A_670 = arith.select %ne3A_612, %gather3A_668, %max3A_669 : vector<16xf32>
      %add3A_671 = arith.constant 80 : i32
      %add3A_672 = vector.broadcast %add3A_671 : i32 to vector<16xi32>
      %add3A_673 = arith.addi %iota3A, %add3A_672 : vector<16xi32>
      tpu.vector_store_idx %arg7[%broadcast_in_dim3A_613, %add3A_673], %select_n3A_670 : memref<256x128xf32, #tpu.memory_space<vmem>>[vector<16xi32>, vector<16xi32>], vector<16xf32>,
      %broadcast_in_dim3A_674 = vector.broadcast %add3A_601 : i32 to vector<16xi32>
      %add3A_675 = arith.constant 96 : i32
      %add3A_676 = vector.broadcast %add3A_675 : i32 to vector<16xi32>
      %add3A_677 = arith.addi %iota3A, %add3A_676 : vector<16xi32>
      %gather3A_678 = tpu.vector_load_idx %arg5[%broadcast_in_dim3A_674, %add3A_677] : memref<320x128xf32, #tpu.memory_space<vmem>>[vector<16xi32>, vector<16xi32>], vector<16xf32>,
      %max3A_679 = arith.maximumf %select_n3A_584, %gather3A_678 : vector<16xf32>
      %select_n3A_680 = arith.select %ne3A_612, %gather3A_678, %max3A_679 : vector<16xf32>
      %add3A_681 = arith.constant 96 : i32
      %add3A_682 = vector.broadcast %add3A_681 : i32 to vector<16xi32>
      %add3A_683 = arith.addi %iota3A, %add3A_682 : vector<16xi32>
      tpu.vector_store_idx %arg7[%broadcast_in_dim3A_613, %add3A_683], %select_n3A_680 : memref<256x128xf32, #tpu.memory_space<vmem>>[vector<16xi32>, vector<16xi32>], vector<16xf32>,
      %broadcast_in_dim3A_684 = vector.broadcast %add3A_601 : i32 to vector<16xi32>
      %add3A_685 = arith.constant 112 : i32
      %add3A_686 = vector.broadcast %add3A_685 : i32 to vector<16xi32>
      %add3A_687 = arith.addi %iota3A, %add3A_686 : vector<16xi32>
      %gather3A_688 = tpu.vector_load_idx %arg5[%broadcast_in_dim3A_684, %add3A_687] : memref<320x128xf32, #tpu.memory_space<vmem>>[vector<16xi32>, vector<16xi32>], vector<16xf32>,
      %max3A_689 = arith.maximumf %select_n3A_594, %gather3A_688 : vector<16xf32>
      %select_n3A_690 = arith.select %ne3A_612, %gather3A_688, %max3A_689 : vector<16xf32>
      %add3A_691 = arith.constant 112 : i32
      %add3A_692 = vector.broadcast %add3A_691 : i32 to vector<16xi32>
      %add3A_693 = arith.addi %iota3A, %add3A_692 : vector<16xi32>
      tpu.vector_store_idx %arg7[%broadcast_in_dim3A_613, %add3A_693], %select_n3A_690 : memref<256x128xf32, #tpu.memory_space<vmem>>[vector<16xi32>, vector<16xi32>], vector<16xf32>,
      %mul3A_694 = arith.constant 16 : i32
      %mul3A_695 = arith.muli %scan3A_16, %mul3A_694 : i32
      %add3A_696 = arith.constant 7 : i32
      %add3A_697 = arith.addi %mul3A_695, %add3A_696 : i32
      %eq3A_698 = arith.constant 7 : i32
      %eq3A_699 = vector.broadcast %eq3A_698 : i32 to vector<16xi32>
      %eq3A_700 = arith.cmpi eq, %iota3A, %eq3A_699 : vector<16xi32>
      %jit3A_701 = arith.constant 0 : i32
      %broadcast_in_dim3A_702 = vector.broadcast %jit3A_701 : i32 to vector<16xi32>
      %select_n3A_703 = arith.select %eq3A_700, %get3A_28, %broadcast_in_dim3A_702 : vector<16xi1>, vector<16xi32>
      %reduce_sum3A_704 = arith.constant true
      %reduce_sum3A_705 = vector.broadcast %reduce_sum3A_704 : i1 to vector<16xi1>
      %reduce_sum3A_706 = tpu.scan <sum>, %select_n3A_703 masked %reduce_sum3A_705 : vector<16xi32>, vector<16xi1> -> vector<16xi32>
      %reduce_sum3A_707 = vector.extract %reduce_sum3A_706[15] : i32 from vector<16xi32>
      %ne3A_708 = arith.cmpi ne, %reduce_sum3A_707, %reduce_sum3A_611 : i32
      %broadcast_in_dim3A_709 = vector.broadcast %reduce_sum3A_707 : i32 to vector<16xi32>
      %broadcast_in_dim3A_710 = vector.broadcast %add3A_697 : i32 to vector<16xi32>
      %add3A_711 = arith.constant 0 : i32
      %add3A_712 = vector.broadcast %add3A_711 : i32 to vector<16xi32>
      %add3A_713 = arith.addi %iota3A, %add3A_712 : vector<16xi32>
      %gather3A_714 = tpu.vector_load_idx %arg5[%broadcast_in_dim3A_710, %add3A_713] : memref<320x128xf32, #tpu.memory_space<vmem>>[vector<16xi32>, vector<16xi32>], vector<16xf32>,
      %max3A_715 = arith.maximumf %select_n3A_620, %gather3A_714 : vector<16xf32>
      %select_n3A_716 = arith.select %ne3A_708, %gather3A_714, %max3A_715 : vector<16xf32>
      %add3A_717 = arith.constant 0 : i32
      %add3A_718 = vector.broadcast %add3A_717 : i32 to vector<16xi32>
      %add3A_719 = arith.addi %iota3A, %add3A_718 : vector<16xi32>
      tpu.vector_store_idx %arg7[%broadcast_in_dim3A_709, %add3A_719], %select_n3A_716 : memref<256x128xf32, #tpu.memory_space<vmem>>[vector<16xi32>, vector<16xi32>], vector<16xf32>,
      %broadcast_in_dim3A_720 = vector.broadcast %add3A_697 : i32 to vector<16xi32>
      %add3A_721 = arith.constant 16 : i32
      %add3A_722 = vector.broadcast %add3A_721 : i32 to vector<16xi32>
      %add3A_723 = arith.addi %iota3A, %add3A_722 : vector<16xi32>
      %gather3A_724 = tpu.vector_load_idx %arg5[%broadcast_in_dim3A_720, %add3A_723] : memref<320x128xf32, #tpu.memory_space<vmem>>[vector<16xi32>, vector<16xi32>], vector<16xf32>,
      %max3A_725 = arith.maximumf %select_n3A_630, %gather3A_724 : vector<16xf32>
      %select_n3A_726 = arith.select %ne3A_708, %gather3A_724, %max3A_725 : vector<16xf32>
      %add3A_727 = arith.constant 16 : i32
      %add3A_728 = vector.broadcast %add3A_727 : i32 to vector<16xi32>
      %add3A_729 = arith.addi %iota3A, %add3A_728 : vector<16xi32>
      tpu.vector_store_idx %arg7[%broadcast_in_dim3A_709, %add3A_729], %select_n3A_726 : memref<256x128xf32, #tpu.memory_space<vmem>>[vector<16xi32>, vector<16xi32>], vector<16xf32>,
      %broadcast_in_dim3A_730 = vector.broadcast %add3A_697 : i32 to vector<16xi32>
      %add3A_731 = arith.constant 32 : i32
      %add3A_732 = vector.broadcast %add3A_731 : i32 to vector<16xi32>
      %add3A_733 = arith.addi %iota3A, %add3A_732 : vector<16xi32>
      %gather3A_734 = tpu.vector_load_idx %arg5[%broadcast_in_dim3A_730, %add3A_733] : memref<320x128xf32, #tpu.memory_space<vmem>>[vector<16xi32>, vector<16xi32>], vector<16xf32>,
      %max3A_735 = arith.maximumf %select_n3A_640, %gather3A_734 : vector<16xf32>
      %select_n3A_736 = arith.select %ne3A_708, %gather3A_734, %max3A_735 : vector<16xf32>
      %add3A_737 = arith.constant 32 : i32
      %add3A_738 = vector.broadcast %add3A_737 : i32 to vector<16xi32>
      %add3A_739 = arith.addi %iota3A, %add3A_738 : vector<16xi32>
      tpu.vector_store_idx %arg7[%broadcast_in_dim3A_709, %add3A_739], %select_n3A_736 : memref<256x128xf32, #tpu.memory_space<vmem>>[vector<16xi32>, vector<16xi32>], vector<16xf32>,
      %broadcast_in_dim3A_740 = vector.broadcast %add3A_697 : i32 to vector<16xi32>
      %add3A_741 = arith.constant 48 : i32
      %add3A_742 = vector.broadcast %add3A_741 : i32 to vector<16xi32>
      %add3A_743 = arith.addi %iota3A, %add3A_742 : vector<16xi32>
      %gather3A_744 = tpu.vector_load_idx %arg5[%broadcast_in_dim3A_740, %add3A_743] : memref<320x128xf32, #tpu.memory_space<vmem>>[vector<16xi32>, vector<16xi32>], vector<16xf32>,
      %max3A_745 = arith.maximumf %select_n3A_650, %gather3A_744 : vector<16xf32>
      %select_n3A_746 = arith.select %ne3A_708, %gather3A_744, %max3A_745 : vector<16xf32>
      %add3A_747 = arith.constant 48 : i32
      %add3A_748 = vector.broadcast %add3A_747 : i32 to vector<16xi32>
      %add3A_749 = arith.addi %iota3A, %add3A_748 : vector<16xi32>
      tpu.vector_store_idx %arg7[%broadcast_in_dim3A_709, %add3A_749], %select_n3A_746 : memref<256x128xf32, #tpu.memory_space<vmem>>[vector<16xi32>, vector<16xi32>], vector<16xf32>,
      %broadcast_in_dim3A_750 = vector.broadcast %add3A_697 : i32 to vector<16xi32>
      %add3A_751 = arith.constant 64 : i32
      %add3A_752 = vector.broadcast %add3A_751 : i32 to vector<16xi32>
      %add3A_753 = arith.addi %iota3A, %add3A_752 : vector<16xi32>
      %gather3A_754 = tpu.vector_load_idx %arg5[%broadcast_in_dim3A_750, %add3A_753] : memref<320x128xf32, #tpu.memory_space<vmem>>[vector<16xi32>, vector<16xi32>], vector<16xf32>,
      %max3A_755 = arith.maximumf %select_n3A_660, %gather3A_754 : vector<16xf32>
      %select_n3A_756 = arith.select %ne3A_708, %gather3A_754, %max3A_755 : vector<16xf32>
      %add3A_757 = arith.constant 64 : i32
      %add3A_758 = vector.broadcast %add3A_757 : i32 to vector<16xi32>
      %add3A_759 = arith.addi %iota3A, %add3A_758 : vector<16xi32>
      tpu.vector_store_idx %arg7[%broadcast_in_dim3A_709, %add3A_759], %select_n3A_756 : memref<256x128xf32, #tpu.memory_space<vmem>>[vector<16xi32>, vector<16xi32>], vector<16xf32>,
      %broadcast_in_dim3A_760 = vector.broadcast %add3A_697 : i32 to vector<16xi32>
      %add3A_761 = arith.constant 80 : i32
      %add3A_762 = vector.broadcast %add3A_761 : i32 to vector<16xi32>
      %add3A_763 = arith.addi %iota3A, %add3A_762 : vector<16xi32>
      %gather3A_764 = tpu.vector_load_idx %arg5[%broadcast_in_dim3A_760, %add3A_763] : memref<320x128xf32, #tpu.memory_space<vmem>>[vector<16xi32>, vector<16xi32>], vector<16xf32>,
      %max3A_765 = arith.maximumf %select_n3A_670, %gather3A_764 : vector<16xf32>
      %select_n3A_766 = arith.select %ne3A_708, %gather3A_764, %max3A_765 : vector<16xf32>
      %add3A_767 = arith.constant 80 : i32
      %add3A_768 = vector.broadcast %add3A_767 : i32 to vector<16xi32>
      %add3A_769 = arith.addi %iota3A, %add3A_768 : vector<16xi32>
      tpu.vector_store_idx %arg7[%broadcast_in_dim3A_709, %add3A_769], %select_n3A_766 : memref<256x128xf32, #tpu.memory_space<vmem>>[vector<16xi32>, vector<16xi32>], vector<16xf32>,
      %broadcast_in_dim3A_770 = vector.broadcast %add3A_697 : i32 to vector<16xi32>
      %add3A_771 = arith.constant 96 : i32
      %add3A_772 = vector.broadcast %add3A_771 : i32 to vector<16xi32>
      %add3A_773 = arith.addi %iota3A, %add3A_772 : vector<16xi32>
      %gather3A_774 = tpu.vector_load_idx %arg5[%broadcast_in_dim3A_770, %add3A_773] : memref<320x128xf32, #tpu.memory_space<vmem>>[vector<16xi32>, vector<16xi32>], vector<16xf32>,
      %max3A_775 = arith.maximumf %select_n3A_680, %gather3A_774 : vector<16xf32>
      %select_n3A_776 = arith.select %ne3A_708, %gather3A_774, %max3A_775 : vector<16xf32>
      %add3A_777 = arith.constant 96 : i32
      %add3A_778 = vector.broadcast %add3A_777 : i32 to vector<16xi32>
      %add3A_779 = arith.addi %iota3A, %add3A_778 : vector<16xi32>
      tpu.vector_store_idx %arg7[%broadcast_in_dim3A_709, %add3A_779], %select_n3A_776 : memref<256x128xf32, #tpu.memory_space<vmem>>[vector<16xi32>, vector<16xi32>], vector<16xf32>,
      %broadcast_in_dim3A_780 = vector.broadcast %add3A_697 : i32 to vector<16xi32>
      %add3A_781 = arith.constant 112 : i32
      %add3A_782 = vector.broadcast %add3A_781 : i32 to vector<16xi32>
      %add3A_783 = arith.addi %iota3A, %add3A_782 : vector<16xi32>
      %gather3A_784 = tpu.vector_load_idx %arg5[%broadcast_in_dim3A_780, %add3A_783] : memref<320x128xf32, #tpu.memory_space<vmem>>[vector<16xi32>, vector<16xi32>], vector<16xf32>,
      %max3A_785 = arith.maximumf %select_n3A_690, %gather3A_784 : vector<16xf32>
      %select_n3A_786 = arith.select %ne3A_708, %gather3A_784, %max3A_785 : vector<16xf32>
      %add3A_787 = arith.constant 112 : i32
      %add3A_788 = vector.broadcast %add3A_787 : i32 to vector<16xi32>
      %add3A_789 = arith.addi %iota3A, %add3A_788 : vector<16xi32>
      tpu.vector_store_idx %arg7[%broadcast_in_dim3A_709, %add3A_789], %select_n3A_786 : memref<256x128xf32, #tpu.memory_space<vmem>>[vector<16xi32>, vector<16xi32>], vector<16xf32>,
      %mul3A_790 = arith.constant 16 : i32
      %mul3A_791 = arith.muli %scan3A_16, %mul3A_790 : i32
      %add3A_792 = arith.constant 8 : i32
      %add3A_793 = arith.addi %mul3A_791, %add3A_792 : i32
      %eq3A_794 = arith.constant 8 : i32
      %eq3A_795 = vector.broadcast %eq3A_794 : i32 to vector<16xi32>
      %eq3A_796 = arith.cmpi eq, %iota3A, %eq3A_795 : vector<16xi32>
      %jit3A_797 = arith.constant 0 : i32
      %broadcast_in_dim3A_798 = vector.broadcast %jit3A_797 : i32 to vector<16xi32>
      %select_n3A_799 = arith.select %eq3A_796, %get3A_28, %broadcast_in_dim3A_798 : vector<16xi1>, vector<16xi32>
      %reduce_sum3A_800 = arith.constant true
      %reduce_sum3A_801 = vector.broadcast %reduce_sum3A_800 : i1 to vector<16xi1>
      %reduce_sum3A_802 = tpu.scan <sum>, %select_n3A_799 masked %reduce_sum3A_801 : vector<16xi32>, vector<16xi1> -> vector<16xi32>
      %reduce_sum3A_803 = vector.extract %reduce_sum3A_802[15] : i32 from vector<16xi32>
      %ne3A_804 = arith.cmpi ne, %reduce_sum3A_803, %reduce_sum3A_707 : i32
      %broadcast_in_dim3A_805 = vector.broadcast %reduce_sum3A_803 : i32 to vector<16xi32>
      %broadcast_in_dim3A_806 = vector.broadcast %add3A_793 : i32 to vector<16xi32>
      %add3A_807 = arith.constant 0 : i32
      %add3A_808 = vector.broadcast %add3A_807 : i32 to vector<16xi32>
      %add3A_809 = arith.addi %iota3A, %add3A_808 : vector<16xi32>
      %gather3A_810 = tpu.vector_load_idx %arg5[%broadcast_in_dim3A_806, %add3A_809] : memref<320x128xf32, #tpu.memory_space<vmem>>[vector<16xi32>, vector<16xi32>], vector<16xf32>,
      %max3A_811 = arith.maximumf %select_n3A_716, %gather3A_810 : vector<16xf32>
      %select_n3A_812 = arith.select %ne3A_804, %gather3A_810, %max3A_811 : vector<16xf32>
      %add3A_813 = arith.constant 0 : i32
      %add3A_814 = vector.broadcast %add3A_813 : i32 to vector<16xi32>
      %add3A_815 = arith.addi %iota3A, %add3A_814 : vector<16xi32>
      tpu.vector_store_idx %arg7[%broadcast_in_dim3A_805, %add3A_815], %select_n3A_812 : memref<256x128xf32, #tpu.memory_space<vmem>>[vector<16xi32>, vector<16xi32>], vector<16xf32>,
      %broadcast_in_dim3A_816 = vector.broadcast %add3A_793 : i32 to vector<16xi32>
      %add3A_817 = arith.constant 16 : i32
      %add3A_818 = vector.broadcast %add3A_817 : i32 to vector<16xi32>
      %add3A_819 = arith.addi %iota3A, %add3A_818 : vector<16xi32>
      %gather3A_820 = tpu.vector_load_idx %arg5[%broadcast_in_dim3A_816, %add3A_819] : memref<320x128xf32, #tpu.memory_space<vmem>>[vector<16xi32>, vector<16xi32>], vector<16xf32>,
      %max3A_821 = arith.maximumf %select_n3A_726, %gather3A_820 : vector<16xf32>
      %select_n3A_822 = arith.select %ne3A_804, %gather3A_820, %max3A_821 : vector<16xf32>
      %add3A_823 = arith.constant 16 : i32
      %add3A_824 = vector.broadcast %add3A_823 : i32 to vector<16xi32>
      %add3A_825 = arith.addi %iota3A, %add3A_824 : vector<16xi32>
      tpu.vector_store_idx %arg7[%broadcast_in_dim3A_805, %add3A_825], %select_n3A_822 : memref<256x128xf32, #tpu.memory_space<vmem>>[vector<16xi32>, vector<16xi32>], vector<16xf32>,
      %broadcast_in_dim3A_826 = vector.broadcast %add3A_793 : i32 to vector<16xi32>
      %add3A_827 = arith.constant 32 : i32
      %add3A_828 = vector.broadcast %add3A_827 : i32 to vector<16xi32>
      %add3A_829 = arith.addi %iota3A, %add3A_828 : vector<16xi32>
      %gather3A_830 = tpu.vector_load_idx %arg5[%broadcast_in_dim3A_826, %add3A_829] : memref<320x128xf32, #tpu.memory_space<vmem>>[vector<16xi32>, vector<16xi32>], vector<16xf32>,
      %max3A_831 = arith.maximumf %select_n3A_736, %gather3A_830 : vector<16xf32>
      %select_n3A_832 = arith.select %ne3A_804, %gather3A_830, %max3A_831 : vector<16xf32>
      %add3A_833 = arith.constant 32 : i32
      %add3A_834 = vector.broadcast %add3A_833 : i32 to vector<16xi32>
      %add3A_835 = arith.addi %iota3A, %add3A_834 : vector<16xi32>
      tpu.vector_store_idx %arg7[%broadcast_in_dim3A_805, %add3A_835], %select_n3A_832 : memref<256x128xf32, #tpu.memory_space<vmem>>[vector<16xi32>, vector<16xi32>], vector<16xf32>,
      %broadcast_in_dim3A_836 = vector.broadcast %add3A_793 : i32 to vector<16xi32>
      %add3A_837 = arith.constant 48 : i32
      %add3A_838 = vector.broadcast %add3A_837 : i32 to vector<16xi32>
      %add3A_839 = arith.addi %iota3A, %add3A_838 : vector<16xi32>
      %gather3A_840 = tpu.vector_load_idx %arg5[%broadcast_in_dim3A_836, %add3A_839] : memref<320x128xf32, #tpu.memory_space<vmem>>[vector<16xi32>, vector<16xi32>], vector<16xf32>,
      %max3A_841 = arith.maximumf %select_n3A_746, %gather3A_840 : vector<16xf32>
      %select_n3A_842 = arith.select %ne3A_804, %gather3A_840, %max3A_841 : vector<16xf32>
      %add3A_843 = arith.constant 48 : i32
      %add3A_844 = vector.broadcast %add3A_843 : i32 to vector<16xi32>
      %add3A_845 = arith.addi %iota3A, %add3A_844 : vector<16xi32>
      tpu.vector_store_idx %arg7[%broadcast_in_dim3A_805, %add3A_845], %select_n3A_842 : memref<256x128xf32, #tpu.memory_space<vmem>>[vector<16xi32>, vector<16xi32>], vector<16xf32>,
      %broadcast_in_dim3A_846 = vector.broadcast %add3A_793 : i32 to vector<16xi32>
      %add3A_847 = arith.constant 64 : i32
      %add3A_848 = vector.broadcast %add3A_847 : i32 to vector<16xi32>
      %add3A_849 = arith.addi %iota3A, %add3A_848 : vector<16xi32>
      %gather3A_850 = tpu.vector_load_idx %arg5[%broadcast_in_dim3A_846, %add3A_849] : memref<320x128xf32, #tpu.memory_space<vmem>>[vector<16xi32>, vector<16xi32>], vector<16xf32>,
      %max3A_851 = arith.maximumf %select_n3A_756, %gather3A_850 : vector<16xf32>
      %select_n3A_852 = arith.select %ne3A_804, %gather3A_850, %max3A_851 : vector<16xf32>
      %add3A_853 = arith.constant 64 : i32
      %add3A_854 = vector.broadcast %add3A_853 : i32 to vector<16xi32>
      %add3A_855 = arith.addi %iota3A, %add3A_854 : vector<16xi32>
      tpu.vector_store_idx %arg7[%broadcast_in_dim3A_805, %add3A_855], %select_n3A_852 : memref<256x128xf32, #tpu.memory_space<vmem>>[vector<16xi32>, vector<16xi32>], vector<16xf32>,
      %broadcast_in_dim3A_856 = vector.broadcast %add3A_793 : i32 to vector<16xi32>
      %add3A_857 = arith.constant 80 : i32
      %add3A_858 = vector.broadcast %add3A_857 : i32 to vector<16xi32>
      %add3A_859 = arith.addi %iota3A, %add3A_858 : vector<16xi32>
      %gather3A_860 = tpu.vector_load_idx %arg5[%broadcast_in_dim3A_856, %add3A_859] : memref<320x128xf32, #tpu.memory_space<vmem>>[vector<16xi32>, vector<16xi32>], vector<16xf32>,
      %max3A_861 = arith.maximumf %select_n3A_766, %gather3A_860 : vector<16xf32>
      %select_n3A_862 = arith.select %ne3A_804, %gather3A_860, %max3A_861 : vector<16xf32>
      %add3A_863 = arith.constant 80 : i32
      %add3A_864 = vector.broadcast %add3A_863 : i32 to vector<16xi32>
      %add3A_865 = arith.addi %iota3A, %add3A_864 : vector<16xi32>
      tpu.vector_store_idx %arg7[%broadcast_in_dim3A_805, %add3A_865], %select_n3A_862 : memref<256x128xf32, #tpu.memory_space<vmem>>[vector<16xi32>, vector<16xi32>], vector<16xf32>,
      %broadcast_in_dim3A_866 = vector.broadcast %add3A_793 : i32 to vector<16xi32>
      %add3A_867 = arith.constant 96 : i32
      %add3A_868 = vector.broadcast %add3A_867 : i32 to vector<16xi32>
      %add3A_869 = arith.addi %iota3A, %add3A_868 : vector<16xi32>
      %gather3A_870 = tpu.vector_load_idx %arg5[%broadcast_in_dim3A_866, %add3A_869] : memref<320x128xf32, #tpu.memory_space<vmem>>[vector<16xi32>, vector<16xi32>], vector<16xf32>,
      %max3A_871 = arith.maximumf %select_n3A_776, %gather3A_870 : vector<16xf32>
      %select_n3A_872 = arith.select %ne3A_804, %gather3A_870, %max3A_871 : vector<16xf32>
      %add3A_873 = arith.constant 96 : i32
      %add3A_874 = vector.broadcast %add3A_873 : i32 to vector<16xi32>
      %add3A_875 = arith.addi %iota3A, %add3A_874 : vector<16xi32>
      tpu.vector_store_idx %arg7[%broadcast_in_dim3A_805, %add3A_875], %select_n3A_872 : memref<256x128xf32, #tpu.memory_space<vmem>>[vector<16xi32>, vector<16xi32>], vector<16xf32>,
      %broadcast_in_dim3A_876 = vector.broadcast %add3A_793 : i32 to vector<16xi32>
      %add3A_877 = arith.constant 112 : i32
      %add3A_878 = vector.broadcast %add3A_877 : i32 to vector<16xi32>
      %add3A_879 = arith.addi %iota3A, %add3A_878 : vector<16xi32>
      %gather3A_880 = tpu.vector_load_idx %arg5[%broadcast_in_dim3A_876, %add3A_879] : memref<320x128xf32, #tpu.memory_space<vmem>>[vector<16xi32>, vector<16xi32>], vector<16xf32>,
      %max3A_881 = arith.maximumf %select_n3A_786, %gather3A_880 : vector<16xf32>
      %select_n3A_882 = arith.select %ne3A_804, %gather3A_880, %max3A_881 : vector<16xf32>
      %add3A_883 = arith.constant 112 : i32
      %add3A_884 = vector.broadcast %add3A_883 : i32 to vector<16xi32>
      %add3A_885 = arith.addi %iota3A, %add3A_884 : vector<16xi32>
      tpu.vector_store_idx %arg7[%broadcast_in_dim3A_805, %add3A_885], %select_n3A_882 : memref<256x128xf32, #tpu.memory_space<vmem>>[vector<16xi32>, vector<16xi32>], vector<16xf32>,
      %mul3A_886 = arith.constant 16 : i32
      %mul3A_887 = arith.muli %scan3A_16, %mul3A_886 : i32
      %add3A_888 = arith.constant 9 : i32
      %add3A_889 = arith.addi %mul3A_887, %add3A_888 : i32
      %eq3A_890 = arith.constant 9 : i32
      %eq3A_891 = vector.broadcast %eq3A_890 : i32 to vector<16xi32>
      %eq3A_892 = arith.cmpi eq, %iota3A, %eq3A_891 : vector<16xi32>
      %jit3A_893 = arith.constant 0 : i32
      %broadcast_in_dim3A_894 = vector.broadcast %jit3A_893 : i32 to vector<16xi32>
      %select_n3A_895 = arith.select %eq3A_892, %get3A_28, %broadcast_in_dim3A_894 : vector<16xi1>, vector<16xi32>
      %reduce_sum3A_896 = arith.constant true
      %reduce_sum3A_897 = vector.broadcast %reduce_sum3A_896 : i1 to vector<16xi1>
      %reduce_sum3A_898 = tpu.scan <sum>, %select_n3A_895 masked %reduce_sum3A_897 : vector<16xi32>, vector<16xi1> -> vector<16xi32>
      %reduce_sum3A_899 = vector.extract %reduce_sum3A_898[15] : i32 from vector<16xi32>
      %ne3A_900 = arith.cmpi ne, %reduce_sum3A_899, %reduce_sum3A_803 : i32
      %broadcast_in_dim3A_901 = vector.broadcast %reduce_sum3A_899 : i32 to vector<16xi32>
      %broadcast_in_dim3A_902 = vector.broadcast %add3A_889 : i32 to vector<16xi32>
      %add3A_903 = arith.constant 0 : i32
      %add3A_904 = vector.broadcast %add3A_903 : i32 to vector<16xi32>
      %add3A_905 = arith.addi %iota3A, %add3A_904 : vector<16xi32>
      %gather3A_906 = tpu.vector_load_idx %arg5[%broadcast_in_dim3A_902, %add3A_905] : memref<320x128xf32, #tpu.memory_space<vmem>>[vector<16xi32>, vector<16xi32>], vector<16xf32>,
      %max3A_907 = arith.maximumf %select_n3A_812, %gather3A_906 : vector<16xf32>
      %select_n3A_908 = arith.select %ne3A_900, %gather3A_906, %max3A_907 : vector<16xf32>
      %add3A_909 = arith.constant 0 : i32
      %add3A_910 = vector.broadcast %add3A_909 : i32 to vector<16xi32>
      %add3A_911 = arith.addi %iota3A, %add3A_910 : vector<16xi32>
      tpu.vector_store_idx %arg7[%broadcast_in_dim3A_901, %add3A_911], %select_n3A_908 : memref<256x128xf32, #tpu.memory_space<vmem>>[vector<16xi32>, vector<16xi32>], vector<16xf32>,
      %broadcast_in_dim3A_912 = vector.broadcast %add3A_889 : i32 to vector<16xi32>
      %add3A_913 = arith.constant 16 : i32
      %add3A_914 = vector.broadcast %add3A_913 : i32 to vector<16xi32>
      %add3A_915 = arith.addi %iota3A, %add3A_914 : vector<16xi32>
      %gather3A_916 = tpu.vector_load_idx %arg5[%broadcast_in_dim3A_912, %add3A_915] : memref<320x128xf32, #tpu.memory_space<vmem>>[vector<16xi32>, vector<16xi32>], vector<16xf32>,
      %max3A_917 = arith.maximumf %select_n3A_822, %gather3A_916 : vector<16xf32>
      %select_n3A_918 = arith.select %ne3A_900, %gather3A_916, %max3A_917 : vector<16xf32>
      %add3A_919 = arith.constant 16 : i32
      %add3A_920 = vector.broadcast %add3A_919 : i32 to vector<16xi32>
      %add3A_921 = arith.addi %iota3A, %add3A_920 : vector<16xi32>
      tpu.vector_store_idx %arg7[%broadcast_in_dim3A_901, %add3A_921], %select_n3A_918 : memref<256x128xf32, #tpu.memory_space<vmem>>[vector<16xi32>, vector<16xi32>], vector<16xf32>,
      %broadcast_in_dim3A_922 = vector.broadcast %add3A_889 : i32 to vector<16xi32>
      %add3A_923 = arith.constant 32 : i32
      %add3A_924 = vector.broadcast %add3A_923 : i32 to vector<16xi32>
      %add3A_925 = arith.addi %iota3A, %add3A_924 : vector<16xi32>
      %gather3A_926 = tpu.vector_load_idx %arg5[%broadcast_in_dim3A_922, %add3A_925] : memref<320x128xf32, #tpu.memory_space<vmem>>[vector<16xi32>, vector<16xi32>], vector<16xf32>,
      %max3A_927 = arith.maximumf %select_n3A_832, %gather3A_926 : vector<16xf32>
      %select_n3A_928 = arith.select %ne3A_900, %gather3A_926, %max3A_927 : vector<16xf32>
      %add3A_929 = arith.constant 32 : i32
      %add3A_930 = vector.broadcast %add3A_929 : i32 to vector<16xi32>
      %add3A_931 = arith.addi %iota3A, %add3A_930 : vector<16xi32>
      tpu.vector_store_idx %arg7[%broadcast_in_dim3A_901, %add3A_931], %select_n3A_928 : memref<256x128xf32, #tpu.memory_space<vmem>>[vector<16xi32>, vector<16xi32>], vector<16xf32>,
      %broadcast_in_dim3A_932 = vector.broadcast %add3A_889 : i32 to vector<16xi32>
      %add3A_933 = arith.constant 48 : i32
      %add3A_934 = vector.broadcast %add3A_933 : i32 to vector<16xi32>
      %add3A_935 = arith.addi %iota3A, %add3A_934 : vector<16xi32>
      %gather3A_936 = tpu.vector_load_idx %arg5[%broadcast_in_dim3A_932, %add3A_935] : memref<320x128xf32, #tpu.memory_space<vmem>>[vector<16xi32>, vector<16xi32>], vector<16xf32>,
      %max3A_937 = arith.maximumf %select_n3A_842, %gather3A_936 : vector<16xf32>
      %select_n3A_938 = arith.select %ne3A_900, %gather3A_936, %max3A_937 : vector<16xf32>
      %add3A_939 = arith.constant 48 : i32
      %add3A_940 = vector.broadcast %add3A_939 : i32 to vector<16xi32>
      %add3A_941 = arith.addi %iota3A, %add3A_940 : vector<16xi32>
      tpu.vector_store_idx %arg7[%broadcast_in_dim3A_901, %add3A_941], %select_n3A_938 : memref<256x128xf32, #tpu.memory_space<vmem>>[vector<16xi32>, vector<16xi32>], vector<16xf32>,
      %broadcast_in_dim3A_942 = vector.broadcast %add3A_889 : i32 to vector<16xi32>
      %add3A_943 = arith.constant 64 : i32
      %add3A_944 = vector.broadcast %add3A_943 : i32 to vector<16xi32>
      %add3A_945 = arith.addi %iota3A, %add3A_944 : vector<16xi32>
      %gather3A_946 = tpu.vector_load_idx %arg5[%broadcast_in_dim3A_942, %add3A_945] : memref<320x128xf32, #tpu.memory_space<vmem>>[vector<16xi32>, vector<16xi32>], vector<16xf32>,
      %max3A_947 = arith.maximumf %select_n3A_852, %gather3A_946 : vector<16xf32>
      %select_n3A_948 = arith.select %ne3A_900, %gather3A_946, %max3A_947 : vector<16xf32>
      %add3A_949 = arith.constant 64 : i32
      %add3A_950 = vector.broadcast %add3A_949 : i32 to vector<16xi32>
      %add3A_951 = arith.addi %iota3A, %add3A_950 : vector<16xi32>
      tpu.vector_store_idx %arg7[%broadcast_in_dim3A_901, %add3A_951], %select_n3A_948 : memref<256x128xf32, #tpu.memory_space<vmem>>[vector<16xi32>, vector<16xi32>], vector<16xf32>,
      %broadcast_in_dim3A_952 = vector.broadcast %add3A_889 : i32 to vector<16xi32>
      %add3A_953 = arith.constant 80 : i32
      %add3A_954 = vector.broadcast %add3A_953 : i32 to vector<16xi32>
      %add3A_955 = arith.addi %iota3A, %add3A_954 : vector<16xi32>
      %gather3A_956 = tpu.vector_load_idx %arg5[%broadcast_in_dim3A_952, %add3A_955] : memref<320x128xf32, #tpu.memory_space<vmem>>[vector<16xi32>, vector<16xi32>], vector<16xf32>,
      %max3A_957 = arith.maximumf %select_n3A_862, %gather3A_956 : vector<16xf32>
      %select_n3A_958 = arith.select %ne3A_900, %gather3A_956, %max3A_957 : vector<16xf32>
      %add3A_959 = arith.constant 80 : i32
      %add3A_960 = vector.broadcast %add3A_959 : i32 to vector<16xi32>
      %add3A_961 = arith.addi %iota3A, %add3A_960 : vector<16xi32>
      tpu.vector_store_idx %arg7[%broadcast_in_dim3A_901, %add3A_961], %select_n3A_958 : memref<256x128xf32, #tpu.memory_space<vmem>>[vector<16xi32>, vector<16xi32>], vector<16xf32>,
      %broadcast_in_dim3A_962 = vector.broadcast %add3A_889 : i32 to vector<16xi32>
      %add3A_963 = arith.constant 96 : i32
      %add3A_964 = vector.broadcast %add3A_963 : i32 to vector<16xi32>
      %add3A_965 = arith.addi %iota3A, %add3A_964 : vector<16xi32>
      %gather3A_966 = tpu.vector_load_idx %arg5[%broadcast_in_dim3A_962, %add3A_965] : memref<320x128xf32, #tpu.memory_space<vmem>>[vector<16xi32>, vector<16xi32>], vector<16xf32>,
      %max3A_967 = arith.maximumf %select_n3A_872, %gather3A_966 : vector<16xf32>
      %select_n3A_968 = arith.select %ne3A_900, %gather3A_966, %max3A_967 : vector<16xf32>
      %add3A_969 = arith.constant 96 : i32
      %add3A_970 = vector.broadcast %add3A_969 : i32 to vector<16xi32>
      %add3A_971 = arith.addi %iota3A, %add3A_970 : vector<16xi32>
      tpu.vector_store_idx %arg7[%broadcast_in_dim3A_901, %add3A_971], %select_n3A_968 : memref<256x128xf32, #tpu.memory_space<vmem>>[vector<16xi32>, vector<16xi32>], vector<16xf32>,
      %broadcast_in_dim3A_972 = vector.broadcast %add3A_889 : i32 to vector<16xi32>
      %add3A_973 = arith.constant 112 : i32
      %add3A_974 = vector.broadcast %add3A_973 : i32 to vector<16xi32>
      %add3A_975 = arith.addi %iota3A, %add3A_974 : vector<16xi32>
      %gather3A_976 = tpu.vector_load_idx %arg5[%broadcast_in_dim3A_972, %add3A_975] : memref<320x128xf32, #tpu.memory_space<vmem>>[vector<16xi32>, vector<16xi32>], vector<16xf32>,
      %max3A_977 = arith.maximumf %select_n3A_882, %gather3A_976 : vector<16xf32>
      %select_n3A_978 = arith.select %ne3A_900, %gather3A_976, %max3A_977 : vector<16xf32>
      %add3A_979 = arith.constant 112 : i32
      %add3A_980 = vector.broadcast %add3A_979 : i32 to vector<16xi32>
      %add3A_981 = arith.addi %iota3A, %add3A_980 : vector<16xi32>
      tpu.vector_store_idx %arg7[%broadcast_in_dim3A_901, %add3A_981], %select_n3A_978 : memref<256x128xf32, #tpu.memory_space<vmem>>[vector<16xi32>, vector<16xi32>], vector<16xf32>,
      %mul3A_982 = arith.constant 16 : i32
      %mul3A_983 = arith.muli %scan3A_16, %mul3A_982 : i32
      %add3A_984 = arith.constant 10 : i32
      %add3A_985 = arith.addi %mul3A_983, %add3A_984 : i32
      %eq3A_986 = arith.constant 10 : i32
      %eq3A_987 = vector.broadcast %eq3A_986 : i32 to vector<16xi32>
      %eq3A_988 = arith.cmpi eq, %iota3A, %eq3A_987 : vector<16xi32>
      %jit3A_989 = arith.constant 0 : i32
      %broadcast_in_dim3A_990 = vector.broadcast %jit3A_989 : i32 to vector<16xi32>
      %select_n3A_991 = arith.select %eq3A_988, %get3A_28, %broadcast_in_dim3A_990 : vector<16xi1>, vector<16xi32>
      %reduce_sum3A_992 = arith.constant true
      %reduce_sum3A_993 = vector.broadcast %reduce_sum3A_992 : i1 to vector<16xi1>
      %reduce_sum3A_994 = tpu.scan <sum>, %select_n3A_991 masked %reduce_sum3A_993 : vector<16xi32>, vector<16xi1> -> vector<16xi32>
      %reduce_sum3A_995 = vector.extract %reduce_sum3A_994[15] : i32 from vector<16xi32>
      %ne3A_996 = arith.cmpi ne, %reduce_sum3A_995, %reduce_sum3A_899 : i32
      %broadcast_in_dim3A_997 = vector.broadcast %reduce_sum3A_995 : i32 to vector<16xi32>
      %broadcast_in_dim3A_998 = vector.broadcast %add3A_985 : i32 to vector<16xi32>
      %add3A_999 = arith.constant 0 : i32
      %add3A_1000 = vector.broadcast %add3A_999 : i32 to vector<16xi32>
      %add3A_1001 = arith.addi %iota3A, %add3A_1000 : vector<16xi32>
      %gather3A_1002 = tpu.vector_load_idx %arg5[%broadcast_in_dim3A_998, %add3A_1001] : memref<320x128xf32, #tpu.memory_space<vmem>>[vector<16xi32>, vector<16xi32>], vector<16xf32>,
      %max3A_1003 = arith.maximumf %select_n3A_908, %gather3A_1002 : vector<16xf32>
      %select_n3A_1004 = arith.select %ne3A_996, %gather3A_1002, %max3A_1003 : vector<16xf32>
      %add3A_1005 = arith.constant 0 : i32
      %add3A_1006 = vector.broadcast %add3A_1005 : i32 to vector<16xi32>
      %add3A_1007 = arith.addi %iota3A, %add3A_1006 : vector<16xi32>
      tpu.vector_store_idx %arg7[%broadcast_in_dim3A_997, %add3A_1007], %select_n3A_1004 : memref<256x128xf32, #tpu.memory_space<vmem>>[vector<16xi32>, vector<16xi32>], vector<16xf32>,
      %broadcast_in_dim3A_1008 = vector.broadcast %add3A_985 : i32 to vector<16xi32>
      %add3A_1009 = arith.constant 16 : i32
      %add3A_1010 = vector.broadcast %add3A_1009 : i32 to vector<16xi32>
      %add3A_1011 = arith.addi %iota3A, %add3A_1010 : vector<16xi32>
      %gather3A_1012 = tpu.vector_load_idx %arg5[%broadcast_in_dim3A_1008, %add3A_1011] : memref<320x128xf32, #tpu.memory_space<vmem>>[vector<16xi32>, vector<16xi32>], vector<16xf32>,
      %max3A_1013 = arith.maximumf %select_n3A_918, %gather3A_1012 : vector<16xf32>
      %select_n3A_1014 = arith.select %ne3A_996, %gather3A_1012, %max3A_1013 : vector<16xf32>
      %add3A_1015 = arith.constant 16 : i32
      %add3A_1016 = vector.broadcast %add3A_1015 : i32 to vector<16xi32>
      %add3A_1017 = arith.addi %iota3A, %add3A_1016 : vector<16xi32>
      tpu.vector_store_idx %arg7[%broadcast_in_dim3A_997, %add3A_1017], %select_n3A_1014 : memref<256x128xf32, #tpu.memory_space<vmem>>[vector<16xi32>, vector<16xi32>], vector<16xf32>,
      %broadcast_in_dim3A_1018 = vector.broadcast %add3A_985 : i32 to vector<16xi32>
      %add3A_1019 = arith.constant 32 : i32
      %add3A_1020 = vector.broadcast %add3A_1019 : i32 to vector<16xi32>
      %add3A_1021 = arith.addi %iota3A, %add3A_1020 : vector<16xi32>
      %gather3A_1022 = tpu.vector_load_idx %arg5[%broadcast_in_dim3A_1018, %add3A_1021] : memref<320x128xf32, #tpu.memory_space<vmem>>[vector<16xi32>, vector<16xi32>], vector<16xf32>,
      %max3A_1023 = arith.maximumf %select_n3A_928, %gather3A_1022 : vector<16xf32>
      %select_n3A_1024 = arith.select %ne3A_996, %gather3A_1022, %max3A_1023 : vector<16xf32>
      %add3A_1025 = arith.constant 32 : i32
      %add3A_1026 = vector.broadcast %add3A_1025 : i32 to vector<16xi32>
      %add3A_1027 = arith.addi %iota3A, %add3A_1026 : vector<16xi32>
      tpu.vector_store_idx %arg7[%broadcast_in_dim3A_997, %add3A_1027], %select_n3A_1024 : memref<256x128xf32, #tpu.memory_space<vmem>>[vector<16xi32>, vector<16xi32>], vector<16xf32>,
      %broadcast_in_dim3A_1028 = vector.broadcast %add3A_985 : i32 to vector<16xi32>
      %add3A_1029 = arith.constant 48 : i32
      %add3A_1030 = vector.broadcast %add3A_1029 : i32 to vector<16xi32>
      %add3A_1031 = arith.addi %iota3A, %add3A_1030 : vector<16xi32>
      %gather3A_1032 = tpu.vector_load_idx %arg5[%broadcast_in_dim3A_1028, %add3A_1031] : memref<320x128xf32, #tpu.memory_space<vmem>>[vector<16xi32>, vector<16xi32>], vector<16xf32>,
      %max3A_1033 = arith.maximumf %select_n3A_938, %gather3A_1032 : vector<16xf32>
      %select_n3A_1034 = arith.select %ne3A_996, %gather3A_1032, %max3A_1033 : vector<16xf32>
      %add3A_1035 = arith.constant 48 : i32
      %add3A_1036 = vector.broadcast %add3A_1035 : i32 to vector<16xi32>
      %add3A_1037 = arith.addi %iota3A, %add3A_1036 : vector<16xi32>
      tpu.vector_store_idx %arg7[%broadcast_in_dim3A_997, %add3A_1037], %select_n3A_1034 : memref<256x128xf32, #tpu.memory_space<vmem>>[vector<16xi32>, vector<16xi32>], vector<16xf32>,
      %broadcast_in_dim3A_1038 = vector.broadcast %add3A_985 : i32 to vector<16xi32>
      %add3A_1039 = arith.constant 64 : i32
      %add3A_1040 = vector.broadcast %add3A_1039 : i32 to vector<16xi32>
      %add3A_1041 = arith.addi %iota3A, %add3A_1040 : vector<16xi32>
      %gather3A_1042 = tpu.vector_load_idx %arg5[%broadcast_in_dim3A_1038, %add3A_1041] : memref<320x128xf32, #tpu.memory_space<vmem>>[vector<16xi32>, vector<16xi32>], vector<16xf32>,
      %max3A_1043 = arith.maximumf %select_n3A_948, %gather3A_1042 : vector<16xf32>
      %select_n3A_1044 = arith.select %ne3A_996, %gather3A_1042, %max3A_1043 : vector<16xf32>
      %add3A_1045 = arith.constant 64 : i32
      %add3A_1046 = vector.broadcast %add3A_1045 : i32 to vector<16xi32>
      %add3A_1047 = arith.addi %iota3A, %add3A_1046 : vector<16xi32>
      tpu.vector_store_idx %arg7[%broadcast_in_dim3A_997, %add3A_1047], %select_n3A_1044 : memref<256x128xf32, #tpu.memory_space<vmem>>[vector<16xi32>, vector<16xi32>], vector<16xf32>,
      %broadcast_in_dim3A_1048 = vector.broadcast %add3A_985 : i32 to vector<16xi32>
      %add3A_1049 = arith.constant 80 : i32
      %add3A_1050 = vector.broadcast %add3A_1049 : i32 to vector<16xi32>
      %add3A_1051 = arith.addi %iota3A, %add3A_1050 : vector<16xi32>
      %gather3A_1052 = tpu.vector_load_idx %arg5[%broadcast_in_dim3A_1048, %add3A_1051] : memref<320x128xf32, #tpu.memory_space<vmem>>[vector<16xi32>, vector<16xi32>], vector<16xf32>,
      %max3A_1053 = arith.maximumf %select_n3A_958, %gather3A_1052 : vector<16xf32>
      %select_n3A_1054 = arith.select %ne3A_996, %gather3A_1052, %max3A_1053 : vector<16xf32>
      %add3A_1055 = arith.constant 80 : i32
      %add3A_1056 = vector.broadcast %add3A_1055 : i32 to vector<16xi32>
      %add3A_1057 = arith.addi %iota3A, %add3A_1056 : vector<16xi32>
      tpu.vector_store_idx %arg7[%broadcast_in_dim3A_997, %add3A_1057], %select_n3A_1054 : memref<256x128xf32, #tpu.memory_space<vmem>>[vector<16xi32>, vector<16xi32>], vector<16xf32>,
      %broadcast_in_dim3A_1058 = vector.broadcast %add3A_985 : i32 to vector<16xi32>
      %add3A_1059 = arith.constant 96 : i32
      %add3A_1060 = vector.broadcast %add3A_1059 : i32 to vector<16xi32>
      %add3A_1061 = arith.addi %iota3A, %add3A_1060 : vector<16xi32>
      %gather3A_1062 = tpu.vector_load_idx %arg5[%broadcast_in_dim3A_1058, %add3A_1061] : memref<320x128xf32, #tpu.memory_space<vmem>>[vector<16xi32>, vector<16xi32>], vector<16xf32>,
      %max3A_1063 = arith.maximumf %select_n3A_968, %gather3A_1062 : vector<16xf32>
      %select_n3A_1064 = arith.select %ne3A_996, %gather3A_1062, %max3A_1063 : vector<16xf32>
      %add3A_1065 = arith.constant 96 : i32
      %add3A_1066 = vector.broadcast %add3A_1065 : i32 to vector<16xi32>
      %add3A_1067 = arith.addi %iota3A, %add3A_1066 : vector<16xi32>
      tpu.vector_store_idx %arg7[%broadcast_in_dim3A_997, %add3A_1067], %select_n3A_1064 : memref<256x128xf32, #tpu.memory_space<vmem>>[vector<16xi32>, vector<16xi32>], vector<16xf32>,
      %broadcast_in_dim3A_1068 = vector.broadcast %add3A_985 : i32 to vector<16xi32>
      %add3A_1069 = arith.constant 112 : i32
      %add3A_1070 = vector.broadcast %add3A_1069 : i32 to vector<16xi32>
      %add3A_1071 = arith.addi %iota3A, %add3A_1070 : vector<16xi32>
      %gather3A_1072 = tpu.vector_load_idx %arg5[%broadcast_in_dim3A_1068, %add3A_1071] : memref<320x128xf32, #tpu.memory_space<vmem>>[vector<16xi32>, vector<16xi32>], vector<16xf32>,
      %max3A_1073 = arith.maximumf %select_n3A_978, %gather3A_1072 : vector<16xf32>
      %select_n3A_1074 = arith.select %ne3A_996, %gather3A_1072, %max3A_1073 : vector<16xf32>
      %add3A_1075 = arith.constant 112 : i32
      %add3A_1076 = vector.broadcast %add3A_1075 : i32 to vector<16xi32>
      %add3A_1077 = arith.addi %iota3A, %add3A_1076 : vector<16xi32>
      tpu.vector_store_idx %arg7[%broadcast_in_dim3A_997, %add3A_1077], %select_n3A_1074 : memref<256x128xf32, #tpu.memory_space<vmem>>[vector<16xi32>, vector<16xi32>], vector<16xf32>,
      %mul3A_1078 = arith.constant 16 : i32
      %mul3A_1079 = arith.muli %scan3A_16, %mul3A_1078 : i32
      %add3A_1080 = arith.constant 11 : i32
      %add3A_1081 = arith.addi %mul3A_1079, %add3A_1080 : i32
      %eq3A_1082 = arith.constant 11 : i32
      %eq3A_1083 = vector.broadcast %eq3A_1082 : i32 to vector<16xi32>
      %eq3A_1084 = arith.cmpi eq, %iota3A, %eq3A_1083 : vector<16xi32>
      %jit3A_1085 = arith.constant 0 : i32
      %broadcast_in_dim3A_1086 = vector.broadcast %jit3A_1085 : i32 to vector<16xi32>
      %select_n3A_1087 = arith.select %eq3A_1084, %get3A_28, %broadcast_in_dim3A_1086 : vector<16xi1>, vector<16xi32>
      %reduce_sum3A_1088 = arith.constant true
      %reduce_sum3A_1089 = vector.broadcast %reduce_sum3A_1088 : i1 to vector<16xi1>
      %reduce_sum3A_1090 = tpu.scan <sum>, %select_n3A_1087 masked %reduce_sum3A_1089 : vector<16xi32>, vector<16xi1> -> vector<16xi32>
      %reduce_sum3A_1091 = vector.extract %reduce_sum3A_1090[15] : i32 from vector<16xi32>
      %ne3A_1092 = arith.cmpi ne, %reduce_sum3A_1091, %reduce_sum3A_995 : i32
      %broadcast_in_dim3A_1093 = vector.broadcast %reduce_sum3A_1091 : i32 to vector<16xi32>
      %broadcast_in_dim3A_1094 = vector.broadcast %add3A_1081 : i32 to vector<16xi32>
      %add3A_1095 = arith.constant 0 : i32
      %add3A_1096 = vector.broadcast %add3A_1095 : i32 to vector<16xi32>
      %add3A_1097 = arith.addi %iota3A, %add3A_1096 : vector<16xi32>
      %gather3A_1098 = tpu.vector_load_idx %arg5[%broadcast_in_dim3A_1094, %add3A_1097] : memref<320x128xf32, #tpu.memory_space<vmem>>[vector<16xi32>, vector<16xi32>], vector<16xf32>,
      %max3A_1099 = arith.maximumf %select_n3A_1004, %gather3A_1098 : vector<16xf32>
      %select_n3A_1100 = arith.select %ne3A_1092, %gather3A_1098, %max3A_1099 : vector<16xf32>
      %add3A_1101 = arith.constant 0 : i32
      %add3A_1102 = vector.broadcast %add3A_1101 : i32 to vector<16xi32>
      %add3A_1103 = arith.addi %iota3A, %add3A_1102 : vector<16xi32>
      tpu.vector_store_idx %arg7[%broadcast_in_dim3A_1093, %add3A_1103], %select_n3A_1100 : memref<256x128xf32, #tpu.memory_space<vmem>>[vector<16xi32>, vector<16xi32>], vector<16xf32>,
      %broadcast_in_dim3A_1104 = vector.broadcast %add3A_1081 : i32 to vector<16xi32>
      %add3A_1105 = arith.constant 16 : i32
      %add3A_1106 = vector.broadcast %add3A_1105 : i32 to vector<16xi32>
      %add3A_1107 = arith.addi %iota3A, %add3A_1106 : vector<16xi32>
      %gather3A_1108 = tpu.vector_load_idx %arg5[%broadcast_in_dim3A_1104, %add3A_1107] : memref<320x128xf32, #tpu.memory_space<vmem>>[vector<16xi32>, vector<16xi32>], vector<16xf32>,
      %max3A_1109 = arith.maximumf %select_n3A_1014, %gather3A_1108 : vector<16xf32>
      %select_n3A_1110 = arith.select %ne3A_1092, %gather3A_1108, %max3A_1109 : vector<16xf32>
      %add3A_1111 = arith.constant 16 : i32
      %add3A_1112 = vector.broadcast %add3A_1111 : i32 to vector<16xi32>
      %add3A_1113 = arith.addi %iota3A, %add3A_1112 : vector<16xi32>
      tpu.vector_store_idx %arg7[%broadcast_in_dim3A_1093, %add3A_1113], %select_n3A_1110 : memref<256x128xf32, #tpu.memory_space<vmem>>[vector<16xi32>, vector<16xi32>], vector<16xf32>,
      %broadcast_in_dim3A_1114 = vector.broadcast %add3A_1081 : i32 to vector<16xi32>
      %add3A_1115 = arith.constant 32 : i32
      %add3A_1116 = vector.broadcast %add3A_1115 : i32 to vector<16xi32>
      %add3A_1117 = arith.addi %iota3A, %add3A_1116 : vector<16xi32>
      %gather3A_1118 = tpu.vector_load_idx %arg5[%broadcast_in_dim3A_1114, %add3A_1117] : memref<320x128xf32, #tpu.memory_space<vmem>>[vector<16xi32>, vector<16xi32>], vector<16xf32>,
      %max3A_1119 = arith.maximumf %select_n3A_1024, %gather3A_1118 : vector<16xf32>
      %select_n3A_1120 = arith.select %ne3A_1092, %gather3A_1118, %max3A_1119 : vector<16xf32>
      %add3A_1121 = arith.constant 32 : i32
      %add3A_1122 = vector.broadcast %add3A_1121 : i32 to vector<16xi32>
      %add3A_1123 = arith.addi %iota3A, %add3A_1122 : vector<16xi32>
      tpu.vector_store_idx %arg7[%broadcast_in_dim3A_1093, %add3A_1123], %select_n3A_1120 : memref<256x128xf32, #tpu.memory_space<vmem>>[vector<16xi32>, vector<16xi32>], vector<16xf32>,
      %broadcast_in_dim3A_1124 = vector.broadcast %add3A_1081 : i32 to vector<16xi32>
      %add3A_1125 = arith.constant 48 : i32
      %add3A_1126 = vector.broadcast %add3A_1125 : i32 to vector<16xi32>
      %add3A_1127 = arith.addi %iota3A, %add3A_1126 : vector<16xi32>
      %gather3A_1128 = tpu.vector_load_idx %arg5[%broadcast_in_dim3A_1124, %add3A_1127] : memref<320x128xf32, #tpu.memory_space<vmem>>[vector<16xi32>, vector<16xi32>], vector<16xf32>,
      %max3A_1129 = arith.maximumf %select_n3A_1034, %gather3A_1128 : vector<16xf32>
      %select_n3A_1130 = arith.select %ne3A_1092, %gather3A_1128, %max3A_1129 : vector<16xf32>
      %add3A_1131 = arith.constant 48 : i32
      %add3A_1132 = vector.broadcast %add3A_1131 : i32 to vector<16xi32>
      %add3A_1133 = arith.addi %iota3A, %add3A_1132 : vector<16xi32>
      tpu.vector_store_idx %arg7[%broadcast_in_dim3A_1093, %add3A_1133], %select_n3A_1130 : memref<256x128xf32, #tpu.memory_space<vmem>>[vector<16xi32>, vector<16xi32>], vector<16xf32>,
      %broadcast_in_dim3A_1134 = vector.broadcast %add3A_1081 : i32 to vector<16xi32>
      %add3A_1135 = arith.constant 64 : i32
      %add3A_1136 = vector.broadcast %add3A_1135 : i32 to vector<16xi32>
      %add3A_1137 = arith.addi %iota3A, %add3A_1136 : vector<16xi32>
      %gather3A_1138 = tpu.vector_load_idx %arg5[%broadcast_in_dim3A_1134, %add3A_1137] : memref<320x128xf32, #tpu.memory_space<vmem>>[vector<16xi32>, vector<16xi32>], vector<16xf32>,
      %max3A_1139 = arith.maximumf %select_n3A_1044, %gather3A_1138 : vector<16xf32>
      %select_n3A_1140 = arith.select %ne3A_1092, %gather3A_1138, %max3A_1139 : vector<16xf32>
      %add3A_1141 = arith.constant 64 : i32
      %add3A_1142 = vector.broadcast %add3A_1141 : i32 to vector<16xi32>
      %add3A_1143 = arith.addi %iota3A, %add3A_1142 : vector<16xi32>
      tpu.vector_store_idx %arg7[%broadcast_in_dim3A_1093, %add3A_1143], %select_n3A_1140 : memref<256x128xf32, #tpu.memory_space<vmem>>[vector<16xi32>, vector<16xi32>], vector<16xf32>,
      %broadcast_in_dim3A_1144 = vector.broadcast %add3A_1081 : i32 to vector<16xi32>
      %add3A_1145 = arith.constant 80 : i32
      %add3A_1146 = vector.broadcast %add3A_1145 : i32 to vector<16xi32>
      %add3A_1147 = arith.addi %iota3A, %add3A_1146 : vector<16xi32>
      %gather3A_1148 = tpu.vector_load_idx %arg5[%broadcast_in_dim3A_1144, %add3A_1147] : memref<320x128xf32, #tpu.memory_space<vmem>>[vector<16xi32>, vector<16xi32>], vector<16xf32>,
      %max3A_1149 = arith.maximumf %select_n3A_1054, %gather3A_1148 : vector<16xf32>
      %select_n3A_1150 = arith.select %ne3A_1092, %gather3A_1148, %max3A_1149 : vector<16xf32>
      %add3A_1151 = arith.constant 80 : i32
      %add3A_1152 = vector.broadcast %add3A_1151 : i32 to vector<16xi32>
      %add3A_1153 = arith.addi %iota3A, %add3A_1152 : vector<16xi32>
      tpu.vector_store_idx %arg7[%broadcast_in_dim3A_1093, %add3A_1153], %select_n3A_1150 : memref<256x128xf32, #tpu.memory_space<vmem>>[vector<16xi32>, vector<16xi32>], vector<16xf32>,
      %broadcast_in_dim3A_1154 = vector.broadcast %add3A_1081 : i32 to vector<16xi32>
      %add3A_1155 = arith.constant 96 : i32
      %add3A_1156 = vector.broadcast %add3A_1155 : i32 to vector<16xi32>
      %add3A_1157 = arith.addi %iota3A, %add3A_1156 : vector<16xi32>
      %gather3A_1158 = tpu.vector_load_idx %arg5[%broadcast_in_dim3A_1154, %add3A_1157] : memref<320x128xf32, #tpu.memory_space<vmem>>[vector<16xi32>, vector<16xi32>], vector<16xf32>,
      %max3A_1159 = arith.maximumf %select_n3A_1064, %gather3A_1158 : vector<16xf32>
      %select_n3A_1160 = arith.select %ne3A_1092, %gather3A_1158, %max3A_1159 : vector<16xf32>
      %add3A_1161 = arith.constant 96 : i32
      %add3A_1162 = vector.broadcast %add3A_1161 : i32 to vector<16xi32>
      %add3A_1163 = arith.addi %iota3A, %add3A_1162 : vector<16xi32>
      tpu.vector_store_idx %arg7[%broadcast_in_dim3A_1093, %add3A_1163], %select_n3A_1160 : memref<256x128xf32, #tpu.memory_space<vmem>>[vector<16xi32>, vector<16xi32>], vector<16xf32>,
      %broadcast_in_dim3A_1164 = vector.broadcast %add3A_1081 : i32 to vector<16xi32>
      %add3A_1165 = arith.constant 112 : i32
      %add3A_1166 = vector.broadcast %add3A_1165 : i32 to vector<16xi32>
      %add3A_1167 = arith.addi %iota3A, %add3A_1166 : vector<16xi32>
      %gather3A_1168 = tpu.vector_load_idx %arg5[%broadcast_in_dim3A_1164, %add3A_1167] : memref<320x128xf32, #tpu.memory_space<vmem>>[vector<16xi32>, vector<16xi32>], vector<16xf32>,
      %max3A_1169 = arith.maximumf %select_n3A_1074, %gather3A_1168 : vector<16xf32>
      %select_n3A_1170 = arith.select %ne3A_1092, %gather3A_1168, %max3A_1169 : vector<16xf32>
      %add3A_1171 = arith.constant 112 : i32
      %add3A_1172 = vector.broadcast %add3A_1171 : i32 to vector<16xi32>
      %add3A_1173 = arith.addi %iota3A, %add3A_1172 : vector<16xi32>
      tpu.vector_store_idx %arg7[%broadcast_in_dim3A_1093, %add3A_1173], %select_n3A_1170 : memref<256x128xf32, #tpu.memory_space<vmem>>[vector<16xi32>, vector<16xi32>], vector<16xf32>,
      %mul3A_1174 = arith.constant 16 : i32
      %mul3A_1175 = arith.muli %scan3A_16, %mul3A_1174 : i32
      %add3A_1176 = arith.constant 12 : i32
      %add3A_1177 = arith.addi %mul3A_1175, %add3A_1176 : i32
      %eq3A_1178 = arith.constant 12 : i32
      %eq3A_1179 = vector.broadcast %eq3A_1178 : i32 to vector<16xi32>
      %eq3A_1180 = arith.cmpi eq, %iota3A, %eq3A_1179 : vector<16xi32>
      %jit3A_1181 = arith.constant 0 : i32
      %broadcast_in_dim3A_1182 = vector.broadcast %jit3A_1181 : i32 to vector<16xi32>
      %select_n3A_1183 = arith.select %eq3A_1180, %get3A_28, %broadcast_in_dim3A_1182 : vector<16xi1>, vector<16xi32>
      %reduce_sum3A_1184 = arith.constant true
      %reduce_sum3A_1185 = vector.broadcast %reduce_sum3A_1184 : i1 to vector<16xi1>
      %reduce_sum3A_1186 = tpu.scan <sum>, %select_n3A_1183 masked %reduce_sum3A_1185 : vector<16xi32>, vector<16xi1> -> vector<16xi32>
      %reduce_sum3A_1187 = vector.extract %reduce_sum3A_1186[15] : i32 from vector<16xi32>
      %ne3A_1188 = arith.cmpi ne, %reduce_sum3A_1187, %reduce_sum3A_1091 : i32
      %broadcast_in_dim3A_1189 = vector.broadcast %reduce_sum3A_1187 : i32 to vector<16xi32>
      %broadcast_in_dim3A_1190 = vector.broadcast %add3A_1177 : i32 to vector<16xi32>
      %add3A_1191 = arith.constant 0 : i32
      %add3A_1192 = vector.broadcast %add3A_1191 : i32 to vector<16xi32>
      %add3A_1193 = arith.addi %iota3A, %add3A_1192 : vector<16xi32>
      %gather3A_1194 = tpu.vector_load_idx %arg5[%broadcast_in_dim3A_1190, %add3A_1193] : memref<320x128xf32, #tpu.memory_space<vmem>>[vector<16xi32>, vector<16xi32>], vector<16xf32>,
      %max3A_1195 = arith.maximumf %select_n3A_1100, %gather3A_1194 : vector<16xf32>
      %select_n3A_1196 = arith.select %ne3A_1188, %gather3A_1194, %max3A_1195 : vector<16xf32>
      %add3A_1197 = arith.constant 0 : i32
      %add3A_1198 = vector.broadcast %add3A_1197 : i32 to vector<16xi32>
      %add3A_1199 = arith.addi %iota3A, %add3A_1198 : vector<16xi32>
      tpu.vector_store_idx %arg7[%broadcast_in_dim3A_1189, %add3A_1199], %select_n3A_1196 : memref<256x128xf32, #tpu.memory_space<vmem>>[vector<16xi32>, vector<16xi32>], vector<16xf32>,
      %broadcast_in_dim3A_1200 = vector.broadcast %add3A_1177 : i32 to vector<16xi32>
      %add3A_1201 = arith.constant 16 : i32
      %add3A_1202 = vector.broadcast %add3A_1201 : i32 to vector<16xi32>
      %add3A_1203 = arith.addi %iota3A, %add3A_1202 : vector<16xi32>
      %gather3A_1204 = tpu.vector_load_idx %arg5[%broadcast_in_dim3A_1200, %add3A_1203] : memref<320x128xf32, #tpu.memory_space<vmem>>[vector<16xi32>, vector<16xi32>], vector<16xf32>,
      %max3A_1205 = arith.maximumf %select_n3A_1110, %gather3A_1204 : vector<16xf32>
      %select_n3A_1206 = arith.select %ne3A_1188, %gather3A_1204, %max3A_1205 : vector<16xf32>
      %add3A_1207 = arith.constant 16 : i32
      %add3A_1208 = vector.broadcast %add3A_1207 : i32 to vector<16xi32>
      %add3A_1209 = arith.addi %iota3A, %add3A_1208 : vector<16xi32>
      tpu.vector_store_idx %arg7[%broadcast_in_dim3A_1189, %add3A_1209], %select_n3A_1206 : memref<256x128xf32, #tpu.memory_space<vmem>>[vector<16xi32>, vector<16xi32>], vector<16xf32>,
      %broadcast_in_dim3A_1210 = vector.broadcast %add3A_1177 : i32 to vector<16xi32>
      %add3A_1211 = arith.constant 32 : i32
      %add3A_1212 = vector.broadcast %add3A_1211 : i32 to vector<16xi32>
      %add3A_1213 = arith.addi %iota3A, %add3A_1212 : vector<16xi32>
      %gather3A_1214 = tpu.vector_load_idx %arg5[%broadcast_in_dim3A_1210, %add3A_1213] : memref<320x128xf32, #tpu.memory_space<vmem>>[vector<16xi32>, vector<16xi32>], vector<16xf32>,
      %max3A_1215 = arith.maximumf %select_n3A_1120, %gather3A_1214 : vector<16xf32>
      %select_n3A_1216 = arith.select %ne3A_1188, %gather3A_1214, %max3A_1215 : vector<16xf32>
      %add3A_1217 = arith.constant 32 : i32
      %add3A_1218 = vector.broadcast %add3A_1217 : i32 to vector<16xi32>
      %add3A_1219 = arith.addi %iota3A, %add3A_1218 : vector<16xi32>
      tpu.vector_store_idx %arg7[%broadcast_in_dim3A_1189, %add3A_1219], %select_n3A_1216 : memref<256x128xf32, #tpu.memory_space<vmem>>[vector<16xi32>, vector<16xi32>], vector<16xf32>,
      %broadcast_in_dim3A_1220 = vector.broadcast %add3A_1177 : i32 to vector<16xi32>
      %add3A_1221 = arith.constant 48 : i32
      %add3A_1222 = vector.broadcast %add3A_1221 : i32 to vector<16xi32>
      %add3A_1223 = arith.addi %iota3A, %add3A_1222 : vector<16xi32>
      %gather3A_1224 = tpu.vector_load_idx %arg5[%broadcast_in_dim3A_1220, %add3A_1223] : memref<320x128xf32, #tpu.memory_space<vmem>>[vector<16xi32>, vector<16xi32>], vector<16xf32>,
      %max3A_1225 = arith.maximumf %select_n3A_1130, %gather3A_1224 : vector<16xf32>
      %select_n3A_1226 = arith.select %ne3A_1188, %gather3A_1224, %max3A_1225 : vector<16xf32>
      %add3A_1227 = arith.constant 48 : i32
      %add3A_1228 = vector.broadcast %add3A_1227 : i32 to vector<16xi32>
      %add3A_1229 = arith.addi %iota3A, %add3A_1228 : vector<16xi32>
      tpu.vector_store_idx %arg7[%broadcast_in_dim3A_1189, %add3A_1229], %select_n3A_1226 : memref<256x128xf32, #tpu.memory_space<vmem>>[vector<16xi32>, vector<16xi32>], vector<16xf32>,
      %broadcast_in_dim3A_1230 = vector.broadcast %add3A_1177 : i32 to vector<16xi32>
      %add3A_1231 = arith.constant 64 : i32
      %add3A_1232 = vector.broadcast %add3A_1231 : i32 to vector<16xi32>
      %add3A_1233 = arith.addi %iota3A, %add3A_1232 : vector<16xi32>
      %gather3A_1234 = tpu.vector_load_idx %arg5[%broadcast_in_dim3A_1230, %add3A_1233] : memref<320x128xf32, #tpu.memory_space<vmem>>[vector<16xi32>, vector<16xi32>], vector<16xf32>,
      %max3A_1235 = arith.maximumf %select_n3A_1140, %gather3A_1234 : vector<16xf32>
      %select_n3A_1236 = arith.select %ne3A_1188, %gather3A_1234, %max3A_1235 : vector<16xf32>
      %add3A_1237 = arith.constant 64 : i32
      %add3A_1238 = vector.broadcast %add3A_1237 : i32 to vector<16xi32>
      %add3A_1239 = arith.addi %iota3A, %add3A_1238 : vector<16xi32>
      tpu.vector_store_idx %arg7[%broadcast_in_dim3A_1189, %add3A_1239], %select_n3A_1236 : memref<256x128xf32, #tpu.memory_space<vmem>>[vector<16xi32>, vector<16xi32>], vector<16xf32>,
      %broadcast_in_dim3A_1240 = vector.broadcast %add3A_1177 : i32 to vector<16xi32>
      %add3A_1241 = arith.constant 80 : i32
      %add3A_1242 = vector.broadcast %add3A_1241 : i32 to vector<16xi32>
      %add3A_1243 = arith.addi %iota3A, %add3A_1242 : vector<16xi32>
      %gather3A_1244 = tpu.vector_load_idx %arg5[%broadcast_in_dim3A_1240, %add3A_1243] : memref<320x128xf32, #tpu.memory_space<vmem>>[vector<16xi32>, vector<16xi32>], vector<16xf32>,
      %max3A_1245 = arith.maximumf %select_n3A_1150, %gather3A_1244 : vector<16xf32>
      %select_n3A_1246 = arith.select %ne3A_1188, %gather3A_1244, %max3A_1245 : vector<16xf32>
      %add3A_1247 = arith.constant 80 : i32
      %add3A_1248 = vector.broadcast %add3A_1247 : i32 to vector<16xi32>
      %add3A_1249 = arith.addi %iota3A, %add3A_1248 : vector<16xi32>
      tpu.vector_store_idx %arg7[%broadcast_in_dim3A_1189, %add3A_1249], %select_n3A_1246 : memref<256x128xf32, #tpu.memory_space<vmem>>[vector<16xi32>, vector<16xi32>], vector<16xf32>,
      %broadcast_in_dim3A_1250 = vector.broadcast %add3A_1177 : i32 to vector<16xi32>
      %add3A_1251 = arith.constant 96 : i32
      %add3A_1252 = vector.broadcast %add3A_1251 : i32 to vector<16xi32>
      %add3A_1253 = arith.addi %iota3A, %add3A_1252 : vector<16xi32>
      %gather3A_1254 = tpu.vector_load_idx %arg5[%broadcast_in_dim3A_1250, %add3A_1253] : memref<320x128xf32, #tpu.memory_space<vmem>>[vector<16xi32>, vector<16xi32>], vector<16xf32>,
      %max3A_1255 = arith.maximumf %select_n3A_1160, %gather3A_1254 : vector<16xf32>
      %select_n3A_1256 = arith.select %ne3A_1188, %gather3A_1254, %max3A_1255 : vector<16xf32>
      %add3A_1257 = arith.constant 96 : i32
      %add3A_1258 = vector.broadcast %add3A_1257 : i32 to vector<16xi32>
      %add3A_1259 = arith.addi %iota3A, %add3A_1258 : vector<16xi32>
      tpu.vector_store_idx %arg7[%broadcast_in_dim3A_1189, %add3A_1259], %select_n3A_1256 : memref<256x128xf32, #tpu.memory_space<vmem>>[vector<16xi32>, vector<16xi32>], vector<16xf32>,
      %broadcast_in_dim3A_1260 = vector.broadcast %add3A_1177 : i32 to vector<16xi32>
      %add3A_1261 = arith.constant 112 : i32
      %add3A_1262 = vector.broadcast %add3A_1261 : i32 to vector<16xi32>
      %add3A_1263 = arith.addi %iota3A, %add3A_1262 : vector<16xi32>
      %gather3A_1264 = tpu.vector_load_idx %arg5[%broadcast_in_dim3A_1260, %add3A_1263] : memref<320x128xf32, #tpu.memory_space<vmem>>[vector<16xi32>, vector<16xi32>], vector<16xf32>,
      %max3A_1265 = arith.maximumf %select_n3A_1170, %gather3A_1264 : vector<16xf32>
      %select_n3A_1266 = arith.select %ne3A_1188, %gather3A_1264, %max3A_1265 : vector<16xf32>
      %add3A_1267 = arith.constant 112 : i32
      %add3A_1268 = vector.broadcast %add3A_1267 : i32 to vector<16xi32>
      %add3A_1269 = arith.addi %iota3A, %add3A_1268 : vector<16xi32>
      tpu.vector_store_idx %arg7[%broadcast_in_dim3A_1189, %add3A_1269], %select_n3A_1266 : memref<256x128xf32, #tpu.memory_space<vmem>>[vector<16xi32>, vector<16xi32>], vector<16xf32>,
      %mul3A_1270 = arith.constant 16 : i32
      %mul3A_1271 = arith.muli %scan3A_16, %mul3A_1270 : i32
      %add3A_1272 = arith.constant 13 : i32
      %add3A_1273 = arith.addi %mul3A_1271, %add3A_1272 : i32
      %eq3A_1274 = arith.constant 13 : i32
      %eq3A_1275 = vector.broadcast %eq3A_1274 : i32 to vector<16xi32>
      %eq3A_1276 = arith.cmpi eq, %iota3A, %eq3A_1275 : vector<16xi32>
      %jit3A_1277 = arith.constant 0 : i32
      %broadcast_in_dim3A_1278 = vector.broadcast %jit3A_1277 : i32 to vector<16xi32>
      %select_n3A_1279 = arith.select %eq3A_1276, %get3A_28, %broadcast_in_dim3A_1278 : vector<16xi1>, vector<16xi32>
      %reduce_sum3A_1280 = arith.constant true
      %reduce_sum3A_1281 = vector.broadcast %reduce_sum3A_1280 : i1 to vector<16xi1>
      %reduce_sum3A_1282 = tpu.scan <sum>, %select_n3A_1279 masked %reduce_sum3A_1281 : vector<16xi32>, vector<16xi1> -> vector<16xi32>
      %reduce_sum3A_1283 = vector.extract %reduce_sum3A_1282[15] : i32 from vector<16xi32>
      %ne3A_1284 = arith.cmpi ne, %reduce_sum3A_1283, %reduce_sum3A_1187 : i32
      %broadcast_in_dim3A_1285 = vector.broadcast %reduce_sum3A_1283 : i32 to vector<16xi32>
      %broadcast_in_dim3A_1286 = vector.broadcast %add3A_1273 : i32 to vector<16xi32>
      %add3A_1287 = arith.constant 0 : i32
      %add3A_1288 = vector.broadcast %add3A_1287 : i32 to vector<16xi32>
      %add3A_1289 = arith.addi %iota3A, %add3A_1288 : vector<16xi32>
      %gather3A_1290 = tpu.vector_load_idx %arg5[%broadcast_in_dim3A_1286, %add3A_1289] : memref<320x128xf32, #tpu.memory_space<vmem>>[vector<16xi32>, vector<16xi32>], vector<16xf32>,
      %max3A_1291 = arith.maximumf %select_n3A_1196, %gather3A_1290 : vector<16xf32>
      %select_n3A_1292 = arith.select %ne3A_1284, %gather3A_1290, %max3A_1291 : vector<16xf32>
      %add3A_1293 = arith.constant 0 : i32
      %add3A_1294 = vector.broadcast %add3A_1293 : i32 to vector<16xi32>
      %add3A_1295 = arith.addi %iota3A, %add3A_1294 : vector<16xi32>
      tpu.vector_store_idx %arg7[%broadcast_in_dim3A_1285, %add3A_1295], %select_n3A_1292 : memref<256x128xf32, #tpu.memory_space<vmem>>[vector<16xi32>, vector<16xi32>], vector<16xf32>,
      %broadcast_in_dim3A_1296 = vector.broadcast %add3A_1273 : i32 to vector<16xi32>
      %add3A_1297 = arith.constant 16 : i32
      %add3A_1298 = vector.broadcast %add3A_1297 : i32 to vector<16xi32>
      %add3A_1299 = arith.addi %iota3A, %add3A_1298 : vector<16xi32>
      %gather3A_1300 = tpu.vector_load_idx %arg5[%broadcast_in_dim3A_1296, %add3A_1299] : memref<320x128xf32, #tpu.memory_space<vmem>>[vector<16xi32>, vector<16xi32>], vector<16xf32>,
      %max3A_1301 = arith.maximumf %select_n3A_1206, %gather3A_1300 : vector<16xf32>
      %select_n3A_1302 = arith.select %ne3A_1284, %gather3A_1300, %max3A_1301 : vector<16xf32>
      %add3A_1303 = arith.constant 16 : i32
      %add3A_1304 = vector.broadcast %add3A_1303 : i32 to vector<16xi32>
      %add3A_1305 = arith.addi %iota3A, %add3A_1304 : vector<16xi32>
      tpu.vector_store_idx %arg7[%broadcast_in_dim3A_1285, %add3A_1305], %select_n3A_1302 : memref<256x128xf32, #tpu.memory_space<vmem>>[vector<16xi32>, vector<16xi32>], vector<16xf32>,
      %broadcast_in_dim3A_1306 = vector.broadcast %add3A_1273 : i32 to vector<16xi32>
      %add3A_1307 = arith.constant 32 : i32
      %add3A_1308 = vector.broadcast %add3A_1307 : i32 to vector<16xi32>
      %add3A_1309 = arith.addi %iota3A, %add3A_1308 : vector<16xi32>
      %gather3A_1310 = tpu.vector_load_idx %arg5[%broadcast_in_dim3A_1306, %add3A_1309] : memref<320x128xf32, #tpu.memory_space<vmem>>[vector<16xi32>, vector<16xi32>], vector<16xf32>,
      %max3A_1311 = arith.maximumf %select_n3A_1216, %gather3A_1310 : vector<16xf32>
      %select_n3A_1312 = arith.select %ne3A_1284, %gather3A_1310, %max3A_1311 : vector<16xf32>
      %add3A_1313 = arith.constant 32 : i32
      %add3A_1314 = vector.broadcast %add3A_1313 : i32 to vector<16xi32>
      %add3A_1315 = arith.addi %iota3A, %add3A_1314 : vector<16xi32>
      tpu.vector_store_idx %arg7[%broadcast_in_dim3A_1285, %add3A_1315], %select_n3A_1312 : memref<256x128xf32, #tpu.memory_space<vmem>>[vector<16xi32>, vector<16xi32>], vector<16xf32>,
      %broadcast_in_dim3A_1316 = vector.broadcast %add3A_1273 : i32 to vector<16xi32>
      %add3A_1317 = arith.constant 48 : i32
      %add3A_1318 = vector.broadcast %add3A_1317 : i32 to vector<16xi32>
      %add3A_1319 = arith.addi %iota3A, %add3A_1318 : vector<16xi32>
      %gather3A_1320 = tpu.vector_load_idx %arg5[%broadcast_in_dim3A_1316, %add3A_1319] : memref<320x128xf32, #tpu.memory_space<vmem>>[vector<16xi32>, vector<16xi32>], vector<16xf32>,
      %max3A_1321 = arith.maximumf %select_n3A_1226, %gather3A_1320 : vector<16xf32>
      %select_n3A_1322 = arith.select %ne3A_1284, %gather3A_1320, %max3A_1321 : vector<16xf32>
      %add3A_1323 = arith.constant 48 : i32
      %add3A_1324 = vector.broadcast %add3A_1323 : i32 to vector<16xi32>
      %add3A_1325 = arith.addi %iota3A, %add3A_1324 : vector<16xi32>
      tpu.vector_store_idx %arg7[%broadcast_in_dim3A_1285, %add3A_1325], %select_n3A_1322 : memref<256x128xf32, #tpu.memory_space<vmem>>[vector<16xi32>, vector<16xi32>], vector<16xf32>,
      %broadcast_in_dim3A_1326 = vector.broadcast %add3A_1273 : i32 to vector<16xi32>
      %add3A_1327 = arith.constant 64 : i32
      %add3A_1328 = vector.broadcast %add3A_1327 : i32 to vector<16xi32>
      %add3A_1329 = arith.addi %iota3A, %add3A_1328 : vector<16xi32>
      %gather3A_1330 = tpu.vector_load_idx %arg5[%broadcast_in_dim3A_1326, %add3A_1329] : memref<320x128xf32, #tpu.memory_space<vmem>>[vector<16xi32>, vector<16xi32>], vector<16xf32>,
      %max3A_1331 = arith.maximumf %select_n3A_1236, %gather3A_1330 : vector<16xf32>
      %select_n3A_1332 = arith.select %ne3A_1284, %gather3A_1330, %max3A_1331 : vector<16xf32>
      %add3A_1333 = arith.constant 64 : i32
      %add3A_1334 = vector.broadcast %add3A_1333 : i32 to vector<16xi32>
      %add3A_1335 = arith.addi %iota3A, %add3A_1334 : vector<16xi32>
      tpu.vector_store_idx %arg7[%broadcast_in_dim3A_1285, %add3A_1335], %select_n3A_1332 : memref<256x128xf32, #tpu.memory_space<vmem>>[vector<16xi32>, vector<16xi32>], vector<16xf32>,
      %broadcast_in_dim3A_1336 = vector.broadcast %add3A_1273 : i32 to vector<16xi32>
      %add3A_1337 = arith.constant 80 : i32
      %add3A_1338 = vector.broadcast %add3A_1337 : i32 to vector<16xi32>
      %add3A_1339 = arith.addi %iota3A, %add3A_1338 : vector<16xi32>
      %gather3A_1340 = tpu.vector_load_idx %arg5[%broadcast_in_dim3A_1336, %add3A_1339] : memref<320x128xf32, #tpu.memory_space<vmem>>[vector<16xi32>, vector<16xi32>], vector<16xf32>,
      %max3A_1341 = arith.maximumf %select_n3A_1246, %gather3A_1340 : vector<16xf32>
      %select_n3A_1342 = arith.select %ne3A_1284, %gather3A_1340, %max3A_1341 : vector<16xf32>
      %add3A_1343 = arith.constant 80 : i32
      %add3A_1344 = vector.broadcast %add3A_1343 : i32 to vector<16xi32>
      %add3A_1345 = arith.addi %iota3A, %add3A_1344 : vector<16xi32>
      tpu.vector_store_idx %arg7[%broadcast_in_dim3A_1285, %add3A_1345], %select_n3A_1342 : memref<256x128xf32, #tpu.memory_space<vmem>>[vector<16xi32>, vector<16xi32>], vector<16xf32>,
      %broadcast_in_dim3A_1346 = vector.broadcast %add3A_1273 : i32 to vector<16xi32>
      %add3A_1347 = arith.constant 96 : i32
      %add3A_1348 = vector.broadcast %add3A_1347 : i32 to vector<16xi32>
      %add3A_1349 = arith.addi %iota3A, %add3A_1348 : vector<16xi32>
      %gather3A_1350 = tpu.vector_load_idx %arg5[%broadcast_in_dim3A_1346, %add3A_1349] : memref<320x128xf32, #tpu.memory_space<vmem>>[vector<16xi32>, vector<16xi32>], vector<16xf32>,
      %max3A_1351 = arith.maximumf %select_n3A_1256, %gather3A_1350 : vector<16xf32>
      %select_n3A_1352 = arith.select %ne3A_1284, %gather3A_1350, %max3A_1351 : vector<16xf32>
      %add3A_1353 = arith.constant 96 : i32
      %add3A_1354 = vector.broadcast %add3A_1353 : i32 to vector<16xi32>
      %add3A_1355 = arith.addi %iota3A, %add3A_1354 : vector<16xi32>
      tpu.vector_store_idx %arg7[%broadcast_in_dim3A_1285, %add3A_1355], %select_n3A_1352 : memref<256x128xf32, #tpu.memory_space<vmem>>[vector<16xi32>, vector<16xi32>], vector<16xf32>,
      %broadcast_in_dim3A_1356 = vector.broadcast %add3A_1273 : i32 to vector<16xi32>
      %add3A_1357 = arith.constant 112 : i32
      %add3A_1358 = vector.broadcast %add3A_1357 : i32 to vector<16xi32>
      %add3A_1359 = arith.addi %iota3A, %add3A_1358 : vector<16xi32>
      %gather3A_1360 = tpu.vector_load_idx %arg5[%broadcast_in_dim3A_1356, %add3A_1359] : memref<320x128xf32, #tpu.memory_space<vmem>>[vector<16xi32>, vector<16xi32>], vector<16xf32>,
      %max3A_1361 = arith.maximumf %select_n3A_1266, %gather3A_1360 : vector<16xf32>
      %select_n3A_1362 = arith.select %ne3A_1284, %gather3A_1360, %max3A_1361 : vector<16xf32>
      %add3A_1363 = arith.constant 112 : i32
      %add3A_1364 = vector.broadcast %add3A_1363 : i32 to vector<16xi32>
      %add3A_1365 = arith.addi %iota3A, %add3A_1364 : vector<16xi32>
      tpu.vector_store_idx %arg7[%broadcast_in_dim3A_1285, %add3A_1365], %select_n3A_1362 : memref<256x128xf32, #tpu.memory_space<vmem>>[vector<16xi32>, vector<16xi32>], vector<16xf32>,
      %mul3A_1366 = arith.constant 16 : i32
      %mul3A_1367 = arith.muli %scan3A_16, %mul3A_1366 : i32
      %add3A_1368 = arith.constant 14 : i32
      %add3A_1369 = arith.addi %mul3A_1367, %add3A_1368 : i32
      %eq3A_1370 = arith.constant 14 : i32
      %eq3A_1371 = vector.broadcast %eq3A_1370 : i32 to vector<16xi32>
      %eq3A_1372 = arith.cmpi eq, %iota3A, %eq3A_1371 : vector<16xi32>
      %jit3A_1373 = arith.constant 0 : i32
      %broadcast_in_dim3A_1374 = vector.broadcast %jit3A_1373 : i32 to vector<16xi32>
      %select_n3A_1375 = arith.select %eq3A_1372, %get3A_28, %broadcast_in_dim3A_1374 : vector<16xi1>, vector<16xi32>
      %reduce_sum3A_1376 = arith.constant true
      %reduce_sum3A_1377 = vector.broadcast %reduce_sum3A_1376 : i1 to vector<16xi1>
      %reduce_sum3A_1378 = tpu.scan <sum>, %select_n3A_1375 masked %reduce_sum3A_1377 : vector<16xi32>, vector<16xi1> -> vector<16xi32>
      %reduce_sum3A_1379 = vector.extract %reduce_sum3A_1378[15] : i32 from vector<16xi32>
      %ne3A_1380 = arith.cmpi ne, %reduce_sum3A_1379, %reduce_sum3A_1283 : i32
      %broadcast_in_dim3A_1381 = vector.broadcast %reduce_sum3A_1379 : i32 to vector<16xi32>
      %broadcast_in_dim3A_1382 = vector.broadcast %add3A_1369 : i32 to vector<16xi32>
      %add3A_1383 = arith.constant 0 : i32
      %add3A_1384 = vector.broadcast %add3A_1383 : i32 to vector<16xi32>
      %add3A_1385 = arith.addi %iota3A, %add3A_1384 : vector<16xi32>
      %gather3A_1386 = tpu.vector_load_idx %arg5[%broadcast_in_dim3A_1382, %add3A_1385] : memref<320x128xf32, #tpu.memory_space<vmem>>[vector<16xi32>, vector<16xi32>], vector<16xf32>,
      %max3A_1387 = arith.maximumf %select_n3A_1292, %gather3A_1386 : vector<16xf32>
      %select_n3A_1388 = arith.select %ne3A_1380, %gather3A_1386, %max3A_1387 : vector<16xf32>
      %add3A_1389 = arith.constant 0 : i32
      %add3A_1390 = vector.broadcast %add3A_1389 : i32 to vector<16xi32>
      %add3A_1391 = arith.addi %iota3A, %add3A_1390 : vector<16xi32>
      tpu.vector_store_idx %arg7[%broadcast_in_dim3A_1381, %add3A_1391], %select_n3A_1388 : memref<256x128xf32, #tpu.memory_space<vmem>>[vector<16xi32>, vector<16xi32>], vector<16xf32>,
      %broadcast_in_dim3A_1392 = vector.broadcast %add3A_1369 : i32 to vector<16xi32>
      %add3A_1393 = arith.constant 16 : i32
      %add3A_1394 = vector.broadcast %add3A_1393 : i32 to vector<16xi32>
      %add3A_1395 = arith.addi %iota3A, %add3A_1394 : vector<16xi32>
      %gather3A_1396 = tpu.vector_load_idx %arg5[%broadcast_in_dim3A_1392, %add3A_1395] : memref<320x128xf32, #tpu.memory_space<vmem>>[vector<16xi32>, vector<16xi32>], vector<16xf32>,
      %max3A_1397 = arith.maximumf %select_n3A_1302, %gather3A_1396 : vector<16xf32>
      %select_n3A_1398 = arith.select %ne3A_1380, %gather3A_1396, %max3A_1397 : vector<16xf32>
      %add3A_1399 = arith.constant 16 : i32
      %add3A_1400 = vector.broadcast %add3A_1399 : i32 to vector<16xi32>
      %add3A_1401 = arith.addi %iota3A, %add3A_1400 : vector<16xi32>
      tpu.vector_store_idx %arg7[%broadcast_in_dim3A_1381, %add3A_1401], %select_n3A_1398 : memref<256x128xf32, #tpu.memory_space<vmem>>[vector<16xi32>, vector<16xi32>], vector<16xf32>,
      %broadcast_in_dim3A_1402 = vector.broadcast %add3A_1369 : i32 to vector<16xi32>
      %add3A_1403 = arith.constant 32 : i32
      %add3A_1404 = vector.broadcast %add3A_1403 : i32 to vector<16xi32>
      %add3A_1405 = arith.addi %iota3A, %add3A_1404 : vector<16xi32>
      %gather3A_1406 = tpu.vector_load_idx %arg5[%broadcast_in_dim3A_1402, %add3A_1405] : memref<320x128xf32, #tpu.memory_space<vmem>>[vector<16xi32>, vector<16xi32>], vector<16xf32>,
      %max3A_1407 = arith.maximumf %select_n3A_1312, %gather3A_1406 : vector<16xf32>
      %select_n3A_1408 = arith.select %ne3A_1380, %gather3A_1406, %max3A_1407 : vector<16xf32>
      %add3A_1409 = arith.constant 32 : i32
      %add3A_1410 = vector.broadcast %add3A_1409 : i32 to vector<16xi32>
      %add3A_1411 = arith.addi %iota3A, %add3A_1410 : vector<16xi32>
      tpu.vector_store_idx %arg7[%broadcast_in_dim3A_1381, %add3A_1411], %select_n3A_1408 : memref<256x128xf32, #tpu.memory_space<vmem>>[vector<16xi32>, vector<16xi32>], vector<16xf32>,
      %broadcast_in_dim3A_1412 = vector.broadcast %add3A_1369 : i32 to vector<16xi32>
      %add3A_1413 = arith.constant 48 : i32
      %add3A_1414 = vector.broadcast %add3A_1413 : i32 to vector<16xi32>
      %add3A_1415 = arith.addi %iota3A, %add3A_1414 : vector<16xi32>
      %gather3A_1416 = tpu.vector_load_idx %arg5[%broadcast_in_dim3A_1412, %add3A_1415] : memref<320x128xf32, #tpu.memory_space<vmem>>[vector<16xi32>, vector<16xi32>], vector<16xf32>,
      %max3A_1417 = arith.maximumf %select_n3A_1322, %gather3A_1416 : vector<16xf32>
      %select_n3A_1418 = arith.select %ne3A_1380, %gather3A_1416, %max3A_1417 : vector<16xf32>
      %add3A_1419 = arith.constant 48 : i32
      %add3A_1420 = vector.broadcast %add3A_1419 : i32 to vector<16xi32>
      %add3A_1421 = arith.addi %iota3A, %add3A_1420 : vector<16xi32>
      tpu.vector_store_idx %arg7[%broadcast_in_dim3A_1381, %add3A_1421], %select_n3A_1418 : memref<256x128xf32, #tpu.memory_space<vmem>>[vector<16xi32>, vector<16xi32>], vector<16xf32>,
      %broadcast_in_dim3A_1422 = vector.broadcast %add3A_1369 : i32 to vector<16xi32>
      %add3A_1423 = arith.constant 64 : i32
      %add3A_1424 = vector.broadcast %add3A_1423 : i32 to vector<16xi32>
      %add3A_1425 = arith.addi %iota3A, %add3A_1424 : vector<16xi32>
      %gather3A_1426 = tpu.vector_load_idx %arg5[%broadcast_in_dim3A_1422, %add3A_1425] : memref<320x128xf32, #tpu.memory_space<vmem>>[vector<16xi32>, vector<16xi32>], vector<16xf32>,
      %max3A_1427 = arith.maximumf %select_n3A_1332, %gather3A_1426 : vector<16xf32>
      %select_n3A_1428 = arith.select %ne3A_1380, %gather3A_1426, %max3A_1427 : vector<16xf32>
      %add3A_1429 = arith.constant 64 : i32
      %add3A_1430 = vector.broadcast %add3A_1429 : i32 to vector<16xi32>
      %add3A_1431 = arith.addi %iota3A, %add3A_1430 : vector<16xi32>
      tpu.vector_store_idx %arg7[%broadcast_in_dim3A_1381, %add3A_1431], %select_n3A_1428 : memref<256x128xf32, #tpu.memory_space<vmem>>[vector<16xi32>, vector<16xi32>], vector<16xf32>,
      %broadcast_in_dim3A_1432 = vector.broadcast %add3A_1369 : i32 to vector<16xi32>
      %add3A_1433 = arith.constant 80 : i32
      %add3A_1434 = vector.broadcast %add3A_1433 : i32 to vector<16xi32>
      %add3A_1435 = arith.addi %iota3A, %add3A_1434 : vector<16xi32>
      %gather3A_1436 = tpu.vector_load_idx %arg5[%broadcast_in_dim3A_1432, %add3A_1435] : memref<320x128xf32, #tpu.memory_space<vmem>>[vector<16xi32>, vector<16xi32>], vector<16xf32>,
      %max3A_1437 = arith.maximumf %select_n3A_1342, %gather3A_1436 : vector<16xf32>
      %select_n3A_1438 = arith.select %ne3A_1380, %gather3A_1436, %max3A_1437 : vector<16xf32>
      %add3A_1439 = arith.constant 80 : i32
      %add3A_1440 = vector.broadcast %add3A_1439 : i32 to vector<16xi32>
      %add3A_1441 = arith.addi %iota3A, %add3A_1440 : vector<16xi32>
      tpu.vector_store_idx %arg7[%broadcast_in_dim3A_1381, %add3A_1441], %select_n3A_1438 : memref<256x128xf32, #tpu.memory_space<vmem>>[vector<16xi32>, vector<16xi32>], vector<16xf32>,
      %broadcast_in_dim3A_1442 = vector.broadcast %add3A_1369 : i32 to vector<16xi32>
      %add3A_1443 = arith.constant 96 : i32
      %add3A_1444 = vector.broadcast %add3A_1443 : i32 to vector<16xi32>
      %add3A_1445 = arith.addi %iota3A, %add3A_1444 : vector<16xi32>
      %gather3A_1446 = tpu.vector_load_idx %arg5[%broadcast_in_dim3A_1442, %add3A_1445] : memref<320x128xf32, #tpu.memory_space<vmem>>[vector<16xi32>, vector<16xi32>], vector<16xf32>,
      %max3A_1447 = arith.maximumf %select_n3A_1352, %gather3A_1446 : vector<16xf32>
      %select_n3A_1448 = arith.select %ne3A_1380, %gather3A_1446, %max3A_1447 : vector<16xf32>
      %add3A_1449 = arith.constant 96 : i32
      %add3A_1450 = vector.broadcast %add3A_1449 : i32 to vector<16xi32>
      %add3A_1451 = arith.addi %iota3A, %add3A_1450 : vector<16xi32>
      tpu.vector_store_idx %arg7[%broadcast_in_dim3A_1381, %add3A_1451], %select_n3A_1448 : memref<256x128xf32, #tpu.memory_space<vmem>>[vector<16xi32>, vector<16xi32>], vector<16xf32>,
      %broadcast_in_dim3A_1452 = vector.broadcast %add3A_1369 : i32 to vector<16xi32>
      %add3A_1453 = arith.constant 112 : i32
      %add3A_1454 = vector.broadcast %add3A_1453 : i32 to vector<16xi32>
      %add3A_1455 = arith.addi %iota3A, %add3A_1454 : vector<16xi32>
      %gather3A_1456 = tpu.vector_load_idx %arg5[%broadcast_in_dim3A_1452, %add3A_1455] : memref<320x128xf32, #tpu.memory_space<vmem>>[vector<16xi32>, vector<16xi32>], vector<16xf32>,
      %max3A_1457 = arith.maximumf %select_n3A_1362, %gather3A_1456 : vector<16xf32>
      %select_n3A_1458 = arith.select %ne3A_1380, %gather3A_1456, %max3A_1457 : vector<16xf32>
      %add3A_1459 = arith.constant 112 : i32
      %add3A_1460 = vector.broadcast %add3A_1459 : i32 to vector<16xi32>
      %add3A_1461 = arith.addi %iota3A, %add3A_1460 : vector<16xi32>
      tpu.vector_store_idx %arg7[%broadcast_in_dim3A_1381, %add3A_1461], %select_n3A_1458 : memref<256x128xf32, #tpu.memory_space<vmem>>[vector<16xi32>, vector<16xi32>], vector<16xf32>,
      %mul3A_1462 = arith.constant 16 : i32
      %mul3A_1463 = arith.muli %scan3A_16, %mul3A_1462 : i32
      %add3A_1464 = arith.constant 15 : i32
      %add3A_1465 = arith.addi %mul3A_1463, %add3A_1464 : i32
      %eq3A_1466 = arith.constant 15 : i32
      %eq3A_1467 = vector.broadcast %eq3A_1466 : i32 to vector<16xi32>
      %eq3A_1468 = arith.cmpi eq, %iota3A, %eq3A_1467 : vector<16xi32>
      %jit3A_1469 = arith.constant 0 : i32
      %broadcast_in_dim3A_1470 = vector.broadcast %jit3A_1469 : i32 to vector<16xi32>
      %select_n3A_1471 = arith.select %eq3A_1468, %get3A_28, %broadcast_in_dim3A_1470 : vector<16xi1>, vector<16xi32>
      %reduce_sum3A_1472 = arith.constant true
      %reduce_sum3A_1473 = vector.broadcast %reduce_sum3A_1472 : i1 to vector<16xi1>
      %reduce_sum3A_1474 = tpu.scan <sum>, %select_n3A_1471 masked %reduce_sum3A_1473 : vector<16xi32>, vector<16xi1> -> vector<16xi32>
      %reduce_sum3A_1475 = vector.extract %reduce_sum3A_1474[15] : i32 from vector<16xi32>
      %ne3A_1476 = arith.cmpi ne, %reduce_sum3A_1475, %reduce_sum3A_1379 : i32
      %broadcast_in_dim3A_1477 = vector.broadcast %reduce_sum3A_1475 : i32 to vector<16xi32>
      %broadcast_in_dim3A_1478 = vector.broadcast %add3A_1465 : i32 to vector<16xi32>
      %add3A_1479 = arith.constant 0 : i32
      %add3A_1480 = vector.broadcast %add3A_1479 : i32 to vector<16xi32>
      %add3A_1481 = arith.addi %iota3A, %add3A_1480 : vector<16xi32>
      %gather3A_1482 = tpu.vector_load_idx %arg5[%broadcast_in_dim3A_1478, %add3A_1481] : memref<320x128xf32, #tpu.memory_space<vmem>>[vector<16xi32>, vector<16xi32>], vector<16xf32>,
      %max3A_1483 = arith.maximumf %select_n3A_1388, %gather3A_1482 : vector<16xf32>
      %select_n3A_1484 = arith.select %ne3A_1476, %gather3A_1482, %max3A_1483 : vector<16xf32>
      %add3A_1485 = arith.constant 0 : i32
      %add3A_1486 = vector.broadcast %add3A_1485 : i32 to vector<16xi32>
      %add3A_1487 = arith.addi %iota3A, %add3A_1486 : vector<16xi32>
      tpu.vector_store_idx %arg7[%broadcast_in_dim3A_1477, %add3A_1487], %select_n3A_1484 : memref<256x128xf32, #tpu.memory_space<vmem>>[vector<16xi32>, vector<16xi32>], vector<16xf32>,
      %broadcast_in_dim3A_1488 = vector.broadcast %add3A_1465 : i32 to vector<16xi32>
      %add3A_1489 = arith.constant 16 : i32
      %add3A_1490 = vector.broadcast %add3A_1489 : i32 to vector<16xi32>
      %add3A_1491 = arith.addi %iota3A, %add3A_1490 : vector<16xi32>
      %gather3A_1492 = tpu.vector_load_idx %arg5[%broadcast_in_dim3A_1488, %add3A_1491] : memref<320x128xf32, #tpu.memory_space<vmem>>[vector<16xi32>, vector<16xi32>], vector<16xf32>,
      %max3A_1493 = arith.maximumf %select_n3A_1398, %gather3A_1492 : vector<16xf32>
      %select_n3A_1494 = arith.select %ne3A_1476, %gather3A_1492, %max3A_1493 : vector<16xf32>
      %add3A_1495 = arith.constant 16 : i32
      %add3A_1496 = vector.broadcast %add3A_1495 : i32 to vector<16xi32>
      %add3A_1497 = arith.addi %iota3A, %add3A_1496 : vector<16xi32>
      tpu.vector_store_idx %arg7[%broadcast_in_dim3A_1477, %add3A_1497], %select_n3A_1494 : memref<256x128xf32, #tpu.memory_space<vmem>>[vector<16xi32>, vector<16xi32>], vector<16xf32>,
      %broadcast_in_dim3A_1498 = vector.broadcast %add3A_1465 : i32 to vector<16xi32>
      %add3A_1499 = arith.constant 32 : i32
      %add3A_1500 = vector.broadcast %add3A_1499 : i32 to vector<16xi32>
      %add3A_1501 = arith.addi %iota3A, %add3A_1500 : vector<16xi32>
      %gather3A_1502 = tpu.vector_load_idx %arg5[%broadcast_in_dim3A_1498, %add3A_1501] : memref<320x128xf32, #tpu.memory_space<vmem>>[vector<16xi32>, vector<16xi32>], vector<16xf32>,
      %max3A_1503 = arith.maximumf %select_n3A_1408, %gather3A_1502 : vector<16xf32>
      %select_n3A_1504 = arith.select %ne3A_1476, %gather3A_1502, %max3A_1503 : vector<16xf32>
      %add3A_1505 = arith.constant 32 : i32
      %add3A_1506 = vector.broadcast %add3A_1505 : i32 to vector<16xi32>
      %add3A_1507 = arith.addi %iota3A, %add3A_1506 : vector<16xi32>
      tpu.vector_store_idx %arg7[%broadcast_in_dim3A_1477, %add3A_1507], %select_n3A_1504 : memref<256x128xf32, #tpu.memory_space<vmem>>[vector<16xi32>, vector<16xi32>], vector<16xf32>,
      %broadcast_in_dim3A_1508 = vector.broadcast %add3A_1465 : i32 to vector<16xi32>
      %add3A_1509 = arith.constant 48 : i32
      %add3A_1510 = vector.broadcast %add3A_1509 : i32 to vector<16xi32>
      %add3A_1511 = arith.addi %iota3A, %add3A_1510 : vector<16xi32>
      %gather3A_1512 = tpu.vector_load_idx %arg5[%broadcast_in_dim3A_1508, %add3A_1511] : memref<320x128xf32, #tpu.memory_space<vmem>>[vector<16xi32>, vector<16xi32>], vector<16xf32>,
      %max3A_1513 = arith.maximumf %select_n3A_1418, %gather3A_1512 : vector<16xf32>
      %select_n3A_1514 = arith.select %ne3A_1476, %gather3A_1512, %max3A_1513 : vector<16xf32>
      %add3A_1515 = arith.constant 48 : i32
      %add3A_1516 = vector.broadcast %add3A_1515 : i32 to vector<16xi32>
      %add3A_1517 = arith.addi %iota3A, %add3A_1516 : vector<16xi32>
      tpu.vector_store_idx %arg7[%broadcast_in_dim3A_1477, %add3A_1517], %select_n3A_1514 : memref<256x128xf32, #tpu.memory_space<vmem>>[vector<16xi32>, vector<16xi32>], vector<16xf32>,
      %broadcast_in_dim3A_1518 = vector.broadcast %add3A_1465 : i32 to vector<16xi32>
      %add3A_1519 = arith.constant 64 : i32
      %add3A_1520 = vector.broadcast %add3A_1519 : i32 to vector<16xi32>
      %add3A_1521 = arith.addi %iota3A, %add3A_1520 : vector<16xi32>
      %gather3A_1522 = tpu.vector_load_idx %arg5[%broadcast_in_dim3A_1518, %add3A_1521] : memref<320x128xf32, #tpu.memory_space<vmem>>[vector<16xi32>, vector<16xi32>], vector<16xf32>,
      %max3A_1523 = arith.maximumf %select_n3A_1428, %gather3A_1522 : vector<16xf32>
      %select_n3A_1524 = arith.select %ne3A_1476, %gather3A_1522, %max3A_1523 : vector<16xf32>
      %add3A_1525 = arith.constant 64 : i32
      %add3A_1526 = vector.broadcast %add3A_1525 : i32 to vector<16xi32>
      %add3A_1527 = arith.addi %iota3A, %add3A_1526 : vector<16xi32>
      tpu.vector_store_idx %arg7[%broadcast_in_dim3A_1477, %add3A_1527], %select_n3A_1524 : memref<256x128xf32, #tpu.memory_space<vmem>>[vector<16xi32>, vector<16xi32>], vector<16xf32>,
      %broadcast_in_dim3A_1528 = vector.broadcast %add3A_1465 : i32 to vector<16xi32>
      %add3A_1529 = arith.constant 80 : i32
      %add3A_1530 = vector.broadcast %add3A_1529 : i32 to vector<16xi32>
      %add3A_1531 = arith.addi %iota3A, %add3A_1530 : vector<16xi32>
      %gather3A_1532 = tpu.vector_load_idx %arg5[%broadcast_in_dim3A_1528, %add3A_1531] : memref<320x128xf32, #tpu.memory_space<vmem>>[vector<16xi32>, vector<16xi32>], vector<16xf32>,
      %max3A_1533 = arith.maximumf %select_n3A_1438, %gather3A_1532 : vector<16xf32>
      %select_n3A_1534 = arith.select %ne3A_1476, %gather3A_1532, %max3A_1533 : vector<16xf32>
      %add3A_1535 = arith.constant 80 : i32
      %add3A_1536 = vector.broadcast %add3A_1535 : i32 to vector<16xi32>
      %add3A_1537 = arith.addi %iota3A, %add3A_1536 : vector<16xi32>
      tpu.vector_store_idx %arg7[%broadcast_in_dim3A_1477, %add3A_1537], %select_n3A_1534 : memref<256x128xf32, #tpu.memory_space<vmem>>[vector<16xi32>, vector<16xi32>], vector<16xf32>,
      %broadcast_in_dim3A_1538 = vector.broadcast %add3A_1465 : i32 to vector<16xi32>
      %add3A_1539 = arith.constant 96 : i32
      %add3A_1540 = vector.broadcast %add3A_1539 : i32 to vector<16xi32>
      %add3A_1541 = arith.addi %iota3A, %add3A_1540 : vector<16xi32>
      %gather3A_1542 = tpu.vector_load_idx %arg5[%broadcast_in_dim3A_1538, %add3A_1541] : memref<320x128xf32, #tpu.memory_space<vmem>>[vector<16xi32>, vector<16xi32>], vector<16xf32>,
      %max3A_1543 = arith.maximumf %select_n3A_1448, %gather3A_1542 : vector<16xf32>
      %select_n3A_1544 = arith.select %ne3A_1476, %gather3A_1542, %max3A_1543 : vector<16xf32>
      %add3A_1545 = arith.constant 96 : i32
      %add3A_1546 = vector.broadcast %add3A_1545 : i32 to vector<16xi32>
      %add3A_1547 = arith.addi %iota3A, %add3A_1546 : vector<16xi32>
      tpu.vector_store_idx %arg7[%broadcast_in_dim3A_1477, %add3A_1547], %select_n3A_1544 : memref<256x128xf32, #tpu.memory_space<vmem>>[vector<16xi32>, vector<16xi32>], vector<16xf32>,
      %broadcast_in_dim3A_1548 = vector.broadcast %add3A_1465 : i32 to vector<16xi32>
      %add3A_1549 = arith.constant 112 : i32
      %add3A_1550 = vector.broadcast %add3A_1549 : i32 to vector<16xi32>
      %add3A_1551 = arith.addi %iota3A, %add3A_1550 : vector<16xi32>
      %gather3A_1552 = tpu.vector_load_idx %arg5[%broadcast_in_dim3A_1548, %add3A_1551] : memref<320x128xf32, #tpu.memory_space<vmem>>[vector<16xi32>, vector<16xi32>], vector<16xf32>,
      %max3A_1553 = arith.maximumf %select_n3A_1458, %gather3A_1552 : vector<16xf32>
      %select_n3A_1554 = arith.select %ne3A_1476, %gather3A_1552, %max3A_1553 : vector<16xf32>
      %add3A_1555 = arith.constant 112 : i32
      %add3A_1556 = vector.broadcast %add3A_1555 : i32 to vector<16xi32>
      %add3A_1557 = arith.addi %iota3A, %add3A_1556 : vector<16xi32>
      tpu.vector_store_idx %arg7[%broadcast_in_dim3A_1477, %add3A_1557], %select_n3A_1554 : memref<256x128xf32, #tpu.memory_space<vmem>>[vector<16xi32>, vector<16xi32>], vector<16xf32>,
      scf.yield %reduce_sum3A_1475, %select_n3A_1484, %select_n3A_1494, %select_n3A_1504, %select_n3A_1514, %select_n3A_1524, %select_n3A_1534, %select_n3A_1544, %select_n3A_1554 : i32, vector<16xf32>, vector<16xf32>, vector<16xf32>, vector<16xf32>, vector<16xf32>, vector<16xf32>, vector<16xf32>, vector<16xf32>
    }
    %scan3A_15 = arith.constant 20 : i32
    "tpu.region"() ({
      %run_scoped3A = tpu.sem_alloc : memref<!tpu.dma_semaphore, #tpu.memory_space<semaphore_mem>>
      %dma_start3A = arith.constant 0 : i32
      %dma_start3A_16 = arith.constant 0 : i32
      %dma_start3A_17 = tpu.memref_slice %arg4[%add3A, %dma_start3A, %dma_start3A_16] : memref<32x256x128xf32, #tpu.memory_space<hbm>> -> memref<1x256x128xf32, #tpu.memory_space<hbm>>
      %dma_start3A_18 = tpu.memref_squeeze %dma_start3A_17 : memref<1x256x128xf32, #tpu.memory_space<hbm>> -> memref<256x128xf32, #tpu.memory_space<hbm>>
      %dma_start3A_19 = arith.constant 0 : i32
      %dma_start3A_20 = arith.constant 0 : i32
      %dma_start3A_21 = tpu.memref_slice %arg4[%add3A, %dma_start3A_19, %dma_start3A_20] : memref<32x256x128xf32, #tpu.memory_space<hbm>> -> memref<1x256x128xf32, #tpu.memory_space<hbm>>
      %dma_start3A_22 = tpu.memref_squeeze %dma_start3A_21 : memref<1x256x128xf32, #tpu.memory_space<hbm>> -> memref<256x128xf32, #tpu.memory_space<hbm>>
      tpu.enqueue_dma source(%arg7 : memref<256x128xf32, #tpu.memory_space<vmem>>) target(%dma_start3A_22 : memref<256x128xf32, #tpu.memory_space<hbm>>) target_semaphore(%run_scoped3A : memref<!tpu.dma_semaphore, #tpu.memory_space<semaphore_mem>>)
      %dma_wait3A = arith.constant 0 : i32
      %dma_wait3A_23 = arith.constant 0 : i32
      %dma_wait3A_24 = tpu.memref_slice %arg4[%add3A, %dma_wait3A, %dma_wait3A_23] : memref<32x256x128xf32, #tpu.memory_space<hbm>> -> memref<1x256x128xf32, #tpu.memory_space<hbm>>
      %dma_wait3A_25 = tpu.memref_squeeze %dma_wait3A_24 : memref<1x256x128xf32, #tpu.memory_space<hbm>> -> memref<256x128xf32, #tpu.memory_space<hbm>>
      %dma_wait3A_26 = arith.constant 0 : i32
      %dma_wait3A_27 = arith.constant 0 : i32
      %dma_wait3A_28 = tpu.memref_slice %arg4[%add3A, %dma_wait3A_26, %dma_wait3A_27] : memref<32x256x128xf32, #tpu.memory_space<hbm>> -> memref<1x256x128xf32, #tpu.memory_space<hbm>>
      %dma_wait3A_29 = tpu.memref_squeeze %dma_wait3A_28 : memref<1x256x128xf32, #tpu.memory_space<hbm>> -> memref<256x128xf32, #tpu.memory_space<hbm>>
      tpu.wait_dma2 semaphore(%run_scoped3A : memref<!tpu.dma_semaphore, #tpu.memory_space<semaphore_mem>>) src(%arg7 : memref<256x128xf32, #tpu.memory_space<vmem>>) dst(%dma_wait3A_29 : memref<256x128xf32, #tpu.memory_space<hbm>>)
      tpu.yield
    }) : () -> ()
    return
  }
}

#map = affine_map<(d0, d1) -> (0, 0)>
#map1 = affine_map<(d0, d1) -> (0, 0, 0)>
module attributes {stable_mosaic.version = 14 : i64} {
  func.func @_edge_kernel(%arg0: i32, %arg1: i32, %arg2: memref<10000x128xf32, #tpu.memory_space<hbm>>, %arg3: memref<32x10112xi32, #tpu.memory_space<hbm>>, %arg4: memref<32x10112xi32, #tpu.memory_space<hbm>>, %arg5: memref<2x10240x128xf32, #tpu.memory_space<hbm>>, %arg6: memref<128xi32, #tpu.memory_space<vmem>>, %arg7: memref<128xi32, #tpu.memory_space<vmem>>, %arg8: memref<128x128xf32, #tpu.memory_space<vmem>>, %arg9: memref<10240x128xf32, #tpu.memory_space<vmem_shared>>, %arg10: memref<!tpu.dma_semaphore, #tpu.memory_space<semaphore_mem>>) attributes {dimension_semantics = [#tpu.dimension_semantics<core_parallel>, #tpu.dimension_semantics<subcore_parallel>], iteration_bounds = array<i64: 2, 16>, scalar_prefetch = 0 : i64, scratch_operands = 5 : i64, tpu.core_type = #tpu.core_type<sc_vector_subcore>, window_params = [{transform_indices = #map}, {transform_indices = #map}, {transform_indices = #map}, {transform_indices = #map1}]} {
    %mul3A = arith.constant 16 : i32
    %mul3A_0 = arith.muli %arg0, %mul3A : i32
    %add3A = arith.addi %mul3A_0, %arg1 : i32
    %broadcast_in_dim3A = arith.constant 0.000000e+00 : f32
    %broadcast_in_dim3A_1 = vector.broadcast %broadcast_in_dim3A : f32 to vector<16xf32>
    %scan3A = arith.constant 0 : i32
    %scan3A_2 = arith.constant 0 : i32
    %scan3A_3 = arith.constant 128 : i32
    %scan3A_4 = arith.addi %scan3A_2, %scan3A_3 : i32
    %scan3A_5 = arith.constant 1 : i32
    scf.for %scan3A_46 = %scan3A_2 to %scan3A_4 step %scan3A_5  : i32 {
      %swap3A = arith.index_cast %scan3A_46 : i32 to index
      %swap3A_47 = arith.constant 0 : index
      %swap3A_48 = tpu.vector_load %arg8[%swap3A, %swap3A_47] {strides = array<i32>} : memref<128x128xf32, #tpu.memory_space<vmem>>, vector<16xf32>,
      tpu.vector_store %arg8[%swap3A, %swap3A_47], %broadcast_in_dim3A_1 {strides = array<i32>} : memref<128x128xf32, #tpu.memory_space<vmem>>, vector<16xf32>,
      %swap3A_49 = arith.index_cast %scan3A_46 : i32 to index
      %swap3A_50 = arith.constant 16 : index
      %swap3A_51 = tpu.vector_load %arg8[%swap3A_49, %swap3A_50] {strides = array<i32>} : memref<128x128xf32, #tpu.memory_space<vmem>>, vector<16xf32>,
      tpu.vector_store %arg8[%swap3A_49, %swap3A_50], %broadcast_in_dim3A_1 {strides = array<i32>} : memref<128x128xf32, #tpu.memory_space<vmem>>, vector<16xf32>,
      %swap3A_52 = arith.index_cast %scan3A_46 : i32 to index
      %swap3A_53 = arith.constant 32 : index
      %swap3A_54 = tpu.vector_load %arg8[%swap3A_52, %swap3A_53] {strides = array<i32>} : memref<128x128xf32, #tpu.memory_space<vmem>>, vector<16xf32>,
      tpu.vector_store %arg8[%swap3A_52, %swap3A_53], %broadcast_in_dim3A_1 {strides = array<i32>} : memref<128x128xf32, #tpu.memory_space<vmem>>, vector<16xf32>,
      %swap3A_55 = arith.index_cast %scan3A_46 : i32 to index
      %swap3A_56 = arith.constant 48 : index
      %swap3A_57 = tpu.vector_load %arg8[%swap3A_55, %swap3A_56] {strides = array<i32>} : memref<128x128xf32, #tpu.memory_space<vmem>>, vector<16xf32>,
      tpu.vector_store %arg8[%swap3A_55, %swap3A_56], %broadcast_in_dim3A_1 {strides = array<i32>} : memref<128x128xf32, #tpu.memory_space<vmem>>, vector<16xf32>,
      %swap3A_58 = arith.index_cast %scan3A_46 : i32 to index
      %swap3A_59 = arith.constant 64 : index
      %swap3A_60 = tpu.vector_load %arg8[%swap3A_58, %swap3A_59] {strides = array<i32>} : memref<128x128xf32, #tpu.memory_space<vmem>>, vector<16xf32>,
      tpu.vector_store %arg8[%swap3A_58, %swap3A_59], %broadcast_in_dim3A_1 {strides = array<i32>} : memref<128x128xf32, #tpu.memory_space<vmem>>, vector<16xf32>,
      %swap3A_61 = arith.index_cast %scan3A_46 : i32 to index
      %swap3A_62 = arith.constant 80 : index
      %swap3A_63 = tpu.vector_load %arg8[%swap3A_61, %swap3A_62] {strides = array<i32>} : memref<128x128xf32, #tpu.memory_space<vmem>>, vector<16xf32>,
      tpu.vector_store %arg8[%swap3A_61, %swap3A_62], %broadcast_in_dim3A_1 {strides = array<i32>} : memref<128x128xf32, #tpu.memory_space<vmem>>, vector<16xf32>,
      %swap3A_64 = arith.index_cast %scan3A_46 : i32 to index
      %swap3A_65 = arith.constant 96 : index
      %swap3A_66 = tpu.vector_load %arg8[%swap3A_64, %swap3A_65] {strides = array<i32>} : memref<128x128xf32, #tpu.memory_space<vmem>>, vector<16xf32>,
      tpu.vector_store %arg8[%swap3A_64, %swap3A_65], %broadcast_in_dim3A_1 {strides = array<i32>} : memref<128x128xf32, #tpu.memory_space<vmem>>, vector<16xf32>,
      %swap3A_67 = arith.index_cast %scan3A_46 : i32 to index
      %swap3A_68 = arith.constant 112 : index
      %swap3A_69 = tpu.vector_load %arg8[%swap3A_67, %swap3A_68] {strides = array<i32>} : memref<128x128xf32, #tpu.memory_space<vmem>>, vector<16xf32>,
      tpu.vector_store %arg8[%swap3A_67, %swap3A_68], %broadcast_in_dim3A_1 {strides = array<i32>} : memref<128x128xf32, #tpu.memory_space<vmem>>, vector<16xf32>,
    }
    %scan3A_6 = arith.constant 128 : i32
    %mul3A_7 = arith.constant 640 : i32
    %mul3A_8 = arith.muli %arg1, %mul3A_7 : i32
    %add3A_9 = arith.constant 0 : i32
    %add3A_10 = arith.addi %mul3A_8, %add3A_9 : i32
    "tpu.region"() ({
      %run_scoped3A = tpu.sem_alloc : memref<!tpu.dma_semaphore, #tpu.memory_space<semaphore_mem>>
      %dma_start3A = arith.constant 0 : i32
      %dma_start3A_46 = arith.constant 0 : i32
      %dma_start3A_47 = tpu.memref_slice %arg8[%dma_start3A, %dma_start3A_46] : memref<128x128xf32, #tpu.memory_space<vmem>> -> memref<128x128xf32, #tpu.memory_space<vmem>>
      %dma_start3A_48 = arith.constant 0 : i32
      %dma_start3A_49 = tpu.memref_slice %arg9[%add3A_10, %dma_start3A_48] : memref<10240x128xf32, #tpu.memory_space<vmem_shared>> -> memref<128x128xf32, #tpu.memory_space<vmem_shared>>
      %dma_start3A_50 = arith.constant 0 : i32
      %dma_start3A_51 = tpu.memref_slice %arg9[%add3A_10, %dma_start3A_50] : memref<10240x128xf32, #tpu.memory_space<vmem_shared>> -> memref<128x128xf32, #tpu.memory_space<vmem_shared>>
      %dma_start3A_52 = arith.constant 0 : i32
      %dma_start3A_53 = arith.constant 0 : i32
      %dma_start3A_54 = tpu.memref_slice %arg8[%dma_start3A_52, %dma_start3A_53] : memref<128x128xf32, #tpu.memory_space<vmem>> -> memref<128x128xf32, #tpu.memory_space<vmem>>
      tpu.enqueue_dma source(%dma_start3A_54 : memref<128x128xf32, #tpu.memory_space<vmem>>) target(%dma_start3A_51 : memref<128x128xf32, #tpu.memory_space<vmem_shared>>) target_semaphore(%run_scoped3A : memref<!tpu.dma_semaphore, #tpu.memory_space<semaphore_mem>>)
      %dma_wait3A = arith.constant 0 : i32
      %dma_wait3A_55 = arith.constant 0 : i32
      %dma_wait3A_56 = tpu.memref_slice %arg8[%dma_wait3A, %dma_wait3A_55] : memref<128x128xf32, #tpu.memory_space<vmem>> -> memref<128x128xf32, #tpu.memory_space<vmem>>
      %dma_wait3A_57 = arith.constant 0 : i32
      %dma_wait3A_58 = tpu.memref_slice %arg9[%add3A_10, %dma_wait3A_57] : memref<10240x128xf32, #tpu.memory_space<vmem_shared>> -> memref<128x128xf32, #tpu.memory_space<vmem_shared>>
      %dma_wait3A_59 = arith.constant 0 : i32
      %dma_wait3A_60 = tpu.memref_slice %arg9[%add3A_10, %dma_wait3A_59] : memref<10240x128xf32, #tpu.memory_space<vmem_shared>> -> memref<128x128xf32, #tpu.memory_space<vmem_shared>>
      %dma_wait3A_61 = arith.constant 0 : i32
      %dma_wait3A_62 = arith.constant 0 : i32
      %dma_wait3A_63 = tpu.memref_slice %arg8[%dma_wait3A_61, %dma_wait3A_62] : memref<128x128xf32, #tpu.memory_space<vmem>> -> memref<128x128xf32, #tpu.memory_space<vmem>>
      tpu.wait_dma2 semaphore(%run_scoped3A : memref<!tpu.dma_semaphore, #tpu.memory_space<semaphore_mem>>) src(%dma_wait3A_63 : memref<128x128xf32, #tpu.memory_space<vmem>>) dst(%dma_wait3A_60 : memref<128x128xf32, #tpu.memory_space<vmem_shared>>)
      tpu.yield
    }) : () -> ()
    %add3A_11 = arith.constant 128 : i32
    %add3A_12 = arith.addi %mul3A_8, %add3A_11 : i32
    "tpu.region"() ({
      %run_scoped3A = tpu.sem_alloc : memref<!tpu.dma_semaphore, #tpu.memory_space<semaphore_mem>>
      %dma_start3A = arith.constant 0 : i32
      %dma_start3A_46 = arith.constant 0 : i32
      %dma_start3A_47 = tpu.memref_slice %arg8[%dma_start3A, %dma_start3A_46] : memref<128x128xf32, #tpu.memory_space<vmem>> -> memref<128x128xf32, #tpu.memory_space<vmem>>
      %dma_start3A_48 = arith.constant 0 : i32
      %dma_start3A_49 = tpu.memref_slice %arg9[%add3A_12, %dma_start3A_48] : memref<10240x128xf32, #tpu.memory_space<vmem_shared>> -> memref<128x128xf32, #tpu.memory_space<vmem_shared>>
      %dma_start3A_50 = arith.constant 0 : i32
      %dma_start3A_51 = tpu.memref_slice %arg9[%add3A_12, %dma_start3A_50] : memref<10240x128xf32, #tpu.memory_space<vmem_shared>> -> memref<128x128xf32, #tpu.memory_space<vmem_shared>>
      %dma_start3A_52 = arith.constant 0 : i32
      %dma_start3A_53 = arith.constant 0 : i32
      %dma_start3A_54 = tpu.memref_slice %arg8[%dma_start3A_52, %dma_start3A_53] : memref<128x128xf32, #tpu.memory_space<vmem>> -> memref<128x128xf32, #tpu.memory_space<vmem>>
      tpu.enqueue_dma source(%dma_start3A_54 : memref<128x128xf32, #tpu.memory_space<vmem>>) target(%dma_start3A_51 : memref<128x128xf32, #tpu.memory_space<vmem_shared>>) target_semaphore(%run_scoped3A : memref<!tpu.dma_semaphore, #tpu.memory_space<semaphore_mem>>)
      %dma_wait3A = arith.constant 0 : i32
      %dma_wait3A_55 = arith.constant 0 : i32
      %dma_wait3A_56 = tpu.memref_slice %arg8[%dma_wait3A, %dma_wait3A_55] : memref<128x128xf32, #tpu.memory_space<vmem>> -> memref<128x128xf32, #tpu.memory_space<vmem>>
      %dma_wait3A_57 = arith.constant 0 : i32
      %dma_wait3A_58 = tpu.memref_slice %arg9[%add3A_12, %dma_wait3A_57] : memref<10240x128xf32, #tpu.memory_space<vmem_shared>> -> memref<128x128xf32, #tpu.memory_space<vmem_shared>>
      %dma_wait3A_59 = arith.constant 0 : i32
      %dma_wait3A_60 = tpu.memref_slice %arg9[%add3A_12, %dma_wait3A_59] : memref<10240x128xf32, #tpu.memory_space<vmem_shared>> -> memref<128x128xf32, #tpu.memory_space<vmem_shared>>
      %dma_wait3A_61 = arith.constant 0 : i32
      %dma_wait3A_62 = arith.constant 0 : i32
      %dma_wait3A_63 = tpu.memref_slice %arg8[%dma_wait3A_61, %dma_wait3A_62] : memref<128x128xf32, #tpu.memory_space<vmem>> -> memref<128x128xf32, #tpu.memory_space<vmem>>
      tpu.wait_dma2 semaphore(%run_scoped3A : memref<!tpu.dma_semaphore, #tpu.memory_space<semaphore_mem>>) src(%dma_wait3A_63 : memref<128x128xf32, #tpu.memory_space<vmem>>) dst(%dma_wait3A_60 : memref<128x128xf32, #tpu.memory_space<vmem_shared>>)
      tpu.yield
    }) : () -> ()
    %add3A_13 = arith.constant 256 : i32
    %add3A_14 = arith.addi %mul3A_8, %add3A_13 : i32
    "tpu.region"() ({
      %run_scoped3A = tpu.sem_alloc : memref<!tpu.dma_semaphore, #tpu.memory_space<semaphore_mem>>
      %dma_start3A = arith.constant 0 : i32
      %dma_start3A_46 = arith.constant 0 : i32
      %dma_start3A_47 = tpu.memref_slice %arg8[%dma_start3A, %dma_start3A_46] : memref<128x128xf32, #tpu.memory_space<vmem>> -> memref<128x128xf32, #tpu.memory_space<vmem>>
      %dma_start3A_48 = arith.constant 0 : i32
      %dma_start3A_49 = tpu.memref_slice %arg9[%add3A_14, %dma_start3A_48] : memref<10240x128xf32, #tpu.memory_space<vmem_shared>> -> memref<128x128xf32, #tpu.memory_space<vmem_shared>>
      %dma_start3A_50 = arith.constant 0 : i32
      %dma_start3A_51 = tpu.memref_slice %arg9[%add3A_14, %dma_start3A_50] : memref<10240x128xf32, #tpu.memory_space<vmem_shared>> -> memref<128x128xf32, #tpu.memory_space<vmem_shared>>
      %dma_start3A_52 = arith.constant 0 : i32
      %dma_start3A_53 = arith.constant 0 : i32
      %dma_start3A_54 = tpu.memref_slice %arg8[%dma_start3A_52, %dma_start3A_53] : memref<128x128xf32, #tpu.memory_space<vmem>> -> memref<128x128xf32, #tpu.memory_space<vmem>>
      tpu.enqueue_dma source(%dma_start3A_54 : memref<128x128xf32, #tpu.memory_space<vmem>>) target(%dma_start3A_51 : memref<128x128xf32, #tpu.memory_space<vmem_shared>>) target_semaphore(%run_scoped3A : memref<!tpu.dma_semaphore, #tpu.memory_space<semaphore_mem>>)
      %dma_wait3A = arith.constant 0 : i32
      %dma_wait3A_55 = arith.constant 0 : i32
      %dma_wait3A_56 = tpu.memref_slice %arg8[%dma_wait3A, %dma_wait3A_55] : memref<128x128xf32, #tpu.memory_space<vmem>> -> memref<128x128xf32, #tpu.memory_space<vmem>>
      %dma_wait3A_57 = arith.constant 0 : i32
      %dma_wait3A_58 = tpu.memref_slice %arg9[%add3A_14, %dma_wait3A_57] : memref<10240x128xf32, #tpu.memory_space<vmem_shared>> -> memref<128x128xf32, #tpu.memory_space<vmem_shared>>
      %dma_wait3A_59 = arith.constant 0 : i32
      %dma_wait3A_60 = tpu.memref_slice %arg9[%add3A_14, %dma_wait3A_59] : memref<10240x128xf32, #tpu.memory_space<vmem_shared>> -> memref<128x128xf32, #tpu.memory_space<vmem_shared>>
      %dma_wait3A_61 = arith.constant 0 : i32
      %dma_wait3A_62 = arith.constant 0 : i32
      %dma_wait3A_63 = tpu.memref_slice %arg8[%dma_wait3A_61, %dma_wait3A_62] : memref<128x128xf32, #tpu.memory_space<vmem>> -> memref<128x128xf32, #tpu.memory_space<vmem>>
      tpu.wait_dma2 semaphore(%run_scoped3A : memref<!tpu.dma_semaphore, #tpu.memory_space<semaphore_mem>>) src(%dma_wait3A_63 : memref<128x128xf32, #tpu.memory_space<vmem>>) dst(%dma_wait3A_60 : memref<128x128xf32, #tpu.memory_space<vmem_shared>>)
      tpu.yield
    }) : () -> ()
    %add3A_15 = arith.constant 384 : i32
    %add3A_16 = arith.addi %mul3A_8, %add3A_15 : i32
    "tpu.region"() ({
      %run_scoped3A = tpu.sem_alloc : memref<!tpu.dma_semaphore, #tpu.memory_space<semaphore_mem>>
      %dma_start3A = arith.constant 0 : i32
      %dma_start3A_46 = arith.constant 0 : i32
      %dma_start3A_47 = tpu.memref_slice %arg8[%dma_start3A, %dma_start3A_46] : memref<128x128xf32, #tpu.memory_space<vmem>> -> memref<128x128xf32, #tpu.memory_space<vmem>>
      %dma_start3A_48 = arith.constant 0 : i32
      %dma_start3A_49 = tpu.memref_slice %arg9[%add3A_16, %dma_start3A_48] : memref<10240x128xf32, #tpu.memory_space<vmem_shared>> -> memref<128x128xf32, #tpu.memory_space<vmem_shared>>
      %dma_start3A_50 = arith.constant 0 : i32
      %dma_start3A_51 = tpu.memref_slice %arg9[%add3A_16, %dma_start3A_50] : memref<10240x128xf32, #tpu.memory_space<vmem_shared>> -> memref<128x128xf32, #tpu.memory_space<vmem_shared>>
      %dma_start3A_52 = arith.constant 0 : i32
      %dma_start3A_53 = arith.constant 0 : i32
      %dma_start3A_54 = tpu.memref_slice %arg8[%dma_start3A_52, %dma_start3A_53] : memref<128x128xf32, #tpu.memory_space<vmem>> -> memref<128x128xf32, #tpu.memory_space<vmem>>
      tpu.enqueue_dma source(%dma_start3A_54 : memref<128x128xf32, #tpu.memory_space<vmem>>) target(%dma_start3A_51 : memref<128x128xf32, #tpu.memory_space<vmem_shared>>) target_semaphore(%run_scoped3A : memref<!tpu.dma_semaphore, #tpu.memory_space<semaphore_mem>>)
      %dma_wait3A = arith.constant 0 : i32
      %dma_wait3A_55 = arith.constant 0 : i32
      %dma_wait3A_56 = tpu.memref_slice %arg8[%dma_wait3A, %dma_wait3A_55] : memref<128x128xf32, #tpu.memory_space<vmem>> -> memref<128x128xf32, #tpu.memory_space<vmem>>
      %dma_wait3A_57 = arith.constant 0 : i32
      %dma_wait3A_58 = tpu.memref_slice %arg9[%add3A_16, %dma_wait3A_57] : memref<10240x128xf32, #tpu.memory_space<vmem_shared>> -> memref<128x128xf32, #tpu.memory_space<vmem_shared>>
      %dma_wait3A_59 = arith.constant 0 : i32
      %dma_wait3A_60 = tpu.memref_slice %arg9[%add3A_16, %dma_wait3A_59] : memref<10240x128xf32, #tpu.memory_space<vmem_shared>> -> memref<128x128xf32, #tpu.memory_space<vmem_shared>>
      %dma_wait3A_61 = arith.constant 0 : i32
      %dma_wait3A_62 = arith.constant 0 : i32
      %dma_wait3A_63 = tpu.memref_slice %arg8[%dma_wait3A_61, %dma_wait3A_62] : memref<128x128xf32, #tpu.memory_space<vmem>> -> memref<128x128xf32, #tpu.memory_space<vmem>>
      tpu.wait_dma2 semaphore(%run_scoped3A : memref<!tpu.dma_semaphore, #tpu.memory_space<semaphore_mem>>) src(%dma_wait3A_63 : memref<128x128xf32, #tpu.memory_space<vmem>>) dst(%dma_wait3A_60 : memref<128x128xf32, #tpu.memory_space<vmem_shared>>)
      tpu.yield
    }) : () -> ()
    %add3A_17 = arith.constant 512 : i32
    %add3A_18 = arith.addi %mul3A_8, %add3A_17 : i32
    "tpu.region"() ({
      %run_scoped3A = tpu.sem_alloc : memref<!tpu.dma_semaphore, #tpu.memory_space<semaphore_mem>>
      %dma_start3A = arith.constant 0 : i32
      %dma_start3A_46 = arith.constant 0 : i32
      %dma_start3A_47 = tpu.memref_slice %arg8[%dma_start3A, %dma_start3A_46] : memref<128x128xf32, #tpu.memory_space<vmem>> -> memref<128x128xf32, #tpu.memory_space<vmem>>
      %dma_start3A_48 = arith.constant 0 : i32
      %dma_start3A_49 = tpu.memref_slice %arg9[%add3A_18, %dma_start3A_48] : memref<10240x128xf32, #tpu.memory_space<vmem_shared>> -> memref<128x128xf32, #tpu.memory_space<vmem_shared>>
      %dma_start3A_50 = arith.constant 0 : i32
      %dma_start3A_51 = tpu.memref_slice %arg9[%add3A_18, %dma_start3A_50] : memref<10240x128xf32, #tpu.memory_space<vmem_shared>> -> memref<128x128xf32, #tpu.memory_space<vmem_shared>>
      %dma_start3A_52 = arith.constant 0 : i32
      %dma_start3A_53 = arith.constant 0 : i32
      %dma_start3A_54 = tpu.memref_slice %arg8[%dma_start3A_52, %dma_start3A_53] : memref<128x128xf32, #tpu.memory_space<vmem>> -> memref<128x128xf32, #tpu.memory_space<vmem>>
      tpu.enqueue_dma source(%dma_start3A_54 : memref<128x128xf32, #tpu.memory_space<vmem>>) target(%dma_start3A_51 : memref<128x128xf32, #tpu.memory_space<vmem_shared>>) target_semaphore(%run_scoped3A : memref<!tpu.dma_semaphore, #tpu.memory_space<semaphore_mem>>)
      %dma_wait3A = arith.constant 0 : i32
      %dma_wait3A_55 = arith.constant 0 : i32
      %dma_wait3A_56 = tpu.memref_slice %arg8[%dma_wait3A, %dma_wait3A_55] : memref<128x128xf32, #tpu.memory_space<vmem>> -> memref<128x128xf32, #tpu.memory_space<vmem>>
      %dma_wait3A_57 = arith.constant 0 : i32
      %dma_wait3A_58 = tpu.memref_slice %arg9[%add3A_18, %dma_wait3A_57] : memref<10240x128xf32, #tpu.memory_space<vmem_shared>> -> memref<128x128xf32, #tpu.memory_space<vmem_shared>>
      %dma_wait3A_59 = arith.constant 0 : i32
      %dma_wait3A_60 = tpu.memref_slice %arg9[%add3A_18, %dma_wait3A_59] : memref<10240x128xf32, #tpu.memory_space<vmem_shared>> -> memref<128x128xf32, #tpu.memory_space<vmem_shared>>
      %dma_wait3A_61 = arith.constant 0 : i32
      %dma_wait3A_62 = arith.constant 0 : i32
      %dma_wait3A_63 = tpu.memref_slice %arg8[%dma_wait3A_61, %dma_wait3A_62] : memref<128x128xf32, #tpu.memory_space<vmem>> -> memref<128x128xf32, #tpu.memory_space<vmem>>
      tpu.wait_dma2 semaphore(%run_scoped3A : memref<!tpu.dma_semaphore, #tpu.memory_space<semaphore_mem>>) src(%dma_wait3A_63 : memref<128x128xf32, #tpu.memory_space<vmem>>) dst(%dma_wait3A_60 : memref<128x128xf32, #tpu.memory_space<vmem_shared>>)
      tpu.yield
    }) : () -> ()
    %barrier3A = arith.constant 0 : index
    tpu.barrier barrier_id(%barrier3A)
    %scan3A_19 = arith.constant 0 : i32
    %scan3A_20 = arith.constant 0 : i32
    %scan3A_21 = arith.constant 79 : i32
    %scan3A_22 = arith.addi %scan3A_20, %scan3A_21 : i32
    %scan3A_23 = arith.constant 1 : i32
    scf.for %scan3A_46 = %scan3A_20 to %scan3A_22 step %scan3A_23  : i32 {
      %mul3A_47 = arith.constant 128 : i32
      %mul3A_48 = arith.muli %scan3A_46, %mul3A_47 : i32
      "tpu.region"() ({
        %run_scoped3A = tpu.sem_alloc : memref<!tpu.dma_semaphore, #tpu.memory_space<semaphore_mem>>
        %dma_start3A_53 = tpu.memref_slice %arg3[%add3A, %mul3A_48] : memref<32x10112xi32, #tpu.memory_space<hbm>> -> memref<1x128xi32, #tpu.memory_space<hbm>>
        %dma_start3A_54 = tpu.memref_squeeze %dma_start3A_53 : memref<1x128xi32, #tpu.memory_space<hbm>> -> memref<128xi32, #tpu.memory_space<hbm>>
        %dma_start3A_55 = tpu.memref_slice %arg3[%add3A, %mul3A_48] : memref<32x10112xi32, #tpu.memory_space<hbm>> -> memref<1x128xi32, #tpu.memory_space<hbm>>
        %dma_start3A_56 = tpu.memref_squeeze %dma_start3A_55 : memref<1x128xi32, #tpu.memory_space<hbm>> -> memref<128xi32, #tpu.memory_space<hbm>>
        tpu.enqueue_dma source(%dma_start3A_56 : memref<128xi32, #tpu.memory_space<hbm>>) target(%arg6 : memref<128xi32, #tpu.memory_space<vmem>>) target_semaphore(%run_scoped3A : memref<!tpu.dma_semaphore, #tpu.memory_space<semaphore_mem>>)
        %dma_wait3A_57 = tpu.memref_slice %arg3[%add3A, %mul3A_48] : memref<32x10112xi32, #tpu.memory_space<hbm>> -> memref<1x128xi32, #tpu.memory_space<hbm>>
        %dma_wait3A_58 = tpu.memref_squeeze %dma_wait3A_57 : memref<1x128xi32, #tpu.memory_space<hbm>> -> memref<128xi32, #tpu.memory_space<hbm>>
        %dma_wait3A_59 = tpu.memref_slice %arg3[%add3A, %mul3A_48] : memref<32x10112xi32, #tpu.memory_space<hbm>> -> memref<1x128xi32, #tpu.memory_space<hbm>>
        %dma_wait3A_60 = tpu.memref_squeeze %dma_wait3A_59 : memref<1x128xi32, #tpu.memory_space<hbm>> -> memref<128xi32, #tpu.memory_space<hbm>>
        tpu.wait_dma2 semaphore(%run_scoped3A : memref<!tpu.dma_semaphore, #tpu.memory_space<semaphore_mem>>) src(%dma_wait3A_60 : memref<128xi32, #tpu.memory_space<hbm>>) dst(%arg6 : memref<128xi32, #tpu.memory_space<vmem>>)
        tpu.yield
      }) : () -> ()
      "tpu.region"() ({
        %run_scoped3A = tpu.sem_alloc : memref<!tpu.dma_semaphore, #tpu.memory_space<semaphore_mem>>
        %dma_start3A_53 = tpu.memref_slice %arg4[%add3A, %mul3A_48] : memref<32x10112xi32, #tpu.memory_space<hbm>> -> memref<1x128xi32, #tpu.memory_space<hbm>>
        %dma_start3A_54 = tpu.memref_squeeze %dma_start3A_53 : memref<1x128xi32, #tpu.memory_space<hbm>> -> memref<128xi32, #tpu.memory_space<hbm>>
        %dma_start3A_55 = tpu.memref_slice %arg4[%add3A, %mul3A_48] : memref<32x10112xi32, #tpu.memory_space<hbm>> -> memref<1x128xi32, #tpu.memory_space<hbm>>
        %dma_start3A_56 = tpu.memref_squeeze %dma_start3A_55 : memref<1x128xi32, #tpu.memory_space<hbm>> -> memref<128xi32, #tpu.memory_space<hbm>>
        tpu.enqueue_dma source(%dma_start3A_56 : memref<128xi32, #tpu.memory_space<hbm>>) target(%arg7 : memref<128xi32, #tpu.memory_space<vmem>>) target_semaphore(%run_scoped3A : memref<!tpu.dma_semaphore, #tpu.memory_space<semaphore_mem>>)
        %dma_wait3A_57 = tpu.memref_slice %arg4[%add3A, %mul3A_48] : memref<32x10112xi32, #tpu.memory_space<hbm>> -> memref<1x128xi32, #tpu.memory_space<hbm>>
        %dma_wait3A_58 = tpu.memref_squeeze %dma_wait3A_57 : memref<1x128xi32, #tpu.memory_space<hbm>> -> memref<128xi32, #tpu.memory_space<hbm>>
        %dma_wait3A_59 = tpu.memref_slice %arg4[%add3A, %mul3A_48] : memref<32x10112xi32, #tpu.memory_space<hbm>> -> memref<1x128xi32, #tpu.memory_space<hbm>>
        %dma_wait3A_60 = tpu.memref_squeeze %dma_wait3A_59 : memref<1x128xi32, #tpu.memory_space<hbm>> -> memref<128xi32, #tpu.memory_space<hbm>>
        tpu.wait_dma2 semaphore(%run_scoped3A : memref<!tpu.dma_semaphore, #tpu.memory_space<semaphore_mem>>) src(%dma_wait3A_60 : memref<128xi32, #tpu.memory_space<hbm>>) dst(%arg7 : memref<128xi32, #tpu.memory_space<vmem>>)
        tpu.yield
      }) : () -> ()
      %dma_start3A = arith.constant 0 : i32
      %dma_start3A_49 = arith.constant 0 : i32
      %dma_start3A_50 = tpu.memref_slice %arg2[%dma_start3A, %dma_start3A_49] : memref<10000x128xf32, #tpu.memory_space<hbm>> -> memref<10000x128xf32, #tpu.memory_space<hbm>>
      tpu.enqueue_indirect_dma source(%dma_start3A_50 : memref<10000x128xf32, #tpu.memory_space<hbm>>) target(%arg8 : memref<128x128xf32, #tpu.memory_space<vmem>>) offsets(%arg6 : memref<128xi32, #tpu.memory_space<vmem>>) semaphore(%arg10 : memref<!tpu.dma_semaphore, #tpu.memory_space<semaphore_mem>>)
      %dma_wait3A = arith.constant 0 : i32
      %dma_wait3A_51 = arith.constant 0 : i32
      %dma_wait3A_52 = tpu.memref_slice %arg2[%dma_wait3A, %dma_wait3A_51] : memref<10000x128xf32, #tpu.memory_space<hbm>> -> memref<10000x128xf32, #tpu.memory_space<hbm>>
      tpu.wait_indirect_dma semaphore(%arg10 : memref<!tpu.dma_semaphore, #tpu.memory_space<semaphore_mem>>) src(%dma_wait3A_52 : memref<10000x128xf32, #tpu.memory_space<hbm>>) dst(%arg8 : memref<128x128xf32, #tpu.memory_space<vmem>>)
      "tpu.region"() ({
        %run_scoped3A = tpu.sem_alloc : memref<!tpu.dma_semaphore, #tpu.memory_space<semaphore_mem>>
        %dma_start3A_53 = arith.constant 0 : i32
        %dma_start3A_54 = arith.constant 0 : i32
        %dma_start3A_55 = tpu.memref_slice %arg9[%dma_start3A_53, %dma_start3A_54] : memref<10240x128xf32, #tpu.memory_space<vmem_shared>> -> memref<10240x128xf32, #tpu.memory_space<vmem_shared>>
        tpu.enqueue_indirect_dma source(%arg8 : memref<128x128xf32, #tpu.memory_space<vmem>>) target(%dma_start3A_55 : memref<10240x128xf32, #tpu.memory_space<vmem_shared>>) offsets(%arg7 : memref<128xi32, #tpu.memory_space<vmem>>) semaphore(%run_scoped3A : memref<!tpu.dma_semaphore, #tpu.memory_space<semaphore_mem>>) {add = true}
        %dma_wait3A_56 = arith.constant 0 : i32
        %dma_wait3A_57 = arith.constant 0 : i32
        %dma_wait3A_58 = tpu.memref_slice %arg9[%dma_wait3A_56, %dma_wait3A_57] : memref<10240x128xf32, #tpu.memory_space<vmem_shared>> -> memref<10240x128xf32, #tpu.memory_space<vmem_shared>>
        tpu.wait_indirect_dma semaphore(%run_scoped3A : memref<!tpu.dma_semaphore, #tpu.memory_space<semaphore_mem>>) src(%arg8 : memref<128x128xf32, #tpu.memory_space<vmem>>) dst(%dma_wait3A_58 : memref<10240x128xf32, #tpu.memory_space<vmem_shared>>)
        tpu.yield
      }) : () -> ()
    }
    %scan3A_24 = arith.constant 79 : i32
    %barrier3A_25 = arith.constant 0 : index
    tpu.barrier barrier_id(%barrier3A_25)
    %add3A_26 = arith.constant 0 : i32
    %add3A_27 = arith.addi %mul3A_8, %add3A_26 : i32
    "tpu.region"() ({
      %run_scoped3A = tpu.sem_alloc : memref<!tpu.dma_semaphore, #tpu.memory_space<semaphore_mem>>
      %dma_start3A = arith.constant 0 : i32
      %dma_start3A_46 = arith.constant 0 : i32
      %dma_start3A_47 = tpu.memref_slice %arg8[%dma_start3A, %dma_start3A_46] : memref<128x128xf32, #tpu.memory_space<vmem>> -> memref<128x128xf32, #tpu.memory_space<vmem>>
      %dma_start3A_48 = arith.constant 0 : i32
      %dma_start3A_49 = tpu.memref_slice %arg9[%add3A_27, %dma_start3A_48] : memref<10240x128xf32, #tpu.memory_space<vmem_shared>> -> memref<128x128xf32, #tpu.memory_space<vmem_shared>>
      %dma_start3A_50 = arith.constant 0 : i32
      %dma_start3A_51 = arith.constant 0 : i32
      %dma_start3A_52 = tpu.memref_slice %arg8[%dma_start3A_50, %dma_start3A_51] : memref<128x128xf32, #tpu.memory_space<vmem>> -> memref<128x128xf32, #tpu.memory_space<vmem>>
      %dma_start3A_53 = arith.constant 0 : i32
      %dma_start3A_54 = tpu.memref_slice %arg9[%add3A_27, %dma_start3A_53] : memref<10240x128xf32, #tpu.memory_space<vmem_shared>> -> memref<128x128xf32, #tpu.memory_space<vmem_shared>>
      tpu.enqueue_dma source(%dma_start3A_54 : memref<128x128xf32, #tpu.memory_space<vmem_shared>>) target(%dma_start3A_52 : memref<128x128xf32, #tpu.memory_space<vmem>>) target_semaphore(%run_scoped3A : memref<!tpu.dma_semaphore, #tpu.memory_space<semaphore_mem>>)
      %dma_wait3A = arith.constant 0 : i32
      %dma_wait3A_55 = arith.constant 0 : i32
      %dma_wait3A_56 = tpu.memref_slice %arg8[%dma_wait3A, %dma_wait3A_55] : memref<128x128xf32, #tpu.memory_space<vmem>> -> memref<128x128xf32, #tpu.memory_space<vmem>>
      %dma_wait3A_57 = arith.constant 0 : i32
      %dma_wait3A_58 = tpu.memref_slice %arg9[%add3A_27, %dma_wait3A_57] : memref<10240x128xf32, #tpu.memory_space<vmem_shared>> -> memref<128x128xf32, #tpu.memory_space<vmem_shared>>
      %dma_wait3A_59 = arith.constant 0 : i32
      %dma_wait3A_60 = arith.constant 0 : i32
      %dma_wait3A_61 = tpu.memref_slice %arg8[%dma_wait3A_59, %dma_wait3A_60] : memref<128x128xf32, #tpu.memory_space<vmem>> -> memref<128x128xf32, #tpu.memory_space<vmem>>
      %dma_wait3A_62 = arith.constant 0 : i32
      %dma_wait3A_63 = tpu.memref_slice %arg9[%add3A_27, %dma_wait3A_62] : memref<10240x128xf32, #tpu.memory_space<vmem_shared>> -> memref<128x128xf32, #tpu.memory_space<vmem_shared>>
      tpu.wait_dma2 semaphore(%run_scoped3A : memref<!tpu.dma_semaphore, #tpu.memory_space<semaphore_mem>>) src(%dma_wait3A_63 : memref<128x128xf32, #tpu.memory_space<vmem_shared>>) dst(%dma_wait3A_61 : memref<128x128xf32, #tpu.memory_space<vmem>>)
      tpu.yield
    }) : () -> ()
    %add3A_28 = arith.constant 0 : i32
    %add3A_29 = arith.addi %mul3A_8, %add3A_28 : i32
    "tpu.region"() ({
      %run_scoped3A = tpu.sem_alloc : memref<!tpu.dma_semaphore, #tpu.memory_space<semaphore_mem>>
      %dma_start3A = arith.constant 0 : i32
      %dma_start3A_46 = arith.constant 0 : i32
      %dma_start3A_47 = tpu.memref_slice %arg8[%dma_start3A, %dma_start3A_46] : memref<128x128xf32, #tpu.memory_space<vmem>> -> memref<128x128xf32, #tpu.memory_space<vmem>>
      %dma_start3A_48 = arith.constant 0 : i32
      %dma_start3A_49 = tpu.memref_slice %arg5[%arg0, %add3A_29, %dma_start3A_48] : memref<2x10240x128xf32, #tpu.memory_space<hbm>> -> memref<1x128x128xf32, #tpu.memory_space<hbm>>
      %dma_start3A_50 = tpu.memref_squeeze %dma_start3A_49 : memref<1x128x128xf32, #tpu.memory_space<hbm>> -> memref<128x128xf32, #tpu.memory_space<hbm>>
      %dma_start3A_51 = arith.constant 0 : i32
      %dma_start3A_52 = tpu.memref_slice %arg5[%arg0, %add3A_29, %dma_start3A_51] : memref<2x10240x128xf32, #tpu.memory_space<hbm>> -> memref<1x128x128xf32, #tpu.memory_space<hbm>>
      %dma_start3A_53 = tpu.memref_squeeze %dma_start3A_52 : memref<1x128x128xf32, #tpu.memory_space<hbm>> -> memref<128x128xf32, #tpu.memory_space<hbm>>
      %dma_start3A_54 = arith.constant 0 : i32
      %dma_start3A_55 = arith.constant 0 : i32
      %dma_start3A_56 = tpu.memref_slice %arg8[%dma_start3A_54, %dma_start3A_55] : memref<128x128xf32, #tpu.memory_space<vmem>> -> memref<128x128xf32, #tpu.memory_space<vmem>>
      tpu.enqueue_dma source(%dma_start3A_56 : memref<128x128xf32, #tpu.memory_space<vmem>>) target(%dma_start3A_53 : memref<128x128xf32, #tpu.memory_space<hbm>>) target_semaphore(%run_scoped3A : memref<!tpu.dma_semaphore, #tpu.memory_space<semaphore_mem>>)
      %dma_wait3A = arith.constant 0 : i32
      %dma_wait3A_57 = arith.constant 0 : i32
      %dma_wait3A_58 = tpu.memref_slice %arg8[%dma_wait3A, %dma_wait3A_57] : memref<128x128xf32, #tpu.memory_space<vmem>> -> memref<128x128xf32, #tpu.memory_space<vmem>>
      %dma_wait3A_59 = arith.constant 0 : i32
      %dma_wait3A_60 = tpu.memref_slice %arg5[%arg0, %add3A_29, %dma_wait3A_59] : memref<2x10240x128xf32, #tpu.memory_space<hbm>> -> memref<1x128x128xf32, #tpu.memory_space<hbm>>
      %dma_wait3A_61 = tpu.memref_squeeze %dma_wait3A_60 : memref<1x128x128xf32, #tpu.memory_space<hbm>> -> memref<128x128xf32, #tpu.memory_space<hbm>>
      %dma_wait3A_62 = arith.constant 0 : i32
      %dma_wait3A_63 = tpu.memref_slice %arg5[%arg0, %add3A_29, %dma_wait3A_62] : memref<2x10240x128xf32, #tpu.memory_space<hbm>> -> memref<1x128x128xf32, #tpu.memory_space<hbm>>
      %dma_wait3A_64 = tpu.memref_squeeze %dma_wait3A_63 : memref<1x128x128xf32, #tpu.memory_space<hbm>> -> memref<128x128xf32, #tpu.memory_space<hbm>>
      %dma_wait3A_65 = arith.constant 0 : i32
      %dma_wait3A_66 = arith.constant 0 : i32
      %dma_wait3A_67 = tpu.memref_slice %arg8[%dma_wait3A_65, %dma_wait3A_66] : memref<128x128xf32, #tpu.memory_space<vmem>> -> memref<128x128xf32, #tpu.memory_space<vmem>>
      tpu.wait_dma2 semaphore(%run_scoped3A : memref<!tpu.dma_semaphore, #tpu.memory_space<semaphore_mem>>) src(%dma_wait3A_67 : memref<128x128xf32, #tpu.memory_space<vmem>>) dst(%dma_wait3A_64 : memref<128x128xf32, #tpu.memory_space<hbm>>)
      tpu.yield
    }) : () -> ()
    %add3A_30 = arith.constant 128 : i32
    %add3A_31 = arith.addi %mul3A_8, %add3A_30 : i32
    "tpu.region"() ({
      %run_scoped3A = tpu.sem_alloc : memref<!tpu.dma_semaphore, #tpu.memory_space<semaphore_mem>>
      %dma_start3A = arith.constant 0 : i32
      %dma_start3A_46 = arith.constant 0 : i32
      %dma_start3A_47 = tpu.memref_slice %arg8[%dma_start3A, %dma_start3A_46] : memref<128x128xf32, #tpu.memory_space<vmem>> -> memref<128x128xf32, #tpu.memory_space<vmem>>
      %dma_start3A_48 = arith.constant 0 : i32
      %dma_start3A_49 = tpu.memref_slice %arg9[%add3A_31, %dma_start3A_48] : memref<10240x128xf32, #tpu.memory_space<vmem_shared>> -> memref<128x128xf32, #tpu.memory_space<vmem_shared>>
      %dma_start3A_50 = arith.constant 0 : i32
      %dma_start3A_51 = arith.constant 0 : i32
      %dma_start3A_52 = tpu.memref_slice %arg8[%dma_start3A_50, %dma_start3A_51] : memref<128x128xf32, #tpu.memory_space<vmem>> -> memref<128x128xf32, #tpu.memory_space<vmem>>
      %dma_start3A_53 = arith.constant 0 : i32
      %dma_start3A_54 = tpu.memref_slice %arg9[%add3A_31, %dma_start3A_53] : memref<10240x128xf32, #tpu.memory_space<vmem_shared>> -> memref<128x128xf32, #tpu.memory_space<vmem_shared>>
      tpu.enqueue_dma source(%dma_start3A_54 : memref<128x128xf32, #tpu.memory_space<vmem_shared>>) target(%dma_start3A_52 : memref<128x128xf32, #tpu.memory_space<vmem>>) target_semaphore(%run_scoped3A : memref<!tpu.dma_semaphore, #tpu.memory_space<semaphore_mem>>)
      %dma_wait3A = arith.constant 0 : i32
      %dma_wait3A_55 = arith.constant 0 : i32
      %dma_wait3A_56 = tpu.memref_slice %arg8[%dma_wait3A, %dma_wait3A_55] : memref<128x128xf32, #tpu.memory_space<vmem>> -> memref<128x128xf32, #tpu.memory_space<vmem>>
      %dma_wait3A_57 = arith.constant 0 : i32
      %dma_wait3A_58 = tpu.memref_slice %arg9[%add3A_31, %dma_wait3A_57] : memref<10240x128xf32, #tpu.memory_space<vmem_shared>> -> memref<128x128xf32, #tpu.memory_space<vmem_shared>>
      %dma_wait3A_59 = arith.constant 0 : i32
      %dma_wait3A_60 = arith.constant 0 : i32
      %dma_wait3A_61 = tpu.memref_slice %arg8[%dma_wait3A_59, %dma_wait3A_60] : memref<128x128xf32, #tpu.memory_space<vmem>> -> memref<128x128xf32, #tpu.memory_space<vmem>>
      %dma_wait3A_62 = arith.constant 0 : i32
      %dma_wait3A_63 = tpu.memref_slice %arg9[%add3A_31, %dma_wait3A_62] : memref<10240x128xf32, #tpu.memory_space<vmem_shared>> -> memref<128x128xf32, #tpu.memory_space<vmem_shared>>
      tpu.wait_dma2 semaphore(%run_scoped3A : memref<!tpu.dma_semaphore, #tpu.memory_space<semaphore_mem>>) src(%dma_wait3A_63 : memref<128x128xf32, #tpu.memory_space<vmem_shared>>) dst(%dma_wait3A_61 : memref<128x128xf32, #tpu.memory_space<vmem>>)
      tpu.yield
    }) : () -> ()
    %add3A_32 = arith.constant 128 : i32
    %add3A_33 = arith.addi %mul3A_8, %add3A_32 : i32
    "tpu.region"() ({
      %run_scoped3A = tpu.sem_alloc : memref<!tpu.dma_semaphore, #tpu.memory_space<semaphore_mem>>
      %dma_start3A = arith.constant 0 : i32
      %dma_start3A_46 = arith.constant 0 : i32
      %dma_start3A_47 = tpu.memref_slice %arg8[%dma_start3A, %dma_start3A_46] : memref<128x128xf32, #tpu.memory_space<vmem>> -> memref<128x128xf32, #tpu.memory_space<vmem>>
      %dma_start3A_48 = arith.constant 0 : i32
      %dma_start3A_49 = tpu.memref_slice %arg5[%arg0, %add3A_33, %dma_start3A_48] : memref<2x10240x128xf32, #tpu.memory_space<hbm>> -> memref<1x128x128xf32, #tpu.memory_space<hbm>>
      %dma_start3A_50 = tpu.memref_squeeze %dma_start3A_49 : memref<1x128x128xf32, #tpu.memory_space<hbm>> -> memref<128x128xf32, #tpu.memory_space<hbm>>
      %dma_start3A_51 = arith.constant 0 : i32
      %dma_start3A_52 = tpu.memref_slice %arg5[%arg0, %add3A_33, %dma_start3A_51] : memref<2x10240x128xf32, #tpu.memory_space<hbm>> -> memref<1x128x128xf32, #tpu.memory_space<hbm>>
      %dma_start3A_53 = tpu.memref_squeeze %dma_start3A_52 : memref<1x128x128xf32, #tpu.memory_space<hbm>> -> memref<128x128xf32, #tpu.memory_space<hbm>>
      %dma_start3A_54 = arith.constant 0 : i32
      %dma_start3A_55 = arith.constant 0 : i32
      %dma_start3A_56 = tpu.memref_slice %arg8[%dma_start3A_54, %dma_start3A_55] : memref<128x128xf32, #tpu.memory_space<vmem>> -> memref<128x128xf32, #tpu.memory_space<vmem>>
      tpu.enqueue_dma source(%dma_start3A_56 : memref<128x128xf32, #tpu.memory_space<vmem>>) target(%dma_start3A_53 : memref<128x128xf32, #tpu.memory_space<hbm>>) target_semaphore(%run_scoped3A : memref<!tpu.dma_semaphore, #tpu.memory_space<semaphore_mem>>)
      %dma_wait3A = arith.constant 0 : i32
      %dma_wait3A_57 = arith.constant 0 : i32
      %dma_wait3A_58 = tpu.memref_slice %arg8[%dma_wait3A, %dma_wait3A_57] : memref<128x128xf32, #tpu.memory_space<vmem>> -> memref<128x128xf32, #tpu.memory_space<vmem>>
      %dma_wait3A_59 = arith.constant 0 : i32
      %dma_wait3A_60 = tpu.memref_slice %arg5[%arg0, %add3A_33, %dma_wait3A_59] : memref<2x10240x128xf32, #tpu.memory_space<hbm>> -> memref<1x128x128xf32, #tpu.memory_space<hbm>>
      %dma_wait3A_61 = tpu.memref_squeeze %dma_wait3A_60 : memref<1x128x128xf32, #tpu.memory_space<hbm>> -> memref<128x128xf32, #tpu.memory_space<hbm>>
      %dma_wait3A_62 = arith.constant 0 : i32
      %dma_wait3A_63 = tpu.memref_slice %arg5[%arg0, %add3A_33, %dma_wait3A_62] : memref<2x10240x128xf32, #tpu.memory_space<hbm>> -> memref<1x128x128xf32, #tpu.memory_space<hbm>>
      %dma_wait3A_64 = tpu.memref_squeeze %dma_wait3A_63 : memref<1x128x128xf32, #tpu.memory_space<hbm>> -> memref<128x128xf32, #tpu.memory_space<hbm>>
      %dma_wait3A_65 = arith.constant 0 : i32
      %dma_wait3A_66 = arith.constant 0 : i32
      %dma_wait3A_67 = tpu.memref_slice %arg8[%dma_wait3A_65, %dma_wait3A_66] : memref<128x128xf32, #tpu.memory_space<vmem>> -> memref<128x128xf32, #tpu.memory_space<vmem>>
      tpu.wait_dma2 semaphore(%run_scoped3A : memref<!tpu.dma_semaphore, #tpu.memory_space<semaphore_mem>>) src(%dma_wait3A_67 : memref<128x128xf32, #tpu.memory_space<vmem>>) dst(%dma_wait3A_64 : memref<128x128xf32, #tpu.memory_space<hbm>>)
      tpu.yield
    }) : () -> ()
    %add3A_34 = arith.constant 256 : i32
    %add3A_35 = arith.addi %mul3A_8, %add3A_34 : i32
    "tpu.region"() ({
      %run_scoped3A = tpu.sem_alloc : memref<!tpu.dma_semaphore, #tpu.memory_space<semaphore_mem>>
      %dma_start3A = arith.constant 0 : i32
      %dma_start3A_46 = arith.constant 0 : i32
      %dma_start3A_47 = tpu.memref_slice %arg8[%dma_start3A, %dma_start3A_46] : memref<128x128xf32, #tpu.memory_space<vmem>> -> memref<128x128xf32, #tpu.memory_space<vmem>>
      %dma_start3A_48 = arith.constant 0 : i32
      %dma_start3A_49 = tpu.memref_slice %arg9[%add3A_35, %dma_start3A_48] : memref<10240x128xf32, #tpu.memory_space<vmem_shared>> -> memref<128x128xf32, #tpu.memory_space<vmem_shared>>
      %dma_start3A_50 = arith.constant 0 : i32
      %dma_start3A_51 = arith.constant 0 : i32
      %dma_start3A_52 = tpu.memref_slice %arg8[%dma_start3A_50, %dma_start3A_51] : memref<128x128xf32, #tpu.memory_space<vmem>> -> memref<128x128xf32, #tpu.memory_space<vmem>>
      %dma_start3A_53 = arith.constant 0 : i32
      %dma_start3A_54 = tpu.memref_slice %arg9[%add3A_35, %dma_start3A_53] : memref<10240x128xf32, #tpu.memory_space<vmem_shared>> -> memref<128x128xf32, #tpu.memory_space<vmem_shared>>
      tpu.enqueue_dma source(%dma_start3A_54 : memref<128x128xf32, #tpu.memory_space<vmem_shared>>) target(%dma_start3A_52 : memref<128x128xf32, #tpu.memory_space<vmem>>) target_semaphore(%run_scoped3A : memref<!tpu.dma_semaphore, #tpu.memory_space<semaphore_mem>>)
      %dma_wait3A = arith.constant 0 : i32
      %dma_wait3A_55 = arith.constant 0 : i32
      %dma_wait3A_56 = tpu.memref_slice %arg8[%dma_wait3A, %dma_wait3A_55] : memref<128x128xf32, #tpu.memory_space<vmem>> -> memref<128x128xf32, #tpu.memory_space<vmem>>
      %dma_wait3A_57 = arith.constant 0 : i32
      %dma_wait3A_58 = tpu.memref_slice %arg9[%add3A_35, %dma_wait3A_57] : memref<10240x128xf32, #tpu.memory_space<vmem_shared>> -> memref<128x128xf32, #tpu.memory_space<vmem_shared>>
      %dma_wait3A_59 = arith.constant 0 : i32
      %dma_wait3A_60 = arith.constant 0 : i32
      %dma_wait3A_61 = tpu.memref_slice %arg8[%dma_wait3A_59, %dma_wait3A_60] : memref<128x128xf32, #tpu.memory_space<vmem>> -> memref<128x128xf32, #tpu.memory_space<vmem>>
      %dma_wait3A_62 = arith.constant 0 : i32
      %dma_wait3A_63 = tpu.memref_slice %arg9[%add3A_35, %dma_wait3A_62] : memref<10240x128xf32, #tpu.memory_space<vmem_shared>> -> memref<128x128xf32, #tpu.memory_space<vmem_shared>>
      tpu.wait_dma2 semaphore(%run_scoped3A : memref<!tpu.dma_semaphore, #tpu.memory_space<semaphore_mem>>) src(%dma_wait3A_63 : memref<128x128xf32, #tpu.memory_space<vmem_shared>>) dst(%dma_wait3A_61 : memref<128x128xf32, #tpu.memory_space<vmem>>)
      tpu.yield
    }) : () -> ()
    %add3A_36 = arith.constant 256 : i32
    %add3A_37 = arith.addi %mul3A_8, %add3A_36 : i32
    "tpu.region"() ({
      %run_scoped3A = tpu.sem_alloc : memref<!tpu.dma_semaphore, #tpu.memory_space<semaphore_mem>>
      %dma_start3A = arith.constant 0 : i32
      %dma_start3A_46 = arith.constant 0 : i32
      %dma_start3A_47 = tpu.memref_slice %arg8[%dma_start3A, %dma_start3A_46] : memref<128x128xf32, #tpu.memory_space<vmem>> -> memref<128x128xf32, #tpu.memory_space<vmem>>
      %dma_start3A_48 = arith.constant 0 : i32
      %dma_start3A_49 = tpu.memref_slice %arg5[%arg0, %add3A_37, %dma_start3A_48] : memref<2x10240x128xf32, #tpu.memory_space<hbm>> -> memref<1x128x128xf32, #tpu.memory_space<hbm>>
      %dma_start3A_50 = tpu.memref_squeeze %dma_start3A_49 : memref<1x128x128xf32, #tpu.memory_space<hbm>> -> memref<128x128xf32, #tpu.memory_space<hbm>>
      %dma_start3A_51 = arith.constant 0 : i32
      %dma_start3A_52 = tpu.memref_slice %arg5[%arg0, %add3A_37, %dma_start3A_51] : memref<2x10240x128xf32, #tpu.memory_space<hbm>> -> memref<1x128x128xf32, #tpu.memory_space<hbm>>
      %dma_start3A_53 = tpu.memref_squeeze %dma_start3A_52 : memref<1x128x128xf32, #tpu.memory_space<hbm>> -> memref<128x128xf32, #tpu.memory_space<hbm>>
      %dma_start3A_54 = arith.constant 0 : i32
      %dma_start3A_55 = arith.constant 0 : i32
      %dma_start3A_56 = tpu.memref_slice %arg8[%dma_start3A_54, %dma_start3A_55] : memref<128x128xf32, #tpu.memory_space<vmem>> -> memref<128x128xf32, #tpu.memory_space<vmem>>
      tpu.enqueue_dma source(%dma_start3A_56 : memref<128x128xf32, #tpu.memory_space<vmem>>) target(%dma_start3A_53 : memref<128x128xf32, #tpu.memory_space<hbm>>) target_semaphore(%run_scoped3A : memref<!tpu.dma_semaphore, #tpu.memory_space<semaphore_mem>>)
      %dma_wait3A = arith.constant 0 : i32
      %dma_wait3A_57 = arith.constant 0 : i32
      %dma_wait3A_58 = tpu.memref_slice %arg8[%dma_wait3A, %dma_wait3A_57] : memref<128x128xf32, #tpu.memory_space<vmem>> -> memref<128x128xf32, #tpu.memory_space<vmem>>
      %dma_wait3A_59 = arith.constant 0 : i32
      %dma_wait3A_60 = tpu.memref_slice %arg5[%arg0, %add3A_37, %dma_wait3A_59] : memref<2x10240x128xf32, #tpu.memory_space<hbm>> -> memref<1x128x128xf32, #tpu.memory_space<hbm>>
      %dma_wait3A_61 = tpu.memref_squeeze %dma_wait3A_60 : memref<1x128x128xf32, #tpu.memory_space<hbm>> -> memref<128x128xf32, #tpu.memory_space<hbm>>
      %dma_wait3A_62 = arith.constant 0 : i32
      %dma_wait3A_63 = tpu.memref_slice %arg5[%arg0, %add3A_37, %dma_wait3A_62] : memref<2x10240x128xf32, #tpu.memory_space<hbm>> -> memref<1x128x128xf32, #tpu.memory_space<hbm>>
      %dma_wait3A_64 = tpu.memref_squeeze %dma_wait3A_63 : memref<1x128x128xf32, #tpu.memory_space<hbm>> -> memref<128x128xf32, #tpu.memory_space<hbm>>
      %dma_wait3A_65 = arith.constant 0 : i32
      %dma_wait3A_66 = arith.constant 0 : i32
      %dma_wait3A_67 = tpu.memref_slice %arg8[%dma_wait3A_65, %dma_wait3A_66] : memref<128x128xf32, #tpu.memory_space<vmem>> -> memref<128x128xf32, #tpu.memory_space<vmem>>
      tpu.wait_dma2 semaphore(%run_scoped3A : memref<!tpu.dma_semaphore, #tpu.memory_space<semaphore_mem>>) src(%dma_wait3A_67 : memref<128x128xf32, #tpu.memory_space<vmem>>) dst(%dma_wait3A_64 : memref<128x128xf32, #tpu.memory_space<hbm>>)
      tpu.yield
    }) : () -> ()
    %add3A_38 = arith.constant 384 : i32
    %add3A_39 = arith.addi %mul3A_8, %add3A_38 : i32
    "tpu.region"() ({
      %run_scoped3A = tpu.sem_alloc : memref<!tpu.dma_semaphore, #tpu.memory_space<semaphore_mem>>
      %dma_start3A = arith.constant 0 : i32
      %dma_start3A_46 = arith.constant 0 : i32
      %dma_start3A_47 = tpu.memref_slice %arg8[%dma_start3A, %dma_start3A_46] : memref<128x128xf32, #tpu.memory_space<vmem>> -> memref<128x128xf32, #tpu.memory_space<vmem>>
      %dma_start3A_48 = arith.constant 0 : i32
      %dma_start3A_49 = tpu.memref_slice %arg9[%add3A_39, %dma_start3A_48] : memref<10240x128xf32, #tpu.memory_space<vmem_shared>> -> memref<128x128xf32, #tpu.memory_space<vmem_shared>>
      %dma_start3A_50 = arith.constant 0 : i32
      %dma_start3A_51 = arith.constant 0 : i32
      %dma_start3A_52 = tpu.memref_slice %arg8[%dma_start3A_50, %dma_start3A_51] : memref<128x128xf32, #tpu.memory_space<vmem>> -> memref<128x128xf32, #tpu.memory_space<vmem>>
      %dma_start3A_53 = arith.constant 0 : i32
      %dma_start3A_54 = tpu.memref_slice %arg9[%add3A_39, %dma_start3A_53] : memref<10240x128xf32, #tpu.memory_space<vmem_shared>> -> memref<128x128xf32, #tpu.memory_space<vmem_shared>>
      tpu.enqueue_dma source(%dma_start3A_54 : memref<128x128xf32, #tpu.memory_space<vmem_shared>>) target(%dma_start3A_52 : memref<128x128xf32, #tpu.memory_space<vmem>>) target_semaphore(%run_scoped3A : memref<!tpu.dma_semaphore, #tpu.memory_space<semaphore_mem>>)
      %dma_wait3A = arith.constant 0 : i32
      %dma_wait3A_55 = arith.constant 0 : i32
      %dma_wait3A_56 = tpu.memref_slice %arg8[%dma_wait3A, %dma_wait3A_55] : memref<128x128xf32, #tpu.memory_space<vmem>> -> memref<128x128xf32, #tpu.memory_space<vmem>>
      %dma_wait3A_57 = arith.constant 0 : i32
      %dma_wait3A_58 = tpu.memref_slice %arg9[%add3A_39, %dma_wait3A_57] : memref<10240x128xf32, #tpu.memory_space<vmem_shared>> -> memref<128x128xf32, #tpu.memory_space<vmem_shared>>
      %dma_wait3A_59 = arith.constant 0 : i32
      %dma_wait3A_60 = arith.constant 0 : i32
      %dma_wait3A_61 = tpu.memref_slice %arg8[%dma_wait3A_59, %dma_wait3A_60] : memref<128x128xf32, #tpu.memory_space<vmem>> -> memref<128x128xf32, #tpu.memory_space<vmem>>
      %dma_wait3A_62 = arith.constant 0 : i32
      %dma_wait3A_63 = tpu.memref_slice %arg9[%add3A_39, %dma_wait3A_62] : memref<10240x128xf32, #tpu.memory_space<vmem_shared>> -> memref<128x128xf32, #tpu.memory_space<vmem_shared>>
      tpu.wait_dma2 semaphore(%run_scoped3A : memref<!tpu.dma_semaphore, #tpu.memory_space<semaphore_mem>>) src(%dma_wait3A_63 : memref<128x128xf32, #tpu.memory_space<vmem_shared>>) dst(%dma_wait3A_61 : memref<128x128xf32, #tpu.memory_space<vmem>>)
      tpu.yield
    }) : () -> ()
    %add3A_40 = arith.constant 384 : i32
    %add3A_41 = arith.addi %mul3A_8, %add3A_40 : i32
    "tpu.region"() ({
      %run_scoped3A = tpu.sem_alloc : memref<!tpu.dma_semaphore, #tpu.memory_space<semaphore_mem>>
      %dma_start3A = arith.constant 0 : i32
      %dma_start3A_46 = arith.constant 0 : i32
      %dma_start3A_47 = tpu.memref_slice %arg8[%dma_start3A, %dma_start3A_46] : memref<128x128xf32, #tpu.memory_space<vmem>> -> memref<128x128xf32, #tpu.memory_space<vmem>>
      %dma_start3A_48 = arith.constant 0 : i32
      %dma_start3A_49 = tpu.memref_slice %arg5[%arg0, %add3A_41, %dma_start3A_48] : memref<2x10240x128xf32, #tpu.memory_space<hbm>> -> memref<1x128x128xf32, #tpu.memory_space<hbm>>
      %dma_start3A_50 = tpu.memref_squeeze %dma_start3A_49 : memref<1x128x128xf32, #tpu.memory_space<hbm>> -> memref<128x128xf32, #tpu.memory_space<hbm>>
      %dma_start3A_51 = arith.constant 0 : i32
      %dma_start3A_52 = tpu.memref_slice %arg5[%arg0, %add3A_41, %dma_start3A_51] : memref<2x10240x128xf32, #tpu.memory_space<hbm>> -> memref<1x128x128xf32, #tpu.memory_space<hbm>>
      %dma_start3A_53 = tpu.memref_squeeze %dma_start3A_52 : memref<1x128x128xf32, #tpu.memory_space<hbm>> -> memref<128x128xf32, #tpu.memory_space<hbm>>
      %dma_start3A_54 = arith.constant 0 : i32
      %dma_start3A_55 = arith.constant 0 : i32
      %dma_start3A_56 = tpu.memref_slice %arg8[%dma_start3A_54, %dma_start3A_55] : memref<128x128xf32, #tpu.memory_space<vmem>> -> memref<128x128xf32, #tpu.memory_space<vmem>>
      tpu.enqueue_dma source(%dma_start3A_56 : memref<128x128xf32, #tpu.memory_space<vmem>>) target(%dma_start3A_53 : memref<128x128xf32, #tpu.memory_space<hbm>>) target_semaphore(%run_scoped3A : memref<!tpu.dma_semaphore, #tpu.memory_space<semaphore_mem>>)
      %dma_wait3A = arith.constant 0 : i32
      %dma_wait3A_57 = arith.constant 0 : i32
      %dma_wait3A_58 = tpu.memref_slice %arg8[%dma_wait3A, %dma_wait3A_57] : memref<128x128xf32, #tpu.memory_space<vmem>> -> memref<128x128xf32, #tpu.memory_space<vmem>>
      %dma_wait3A_59 = arith.constant 0 : i32
      %dma_wait3A_60 = tpu.memref_slice %arg5[%arg0, %add3A_41, %dma_wait3A_59] : memref<2x10240x128xf32, #tpu.memory_space<hbm>> -> memref<1x128x128xf32, #tpu.memory_space<hbm>>
      %dma_wait3A_61 = tpu.memref_squeeze %dma_wait3A_60 : memref<1x128x128xf32, #tpu.memory_space<hbm>> -> memref<128x128xf32, #tpu.memory_space<hbm>>
      %dma_wait3A_62 = arith.constant 0 : i32
      %dma_wait3A_63 = tpu.memref_slice %arg5[%arg0, %add3A_41, %dma_wait3A_62] : memref<2x10240x128xf32, #tpu.memory_space<hbm>> -> memref<1x128x128xf32, #tpu.memory_space<hbm>>
      %dma_wait3A_64 = tpu.memref_squeeze %dma_wait3A_63 : memref<1x128x128xf32, #tpu.memory_space<hbm>> -> memref<128x128xf32, #tpu.memory_space<hbm>>
      %dma_wait3A_65 = arith.constant 0 : i32
      %dma_wait3A_66 = arith.constant 0 : i32
      %dma_wait3A_67 = tpu.memref_slice %arg8[%dma_wait3A_65, %dma_wait3A_66] : memref<128x128xf32, #tpu.memory_space<vmem>> -> memref<128x128xf32, #tpu.memory_space<vmem>>
      tpu.wait_dma2 semaphore(%run_scoped3A : memref<!tpu.dma_semaphore, #tpu.memory_space<semaphore_mem>>) src(%dma_wait3A_67 : memref<128x128xf32, #tpu.memory_space<vmem>>) dst(%dma_wait3A_64 : memref<128x128xf32, #tpu.memory_space<hbm>>)
      tpu.yield
    }) : () -> ()
    %add3A_42 = arith.constant 512 : i32
    %add3A_43 = arith.addi %mul3A_8, %add3A_42 : i32
    "tpu.region"() ({
      %run_scoped3A = tpu.sem_alloc : memref<!tpu.dma_semaphore, #tpu.memory_space<semaphore_mem>>
      %dma_start3A = arith.constant 0 : i32
      %dma_start3A_46 = arith.constant 0 : i32
      %dma_start3A_47 = tpu.memref_slice %arg8[%dma_start3A, %dma_start3A_46] : memref<128x128xf32, #tpu.memory_space<vmem>> -> memref<128x128xf32, #tpu.memory_space<vmem>>
      %dma_start3A_48 = arith.constant 0 : i32
      %dma_start3A_49 = tpu.memref_slice %arg9[%add3A_43, %dma_start3A_48] : memref<10240x128xf32, #tpu.memory_space<vmem_shared>> -> memref<128x128xf32, #tpu.memory_space<vmem_shared>>
      %dma_start3A_50 = arith.constant 0 : i32
      %dma_start3A_51 = arith.constant 0 : i32
      %dma_start3A_52 = tpu.memref_slice %arg8[%dma_start3A_50, %dma_start3A_51] : memref<128x128xf32, #tpu.memory_space<vmem>> -> memref<128x128xf32, #tpu.memory_space<vmem>>
      %dma_start3A_53 = arith.constant 0 : i32
      %dma_start3A_54 = tpu.memref_slice %arg9[%add3A_43, %dma_start3A_53] : memref<10240x128xf32, #tpu.memory_space<vmem_shared>> -> memref<128x128xf32, #tpu.memory_space<vmem_shared>>
      tpu.enqueue_dma source(%dma_start3A_54 : memref<128x128xf32, #tpu.memory_space<vmem_shared>>) target(%dma_start3A_52 : memref<128x128xf32, #tpu.memory_space<vmem>>) target_semaphore(%run_scoped3A : memref<!tpu.dma_semaphore, #tpu.memory_space<semaphore_mem>>)
      %dma_wait3A = arith.constant 0 : i32
      %dma_wait3A_55 = arith.constant 0 : i32
      %dma_wait3A_56 = tpu.memref_slice %arg8[%dma_wait3A, %dma_wait3A_55] : memref<128x128xf32, #tpu.memory_space<vmem>> -> memref<128x128xf32, #tpu.memory_space<vmem>>
      %dma_wait3A_57 = arith.constant 0 : i32
      %dma_wait3A_58 = tpu.memref_slice %arg9[%add3A_43, %dma_wait3A_57] : memref<10240x128xf32, #tpu.memory_space<vmem_shared>> -> memref<128x128xf32, #tpu.memory_space<vmem_shared>>
      %dma_wait3A_59 = arith.constant 0 : i32
      %dma_wait3A_60 = arith.constant 0 : i32
      %dma_wait3A_61 = tpu.memref_slice %arg8[%dma_wait3A_59, %dma_wait3A_60] : memref<128x128xf32, #tpu.memory_space<vmem>> -> memref<128x128xf32, #tpu.memory_space<vmem>>
      %dma_wait3A_62 = arith.constant 0 : i32
      %dma_wait3A_63 = tpu.memref_slice %arg9[%add3A_43, %dma_wait3A_62] : memref<10240x128xf32, #tpu.memory_space<vmem_shared>> -> memref<128x128xf32, #tpu.memory_space<vmem_shared>>
      tpu.wait_dma2 semaphore(%run_scoped3A : memref<!tpu.dma_semaphore, #tpu.memory_space<semaphore_mem>>) src(%dma_wait3A_63 : memref<128x128xf32, #tpu.memory_space<vmem_shared>>) dst(%dma_wait3A_61 : memref<128x128xf32, #tpu.memory_space<vmem>>)
      tpu.yield
    }) : () -> ()
    %add3A_44 = arith.constant 512 : i32
    %add3A_45 = arith.addi %mul3A_8, %add3A_44 : i32
    "tpu.region"() ({
      %run_scoped3A = tpu.sem_alloc : memref<!tpu.dma_semaphore, #tpu.memory_space<semaphore_mem>>
      %dma_start3A = arith.constant 0 : i32
      %dma_start3A_46 = arith.constant 0 : i32
      %dma_start3A_47 = tpu.memref_slice %arg8[%dma_start3A, %dma_start3A_46] : memref<128x128xf32, #tpu.memory_space<vmem>> -> memref<128x128xf32, #tpu.memory_space<vmem>>
      %dma_start3A_48 = arith.constant 0 : i32
      %dma_start3A_49 = tpu.memref_slice %arg5[%arg0, %add3A_45, %dma_start3A_48] : memref<2x10240x128xf32, #tpu.memory_space<hbm>> -> memref<1x128x128xf32, #tpu.memory_space<hbm>>
      %dma_start3A_50 = tpu.memref_squeeze %dma_start3A_49 : memref<1x128x128xf32, #tpu.memory_space<hbm>> -> memref<128x128xf32, #tpu.memory_space<hbm>>
      %dma_start3A_51 = arith.constant 0 : i32
      %dma_start3A_52 = tpu.memref_slice %arg5[%arg0, %add3A_45, %dma_start3A_51] : memref<2x10240x128xf32, #tpu.memory_space<hbm>> -> memref<1x128x128xf32, #tpu.memory_space<hbm>>
      %dma_start3A_53 = tpu.memref_squeeze %dma_start3A_52 : memref<1x128x128xf32, #tpu.memory_space<hbm>> -> memref<128x128xf32, #tpu.memory_space<hbm>>
      %dma_start3A_54 = arith.constant 0 : i32
      %dma_start3A_55 = arith.constant 0 : i32
      %dma_start3A_56 = tpu.memref_slice %arg8[%dma_start3A_54, %dma_start3A_55] : memref<128x128xf32, #tpu.memory_space<vmem>> -> memref<128x128xf32, #tpu.memory_space<vmem>>
      tpu.enqueue_dma source(%dma_start3A_56 : memref<128x128xf32, #tpu.memory_space<vmem>>) target(%dma_start3A_53 : memref<128x128xf32, #tpu.memory_space<hbm>>) target_semaphore(%run_scoped3A : memref<!tpu.dma_semaphore, #tpu.memory_space<semaphore_mem>>)
      %dma_wait3A = arith.constant 0 : i32
      %dma_wait3A_57 = arith.constant 0 : i32
      %dma_wait3A_58 = tpu.memref_slice %arg8[%dma_wait3A, %dma_wait3A_57] : memref<128x128xf32, #tpu.memory_space<vmem>> -> memref<128x128xf32, #tpu.memory_space<vmem>>
      %dma_wait3A_59 = arith.constant 0 : i32
      %dma_wait3A_60 = tpu.memref_slice %arg5[%arg0, %add3A_45, %dma_wait3A_59] : memref<2x10240x128xf32, #tpu.memory_space<hbm>> -> memref<1x128x128xf32, #tpu.memory_space<hbm>>
      %dma_wait3A_61 = tpu.memref_squeeze %dma_wait3A_60 : memref<1x128x128xf32, #tpu.memory_space<hbm>> -> memref<128x128xf32, #tpu.memory_space<hbm>>
      %dma_wait3A_62 = arith.constant 0 : i32
      %dma_wait3A_63 = tpu.memref_slice %arg5[%arg0, %add3A_45, %dma_wait3A_62] : memref<2x10240x128xf32, #tpu.memory_space<hbm>> -> memref<1x128x128xf32, #tpu.memory_space<hbm>>
      %dma_wait3A_64 = tpu.memref_squeeze %dma_wait3A_63 : memref<1x128x128xf32, #tpu.memory_space<hbm>> -> memref<128x128xf32, #tpu.memory_space<hbm>>
      %dma_wait3A_65 = arith.constant 0 : i32
      %dma_wait3A_66 = arith.constant 0 : i32
      %dma_wait3A_67 = tpu.memref_slice %arg8[%dma_wait3A_65, %dma_wait3A_66] : memref<128x128xf32, #tpu.memory_space<vmem>> -> memref<128x128xf32, #tpu.memory_space<vmem>>
      tpu.wait_dma2 semaphore(%run_scoped3A : memref<!tpu.dma_semaphore, #tpu.memory_space<semaphore_mem>>) src(%dma_wait3A_67 : memref<128x128xf32, #tpu.memory_space<vmem>>) dst(%dma_wait3A_64 : memref<128x128xf32, #tpu.memory_space<hbm>>)
      tpu.yield
    }) : () -> ()
    return
  }
}

#map = affine_map<(d0, d1) -> (0, 0)>
#map1 = affine_map<(d0, d1) -> (0, 0, 0)>
module attributes {stable_mosaic.version = 14 : i64} {
  func.func @_edge_kernel(%arg0: i32, %arg1: i32, %arg2: memref<10000x128xf32, #tpu.memory_space<hbm>>, %arg3: memref<32x10112xi32, #tpu.memory_space<hbm>>, %arg4: memref<32x10112xi32, #tpu.memory_space<hbm>>, %arg5: memref<2x10240x128xf32, #tpu.memory_space<hbm>>, %arg6: memref<128xi32, #tpu.memory_space<vmem>>, %arg7: memref<128xi32, #tpu.memory_space<vmem>>, %arg8: memref<128x128xf32, #tpu.memory_space<vmem>>, %arg9: memref<10240x128xf32, #tpu.memory_space<vmem_shared>>, %arg10: memref<!tpu.dma_semaphore, #tpu.memory_space<semaphore_mem>>) attributes {dimension_semantics = [#tpu.dimension_semantics<core_parallel>, #tpu.dimension_semantics<subcore_parallel>], iteration_bounds = array<i64: 2, 16>, scalar_prefetch = 0 : i64, scratch_operands = 5 : i64, tpu.core_type = #tpu.core_type<sc_vector_subcore>, window_params = [{transform_indices = #map}, {transform_indices = #map}, {transform_indices = #map}, {transform_indices = #map1}]} {
    %mul3A = arith.constant 16 : i32
    %mul3A_0 = arith.muli %arg0, %mul3A : i32
    %add3A = arith.addi %mul3A_0, %arg1 : i32
    %broadcast_in_dim3A = arith.constant 0.000000e+00 : f32
    %broadcast_in_dim3A_1 = vector.broadcast %broadcast_in_dim3A : f32 to vector<16xf32>
    %scan3A = arith.constant 0 : i32
    %scan3A_2 = arith.constant 0 : i32
    %scan3A_3 = arith.constant 128 : i32
    %scan3A_4 = arith.addi %scan3A_2, %scan3A_3 : i32
    %scan3A_5 = arith.constant 1 : i32
    scf.for %scan3A_46 = %scan3A_2 to %scan3A_4 step %scan3A_5  : i32 {
      %swap3A = arith.index_cast %scan3A_46 : i32 to index
      %swap3A_47 = arith.constant 0 : index
      %swap3A_48 = tpu.vector_load %arg8[%swap3A, %swap3A_47] {strides = array<i32>} : memref<128x128xf32, #tpu.memory_space<vmem>>, vector<16xf32>,
      tpu.vector_store %arg8[%swap3A, %swap3A_47], %broadcast_in_dim3A_1 {strides = array<i32>} : memref<128x128xf32, #tpu.memory_space<vmem>>, vector<16xf32>,
      %swap3A_49 = arith.index_cast %scan3A_46 : i32 to index
      %swap3A_50 = arith.constant 16 : index
      %swap3A_51 = tpu.vector_load %arg8[%swap3A_49, %swap3A_50] {strides = array<i32>} : memref<128x128xf32, #tpu.memory_space<vmem>>, vector<16xf32>,
      tpu.vector_store %arg8[%swap3A_49, %swap3A_50], %broadcast_in_dim3A_1 {strides = array<i32>} : memref<128x128xf32, #tpu.memory_space<vmem>>, vector<16xf32>,
      %swap3A_52 = arith.index_cast %scan3A_46 : i32 to index
      %swap3A_53 = arith.constant 32 : index
      %swap3A_54 = tpu.vector_load %arg8[%swap3A_52, %swap3A_53] {strides = array<i32>} : memref<128x128xf32, #tpu.memory_space<vmem>>, vector<16xf32>,
      tpu.vector_store %arg8[%swap3A_52, %swap3A_53], %broadcast_in_dim3A_1 {strides = array<i32>} : memref<128x128xf32, #tpu.memory_space<vmem>>, vector<16xf32>,
      %swap3A_55 = arith.index_cast %scan3A_46 : i32 to index
      %swap3A_56 = arith.constant 48 : index
      %swap3A_57 = tpu.vector_load %arg8[%swap3A_55, %swap3A_56] {strides = array<i32>} : memref<128x128xf32, #tpu.memory_space<vmem>>, vector<16xf32>,
      tpu.vector_store %arg8[%swap3A_55, %swap3A_56], %broadcast_in_dim3A_1 {strides = array<i32>} : memref<128x128xf32, #tpu.memory_space<vmem>>, vector<16xf32>,
      %swap3A_58 = arith.index_cast %scan3A_46 : i32 to index
      %swap3A_59 = arith.constant 64 : index
      %swap3A_60 = tpu.vector_load %arg8[%swap3A_58, %swap3A_59] {strides = array<i32>} : memref<128x128xf32, #tpu.memory_space<vmem>>, vector<16xf32>,
      tpu.vector_store %arg8[%swap3A_58, %swap3A_59], %broadcast_in_dim3A_1 {strides = array<i32>} : memref<128x128xf32, #tpu.memory_space<vmem>>, vector<16xf32>,
      %swap3A_61 = arith.index_cast %scan3A_46 : i32 to index
      %swap3A_62 = arith.constant 80 : index
      %swap3A_63 = tpu.vector_load %arg8[%swap3A_61, %swap3A_62] {strides = array<i32>} : memref<128x128xf32, #tpu.memory_space<vmem>>, vector<16xf32>,
      tpu.vector_store %arg8[%swap3A_61, %swap3A_62], %broadcast_in_dim3A_1 {strides = array<i32>} : memref<128x128xf32, #tpu.memory_space<vmem>>, vector<16xf32>,
      %swap3A_64 = arith.index_cast %scan3A_46 : i32 to index
      %swap3A_65 = arith.constant 96 : index
      %swap3A_66 = tpu.vector_load %arg8[%swap3A_64, %swap3A_65] {strides = array<i32>} : memref<128x128xf32, #tpu.memory_space<vmem>>, vector<16xf32>,
      tpu.vector_store %arg8[%swap3A_64, %swap3A_65], %broadcast_in_dim3A_1 {strides = array<i32>} : memref<128x128xf32, #tpu.memory_space<vmem>>, vector<16xf32>,
      %swap3A_67 = arith.index_cast %scan3A_46 : i32 to index
      %swap3A_68 = arith.constant 112 : index
      %swap3A_69 = tpu.vector_load %arg8[%swap3A_67, %swap3A_68] {strides = array<i32>} : memref<128x128xf32, #tpu.memory_space<vmem>>, vector<16xf32>,
      tpu.vector_store %arg8[%swap3A_67, %swap3A_68], %broadcast_in_dim3A_1 {strides = array<i32>} : memref<128x128xf32, #tpu.memory_space<vmem>>, vector<16xf32>,
    }
    %scan3A_6 = arith.constant 128 : i32
    %mul3A_7 = arith.constant 640 : i32
    %mul3A_8 = arith.muli %arg1, %mul3A_7 : i32
    %add3A_9 = arith.constant 0 : i32
    %add3A_10 = arith.addi %mul3A_8, %add3A_9 : i32
    "tpu.region"() ({
      %run_scoped3A = tpu.sem_alloc : memref<!tpu.dma_semaphore, #tpu.memory_space<semaphore_mem>>
      %dma_start3A = arith.constant 0 : i32
      %dma_start3A_46 = arith.constant 0 : i32
      %dma_start3A_47 = tpu.memref_slice %arg8[%dma_start3A, %dma_start3A_46] : memref<128x128xf32, #tpu.memory_space<vmem>> -> memref<128x128xf32, #tpu.memory_space<vmem>>
      %dma_start3A_48 = arith.constant 0 : i32
      %dma_start3A_49 = tpu.memref_slice %arg9[%add3A_10, %dma_start3A_48] : memref<10240x128xf32, #tpu.memory_space<vmem_shared>> -> memref<128x128xf32, #tpu.memory_space<vmem_shared>>
      %dma_start3A_50 = arith.constant 0 : i32
      %dma_start3A_51 = tpu.memref_slice %arg9[%add3A_10, %dma_start3A_50] : memref<10240x128xf32, #tpu.memory_space<vmem_shared>> -> memref<128x128xf32, #tpu.memory_space<vmem_shared>>
      %dma_start3A_52 = arith.constant 0 : i32
      %dma_start3A_53 = arith.constant 0 : i32
      %dma_start3A_54 = tpu.memref_slice %arg8[%dma_start3A_52, %dma_start3A_53] : memref<128x128xf32, #tpu.memory_space<vmem>> -> memref<128x128xf32, #tpu.memory_space<vmem>>
      tpu.enqueue_dma source(%dma_start3A_54 : memref<128x128xf32, #tpu.memory_space<vmem>>) target(%dma_start3A_51 : memref<128x128xf32, #tpu.memory_space<vmem_shared>>) target_semaphore(%run_scoped3A : memref<!tpu.dma_semaphore, #tpu.memory_space<semaphore_mem>>)
      %dma_wait3A = arith.constant 0 : i32
      %dma_wait3A_55 = arith.constant 0 : i32
      %dma_wait3A_56 = tpu.memref_slice %arg8[%dma_wait3A, %dma_wait3A_55] : memref<128x128xf32, #tpu.memory_space<vmem>> -> memref<128x128xf32, #tpu.memory_space<vmem>>
      %dma_wait3A_57 = arith.constant 0 : i32
      %dma_wait3A_58 = tpu.memref_slice %arg9[%add3A_10, %dma_wait3A_57] : memref<10240x128xf32, #tpu.memory_space<vmem_shared>> -> memref<128x128xf32, #tpu.memory_space<vmem_shared>>
      %dma_wait3A_59 = arith.constant 0 : i32
      %dma_wait3A_60 = tpu.memref_slice %arg9[%add3A_10, %dma_wait3A_59] : memref<10240x128xf32, #tpu.memory_space<vmem_shared>> -> memref<128x128xf32, #tpu.memory_space<vmem_shared>>
      %dma_wait3A_61 = arith.constant 0 : i32
      %dma_wait3A_62 = arith.constant 0 : i32
      %dma_wait3A_63 = tpu.memref_slice %arg8[%dma_wait3A_61, %dma_wait3A_62] : memref<128x128xf32, #tpu.memory_space<vmem>> -> memref<128x128xf32, #tpu.memory_space<vmem>>
      tpu.wait_dma2 semaphore(%run_scoped3A : memref<!tpu.dma_semaphore, #tpu.memory_space<semaphore_mem>>) src(%dma_wait3A_63 : memref<128x128xf32, #tpu.memory_space<vmem>>) dst(%dma_wait3A_60 : memref<128x128xf32, #tpu.memory_space<vmem_shared>>)
      tpu.yield
    }) : () -> ()
    %add3A_11 = arith.constant 128 : i32
    %add3A_12 = arith.addi %mul3A_8, %add3A_11 : i32
    "tpu.region"() ({
      %run_scoped3A = tpu.sem_alloc : memref<!tpu.dma_semaphore, #tpu.memory_space<semaphore_mem>>
      %dma_start3A = arith.constant 0 : i32
      %dma_start3A_46 = arith.constant 0 : i32
      %dma_start3A_47 = tpu.memref_slice %arg8[%dma_start3A, %dma_start3A_46] : memref<128x128xf32, #tpu.memory_space<vmem>> -> memref<128x128xf32, #tpu.memory_space<vmem>>
      %dma_start3A_48 = arith.constant 0 : i32
      %dma_start3A_49 = tpu.memref_slice %arg9[%add3A_12, %dma_start3A_48] : memref<10240x128xf32, #tpu.memory_space<vmem_shared>> -> memref<128x128xf32, #tpu.memory_space<vmem_shared>>
      %dma_start3A_50 = arith.constant 0 : i32
      %dma_start3A_51 = tpu.memref_slice %arg9[%add3A_12, %dma_start3A_50] : memref<10240x128xf32, #tpu.memory_space<vmem_shared>> -> memref<128x128xf32, #tpu.memory_space<vmem_shared>>
      %dma_start3A_52 = arith.constant 0 : i32
      %dma_start3A_53 = arith.constant 0 : i32
      %dma_start3A_54 = tpu.memref_slice %arg8[%dma_start3A_52, %dma_start3A_53] : memref<128x128xf32, #tpu.memory_space<vmem>> -> memref<128x128xf32, #tpu.memory_space<vmem>>
      tpu.enqueue_dma source(%dma_start3A_54 : memref<128x128xf32, #tpu.memory_space<vmem>>) target(%dma_start3A_51 : memref<128x128xf32, #tpu.memory_space<vmem_shared>>) target_semaphore(%run_scoped3A : memref<!tpu.dma_semaphore, #tpu.memory_space<semaphore_mem>>)
      %dma_wait3A = arith.constant 0 : i32
      %dma_wait3A_55 = arith.constant 0 : i32
      %dma_wait3A_56 = tpu.memref_slice %arg8[%dma_wait3A, %dma_wait3A_55] : memref<128x128xf32, #tpu.memory_space<vmem>> -> memref<128x128xf32, #tpu.memory_space<vmem>>
      %dma_wait3A_57 = arith.constant 0 : i32
      %dma_wait3A_58 = tpu.memref_slice %arg9[%add3A_12, %dma_wait3A_57] : memref<10240x128xf32, #tpu.memory_space<vmem_shared>> -> memref<128x128xf32, #tpu.memory_space<vmem_shared>>
      %dma_wait3A_59 = arith.constant 0 : i32
      %dma_wait3A_60 = tpu.memref_slice %arg9[%add3A_12, %dma_wait3A_59] : memref<10240x128xf32, #tpu.memory_space<vmem_shared>> -> memref<128x128xf32, #tpu.memory_space<vmem_shared>>
      %dma_wait3A_61 = arith.constant 0 : i32
      %dma_wait3A_62 = arith.constant 0 : i32
      %dma_wait3A_63 = tpu.memref_slice %arg8[%dma_wait3A_61, %dma_wait3A_62] : memref<128x128xf32, #tpu.memory_space<vmem>> -> memref<128x128xf32, #tpu.memory_space<vmem>>
      tpu.wait_dma2 semaphore(%run_scoped3A : memref<!tpu.dma_semaphore, #tpu.memory_space<semaphore_mem>>) src(%dma_wait3A_63 : memref<128x128xf32, #tpu.memory_space<vmem>>) dst(%dma_wait3A_60 : memref<128x128xf32, #tpu.memory_space<vmem_shared>>)
      tpu.yield
    }) : () -> ()
    %add3A_13 = arith.constant 256 : i32
    %add3A_14 = arith.addi %mul3A_8, %add3A_13 : i32
    "tpu.region"() ({
      %run_scoped3A = tpu.sem_alloc : memref<!tpu.dma_semaphore, #tpu.memory_space<semaphore_mem>>
      %dma_start3A = arith.constant 0 : i32
      %dma_start3A_46 = arith.constant 0 : i32
      %dma_start3A_47 = tpu.memref_slice %arg8[%dma_start3A, %dma_start3A_46] : memref<128x128xf32, #tpu.memory_space<vmem>> -> memref<128x128xf32, #tpu.memory_space<vmem>>
      %dma_start3A_48 = arith.constant 0 : i32
      %dma_start3A_49 = tpu.memref_slice %arg9[%add3A_14, %dma_start3A_48] : memref<10240x128xf32, #tpu.memory_space<vmem_shared>> -> memref<128x128xf32, #tpu.memory_space<vmem_shared>>
      %dma_start3A_50 = arith.constant 0 : i32
      %dma_start3A_51 = tpu.memref_slice %arg9[%add3A_14, %dma_start3A_50] : memref<10240x128xf32, #tpu.memory_space<vmem_shared>> -> memref<128x128xf32, #tpu.memory_space<vmem_shared>>
      %dma_start3A_52 = arith.constant 0 : i32
      %dma_start3A_53 = arith.constant 0 : i32
      %dma_start3A_54 = tpu.memref_slice %arg8[%dma_start3A_52, %dma_start3A_53] : memref<128x128xf32, #tpu.memory_space<vmem>> -> memref<128x128xf32, #tpu.memory_space<vmem>>
      tpu.enqueue_dma source(%dma_start3A_54 : memref<128x128xf32, #tpu.memory_space<vmem>>) target(%dma_start3A_51 : memref<128x128xf32, #tpu.memory_space<vmem_shared>>) target_semaphore(%run_scoped3A : memref<!tpu.dma_semaphore, #tpu.memory_space<semaphore_mem>>)
      %dma_wait3A = arith.constant 0 : i32
      %dma_wait3A_55 = arith.constant 0 : i32
      %dma_wait3A_56 = tpu.memref_slice %arg8[%dma_wait3A, %dma_wait3A_55] : memref<128x128xf32, #tpu.memory_space<vmem>> -> memref<128x128xf32, #tpu.memory_space<vmem>>
      %dma_wait3A_57 = arith.constant 0 : i32
      %dma_wait3A_58 = tpu.memref_slice %arg9[%add3A_14, %dma_wait3A_57] : memref<10240x128xf32, #tpu.memory_space<vmem_shared>> -> memref<128x128xf32, #tpu.memory_space<vmem_shared>>
      %dma_wait3A_59 = arith.constant 0 : i32
      %dma_wait3A_60 = tpu.memref_slice %arg9[%add3A_14, %dma_wait3A_59] : memref<10240x128xf32, #tpu.memory_space<vmem_shared>> -> memref<128x128xf32, #tpu.memory_space<vmem_shared>>
      %dma_wait3A_61 = arith.constant 0 : i32
      %dma_wait3A_62 = arith.constant 0 : i32
      %dma_wait3A_63 = tpu.memref_slice %arg8[%dma_wait3A_61, %dma_wait3A_62] : memref<128x128xf32, #tpu.memory_space<vmem>> -> memref<128x128xf32, #tpu.memory_space<vmem>>
      tpu.wait_dma2 semaphore(%run_scoped3A : memref<!tpu.dma_semaphore, #tpu.memory_space<semaphore_mem>>) src(%dma_wait3A_63 : memref<128x128xf32, #tpu.memory_space<vmem>>) dst(%dma_wait3A_60 : memref<128x128xf32, #tpu.memory_space<vmem_shared>>)
      tpu.yield
    }) : () -> ()
    %add3A_15 = arith.constant 384 : i32
    %add3A_16 = arith.addi %mul3A_8, %add3A_15 : i32
    "tpu.region"() ({
      %run_scoped3A = tpu.sem_alloc : memref<!tpu.dma_semaphore, #tpu.memory_space<semaphore_mem>>
      %dma_start3A = arith.constant 0 : i32
      %dma_start3A_46 = arith.constant 0 : i32
      %dma_start3A_47 = tpu.memref_slice %arg8[%dma_start3A, %dma_start3A_46] : memref<128x128xf32, #tpu.memory_space<vmem>> -> memref<128x128xf32, #tpu.memory_space<vmem>>
      %dma_start3A_48 = arith.constant 0 : i32
      %dma_start3A_49 = tpu.memref_slice %arg9[%add3A_16, %dma_start3A_48] : memref<10240x128xf32, #tpu.memory_space<vmem_shared>> -> memref<128x128xf32, #tpu.memory_space<vmem_shared>>
      %dma_start3A_50 = arith.constant 0 : i32
      %dma_start3A_51 = tpu.memref_slice %arg9[%add3A_16, %dma_start3A_50] : memref<10240x128xf32, #tpu.memory_space<vmem_shared>> -> memref<128x128xf32, #tpu.memory_space<vmem_shared>>
      %dma_start3A_52 = arith.constant 0 : i32
      %dma_start3A_53 = arith.constant 0 : i32
      %dma_start3A_54 = tpu.memref_slice %arg8[%dma_start3A_52, %dma_start3A_53] : memref<128x128xf32, #tpu.memory_space<vmem>> -> memref<128x128xf32, #tpu.memory_space<vmem>>
      tpu.enqueue_dma source(%dma_start3A_54 : memref<128x128xf32, #tpu.memory_space<vmem>>) target(%dma_start3A_51 : memref<128x128xf32, #tpu.memory_space<vmem_shared>>) target_semaphore(%run_scoped3A : memref<!tpu.dma_semaphore, #tpu.memory_space<semaphore_mem>>)
      %dma_wait3A = arith.constant 0 : i32
      %dma_wait3A_55 = arith.constant 0 : i32
      %dma_wait3A_56 = tpu.memref_slice %arg8[%dma_wait3A, %dma_wait3A_55] : memref<128x128xf32, #tpu.memory_space<vmem>> -> memref<128x128xf32, #tpu.memory_space<vmem>>
      %dma_wait3A_57 = arith.constant 0 : i32
      %dma_wait3A_58 = tpu.memref_slice %arg9[%add3A_16, %dma_wait3A_57] : memref<10240x128xf32, #tpu.memory_space<vmem_shared>> -> memref<128x128xf32, #tpu.memory_space<vmem_shared>>
      %dma_wait3A_59 = arith.constant 0 : i32
      %dma_wait3A_60 = tpu.memref_slice %arg9[%add3A_16, %dma_wait3A_59] : memref<10240x128xf32, #tpu.memory_space<vmem_shared>> -> memref<128x128xf32, #tpu.memory_space<vmem_shared>>
      %dma_wait3A_61 = arith.constant 0 : i32
      %dma_wait3A_62 = arith.constant 0 : i32
      %dma_wait3A_63 = tpu.memref_slice %arg8[%dma_wait3A_61, %dma_wait3A_62] : memref<128x128xf32, #tpu.memory_space<vmem>> -> memref<128x128xf32, #tpu.memory_space<vmem>>
      tpu.wait_dma2 semaphore(%run_scoped3A : memref<!tpu.dma_semaphore, #tpu.memory_space<semaphore_mem>>) src(%dma_wait3A_63 : memref<128x128xf32, #tpu.memory_space<vmem>>) dst(%dma_wait3A_60 : memref<128x128xf32, #tpu.memory_space<vmem_shared>>)
      tpu.yield
    }) : () -> ()
    %add3A_17 = arith.constant 512 : i32
    %add3A_18 = arith.addi %mul3A_8, %add3A_17 : i32
    "tpu.region"() ({
      %run_scoped3A = tpu.sem_alloc : memref<!tpu.dma_semaphore, #tpu.memory_space<semaphore_mem>>
      %dma_start3A = arith.constant 0 : i32
      %dma_start3A_46 = arith.constant 0 : i32
      %dma_start3A_47 = tpu.memref_slice %arg8[%dma_start3A, %dma_start3A_46] : memref<128x128xf32, #tpu.memory_space<vmem>> -> memref<128x128xf32, #tpu.memory_space<vmem>>
      %dma_start3A_48 = arith.constant 0 : i32
      %dma_start3A_49 = tpu.memref_slice %arg9[%add3A_18, %dma_start3A_48] : memref<10240x128xf32, #tpu.memory_space<vmem_shared>> -> memref<128x128xf32, #tpu.memory_space<vmem_shared>>
      %dma_start3A_50 = arith.constant 0 : i32
      %dma_start3A_51 = tpu.memref_slice %arg9[%add3A_18, %dma_start3A_50] : memref<10240x128xf32, #tpu.memory_space<vmem_shared>> -> memref<128x128xf32, #tpu.memory_space<vmem_shared>>
      %dma_start3A_52 = arith.constant 0 : i32
      %dma_start3A_53 = arith.constant 0 : i32
      %dma_start3A_54 = tpu.memref_slice %arg8[%dma_start3A_52, %dma_start3A_53] : memref<128x128xf32, #tpu.memory_space<vmem>> -> memref<128x128xf32, #tpu.memory_space<vmem>>
      tpu.enqueue_dma source(%dma_start3A_54 : memref<128x128xf32, #tpu.memory_space<vmem>>) target(%dma_start3A_51 : memref<128x128xf32, #tpu.memory_space<vmem_shared>>) target_semaphore(%run_scoped3A : memref<!tpu.dma_semaphore, #tpu.memory_space<semaphore_mem>>)
      %dma_wait3A = arith.constant 0 : i32
      %dma_wait3A_55 = arith.constant 0 : i32
      %dma_wait3A_56 = tpu.memref_slice %arg8[%dma_wait3A, %dma_wait3A_55] : memref<128x128xf32, #tpu.memory_space<vmem>> -> memref<128x128xf32, #tpu.memory_space<vmem>>
      %dma_wait3A_57 = arith.constant 0 : i32
      %dma_wait3A_58 = tpu.memref_slice %arg9[%add3A_18, %dma_wait3A_57] : memref<10240x128xf32, #tpu.memory_space<vmem_shared>> -> memref<128x128xf32, #tpu.memory_space<vmem_shared>>
      %dma_wait3A_59 = arith.constant 0 : i32
      %dma_wait3A_60 = tpu.memref_slice %arg9[%add3A_18, %dma_wait3A_59] : memref<10240x128xf32, #tpu.memory_space<vmem_shared>> -> memref<128x128xf32, #tpu.memory_space<vmem_shared>>
      %dma_wait3A_61 = arith.constant 0 : i32
      %dma_wait3A_62 = arith.constant 0 : i32
      %dma_wait3A_63 = tpu.memref_slice %arg8[%dma_wait3A_61, %dma_wait3A_62] : memref<128x128xf32, #tpu.memory_space<vmem>> -> memref<128x128xf32, #tpu.memory_space<vmem>>
      tpu.wait_dma2 semaphore(%run_scoped3A : memref<!tpu.dma_semaphore, #tpu.memory_space<semaphore_mem>>) src(%dma_wait3A_63 : memref<128x128xf32, #tpu.memory_space<vmem>>) dst(%dma_wait3A_60 : memref<128x128xf32, #tpu.memory_space<vmem_shared>>)
      tpu.yield
    }) : () -> ()
    %barrier3A = arith.constant 0 : index
    tpu.barrier barrier_id(%barrier3A)
    %scan3A_19 = arith.constant 0 : i32
    %scan3A_20 = arith.constant 0 : i32
    %scan3A_21 = arith.constant 79 : i32
    %scan3A_22 = arith.addi %scan3A_20, %scan3A_21 : i32
    %scan3A_23 = arith.constant 1 : i32
    scf.for %scan3A_46 = %scan3A_20 to %scan3A_22 step %scan3A_23  : i32 {
      %mul3A_47 = arith.constant 128 : i32
      %mul3A_48 = arith.muli %scan3A_46, %mul3A_47 : i32
      "tpu.region"() ({
        %run_scoped3A = tpu.sem_alloc : memref<!tpu.dma_semaphore, #tpu.memory_space<semaphore_mem>>
        %dma_start3A_53 = tpu.memref_slice %arg3[%add3A, %mul3A_48] : memref<32x10112xi32, #tpu.memory_space<hbm>> -> memref<1x128xi32, #tpu.memory_space<hbm>>
        %dma_start3A_54 = tpu.memref_squeeze %dma_start3A_53 : memref<1x128xi32, #tpu.memory_space<hbm>> -> memref<128xi32, #tpu.memory_space<hbm>>
        %dma_start3A_55 = tpu.memref_slice %arg3[%add3A, %mul3A_48] : memref<32x10112xi32, #tpu.memory_space<hbm>> -> memref<1x128xi32, #tpu.memory_space<hbm>>
        %dma_start3A_56 = tpu.memref_squeeze %dma_start3A_55 : memref<1x128xi32, #tpu.memory_space<hbm>> -> memref<128xi32, #tpu.memory_space<hbm>>
        tpu.enqueue_dma source(%dma_start3A_56 : memref<128xi32, #tpu.memory_space<hbm>>) target(%arg6 : memref<128xi32, #tpu.memory_space<vmem>>) target_semaphore(%run_scoped3A : memref<!tpu.dma_semaphore, #tpu.memory_space<semaphore_mem>>)
        %dma_wait3A_57 = tpu.memref_slice %arg3[%add3A, %mul3A_48] : memref<32x10112xi32, #tpu.memory_space<hbm>> -> memref<1x128xi32, #tpu.memory_space<hbm>>
        %dma_wait3A_58 = tpu.memref_squeeze %dma_wait3A_57 : memref<1x128xi32, #tpu.memory_space<hbm>> -> memref<128xi32, #tpu.memory_space<hbm>>
        %dma_wait3A_59 = tpu.memref_slice %arg3[%add3A, %mul3A_48] : memref<32x10112xi32, #tpu.memory_space<hbm>> -> memref<1x128xi32, #tpu.memory_space<hbm>>
        %dma_wait3A_60 = tpu.memref_squeeze %dma_wait3A_59 : memref<1x128xi32, #tpu.memory_space<hbm>> -> memref<128xi32, #tpu.memory_space<hbm>>
        tpu.wait_dma2 semaphore(%run_scoped3A : memref<!tpu.dma_semaphore, #tpu.memory_space<semaphore_mem>>) src(%dma_wait3A_60 : memref<128xi32, #tpu.memory_space<hbm>>) dst(%arg6 : memref<128xi32, #tpu.memory_space<vmem>>)
        tpu.yield
      }) : () -> ()
      "tpu.region"() ({
        %run_scoped3A = tpu.sem_alloc : memref<!tpu.dma_semaphore, #tpu.memory_space<semaphore_mem>>
        %dma_start3A_53 = tpu.memref_slice %arg4[%add3A, %mul3A_48] : memref<32x10112xi32, #tpu.memory_space<hbm>> -> memref<1x128xi32, #tpu.memory_space<hbm>>
        %dma_start3A_54 = tpu.memref_squeeze %dma_start3A_53 : memref<1x128xi32, #tpu.memory_space<hbm>> -> memref<128xi32, #tpu.memory_space<hbm>>
        %dma_start3A_55 = tpu.memref_slice %arg4[%add3A, %mul3A_48] : memref<32x10112xi32, #tpu.memory_space<hbm>> -> memref<1x128xi32, #tpu.memory_space<hbm>>
        %dma_start3A_56 = tpu.memref_squeeze %dma_start3A_55 : memref<1x128xi32, #tpu.memory_space<hbm>> -> memref<128xi32, #tpu.memory_space<hbm>>
        tpu.enqueue_dma source(%dma_start3A_56 : memref<128xi32, #tpu.memory_space<hbm>>) target(%arg7 : memref<128xi32, #tpu.memory_space<vmem>>) target_semaphore(%run_scoped3A : memref<!tpu.dma_semaphore, #tpu.memory_space<semaphore_mem>>)
        %dma_wait3A_57 = tpu.memref_slice %arg4[%add3A, %mul3A_48] : memref<32x10112xi32, #tpu.memory_space<hbm>> -> memref<1x128xi32, #tpu.memory_space<hbm>>
        %dma_wait3A_58 = tpu.memref_squeeze %dma_wait3A_57 : memref<1x128xi32, #tpu.memory_space<hbm>> -> memref<128xi32, #tpu.memory_space<hbm>>
        %dma_wait3A_59 = tpu.memref_slice %arg4[%add3A, %mul3A_48] : memref<32x10112xi32, #tpu.memory_space<hbm>> -> memref<1x128xi32, #tpu.memory_space<hbm>>
        %dma_wait3A_60 = tpu.memref_squeeze %dma_wait3A_59 : memref<1x128xi32, #tpu.memory_space<hbm>> -> memref<128xi32, #tpu.memory_space<hbm>>
        tpu.wait_dma2 semaphore(%run_scoped3A : memref<!tpu.dma_semaphore, #tpu.memory_space<semaphore_mem>>) src(%dma_wait3A_60 : memref<128xi32, #tpu.memory_space<hbm>>) dst(%arg7 : memref<128xi32, #tpu.memory_space<vmem>>)
        tpu.yield
      }) : () -> ()
      %dma_start3A = arith.constant 0 : i32
      %dma_start3A_49 = arith.constant 0 : i32
      %dma_start3A_50 = tpu.memref_slice %arg2[%dma_start3A, %dma_start3A_49] : memref<10000x128xf32, #tpu.memory_space<hbm>> -> memref<10000x128xf32, #tpu.memory_space<hbm>>
      tpu.enqueue_indirect_dma source(%dma_start3A_50 : memref<10000x128xf32, #tpu.memory_space<hbm>>) target(%arg8 : memref<128x128xf32, #tpu.memory_space<vmem>>) offsets(%arg6 : memref<128xi32, #tpu.memory_space<vmem>>) semaphore(%arg10 : memref<!tpu.dma_semaphore, #tpu.memory_space<semaphore_mem>>)
      %dma_wait3A = arith.constant 0 : i32
      %dma_wait3A_51 = arith.constant 0 : i32
      %dma_wait3A_52 = tpu.memref_slice %arg2[%dma_wait3A, %dma_wait3A_51] : memref<10000x128xf32, #tpu.memory_space<hbm>> -> memref<10000x128xf32, #tpu.memory_space<hbm>>
      tpu.wait_indirect_dma semaphore(%arg10 : memref<!tpu.dma_semaphore, #tpu.memory_space<semaphore_mem>>) src(%dma_wait3A_52 : memref<10000x128xf32, #tpu.memory_space<hbm>>) dst(%arg8 : memref<128x128xf32, #tpu.memory_space<vmem>>)
      "tpu.region"() ({
        %run_scoped3A = tpu.sem_alloc : memref<!tpu.dma_semaphore, #tpu.memory_space<semaphore_mem>>
        %dma_start3A_53 = arith.constant 0 : i32
        %dma_start3A_54 = arith.constant 0 : i32
        %dma_start3A_55 = tpu.memref_slice %arg9[%dma_start3A_53, %dma_start3A_54] : memref<10240x128xf32, #tpu.memory_space<vmem_shared>> -> memref<10240x128xf32, #tpu.memory_space<vmem_shared>>
        tpu.enqueue_indirect_dma source(%arg8 : memref<128x128xf32, #tpu.memory_space<vmem>>) target(%dma_start3A_55 : memref<10240x128xf32, #tpu.memory_space<vmem_shared>>) offsets(%arg7 : memref<128xi32, #tpu.memory_space<vmem>>) semaphore(%run_scoped3A : memref<!tpu.dma_semaphore, #tpu.memory_space<semaphore_mem>>) {add = true}
        %dma_wait3A_56 = arith.constant 0 : i32
        %dma_wait3A_57 = arith.constant 0 : i32
        %dma_wait3A_58 = tpu.memref_slice %arg9[%dma_wait3A_56, %dma_wait3A_57] : memref<10240x128xf32, #tpu.memory_space<vmem_shared>> -> memref<10240x128xf32, #tpu.memory_space<vmem_shared>>
        tpu.wait_indirect_dma semaphore(%run_scoped3A : memref<!tpu.dma_semaphore, #tpu.memory_space<semaphore_mem>>) src(%arg8 : memref<128x128xf32, #tpu.memory_space<vmem>>) dst(%dma_wait3A_58 : memref<10240x128xf32, #tpu.memory_space<vmem_shared>>)
        tpu.yield
      }) : () -> ()
    }
    %scan3A_24 = arith.constant 79 : i32
    %barrier3A_25 = arith.constant 0 : index
    tpu.barrier barrier_id(%barrier3A_25)
    %add3A_26 = arith.constant 0 : i32
    %add3A_27 = arith.addi %mul3A_8, %add3A_26 : i32
    "tpu.region"() ({
      %run_scoped3A = tpu.sem_alloc : memref<!tpu.dma_semaphore, #tpu.memory_space<semaphore_mem>>
      %dma_start3A = arith.constant 0 : i32
      %dma_start3A_46 = arith.constant 0 : i32
      %dma_start3A_47 = tpu.memref_slice %arg8[%dma_start3A, %dma_start3A_46] : memref<128x128xf32, #tpu.memory_space<vmem>> -> memref<128x128xf32, #tpu.memory_space<vmem>>
      %dma_start3A_48 = arith.constant 0 : i32
      %dma_start3A_49 = tpu.memref_slice %arg9[%add3A_27, %dma_start3A_48] : memref<10240x128xf32, #tpu.memory_space<vmem_shared>> -> memref<128x128xf32, #tpu.memory_space<vmem_shared>>
      %dma_start3A_50 = arith.constant 0 : i32
      %dma_start3A_51 = arith.constant 0 : i32
      %dma_start3A_52 = tpu.memref_slice %arg8[%dma_start3A_50, %dma_start3A_51] : memref<128x128xf32, #tpu.memory_space<vmem>> -> memref<128x128xf32, #tpu.memory_space<vmem>>
      %dma_start3A_53 = arith.constant 0 : i32
      %dma_start3A_54 = tpu.memref_slice %arg9[%add3A_27, %dma_start3A_53] : memref<10240x128xf32, #tpu.memory_space<vmem_shared>> -> memref<128x128xf32, #tpu.memory_space<vmem_shared>>
      tpu.enqueue_dma source(%dma_start3A_54 : memref<128x128xf32, #tpu.memory_space<vmem_shared>>) target(%dma_start3A_52 : memref<128x128xf32, #tpu.memory_space<vmem>>) target_semaphore(%run_scoped3A : memref<!tpu.dma_semaphore, #tpu.memory_space<semaphore_mem>>)
      %dma_wait3A = arith.constant 0 : i32
      %dma_wait3A_55 = arith.constant 0 : i32
      %dma_wait3A_56 = tpu.memref_slice %arg8[%dma_wait3A, %dma_wait3A_55] : memref<128x128xf32, #tpu.memory_space<vmem>> -> memref<128x128xf32, #tpu.memory_space<vmem>>
      %dma_wait3A_57 = arith.constant 0 : i32
      %dma_wait3A_58 = tpu.memref_slice %arg9[%add3A_27, %dma_wait3A_57] : memref<10240x128xf32, #tpu.memory_space<vmem_shared>> -> memref<128x128xf32, #tpu.memory_space<vmem_shared>>
      %dma_wait3A_59 = arith.constant 0 : i32
      %dma_wait3A_60 = arith.constant 0 : i32
      %dma_wait3A_61 = tpu.memref_slice %arg8[%dma_wait3A_59, %dma_wait3A_60] : memref<128x128xf32, #tpu.memory_space<vmem>> -> memref<128x128xf32, #tpu.memory_space<vmem>>
      %dma_wait3A_62 = arith.constant 0 : i32
      %dma_wait3A_63 = tpu.memref_slice %arg9[%add3A_27, %dma_wait3A_62] : memref<10240x128xf32, #tpu.memory_space<vmem_shared>> -> memref<128x128xf32, #tpu.memory_space<vmem_shared>>
      tpu.wait_dma2 semaphore(%run_scoped3A : memref<!tpu.dma_semaphore, #tpu.memory_space<semaphore_mem>>) src(%dma_wait3A_63 : memref<128x128xf32, #tpu.memory_space<vmem_shared>>) dst(%dma_wait3A_61 : memref<128x128xf32, #tpu.memory_space<vmem>>)
      tpu.yield
    }) : () -> ()
    %add3A_28 = arith.constant 0 : i32
    %add3A_29 = arith.addi %mul3A_8, %add3A_28 : i32
    "tpu.region"() ({
      %run_scoped3A = tpu.sem_alloc : memref<!tpu.dma_semaphore, #tpu.memory_space<semaphore_mem>>
      %dma_start3A = arith.constant 0 : i32
      %dma_start3A_46 = arith.constant 0 : i32
      %dma_start3A_47 = tpu.memref_slice %arg8[%dma_start3A, %dma_start3A_46] : memref<128x128xf32, #tpu.memory_space<vmem>> -> memref<128x128xf32, #tpu.memory_space<vmem>>
      %dma_start3A_48 = arith.constant 0 : i32
      %dma_start3A_49 = tpu.memref_slice %arg5[%arg0, %add3A_29, %dma_start3A_48] : memref<2x10240x128xf32, #tpu.memory_space<hbm>> -> memref<1x128x128xf32, #tpu.memory_space<hbm>>
      %dma_start3A_50 = tpu.memref_squeeze %dma_start3A_49 : memref<1x128x128xf32, #tpu.memory_space<hbm>> -> memref<128x128xf32, #tpu.memory_space<hbm>>
      %dma_start3A_51 = arith.constant 0 : i32
      %dma_start3A_52 = tpu.memref_slice %arg5[%arg0, %add3A_29, %dma_start3A_51] : memref<2x10240x128xf32, #tpu.memory_space<hbm>> -> memref<1x128x128xf32, #tpu.memory_space<hbm>>
      %dma_start3A_53 = tpu.memref_squeeze %dma_start3A_52 : memref<1x128x128xf32, #tpu.memory_space<hbm>> -> memref<128x128xf32, #tpu.memory_space<hbm>>
      %dma_start3A_54 = arith.constant 0 : i32
      %dma_start3A_55 = arith.constant 0 : i32
      %dma_start3A_56 = tpu.memref_slice %arg8[%dma_start3A_54, %dma_start3A_55] : memref<128x128xf32, #tpu.memory_space<vmem>> -> memref<128x128xf32, #tpu.memory_space<vmem>>
      tpu.enqueue_dma source(%dma_start3A_56 : memref<128x128xf32, #tpu.memory_space<vmem>>) target(%dma_start3A_53 : memref<128x128xf32, #tpu.memory_space<hbm>>) target_semaphore(%run_scoped3A : memref<!tpu.dma_semaphore, #tpu.memory_space<semaphore_mem>>)
      %dma_wait3A = arith.constant 0 : i32
      %dma_wait3A_57 = arith.constant 0 : i32
      %dma_wait3A_58 = tpu.memref_slice %arg8[%dma_wait3A, %dma_wait3A_57] : memref<128x128xf32, #tpu.memory_space<vmem>> -> memref<128x128xf32, #tpu.memory_space<vmem>>
      %dma_wait3A_59 = arith.constant 0 : i32
      %dma_wait3A_60 = tpu.memref_slice %arg5[%arg0, %add3A_29, %dma_wait3A_59] : memref<2x10240x128xf32, #tpu.memory_space<hbm>> -> memref<1x128x128xf32, #tpu.memory_space<hbm>>
      %dma_wait3A_61 = tpu.memref_squeeze %dma_wait3A_60 : memref<1x128x128xf32, #tpu.memory_space<hbm>> -> memref<128x128xf32, #tpu.memory_space<hbm>>
      %dma_wait3A_62 = arith.constant 0 : i32
      %dma_wait3A_63 = tpu.memref_slice %arg5[%arg0, %add3A_29, %dma_wait3A_62] : memref<2x10240x128xf32, #tpu.memory_space<hbm>> -> memref<1x128x128xf32, #tpu.memory_space<hbm>>
      %dma_wait3A_64 = tpu.memref_squeeze %dma_wait3A_63 : memref<1x128x128xf32, #tpu.memory_space<hbm>> -> memref<128x128xf32, #tpu.memory_space<hbm>>
      %dma_wait3A_65 = arith.constant 0 : i32
      %dma_wait3A_66 = arith.constant 0 : i32
      %dma_wait3A_67 = tpu.memref_slice %arg8[%dma_wait3A_65, %dma_wait3A_66] : memref<128x128xf32, #tpu.memory_space<vmem>> -> memref<128x128xf32, #tpu.memory_space<vmem>>
      tpu.wait_dma2 semaphore(%run_scoped3A : memref<!tpu.dma_semaphore, #tpu.memory_space<semaphore_mem>>) src(%dma_wait3A_67 : memref<128x128xf32, #tpu.memory_space<vmem>>) dst(%dma_wait3A_64 : memref<128x128xf32, #tpu.memory_space<hbm>>)
      tpu.yield
    }) : () -> ()
    %add3A_30 = arith.constant 128 : i32
    %add3A_31 = arith.addi %mul3A_8, %add3A_30 : i32
    "tpu.region"() ({
      %run_scoped3A = tpu.sem_alloc : memref<!tpu.dma_semaphore, #tpu.memory_space<semaphore_mem>>
      %dma_start3A = arith.constant 0 : i32
      %dma_start3A_46 = arith.constant 0 : i32
      %dma_start3A_47 = tpu.memref_slice %arg8[%dma_start3A, %dma_start3A_46] : memref<128x128xf32, #tpu.memory_space<vmem>> -> memref<128x128xf32, #tpu.memory_space<vmem>>
      %dma_start3A_48 = arith.constant 0 : i32
      %dma_start3A_49 = tpu.memref_slice %arg9[%add3A_31, %dma_start3A_48] : memref<10240x128xf32, #tpu.memory_space<vmem_shared>> -> memref<128x128xf32, #tpu.memory_space<vmem_shared>>
      %dma_start3A_50 = arith.constant 0 : i32
      %dma_start3A_51 = arith.constant 0 : i32
      %dma_start3A_52 = tpu.memref_slice %arg8[%dma_start3A_50, %dma_start3A_51] : memref<128x128xf32, #tpu.memory_space<vmem>> -> memref<128x128xf32, #tpu.memory_space<vmem>>
      %dma_start3A_53 = arith.constant 0 : i32
      %dma_start3A_54 = tpu.memref_slice %arg9[%add3A_31, %dma_start3A_53] : memref<10240x128xf32, #tpu.memory_space<vmem_shared>> -> memref<128x128xf32, #tpu.memory_space<vmem_shared>>
      tpu.enqueue_dma source(%dma_start3A_54 : memref<128x128xf32, #tpu.memory_space<vmem_shared>>) target(%dma_start3A_52 : memref<128x128xf32, #tpu.memory_space<vmem>>) target_semaphore(%run_scoped3A : memref<!tpu.dma_semaphore, #tpu.memory_space<semaphore_mem>>)
      %dma_wait3A = arith.constant 0 : i32
      %dma_wait3A_55 = arith.constant 0 : i32
      %dma_wait3A_56 = tpu.memref_slice %arg8[%dma_wait3A, %dma_wait3A_55] : memref<128x128xf32, #tpu.memory_space<vmem>> -> memref<128x128xf32, #tpu.memory_space<vmem>>
      %dma_wait3A_57 = arith.constant 0 : i32
      %dma_wait3A_58 = tpu.memref_slice %arg9[%add3A_31, %dma_wait3A_57] : memref<10240x128xf32, #tpu.memory_space<vmem_shared>> -> memref<128x128xf32, #tpu.memory_space<vmem_shared>>
      %dma_wait3A_59 = arith.constant 0 : i32
      %dma_wait3A_60 = arith.constant 0 : i32
      %dma_wait3A_61 = tpu.memref_slice %arg8[%dma_wait3A_59, %dma_wait3A_60] : memref<128x128xf32, #tpu.memory_space<vmem>> -> memref<128x128xf32, #tpu.memory_space<vmem>>
      %dma_wait3A_62 = arith.constant 0 : i32
      %dma_wait3A_63 = tpu.memref_slice %arg9[%add3A_31, %dma_wait3A_62] : memref<10240x128xf32, #tpu.memory_space<vmem_shared>> -> memref<128x128xf32, #tpu.memory_space<vmem_shared>>
      tpu.wait_dma2 semaphore(%run_scoped3A : memref<!tpu.dma_semaphore, #tpu.memory_space<semaphore_mem>>) src(%dma_wait3A_63 : memref<128x128xf32, #tpu.memory_space<vmem_shared>>) dst(%dma_wait3A_61 : memref<128x128xf32, #tpu.memory_space<vmem>>)
      tpu.yield
    }) : () -> ()
    %add3A_32 = arith.constant 128 : i32
    %add3A_33 = arith.addi %mul3A_8, %add3A_32 : i32
    "tpu.region"() ({
      %run_scoped3A = tpu.sem_alloc : memref<!tpu.dma_semaphore, #tpu.memory_space<semaphore_mem>>
      %dma_start3A = arith.constant 0 : i32
      %dma_start3A_46 = arith.constant 0 : i32
      %dma_start3A_47 = tpu.memref_slice %arg8[%dma_start3A, %dma_start3A_46] : memref<128x128xf32, #tpu.memory_space<vmem>> -> memref<128x128xf32, #tpu.memory_space<vmem>>
      %dma_start3A_48 = arith.constant 0 : i32
      %dma_start3A_49 = tpu.memref_slice %arg5[%arg0, %add3A_33, %dma_start3A_48] : memref<2x10240x128xf32, #tpu.memory_space<hbm>> -> memref<1x128x128xf32, #tpu.memory_space<hbm>>
      %dma_start3A_50 = tpu.memref_squeeze %dma_start3A_49 : memref<1x128x128xf32, #tpu.memory_space<hbm>> -> memref<128x128xf32, #tpu.memory_space<hbm>>
      %dma_start3A_51 = arith.constant 0 : i32
      %dma_start3A_52 = tpu.memref_slice %arg5[%arg0, %add3A_33, %dma_start3A_51] : memref<2x10240x128xf32, #tpu.memory_space<hbm>> -> memref<1x128x128xf32, #tpu.memory_space<hbm>>
      %dma_start3A_53 = tpu.memref_squeeze %dma_start3A_52 : memref<1x128x128xf32, #tpu.memory_space<hbm>> -> memref<128x128xf32, #tpu.memory_space<hbm>>
      %dma_start3A_54 = arith.constant 0 : i32
      %dma_start3A_55 = arith.constant 0 : i32
      %dma_start3A_56 = tpu.memref_slice %arg8[%dma_start3A_54, %dma_start3A_55] : memref<128x128xf32, #tpu.memory_space<vmem>> -> memref<128x128xf32, #tpu.memory_space<vmem>>
      tpu.enqueue_dma source(%dma_start3A_56 : memref<128x128xf32, #tpu.memory_space<vmem>>) target(%dma_start3A_53 : memref<128x128xf32, #tpu.memory_space<hbm>>) target_semaphore(%run_scoped3A : memref<!tpu.dma_semaphore, #tpu.memory_space<semaphore_mem>>)
      %dma_wait3A = arith.constant 0 : i32
      %dma_wait3A_57 = arith.constant 0 : i32
      %dma_wait3A_58 = tpu.memref_slice %arg8[%dma_wait3A, %dma_wait3A_57] : memref<128x128xf32, #tpu.memory_space<vmem>> -> memref<128x128xf32, #tpu.memory_space<vmem>>
      %dma_wait3A_59 = arith.constant 0 : i32
      %dma_wait3A_60 = tpu.memref_slice %arg5[%arg0, %add3A_33, %dma_wait3A_59] : memref<2x10240x128xf32, #tpu.memory_space<hbm>> -> memref<1x128x128xf32, #tpu.memory_space<hbm>>
      %dma_wait3A_61 = tpu.memref_squeeze %dma_wait3A_60 : memref<1x128x128xf32, #tpu.memory_space<hbm>> -> memref<128x128xf32, #tpu.memory_space<hbm>>
      %dma_wait3A_62 = arith.constant 0 : i32
      %dma_wait3A_63 = tpu.memref_slice %arg5[%arg0, %add3A_33, %dma_wait3A_62] : memref<2x10240x128xf32, #tpu.memory_space<hbm>> -> memref<1x128x128xf32, #tpu.memory_space<hbm>>
      %dma_wait3A_64 = tpu.memref_squeeze %dma_wait3A_63 : memref<1x128x128xf32, #tpu.memory_space<hbm>> -> memref<128x128xf32, #tpu.memory_space<hbm>>
      %dma_wait3A_65 = arith.constant 0 : i32
      %dma_wait3A_66 = arith.constant 0 : i32
      %dma_wait3A_67 = tpu.memref_slice %arg8[%dma_wait3A_65, %dma_wait3A_66] : memref<128x128xf32, #tpu.memory_space<vmem>> -> memref<128x128xf32, #tpu.memory_space<vmem>>
      tpu.wait_dma2 semaphore(%run_scoped3A : memref<!tpu.dma_semaphore, #tpu.memory_space<semaphore_mem>>) src(%dma_wait3A_67 : memref<128x128xf32, #tpu.memory_space<vmem>>) dst(%dma_wait3A_64 : memref<128x128xf32, #tpu.memory_space<hbm>>)
      tpu.yield
    }) : () -> ()
    %add3A_34 = arith.constant 256 : i32
    %add3A_35 = arith.addi %mul3A_8, %add3A_34 : i32
    "tpu.region"() ({
      %run_scoped3A = tpu.sem_alloc : memref<!tpu.dma_semaphore, #tpu.memory_space<semaphore_mem>>
      %dma_start3A = arith.constant 0 : i32
      %dma_start3A_46 = arith.constant 0 : i32
      %dma_start3A_47 = tpu.memref_slice %arg8[%dma_start3A, %dma_start3A_46] : memref<128x128xf32, #tpu.memory_space<vmem>> -> memref<128x128xf32, #tpu.memory_space<vmem>>
      %dma_start3A_48 = arith.constant 0 : i32
      %dma_start3A_49 = tpu.memref_slice %arg9[%add3A_35, %dma_start3A_48] : memref<10240x128xf32, #tpu.memory_space<vmem_shared>> -> memref<128x128xf32, #tpu.memory_space<vmem_shared>>
      %dma_start3A_50 = arith.constant 0 : i32
      %dma_start3A_51 = arith.constant 0 : i32
      %dma_start3A_52 = tpu.memref_slice %arg8[%dma_start3A_50, %dma_start3A_51] : memref<128x128xf32, #tpu.memory_space<vmem>> -> memref<128x128xf32, #tpu.memory_space<vmem>>
      %dma_start3A_53 = arith.constant 0 : i32
      %dma_start3A_54 = tpu.memref_slice %arg9[%add3A_35, %dma_start3A_53] : memref<10240x128xf32, #tpu.memory_space<vmem_shared>> -> memref<128x128xf32, #tpu.memory_space<vmem_shared>>
      tpu.enqueue_dma source(%dma_start3A_54 : memref<128x128xf32, #tpu.memory_space<vmem_shared>>) target(%dma_start3A_52 : memref<128x128xf32, #tpu.memory_space<vmem>>) target_semaphore(%run_scoped3A : memref<!tpu.dma_semaphore, #tpu.memory_space<semaphore_mem>>)
      %dma_wait3A = arith.constant 0 : i32
      %dma_wait3A_55 = arith.constant 0 : i32
      %dma_wait3A_56 = tpu.memref_slice %arg8[%dma_wait3A, %dma_wait3A_55] : memref<128x128xf32, #tpu.memory_space<vmem>> -> memref<128x128xf32, #tpu.memory_space<vmem>>
      %dma_wait3A_57 = arith.constant 0 : i32
      %dma_wait3A_58 = tpu.memref_slice %arg9[%add3A_35, %dma_wait3A_57] : memref<10240x128xf32, #tpu.memory_space<vmem_shared>> -> memref<128x128xf32, #tpu.memory_space<vmem_shared>>
      %dma_wait3A_59 = arith.constant 0 : i32
      %dma_wait3A_60 = arith.constant 0 : i32
      %dma_wait3A_61 = tpu.memref_slice %arg8[%dma_wait3A_59, %dma_wait3A_60] : memref<128x128xf32, #tpu.memory_space<vmem>> -> memref<128x128xf32, #tpu.memory_space<vmem>>
      %dma_wait3A_62 = arith.constant 0 : i32
      %dma_wait3A_63 = tpu.memref_slice %arg9[%add3A_35, %dma_wait3A_62] : memref<10240x128xf32, #tpu.memory_space<vmem_shared>> -> memref<128x128xf32, #tpu.memory_space<vmem_shared>>
      tpu.wait_dma2 semaphore(%run_scoped3A : memref<!tpu.dma_semaphore, #tpu.memory_space<semaphore_mem>>) src(%dma_wait3A_63 : memref<128x128xf32, #tpu.memory_space<vmem_shared>>) dst(%dma_wait3A_61 : memref<128x128xf32, #tpu.memory_space<vmem>>)
      tpu.yield
    }) : () -> ()
    %add3A_36 = arith.constant 256 : i32
    %add3A_37 = arith.addi %mul3A_8, %add3A_36 : i32
    "tpu.region"() ({
      %run_scoped3A = tpu.sem_alloc : memref<!tpu.dma_semaphore, #tpu.memory_space<semaphore_mem>>
      %dma_start3A = arith.constant 0 : i32
      %dma_start3A_46 = arith.constant 0 : i32
      %dma_start3A_47 = tpu.memref_slice %arg8[%dma_start3A, %dma_start3A_46] : memref<128x128xf32, #tpu.memory_space<vmem>> -> memref<128x128xf32, #tpu.memory_space<vmem>>
      %dma_start3A_48 = arith.constant 0 : i32
      %dma_start3A_49 = tpu.memref_slice %arg5[%arg0, %add3A_37, %dma_start3A_48] : memref<2x10240x128xf32, #tpu.memory_space<hbm>> -> memref<1x128x128xf32, #tpu.memory_space<hbm>>
      %dma_start3A_50 = tpu.memref_squeeze %dma_start3A_49 : memref<1x128x128xf32, #tpu.memory_space<hbm>> -> memref<128x128xf32, #tpu.memory_space<hbm>>
      %dma_start3A_51 = arith.constant 0 : i32
      %dma_start3A_52 = tpu.memref_slice %arg5[%arg0, %add3A_37, %dma_start3A_51] : memref<2x10240x128xf32, #tpu.memory_space<hbm>> -> memref<1x128x128xf32, #tpu.memory_space<hbm>>
      %dma_start3A_53 = tpu.memref_squeeze %dma_start3A_52 : memref<1x128x128xf32, #tpu.memory_space<hbm>> -> memref<128x128xf32, #tpu.memory_space<hbm>>
      %dma_start3A_54 = arith.constant 0 : i32
      %dma_start3A_55 = arith.constant 0 : i32
      %dma_start3A_56 = tpu.memref_slice %arg8[%dma_start3A_54, %dma_start3A_55] : memref<128x128xf32, #tpu.memory_space<vmem>> -> memref<128x128xf32, #tpu.memory_space<vmem>>
      tpu.enqueue_dma source(%dma_start3A_56 : memref<128x128xf32, #tpu.memory_space<vmem>>) target(%dma_start3A_53 : memref<128x128xf32, #tpu.memory_space<hbm>>) target_semaphore(%run_scoped3A : memref<!tpu.dma_semaphore, #tpu.memory_space<semaphore_mem>>)
      %dma_wait3A = arith.constant 0 : i32
      %dma_wait3A_57 = arith.constant 0 : i32
      %dma_wait3A_58 = tpu.memref_slice %arg8[%dma_wait3A, %dma_wait3A_57] : memref<128x128xf32, #tpu.memory_space<vmem>> -> memref<128x128xf32, #tpu.memory_space<vmem>>
      %dma_wait3A_59 = arith.constant 0 : i32
      %dma_wait3A_60 = tpu.memref_slice %arg5[%arg0, %add3A_37, %dma_wait3A_59] : memref<2x10240x128xf32, #tpu.memory_space<hbm>> -> memref<1x128x128xf32, #tpu.memory_space<hbm>>
      %dma_wait3A_61 = tpu.memref_squeeze %dma_wait3A_60 : memref<1x128x128xf32, #tpu.memory_space<hbm>> -> memref<128x128xf32, #tpu.memory_space<hbm>>
      %dma_wait3A_62 = arith.constant 0 : i32
      %dma_wait3A_63 = tpu.memref_slice %arg5[%arg0, %add3A_37, %dma_wait3A_62] : memref<2x10240x128xf32, #tpu.memory_space<hbm>> -> memref<1x128x128xf32, #tpu.memory_space<hbm>>
      %dma_wait3A_64 = tpu.memref_squeeze %dma_wait3A_63 : memref<1x128x128xf32, #tpu.memory_space<hbm>> -> memref<128x128xf32, #tpu.memory_space<hbm>>
      %dma_wait3A_65 = arith.constant 0 : i32
      %dma_wait3A_66 = arith.constant 0 : i32
      %dma_wait3A_67 = tpu.memref_slice %arg8[%dma_wait3A_65, %dma_wait3A_66] : memref<128x128xf32, #tpu.memory_space<vmem>> -> memref<128x128xf32, #tpu.memory_space<vmem>>
      tpu.wait_dma2 semaphore(%run_scoped3A : memref<!tpu.dma_semaphore, #tpu.memory_space<semaphore_mem>>) src(%dma_wait3A_67 : memref<128x128xf32, #tpu.memory_space<vmem>>) dst(%dma_wait3A_64 : memref<128x128xf32, #tpu.memory_space<hbm>>)
      tpu.yield
    }) : () -> ()
    %add3A_38 = arith.constant 384 : i32
    %add3A_39 = arith.addi %mul3A_8, %add3A_38 : i32
    "tpu.region"() ({
      %run_scoped3A = tpu.sem_alloc : memref<!tpu.dma_semaphore, #tpu.memory_space<semaphore_mem>>
      %dma_start3A = arith.constant 0 : i32
      %dma_start3A_46 = arith.constant 0 : i32
      %dma_start3A_47 = tpu.memref_slice %arg8[%dma_start3A, %dma_start3A_46] : memref<128x128xf32, #tpu.memory_space<vmem>> -> memref<128x128xf32, #tpu.memory_space<vmem>>
      %dma_start3A_48 = arith.constant 0 : i32
      %dma_start3A_49 = tpu.memref_slice %arg9[%add3A_39, %dma_start3A_48] : memref<10240x128xf32, #tpu.memory_space<vmem_shared>> -> memref<128x128xf32, #tpu.memory_space<vmem_shared>>
      %dma_start3A_50 = arith.constant 0 : i32
      %dma_start3A_51 = arith.constant 0 : i32
      %dma_start3A_52 = tpu.memref_slice %arg8[%dma_start3A_50, %dma_start3A_51] : memref<128x128xf32, #tpu.memory_space<vmem>> -> memref<128x128xf32, #tpu.memory_space<vmem>>
      %dma_start3A_53 = arith.constant 0 : i32
      %dma_start3A_54 = tpu.memref_slice %arg9[%add3A_39, %dma_start3A_53] : memref<10240x128xf32, #tpu.memory_space<vmem_shared>> -> memref<128x128xf32, #tpu.memory_space<vmem_shared>>
      tpu.enqueue_dma source(%dma_start3A_54 : memref<128x128xf32, #tpu.memory_space<vmem_shared>>) target(%dma_start3A_52 : memref<128x128xf32, #tpu.memory_space<vmem>>) target_semaphore(%run_scoped3A : memref<!tpu.dma_semaphore, #tpu.memory_space<semaphore_mem>>)
      %dma_wait3A = arith.constant 0 : i32
      %dma_wait3A_55 = arith.constant 0 : i32
      %dma_wait3A_56 = tpu.memref_slice %arg8[%dma_wait3A, %dma_wait3A_55] : memref<128x128xf32, #tpu.memory_space<vmem>> -> memref<128x128xf32, #tpu.memory_space<vmem>>
      %dma_wait3A_57 = arith.constant 0 : i32
      %dma_wait3A_58 = tpu.memref_slice %arg9[%add3A_39, %dma_wait3A_57] : memref<10240x128xf32, #tpu.memory_space<vmem_shared>> -> memref<128x128xf32, #tpu.memory_space<vmem_shared>>
      %dma_wait3A_59 = arith.constant 0 : i32
      %dma_wait3A_60 = arith.constant 0 : i32
      %dma_wait3A_61 = tpu.memref_slice %arg8[%dma_wait3A_59, %dma_wait3A_60] : memref<128x128xf32, #tpu.memory_space<vmem>> -> memref<128x128xf32, #tpu.memory_space<vmem>>
      %dma_wait3A_62 = arith.constant 0 : i32
      %dma_wait3A_63 = tpu.memref_slice %arg9[%add3A_39, %dma_wait3A_62] : memref<10240x128xf32, #tpu.memory_space<vmem_shared>> -> memref<128x128xf32, #tpu.memory_space<vmem_shared>>
      tpu.wait_dma2 semaphore(%run_scoped3A : memref<!tpu.dma_semaphore, #tpu.memory_space<semaphore_mem>>) src(%dma_wait3A_63 : memref<128x128xf32, #tpu.memory_space<vmem_shared>>) dst(%dma_wait3A_61 : memref<128x128xf32, #tpu.memory_space<vmem>>)
      tpu.yield
    }) : () -> ()
    %add3A_40 = arith.constant 384 : i32
    %add3A_41 = arith.addi %mul3A_8, %add3A_40 : i32
    "tpu.region"() ({
      %run_scoped3A = tpu.sem_alloc : memref<!tpu.dma_semaphore, #tpu.memory_space<semaphore_mem>>
      %dma_start3A = arith.constant 0 : i32
      %dma_start3A_46 = arith.constant 0 : i32
      %dma_start3A_47 = tpu.memref_slice %arg8[%dma_start3A, %dma_start3A_46] : memref<128x128xf32, #tpu.memory_space<vmem>> -> memref<128x128xf32, #tpu.memory_space<vmem>>
      %dma_start3A_48 = arith.constant 0 : i32
      %dma_start3A_49 = tpu.memref_slice %arg5[%arg0, %add3A_41, %dma_start3A_48] : memref<2x10240x128xf32, #tpu.memory_space<hbm>> -> memref<1x128x128xf32, #tpu.memory_space<hbm>>
      %dma_start3A_50 = tpu.memref_squeeze %dma_start3A_49 : memref<1x128x128xf32, #tpu.memory_space<hbm>> -> memref<128x128xf32, #tpu.memory_space<hbm>>
      %dma_start3A_51 = arith.constant 0 : i32
      %dma_start3A_52 = tpu.memref_slice %arg5[%arg0, %add3A_41, %dma_start3A_51] : memref<2x10240x128xf32, #tpu.memory_space<hbm>> -> memref<1x128x128xf32, #tpu.memory_space<hbm>>
      %dma_start3A_53 = tpu.memref_squeeze %dma_start3A_52 : memref<1x128x128xf32, #tpu.memory_space<hbm>> -> memref<128x128xf32, #tpu.memory_space<hbm>>
      %dma_start3A_54 = arith.constant 0 : i32
      %dma_start3A_55 = arith.constant 0 : i32
      %dma_start3A_56 = tpu.memref_slice %arg8[%dma_start3A_54, %dma_start3A_55] : memref<128x128xf32, #tpu.memory_space<vmem>> -> memref<128x128xf32, #tpu.memory_space<vmem>>
      tpu.enqueue_dma source(%dma_start3A_56 : memref<128x128xf32, #tpu.memory_space<vmem>>) target(%dma_start3A_53 : memref<128x128xf32, #tpu.memory_space<hbm>>) target_semaphore(%run_scoped3A : memref<!tpu.dma_semaphore, #tpu.memory_space<semaphore_mem>>)
      %dma_wait3A = arith.constant 0 : i32
      %dma_wait3A_57 = arith.constant 0 : i32
      %dma_wait3A_58 = tpu.memref_slice %arg8[%dma_wait3A, %dma_wait3A_57] : memref<128x128xf32, #tpu.memory_space<vmem>> -> memref<128x128xf32, #tpu.memory_space<vmem>>
      %dma_wait3A_59 = arith.constant 0 : i32
      %dma_wait3A_60 = tpu.memref_slice %arg5[%arg0, %add3A_41, %dma_wait3A_59] : memref<2x10240x128xf32, #tpu.memory_space<hbm>> -> memref<1x128x128xf32, #tpu.memory_space<hbm>>
      %dma_wait3A_61 = tpu.memref_squeeze %dma_wait3A_60 : memref<1x128x128xf32, #tpu.memory_space<hbm>> -> memref<128x128xf32, #tpu.memory_space<hbm>>
      %dma_wait3A_62 = arith.constant 0 : i32
      %dma_wait3A_63 = tpu.memref_slice %arg5[%arg0, %add3A_41, %dma_wait3A_62] : memref<2x10240x128xf32, #tpu.memory_space<hbm>> -> memref<1x128x128xf32, #tpu.memory_space<hbm>>
      %dma_wait3A_64 = tpu.memref_squeeze %dma_wait3A_63 : memref<1x128x128xf32, #tpu.memory_space<hbm>> -> memref<128x128xf32, #tpu.memory_space<hbm>>
      %dma_wait3A_65 = arith.constant 0 : i32
      %dma_wait3A_66 = arith.constant 0 : i32
      %dma_wait3A_67 = tpu.memref_slice %arg8[%dma_wait3A_65, %dma_wait3A_66] : memref<128x128xf32, #tpu.memory_space<vmem>> -> memref<128x128xf32, #tpu.memory_space<vmem>>
      tpu.wait_dma2 semaphore(%run_scoped3A : memref<!tpu.dma_semaphore, #tpu.memory_space<semaphore_mem>>) src(%dma_wait3A_67 : memref<128x128xf32, #tpu.memory_space<vmem>>) dst(%dma_wait3A_64 : memref<128x128xf32, #tpu.memory_space<hbm>>)
      tpu.yield
    }) : () -> ()
    %add3A_42 = arith.constant 512 : i32
    %add3A_43 = arith.addi %mul3A_8, %add3A_42 : i32
    "tpu.region"() ({
      %run_scoped3A = tpu.sem_alloc : memref<!tpu.dma_semaphore, #tpu.memory_space<semaphore_mem>>
      %dma_start3A = arith.constant 0 : i32
      %dma_start3A_46 = arith.constant 0 : i32
      %dma_start3A_47 = tpu.memref_slice %arg8[%dma_start3A, %dma_start3A_46] : memref<128x128xf32, #tpu.memory_space<vmem>> -> memref<128x128xf32, #tpu.memory_space<vmem>>
      %dma_start3A_48 = arith.constant 0 : i32
      %dma_start3A_49 = tpu.memref_slice %arg9[%add3A_43, %dma_start3A_48] : memref<10240x128xf32, #tpu.memory_space<vmem_shared>> -> memref<128x128xf32, #tpu.memory_space<vmem_shared>>
      %dma_start3A_50 = arith.constant 0 : i32
      %dma_start3A_51 = arith.constant 0 : i32
      %dma_start3A_52 = tpu.memref_slice %arg8[%dma_start3A_50, %dma_start3A_51] : memref<128x128xf32, #tpu.memory_space<vmem>> -> memref<128x128xf32, #tpu.memory_space<vmem>>
      %dma_start3A_53 = arith.constant 0 : i32
      %dma_start3A_54 = tpu.memref_slice %arg9[%add3A_43, %dma_start3A_53] : memref<10240x128xf32, #tpu.memory_space<vmem_shared>> -> memref<128x128xf32, #tpu.memory_space<vmem_shared>>
      tpu.enqueue_dma source(%dma_start3A_54 : memref<128x128xf32, #tpu.memory_space<vmem_shared>>) target(%dma_start3A_52 : memref<128x128xf32, #tpu.memory_space<vmem>>) target_semaphore(%run_scoped3A : memref<!tpu.dma_semaphore, #tpu.memory_space<semaphore_mem>>)
      %dma_wait3A = arith.constant 0 : i32
      %dma_wait3A_55 = arith.constant 0 : i32
      %dma_wait3A_56 = tpu.memref_slice %arg8[%dma_wait3A, %dma_wait3A_55] : memref<128x128xf32, #tpu.memory_space<vmem>> -> memref<128x128xf32, #tpu.memory_space<vmem>>
      %dma_wait3A_57 = arith.constant 0 : i32
      %dma_wait3A_58 = tpu.memref_slice %arg9[%add3A_43, %dma_wait3A_57] : memref<10240x128xf32, #tpu.memory_space<vmem_shared>> -> memref<128x128xf32, #tpu.memory_space<vmem_shared>>
      %dma_wait3A_59 = arith.constant 0 : i32
      %dma_wait3A_60 = arith.constant 0 : i32
      %dma_wait3A_61 = tpu.memref_slice %arg8[%dma_wait3A_59, %dma_wait3A_60] : memref<128x128xf32, #tpu.memory_space<vmem>> -> memref<128x128xf32, #tpu.memory_space<vmem>>
      %dma_wait3A_62 = arith.constant 0 : i32
      %dma_wait3A_63 = tpu.memref_slice %arg9[%add3A_43, %dma_wait3A_62] : memref<10240x128xf32, #tpu.memory_space<vmem_shared>> -> memref<128x128xf32, #tpu.memory_space<vmem_shared>>
      tpu.wait_dma2 semaphore(%run_scoped3A : memref<!tpu.dma_semaphore, #tpu.memory_space<semaphore_mem>>) src(%dma_wait3A_63 : memref<128x128xf32, #tpu.memory_space<vmem_shared>>) dst(%dma_wait3A_61 : memref<128x128xf32, #tpu.memory_space<vmem>>)
      tpu.yield
    }) : () -> ()
    %add3A_44 = arith.constant 512 : i32
    %add3A_45 = arith.addi %mul3A_8, %add3A_44 : i32
    "tpu.region"() ({
      %run_scoped3A = tpu.sem_alloc : memref<!tpu.dma_semaphore, #tpu.memory_space<semaphore_mem>>
      %dma_start3A = arith.constant 0 : i32
      %dma_start3A_46 = arith.constant 0 : i32
      %dma_start3A_47 = tpu.memref_slice %arg8[%dma_start3A, %dma_start3A_46] : memref<128x128xf32, #tpu.memory_space<vmem>> -> memref<128x128xf32, #tpu.memory_space<vmem>>
      %dma_start3A_48 = arith.constant 0 : i32
      %dma_start3A_49 = tpu.memref_slice %arg5[%arg0, %add3A_45, %dma_start3A_48] : memref<2x10240x128xf32, #tpu.memory_space<hbm>> -> memref<1x128x128xf32, #tpu.memory_space<hbm>>
      %dma_start3A_50 = tpu.memref_squeeze %dma_start3A_49 : memref<1x128x128xf32, #tpu.memory_space<hbm>> -> memref<128x128xf32, #tpu.memory_space<hbm>>
      %dma_start3A_51 = arith.constant 0 : i32
      %dma_start3A_52 = tpu.memref_slice %arg5[%arg0, %add3A_45, %dma_start3A_51] : memref<2x10240x128xf32, #tpu.memory_space<hbm>> -> memref<1x128x128xf32, #tpu.memory_space<hbm>>
      %dma_start3A_53 = tpu.memref_squeeze %dma_start3A_52 : memref<1x128x128xf32, #tpu.memory_space<hbm>> -> memref<128x128xf32, #tpu.memory_space<hbm>>
      %dma_start3A_54 = arith.constant 0 : i32
      %dma_start3A_55 = arith.constant 0 : i32
      %dma_start3A_56 = tpu.memref_slice %arg8[%dma_start3A_54, %dma_start3A_55] : memref<128x128xf32, #tpu.memory_space<vmem>> -> memref<128x128xf32, #tpu.memory_space<vmem>>
      tpu.enqueue_dma source(%dma_start3A_56 : memref<128x128xf32, #tpu.memory_space<vmem>>) target(%dma_start3A_53 : memref<128x128xf32, #tpu.memory_space<hbm>>) target_semaphore(%run_scoped3A : memref<!tpu.dma_semaphore, #tpu.memory_space<semaphore_mem>>)
      %dma_wait3A = arith.constant 0 : i32
      %dma_wait3A_57 = arith.constant 0 : i32
      %dma_wait3A_58 = tpu.memref_slice %arg8[%dma_wait3A, %dma_wait3A_57] : memref<128x128xf32, #tpu.memory_space<vmem>> -> memref<128x128xf32, #tpu.memory_space<vmem>>
      %dma_wait3A_59 = arith.constant 0 : i32
      %dma_wait3A_60 = tpu.memref_slice %arg5[%arg0, %add3A_45, %dma_wait3A_59] : memref<2x10240x128xf32, #tpu.memory_space<hbm>> -> memref<1x128x128xf32, #tpu.memory_space<hbm>>
      %dma_wait3A_61 = tpu.memref_squeeze %dma_wait3A_60 : memref<1x128x128xf32, #tpu.memory_space<hbm>> -> memref<128x128xf32, #tpu.memory_space<hbm>>
      %dma_wait3A_62 = arith.constant 0 : i32
      %dma_wait3A_63 = tpu.memref_slice %arg5[%arg0, %add3A_45, %dma_wait3A_62] : memref<2x10240x128xf32, #tpu.memory_space<hbm>> -> memref<1x128x128xf32, #tpu.memory_space<hbm>>
      %dma_wait3A_64 = tpu.memref_squeeze %dma_wait3A_63 : memref<1x128x128xf32, #tpu.memory_space<hbm>> -> memref<128x128xf32, #tpu.memory_space<hbm>>
      %dma_wait3A_65 = arith.constant 0 : i32
      %dma_wait3A_66 = arith.constant 0 : i32
      %dma_wait3A_67 = tpu.memref_slice %arg8[%dma_wait3A_65, %dma_wait3A_66] : memref<128x128xf32, #tpu.memory_space<vmem>> -> memref<128x128xf32, #tpu.memory_space<vmem>>
      tpu.wait_dma2 semaphore(%run_scoped3A : memref<!tpu.dma_semaphore, #tpu.memory_space<semaphore_mem>>) src(%dma_wait3A_67 : memref<128x128xf32, #tpu.memory_space<vmem>>) dst(%dma_wait3A_64 : memref<128x128xf32, #tpu.memory_space<hbm>>)
      tpu.yield
    }) : () -> ()
    return
  }
}

module attributes {stable_mosaic.version = 14 : i64} {
  func.func @_mm1_body(%arg0: i32, %arg1: memref<1000x32xf32, #tpu.memory_space<vmem>>, %arg2: memref<1000x128xf32, #tpu.memory_space<vmem>>, %arg3: memref<128x128xf32, #tpu.memory_space<vmem>>, %arg4: memref<1000x128xf32, #tpu.memory_space<vmem>>, %arg5: memref<1000x1xf32, #tpu.memory_space<vmem>>) attributes {dimension_semantics = [#tpu.dimension_semantics<arbitrary>], iteration_bounds = array<i64: 10>, scalar_prefetch = 0 : i64, scratch_operands = 0 : i64, tpu.core_type = #tpu.core_type<tc>, window_params = [{transform_indices = @transform_0, window_bounds = array<i64: 1000, 32>}, {transform_indices = @transform_1, window_bounds = array<i64: 1000, 128>}, {pipeline_mode = #tpu.pipeline_mode<synchronous>, transform_indices = @transform_2, window_bounds = array<i64: 128, 128>}, {transform_indices = @transform_3, window_bounds = array<i64: 1000, 128>}, {transform_indices = @transform_4, window_bounds = array<i64: 1000, 1>}]} {
    %get3A = arith.constant 0 : index
    %get3A_0 = arith.constant 0 : index
    %get3A_1 = vector.load %arg1[%get3A, %get3A_0] : memref<1000x32xf32, #tpu.memory_space<vmem>>, vector<1000x32xf32>
    %reduce_sum3A = arith.constant dense<0.000000e+00> : vector<1000xf32>
    %reduce_sum3A_2 = vector.multi_reduction <add>, %get3A_1, %reduce_sum3A [1] : vector<1000x32xf32> to vector<1000xf32>
    %add3A = arith.constant 1.000000e+00 : f32
    %add3A_3 = vector.broadcast %add3A : f32 to vector<1000xf32>
    %add3A_4 = arith.addf %reduce_sum3A_2, %add3A_3 : vector<1000xf32>
    %sqrt3A = math.sqrt %add3A_4 : vector<1000xf32>
    %div3A = arith.constant 1.000000e+00 : f32
    %div3A_5 = vector.broadcast %div3A : f32 to vector<1000xf32>
    %div3A_6 = arith.divf %div3A_5, %sqrt3A : vector<1000xf32>
    %get3A_7 = arith.constant 0 : index
    %get3A_8 = arith.constant 0 : index
    %get3A_9 = vector.load %arg2[%get3A_7, %get3A_8] : memref<1000x128xf32, #tpu.memory_space<vmem>>, vector<1000x128xf32>
    %get3A_10 = arith.constant 0 : index
    %get3A_11 = arith.constant 0 : index
    %get3A_12 = vector.load %arg3[%get3A_10, %get3A_11] : memref<128x128xf32, #tpu.memory_space<vmem>>, vector<128x128xf32>
    %dot_general3A = arith.constant dense<0.000000e+00> : vector<1000x128xf32>
    %dot_general3A_13 = tpu.matmul %get3A_9, %get3A_12, %dot_general3A {dimension_numbers = #tpu.dot_dimension_numbers<[1], [0], [0], [1], [0, 0, 1, 1], [], []>, precision = #tpu.contract_precision<fp32>, transpose_lhs_hint = false} : vector<1000x128xf32>, vector<128x128xf32>, vector<1000x128xf32> -> vector<1000x128xf32>
    %broadcast_in_dim3A = vector.shape_cast %div3A_6 : vector<1000xf32> to vector<1000x1xf32>
    %mul3A = vector.broadcast %broadcast_in_dim3A : vector<1000x1xf32> to vector<1000x128xf32>
    %mul3A_14 = arith.mulf %dot_general3A_13, %mul3A : vector<1000x128xf32>
    %swap3A = arith.constant 0 : index
    %swap3A_15 = arith.constant 0 : index
    %swap3A_16 = vector.load %arg4[%swap3A, %swap3A_15] : memref<1000x128xf32, #tpu.memory_space<vmem>>, vector<1000x128xf32>
    tpu.vector_store %arg4[%swap3A, %swap3A_15], %mul3A_14 {strides = array<i32>} : memref<1000x128xf32, #tpu.memory_space<vmem>>, vector<1000x128xf32>,
    %broadcast_in_dim3A_17 = vector.shape_cast %div3A_6 : vector<1000xf32> to vector<1000x1xf32>
    %swap3A_18 = arith.constant 0 : index
    %swap3A_19 = arith.constant 0 : index
    %swap3A_20 = vector.load %arg5[%swap3A_18, %swap3A_19] : memref<1000x1xf32, #tpu.memory_space<vmem>>, vector<1000x1xf32>
    tpu.vector_store %arg5[%swap3A_18, %swap3A_19], %broadcast_in_dim3A_17 {strides = array<i32>} : memref<1000x1xf32, #tpu.memory_space<vmem>>, vector<1000x1xf32>,
    return
  }
  func.func @transform_0(%arg0: i32) -> (i32, i32) {
    %c0_i32 = arith.constant 0 : i32
    %c0_i32_0 = arith.constant 0 : i32
    return %arg0, %c0_i32 : i32, i32
  }
  func.func @transform_1(%arg0: i32) -> (i32, i32) {
    %c0_i32 = arith.constant 0 : i32
    %c0_i32_0 = arith.constant 0 : i32
    return %arg0, %c0_i32 : i32, i32
  }
  func.func @transform_2(%arg0: i32) -> (i32, i32) {
    %c0_i32 = arith.constant 0 : i32
    %c0_i32_0 = arith.constant 0 : i32
    %c0_i32_1 = arith.constant 0 : i32
    return %c0_i32, %c0_i32_0 : i32, i32
  }
  func.func @transform_3(%arg0: i32) -> (i32, i32) {
    %c0_i32 = arith.constant 0 : i32
    %c0_i32_0 = arith.constant 0 : i32
    return %arg0, %c0_i32 : i32, i32
  }
  func.func @transform_4(%arg0: i32) -> (i32, i32) {
    %c0_i32 = arith.constant 0 : i32
    %c0_i32_0 = arith.constant 0 : i32
    return %arg0, %c0_i32 : i32, i32
  }
}

module attributes {stable_mosaic.version = 14 : i64} {
  func.func @_mid_body(%arg0: i32, %arg1: memref<2x1000x128xf32, #tpu.memory_space<vmem>>, %arg2: memref<1000x128xf32, #tpu.memory_space<vmem>>, %arg3: memref<1000x1xf32, #tpu.memory_space<vmem>>, %arg4: memref<1x128xf32, #tpu.memory_space<vmem>>, %arg5: memref<128x128xf32, #tpu.memory_space<vmem>>, %arg6: memref<1000x128xf32, #tpu.memory_space<vmem>>) attributes {dimension_semantics = [#tpu.dimension_semantics<arbitrary>], iteration_bounds = array<i64: 10>, scalar_prefetch = 0 : i64, scratch_operands = 0 : i64, tpu.core_type = #tpu.core_type<tc>, window_params = [{transform_indices = @transform_0, window_bounds = array<i64: 2, 1000, 128>}, {transform_indices = @transform_1, window_bounds = array<i64: 1000, 128>}, {transform_indices = @transform_2, window_bounds = array<i64: 1000, 1>}, {pipeline_mode = #tpu.pipeline_mode<synchronous>, transform_indices = @transform_3, window_bounds = array<i64: 1, 128>}, {pipeline_mode = #tpu.pipeline_mode<synchronous>, transform_indices = @transform_4, window_bounds = array<i64: 128, 128>}, {transform_indices = @transform_5, window_bounds = array<i64: 1000, 128>}]} {
    %get3A = arith.constant 0 : index
    %get3A_0 = arith.constant 0 : index
    %get3A_1 = arith.constant 0 : index
    %get3A_2 = vector.load %arg1[%get3A, %get3A_0, %get3A_1] : memref<2x1000x128xf32, #tpu.memory_space<vmem>>, vector<1x1000x128xf32>
    %get3A_3 = vector.shape_cast %get3A_2 : vector<1x1000x128xf32> to vector<1000x128xf32>
    %get3A_4 = arith.constant 1 : index
    %get3A_5 = arith.constant 0 : index
    %get3A_6 = arith.constant 0 : index
    %get3A_7 = vector.load %arg1[%get3A_4, %get3A_5, %get3A_6] : memref<2x1000x128xf32, #tpu.memory_space<vmem>>, vector<1x1000x128xf32>
    %get3A_8 = vector.shape_cast %get3A_7 : vector<1x1000x128xf32> to vector<1000x128xf32>
    %add3A = arith.addf %get3A_3, %get3A_8 : vector<1000x128xf32>
    %get3A_9 = arith.constant 0 : index
    %get3A_10 = arith.constant 0 : index
    %get3A_11 = vector.load %arg2[%get3A_9, %get3A_10] : memref<1000x128xf32, #tpu.memory_space<vmem>>, vector<1000x128xf32>
    %add3A_12 = arith.addf %add3A, %get3A_11 : vector<1000x128xf32>
    %get3A_13 = arith.constant 0 : index
    %get3A_14 = arith.constant 0 : index
    %get3A_15 = vector.load %arg3[%get3A_13, %get3A_14] : memref<1000x1xf32, #tpu.memory_space<vmem>>, vector<1000x1xf32>
    %mul3A = vector.broadcast %get3A_15 : vector<1000x1xf32> to vector<1000x128xf32>
    %mul3A_16 = arith.mulf %add3A_12, %mul3A : vector<1000x128xf32>
    %get3A_17 = arith.constant 0 : index
    %get3A_18 = arith.constant 0 : index
    %get3A_19 = vector.load %arg4[%get3A_17, %get3A_18] : memref<1x128xf32, #tpu.memory_space<vmem>>, vector<1x128xf32>
    %add3A_20 = vector.broadcast %get3A_19 : vector<1x128xf32> to vector<1000x128xf32>
    %add3A_21 = arith.addf %mul3A_16, %add3A_20 : vector<1000x128xf32>
    %max3A = arith.constant 0.000000e+00 : f32
    %max3A_22 = vector.broadcast %max3A : f32 to vector<1000x128xf32>
    %max3A_23 = arith.maximumf %add3A_21, %max3A_22 : vector<1000x128xf32>
    %get3A_24 = arith.constant 0 : index
    %get3A_25 = arith.constant 0 : index
    %get3A_26 = vector.load %arg5[%get3A_24, %get3A_25] : memref<128x128xf32, #tpu.memory_space<vmem>>, vector<128x128xf32>
    %dot_general3A = arith.constant dense<0.000000e+00> : vector<1000x128xf32>
    %dot_general3A_27 = tpu.matmul %max3A_23, %get3A_26, %dot_general3A {dimension_numbers = #tpu.dot_dimension_numbers<[1], [0], [0], [1], [0, 0, 1, 1], [], []>, precision = #tpu.contract_precision<fp32>, transpose_lhs_hint = false} : vector<1000x128xf32>, vector<128x128xf32>, vector<1000x128xf32> -> vector<1000x128xf32>
    %get3A_28 = arith.constant 0 : index
    %get3A_29 = arith.constant 0 : index
    %get3A_30 = vector.load %arg3[%get3A_28, %get3A_29] : memref<1000x1xf32, #tpu.memory_space<vmem>>, vector<1000x1xf32>
    %mul3A_31 = vector.broadcast %get3A_30 : vector<1000x1xf32> to vector<1000x128xf32>
    %mul3A_32 = arith.mulf %dot_general3A_27, %mul3A_31 : vector<1000x128xf32>
    %swap3A = arith.constant 0 : index
    %swap3A_33 = arith.constant 0 : index
    %swap3A_34 = vector.load %arg6[%swap3A, %swap3A_33] : memref<1000x128xf32, #tpu.memory_space<vmem>>, vector<1000x128xf32>
    tpu.vector_store %arg6[%swap3A, %swap3A_33], %mul3A_32 {strides = array<i32>} : memref<1000x128xf32, #tpu.memory_space<vmem>>, vector<1000x128xf32>,
    return
  }
  func.func @transform_0(%arg0: i32) -> (i32, i32, i32) {
    %c0_i32 = arith.constant 0 : i32
    %c0_i32_0 = arith.constant 0 : i32
    %c0_i32_1 = arith.constant 0 : i32
    return %c0_i32, %arg0, %c0_i32_0 : i32, i32, i32
  }
  func.func @transform_1(%arg0: i32) -> (i32, i32) {
    %c0_i32 = arith.constant 0 : i32
    %c0_i32_0 = arith.constant 0 : i32
    return %arg0, %c0_i32 : i32, i32
  }
  func.func @transform_2(%arg0: i32) -> (i32, i32) {
    %c0_i32 = arith.constant 0 : i32
    %c0_i32_0 = arith.constant 0 : i32
    return %arg0, %c0_i32 : i32, i32
  }
  func.func @transform_3(%arg0: i32) -> (i32, i32) {
    %c0_i32 = arith.constant 0 : i32
    %c0_i32_0 = arith.constant 0 : i32
    %c0_i32_1 = arith.constant 0 : i32
    return %c0_i32, %c0_i32_0 : i32, i32
  }
  func.func @transform_4(%arg0: i32) -> (i32, i32) {
    %c0_i32 = arith.constant 0 : i32
    %c0_i32_0 = arith.constant 0 : i32
    %c0_i32_1 = arith.constant 0 : i32
    return %c0_i32, %c0_i32_0 : i32, i32
  }
  func.func @transform_5(%arg0: i32) -> (i32, i32) {
    %c0_i32 = arith.constant 0 : i32
    %c0_i32_0 = arith.constant 0 : i32
    return %arg0, %c0_i32 : i32, i32
  }
}

module attributes {stable_mosaic.version = 14 : i64} {
  func.func @_fin_body(%arg0: i32, %arg1: memref<2x1000x128xf32, #tpu.memory_space<vmem>>, %arg2: memref<1000x128xf32, #tpu.memory_space<vmem>>, %arg3: memref<1000x1xf32, #tpu.memory_space<vmem>>, %arg4: memref<1x128xf32, #tpu.memory_space<vmem>>, %arg5: memref<1000x128xf32, #tpu.memory_space<vmem>>) attributes {dimension_semantics = [#tpu.dimension_semantics<arbitrary>], iteration_bounds = array<i64: 10>, scalar_prefetch = 0 : i64, scratch_operands = 0 : i64, tpu.core_type = #tpu.core_type<tc>, window_params = [{transform_indices = @transform_0, window_bounds = array<i64: 2, 1000, 128>}, {transform_indices = @transform_1, window_bounds = array<i64: 1000, 128>}, {transform_indices = @transform_2, window_bounds = array<i64: 1000, 1>}, {pipeline_mode = #tpu.pipeline_mode<synchronous>, transform_indices = @transform_3, window_bounds = array<i64: 1, 128>}, {transform_indices = @transform_4, window_bounds = array<i64: 1000, 128>}]} {
    %get3A = arith.constant 0 : index
    %get3A_0 = arith.constant 0 : index
    %get3A_1 = arith.constant 0 : index
    %get3A_2 = vector.load %arg1[%get3A, %get3A_0, %get3A_1] : memref<2x1000x128xf32, #tpu.memory_space<vmem>>, vector<1x1000x128xf32>
    %get3A_3 = vector.shape_cast %get3A_2 : vector<1x1000x128xf32> to vector<1000x128xf32>
    %get3A_4 = arith.constant 1 : index
    %get3A_5 = arith.constant 0 : index
    %get3A_6 = arith.constant 0 : index
    %get3A_7 = vector.load %arg1[%get3A_4, %get3A_5, %get3A_6] : memref<2x1000x128xf32, #tpu.memory_space<vmem>>, vector<1x1000x128xf32>
    %get3A_8 = vector.shape_cast %get3A_7 : vector<1x1000x128xf32> to vector<1000x128xf32>
    %add3A = arith.addf %get3A_3, %get3A_8 : vector<1000x128xf32>
    %get3A_9 = arith.constant 0 : index
    %get3A_10 = arith.constant 0 : index
    %get3A_11 = vector.load %arg2[%get3A_9, %get3A_10] : memref<1000x128xf32, #tpu.memory_space<vmem>>, vector<1000x128xf32>
    %add3A_12 = arith.addf %add3A, %get3A_11 : vector<1000x128xf32>
    %get3A_13 = arith.constant 0 : index
    %get3A_14 = arith.constant 0 : index
    %get3A_15 = vector.load %arg3[%get3A_13, %get3A_14] : memref<1000x1xf32, #tpu.memory_space<vmem>>, vector<1000x1xf32>
    %mul3A = vector.broadcast %get3A_15 : vector<1000x1xf32> to vector<1000x128xf32>
    %mul3A_16 = arith.mulf %add3A_12, %mul3A : vector<1000x128xf32>
    %get3A_17 = arith.constant 0 : index
    %get3A_18 = arith.constant 0 : index
    %get3A_19 = vector.load %arg4[%get3A_17, %get3A_18] : memref<1x128xf32, #tpu.memory_space<vmem>>, vector<1x128xf32>
    %add3A_20 = vector.broadcast %get3A_19 : vector<1x128xf32> to vector<1000x128xf32>
    %add3A_21 = arith.addf %mul3A_16, %add3A_20 : vector<1000x128xf32>
    %max3A = arith.constant 0.000000e+00 : f32
    %max3A_22 = vector.broadcast %max3A : f32 to vector<1000x128xf32>
    %max3A_23 = arith.maximumf %add3A_21, %max3A_22 : vector<1000x128xf32>
    %swap3A = arith.constant 0 : index
    %swap3A_24 = arith.constant 0 : index
    %swap3A_25 = vector.load %arg5[%swap3A, %swap3A_24] : memref<1000x128xf32, #tpu.memory_space<vmem>>, vector<1000x128xf32>
    tpu.vector_store %arg5[%swap3A, %swap3A_24], %max3A_23 {strides = array<i32>} : memref<1000x128xf32, #tpu.memory_space<vmem>>, vector<1000x128xf32>,
    return
  }
  func.func @transform_0(%arg0: i32) -> (i32, i32, i32) {
    %c0_i32 = arith.constant 0 : i32
    %c0_i32_0 = arith.constant 0 : i32
    %c0_i32_1 = arith.constant 0 : i32
    return %c0_i32, %arg0, %c0_i32_0 : i32, i32, i32
  }
  func.func @transform_1(%arg0: i32) -> (i32, i32) {
    %c0_i32 = arith.constant 0 : i32
    %c0_i32_0 = arith.constant 0 : i32
    return %arg0, %c0_i32 : i32, i32
  }
  func.func @transform_2(%arg0: i32) -> (i32, i32) {
    %c0_i32 = arith.constant 0 : i32
    %c0_i32_0 = arith.constant 0 : i32
    return %arg0, %c0_i32 : i32, i32
  }
  func.func @transform_3(%arg0: i32) -> (i32, i32) {
    %c0_i32 = arith.constant 0 : i32
    %c0_i32_0 = arith.constant 0 : i32
    %c0_i32_1 = arith.constant 0 : i32
    return %c0_i32, %c0_i32_0 : i32, i32
  }
  func.func @transform_4(%arg0: i32) -> (i32, i32) {
    %c0_i32 = arith.constant 0 : i32
    %c0_i32_0 = arith.constant 0 : i32
    return %arg0, %c0_i32 : i32, i32
  }
}

module attributes {stable_mosaic.version = 14 : i64} {
  func.func @_pool_body(%arg0: memref<32x256x128xf32, #tpu.memory_space<vmem>>, %arg1: memref<128x1xf32, #tpu.memory_space<vmem>>, %arg2: memref<1x1xf32, #tpu.memory_space<vmem>>, %arg3: memref<256x1xf32, #tpu.memory_space<vmem>>) attributes {dimension_semantics = [], scalar_prefetch = 0 : i64, scratch_operands = 0 : i64, tpu.core_type = #tpu.core_type<tc>} {
    %get3A = arith.constant 0 : index
    %get3A_0 = arith.constant 0 : index
    %get3A_1 = arith.constant 0 : index
    %get3A_2 = vector.load %arg0[%get3A, %get3A_0, %get3A_1] : memref<32x256x128xf32, #tpu.memory_space<vmem>>, vector<32x256x128xf32>
    %reduce_max3A = arith.constant dense<0xFF800000> : vector<256x128xf32>
    %reduce_max3A_3 = vector.multi_reduction <maximumf>, %get3A_2, %reduce_max3A [0] : vector<32x256x128xf32> to vector<256x128xf32>
    %gt3A = arith.constant 0xFF800000 : f32
    %gt3A_4 = vector.broadcast %gt3A : f32 to vector<256x128xf32>
    %gt3A_5 = arith.cmpf ogt, %reduce_max3A_3, %gt3A_4 : vector<256x128xf32>
    %jit3A = arith.constant 0.000000e+00 : f32
    %broadcast_in_dim3A = vector.broadcast %jit3A : f32 to vector<256x128xf32>
    %select_n3A = arith.select %gt3A_5, %reduce_max3A_3, %broadcast_in_dim3A : vector<256x128xi1>, vector<256x128xf32>
    %get3A_6 = arith.constant 0 : index
    %get3A_7 = arith.constant 0 : index
    %get3A_8 = vector.load %arg1[%get3A_6, %get3A_7] : memref<128x1xf32, #tpu.memory_space<vmem>>, vector<128x1xf32>
    %dot_general3A = arith.constant dense<0.000000e+00> : vector<256x1xf32>
    %dot_general3A_9 = tpu.matmul %select_n3A, %get3A_8, %dot_general3A {dimension_numbers = #tpu.dot_dimension_numbers<[1], [0], [0], [1], [0, 0, 1, 1], [], []>, precision = #tpu.contract_precision<fp32>, transpose_lhs_hint = false} : vector<256x128xf32>, vector<128x1xf32>, vector<256x1xf32> -> vector<256x1xf32>
    %get3A_10 = arith.constant 0 : index
    %get3A_11 = arith.constant 0 : index
    %get3A_12 = vector.load %arg2[%get3A_10, %get3A_11] : memref<1x1xf32, #tpu.memory_space<vmem>>, vector<1x1xf32>
    %add3A = vector.broadcast %get3A_12 : vector<1x1xf32> to vector<256x1xf32>
    %add3A_13 = arith.addf %dot_general3A_9, %add3A : vector<256x1xf32>
    %swap3A = arith.constant 0 : index
    %swap3A_14 = arith.constant 0 : index
    %swap3A_15 = vector.load %arg3[%swap3A, %swap3A_14] : memref<256x1xf32, #tpu.memory_space<vmem>>, vector<256x1xf32>
    tpu.vector_store %arg3[%swap3A, %swap3A_14], %add3A_13 {strides = array<i32>} : memref<256x1xf32, #tpu.memory_space<vmem>>, vector<256x1xf32>,
    return
  }
}

</mosaic_0001>

<sc_bundles>
// kernel: kernel.10.cloned.1.call-start
scs
__scs_entry_jumppad:
0x0: {  	(pc) =	sbr.rel $0x88, $3  }
0x1: {  	(tag) =	ssettag $0x0;
	lr =	simm.s32 $0x1  }
0x2: {  	[smem:$0x3F98] =	sst lr;
	_ =	strace $0xD0000000  }
0x3: {  	_ = 	snop  }
0x4: {  	_ = 	snop  }
0x5: {  	_ = 	snop  }
0x6: {  	_ = 	snop  }
0x7: {  	_ = 	snop  }
__scs_overlays_trampoline_lowered:
0x8: {  	[smem:$0x3FA7] =	sst s0  }
0x9: {  	[smem:$0x3FA8] =	sst s1  }
0xa: {  	[smem:$0x3FA9] =	sst s2  }
0xb: {  	[smem:$0x3FAA] =	sst s3  }
0xc: {  	[smem:$0x3FAB] =	sst s4  }
0xd: {  	[smem:$0x3FAC] =	sst s5  }
0xe: {  	[smem:$0x3FAD] =	sst s6  }
0xf: {  	[smem:$0x3FAE] =	sst s7  }
0x10: {  	[smem:$0x3FAF] =	sst s8  }
0x11: {  	[smem:$0x3FB0] =	sst s9;
	s0 =	simm.s32 @!p0 $0x0  }
0x12: {  	s1 =	sld [smem:$0x3F96];
	s0 =	simm.s32 @p0 $0x1  }
0x13: {  	[smem:$0x3FB1] =	sst s0;
	s0 =	simm.s32 @!p1 $0x0  }
0x14: {  	s2 =	sld [smem:$0x3F95];
	s0 =	simm.s32 @p1 $0x1  }
0x15: {  	[smem:$0x3FB2] =	sst s0;
	s0 =	simm.s32 @!p2 $0x0  }
0x16: {  	s3 =	sld [smem:$0x3FDB];
	s0 =	simm.s32 @p2 $0x1  }
0x17: {  	s4 =	simm.s32 $0x1BF5;
	[smem:$0x3FB4] =	sst s0  }
0x18: {  	s0 =	sld [smem:$0x3F97];
	_ =	swait.ge [sflag:s4], $0x0  }
0x19: {  	s7 =	sld [smem:$0x3F98]  }
0x1a: {  	s8 =	sadd.s32 $0xFFFFE003, lr  }
0x1b: {  	s9 =	sadd.s32 $0xFFFFFEF7, lr;
	s5 =	simm.s32 $0xFFFFFFFF;
	p2 =	slt.u32 s8, $0xFFFFF086  }
0x1c: {  	p1 =	slt.u32 s9, $0xF7A;
	s5 =	simm.s32 @!p2 $0x0  }
0x1d: {  	s5 =	simm.s32 @p1 $0x1;
	p0 =	seq.s32 s7, s2  }
0x1e: {  	s7 =	smul.u32 @!p0 $0xF7A, s2;
	p2 =	seq.s32 @!p0 s5, $0x0  }
0x1f: {  	s9 =	smul.u32 $0xF7A, s1;
	s8 =	simm.s32 @!p0 $0x1BF5;
	p2 =	por !p2, p0  }
0x20: {  	[sflag:s8] =	ssyncset.s32 @!p0 $0xFFFFF086;
	s6 =	sadd.s32 @!p0 s3, s7;
	s7 =	simm.s32 @!p0 $0x108  }
0x21: {  	s3 =	sadd.s32 s3, s9;
	s6 =	sadd.s32 @!p0 $0x88, s6;
	s7 =	simm.s32 @p2 $0x1082  }
0x22: {  	[simem:s7], [sflag:s8] =	dma.local @!p0 [hbm:s6], $0xF7A  }
0x23: {  	s9 =	sor.u32 $0xD0000000, s2;
	s6 =	simm.s32 $0x108;
	_ =	swait.ge @!p0 [sflag:s8], $0x0  }
0x24: {  	s3 =	sadd.s32 $0x88, s3;
	s6 =	simm.s32 @!p1 $0x1082;
	[sflag:s4] =	ssyncset.s32 $0xFFFFF086  }
0x25: {  	[simem:s6], [sflag:s4] =	dma.local [hbm:s3], $0xF7A  }
0x26: {  	[smem:$0x3F98] =	sst s1;
	(tag) =	ssettag s2;
	_ =	strace s9  }
0x27: {  	s1 =	sld [smem:$0x3FA8]  }
0x28: {  	s2 =	sld [smem:$0x3FA9]  }
0x29: {  	s4 =	sld [smem:$0x3FAB]  }
0x2a: {  	p0 =	seq.s32 s5, $0x0;
	s5 =	sld [smem:$0x3FAC]  }
0x2b: {  	s6 =	sld [smem:$0x3FAD]  }
0x2c: {  	s7 =	sld [smem:$0x3FAE]  }
0x2d: {  	s3 =	simm.s32 $0x108;
	s8 =	sld [smem:$0x3FAF]  }
0x2e: {  	s3 =	simm.s32 @!p0 $0x1082;
	s9 =	sld [smem:$0x3FB0]  }
0x2f: {  	lr =	sadd.s32 s0, s3;
	s0 =	sld [smem:$0x3FA7]  }
0x30: {  	s3 =	sld [smem:$0x3FAA]  }
0x31: {  	[smem:$0x3FB3] =	sst s10  }
0x32: {  	s10 =	sld [smem:$0x3FB1];
	_ =	sdelay $0x3  }
0x33: {  	p0 =	seq.s32 s10, $0x1;
	s10 =	sld [smem:$0x3FB3];
	_ =	sdelay $0x3  }
0x34: {  	[smem:$0x3FB3] =	sst s10  }
0x35: {  	s10 =	sld [smem:$0x3FB2];
	_ =	sdelay $0x3  }
0x36: {  	p1 =	seq.s32 s10, $0x1;
	s10 =	sld [smem:$0x3FB3];
	_ =	sdelay $0x3  }
0x37: {  	[smem:$0x3FB3] =	sst s10  }
0x38: {  	s10 =	sld [smem:$0x3FB4]  }
0x39: {  	_ = 	snop;
	(pc) =	sbr.ind lr, $3  }
0x3a: {  	_ = 	snop  }
0x3b: {  	_ = 	snop  }
0x3c: {  	p2 =	seq.s32 s10, $0x1;
	s10 =	sld [smem:$0x3FB3]  }
0x3d: {  	_ =	shalt  }
0x3e: {  	_ =	shalt  }
0x3f: {  	_ =	shalt  }
0x40: {  	_ =	shalt  }
0x41: {  	_ =	shalt  }
0x42: {  	_ =	shalt  }
0x43: {  	_ =	shalt  }
0x44: {  	_ =	shalt  }
0x45: {  	_ =	shalt  }
0x46: {  	_ =	shalt  }
0x47: {  	_ =	shalt  }
0x48: {  	_ =	shalt  }
0x49: {  	_ =	shalt  }
0x4a: {  	_ =	shalt  }
0x4b: {  	_ =	shalt  }
0x4c: {  	_ =	shalt  }
0x4d: {  	_ =	shalt  }
0x4e: {  	_ =	shalt  }
0x4f: {  	_ =	shalt  }
0x50: {  	_ =	shalt  }
0x51: {  	_ =	shalt  }
0x52: {  	_ =	shalt  }
0x53: {  	_ =	shalt  }
0x54: {  	_ =	shalt  }
0x55: {  	_ =	shalt  }
0x56: {  	_ =	shalt  }
0x57: {  	_ =	shalt  }
0x58: {  	_ =	shalt  }
0x59: {  	_ =	shalt  }
0x5a: {  	_ =	shalt  }
0x5b: {  	_ =	shalt  }
0x5c: {  	_ =	shalt  }
0x5d: {  	_ =	shalt  }
0x5e: {  	_ =	shalt  }
0x5f: {  	_ =	shalt  }
0x60: {  	_ =	shalt  }
0x61: {  	_ =	shalt  }
0x62: {  	_ =	shalt  }
0x63: {  	_ =	shalt  }
0x64: {  	_ =	shalt  }
0x65: {  	_ =	shalt  }
0x66: {  	_ =	shalt  }
0x67: {  	_ =	shalt  }
0x68: {  	_ =	shalt  }
0x69: {  	_ =	shalt  }
0x6a: {  	_ =	shalt  }
0x6b: {  	_ =	shalt  }
0x6c: {  	_ =	shalt  }
0x6d: {  	_ =	shalt  }
0x6e: {  	_ =	shalt  }
0x6f: {  	_ =	shalt  }
0x70: {  	_ =	shalt  }
0x71: {  	_ =	shalt  }
0x72: {  	_ =	shalt  }
0x73: {  	_ =	shalt  }
0x74: {  	_ =	shalt  }
0x75: {  	_ =	shalt  }
0x76: {  	_ =	shalt  }
0x77: {  	_ =	shalt  }
0x78: {  	_ =	shalt  }
0x79: {  	_ =	shalt  }
0x7a: {  	_ =	shalt  }
0x7b: {  	_ =	shalt  }
0x7c: {  	_ =	shalt  }
0x7d: {  	_ =	shalt  }
0x7e: {  	_ =	shalt  }
0x7f: {  	_ =	shalt  }
0x80: {  	_ =	shalt  }
0x81: {  	_ =	shalt  }
0x82: {  	_ =	shalt  }
0x83: {  	_ =	shalt  }
0x84: {  	_ =	shalt  }
0x85: {  	_ =	shalt  }
0x86: {  	_ =	shalt  }
0x87: {  	_ =	shalt  }
.Lfunc_end0:
.L_simem_size_0:
called_computation_lowered:
.L_overlay_start_0:
0x88: {  	s2 =	sld [smem:$0x3FD9]  }
0x89: {  	s3 =	sld [smem:$0x3FFE];
	_ =	sdelay $0x1  }
0x8a: {  	s1 =	srdreg.scid  }
0x8b: {  	s0 =	sand.u32 $0x1, s1  }
0x8c: {  	s16 =	sshll.u32 s0, $0xA;
	s2 =	sadd.s32 s3, s2  }
0x8d: {  	s2 =	sadd.s32 s2, s16  }
0x8e: {  	[smem:$0x3FBF] =	sst s2  }
0x8f: {  	_ = 	snop  }
0x90: {  	(tm) =	ssettm $0x1  }
0x91: {  	s17 =	sld [smem:$0x3FFB];
	_ =	sdelay $0x3  }
0x92: {  	_ =	strace s17  }
0x93: {  	s2 =	sld [smem:$0x3FFC];
	_ =	sdelay $0x3  }
0x94: {  	_ =	strace s2  }
0x95: {  	s2 =	sld [smem:$0x3FFD];
	_ =	sdelay $0x3  }
0x96: {  	_ =	strace s2  }
0x97: {  	_ =	strace $0x8FFFFFFF  }
0x98: {  	s18 =	sld [smem:$0x3FDB];
	_ =	sdelay $0x1  }
0x99: {  	s19 =	simm.s32 $_scs_section_size  }
0x9a: {  	s4 =	simm.s32 $_size__tile_overlayer_lowered;
	s5 =	simm.s32 $_tile_overlayer_lowered  }
0x9b: {  	s22 =	simm.s32 $0x1BFF;
	s21 =	sshll.u32 s5, $0x1;
	s2 =	sadd.s32 s19, s18  }
0x9c: {  	s6 =	simm.s32 $0x0;
	s20 =	sshll.u32 s4, $0x1;
	s4 =	sadd.s32 s21, s2  }
0x9d: {  	[timem:s6], [sflag:s22] =	dma.local [hbm:s4], s20  }
0x9e: {  	_ =	swait.ge [sflag:s22], s20  }
0x9f: {  	s3 =	ssub.s32 $0x0, s20;
	[sflag:s22] =	ssyncset.done $0x0  }
0xa0: {  	[sflag:s22] =	ssyncadd.s32 s3;
	_ =	sdelay $0x1  }
0xa1: {  	s23 =	simm.s32 $0x1B8B  }
0xa2: {  	_ =	swait.ge [sflag:s23], $0x1  }
0xa3: {  	[sflag:s23] =	ssyncset.done $0x0  }
0xa4: {  	s25 =	simm.s32 $0x1B8E;
	s24 =	sld [smem:$0x3FFE];
	[sflag:s23] =	ssyncadd.s32 $0xFFFFFFFF  }
0xa5: {  	s26 =	simm.s32 $execute0_lowered;
	[smem:$0x3FD2] =	sst s25  }
0xa6: {  	s4 =	sshll.u32 s26, $0x1;
	_ =	strace $0x80000046;
	[dreg:$0x1] =	wrdreg $0xFFFFFFFF  }
0xa7: {  	s28 =	simm.s32 $_size_execute0_lowered;
	s2 =	sadd.s32 s2, s4;
	[dreg:$0x0] =	wrdreg $0x0  }
0xa8: {  	s4 =	sshll.u32 s28, $0x1;
	[dreg:$0x2] =	wrdreg s2  }
0xa9: {  	[dreg:$0x3] =	wrdreg s4  }
0xaa: {  	[dreg:$0x4] =	wrdreg $0xC0  }
0xab: {  	_ =	task [dreg:s6], $0x5FFFF  }
0xac: {  	[dreg:$0x1] =	wrdreg $0xFFFFFFFF  }
0xad: {  	[dreg:$0x0] =	wrdreg $0x60  }
0xae: {  	[dreg:$0x2] =	wrdreg s24  }
0xaf: {  	[dreg:$0x3] =	wrdreg $0x9  }
0xb0: {  	_ =	task.clear_ibuf [dreg:s6], $0x4FFFF;
	_ =	strace $0x90000046  }
0xb1: {  	s29 =	simm.s32 $0x9;
	_ =	strace $0x80000048  }
0xb2: {  	_ =	swait.ge [sflag:s29], $0x1  }
0xb3: {  	[sflag:s29] =	ssyncadd.s32 $0xFFFFFFFF  }
0xb4: {  	_ =	strace $0x90000048  }
0xb5: {  	_ =	sfence  }
0xb6: {  	s30 =	sld [smem:$0x0];
	_ =	sdelay $0x2  }
0xb7: {  	s31 =	sshll.u32 s1, $0xD;
	s1 =	sshrl.u32 s1, $0x2  }
0xb8: {  	s3 =	sand.u32 $0x4000, s31;
	s1 =	sadd.s32 s1, s30  }
0xb9: {  	s0 =	sor.u32 s3, s0;
	s1 =	sshll.u32 s1, $0x11  }
0xba: {  	s0 =	sor.u32 s1, s0  }
0xbb: {  	s0 =	sadd.s32 $0x8F2B, s0  }
0xbc: {  	[sflag:s0] =	ssyncadd.remote.s32 $0x1  }
0xbd: {  	_ =	sfence.sel $0xFFFF  }
0xbe: {  	[dreg:$0x0] =	wrdreg $0xFFFFFFFF;
	(pc) =	sbr.abs _section_cstart, $3  }
0xbf: {  	[dreg:$0x1] =	wrdreg $0xFFFFFFFF  }
0xc0: {  	_ =	task.clear_ibuf [dreg:s6], $0x2FFFF;
	_ =	strace $0x9FFFFFFF  }
0xc1: {  	(tm) =	ssettm $0x7FFFFFFF  }
tec
execute0_lowered:
.L_overlay_start_1:
0x0: {  	(tag) =	ssettag $0x1  }
0x1: {  	s0 =	srdreg.scid  }
0x2: {  	s3 =	sand.u32 $0x1, s0  }
0x3: {  	s0 =	stileid.u32;
	s1 =	sshll.u32 s3, $0x4  }
0x4: {  	s5 =	rddreg [dreg:$0x0];
	s2 =	simm.s32 $0x0;
	s1 =	sor.u32 s0, s1  }
0x5: {  	s7 =	simm.s32 $0x400;
	s8 =	simm.s32 $0x1;
	s1 =	sshrl.u32 s1, $0x3  }
0x6: {  	s9 =	simm.s32 $0x2780;
	s30 =	sshll.u32 s0, $0x7;
	s4 =	smul.u32 $0x13C00, s1  }
0x7: {  	s10 =	simm.s32 $0x0;
	s3 =	ssub.s32 $0x2, s3;
	s6 =	sand.u32 $0x380, s30  }
0x8: {  	[smem:$0x7FF] =	sst s2;
	s31 =	sshrl.u32 s3, $0x1;
	s4 =	sor.u32 s6, s4  }
0x9: {  	s1 =	rddreg [dreg:$0x1];
	_ =	strace $0x80000047;
	s4 =	sshrl.u32 s4, $0x3  }
0xa: {  	s6 =	simm.s32 $0x80;
	s4 =	sadd.s32 s4, s5;
	s5 =	ssub.s32 s3, s31  }
0xb: {  	v0 =	vimm.f32 $0.0e+00;
	v1 =	vimm.f32 $1.000000000e+00;
	s3 =	sadd.s32 $0x3000, s4;
	s4 =	sadd.s32 $0xCE00, s4;
	s5 =	smax.u32 s5, $0x1  }
.LBB2_1:
0xc: {  	[tilespmem:s2], [sflag:$0x1] =	stream.strided.gather [hbm4b:s3+s6], $0x2780, s7, s6, $0x38;
	[tilespmem:$0x4F00] =	vst v63  }
0xd: {  	_ =	swait.ge [sflag:s8], $0x2780  }
0xe: {  	[sflag:s8] =	ssyncset.done $0x0  }
0xf: {  	s11 =	simm.s32 $0x0;
	[sflag:s8] =	ssyncadd.s32 $0xFFFFD880  }
.LBB2_2:
0x10: {  	p0 =	sne.s32 s11, $0x9C00  }
.Ltmp0:
0x11: {  	_ = 	snop;
	(pc) =	sbr.rel @p0 .LBB2_2-.Ltmp0, $3  }
0x12: {  	_ =	sdelay $0x1  }
0x13: {  	s12 =	sshra.s32 s11, $0x2  }
0x14: {  	s11 =	sadd.s32 $0x40, s11;
	[tilespmem:s12+$0x2780] =	vst v0  }
0x15: {  	s12 =	simm.s32 $0x0;
	s11 =	simm.s32 $0x40  }
.LBB2_4:
0x16: {  	p0 =	sne.s32 s11, $0x9C00;
	v2 =	vld [tilespmem:s12+$0x0];
	_ =	sdelay $0x3  }
.Ltmp1:
0x17: {  	(pc) =	sbr.rel @p0 .LBB2_4-.Ltmp1, $2  }
0x18: {  	_ =	sdelay $0x2  }
0x19: {  	s12 =	sshra.s32 s11, $0x2;
	s11 =	sadd.s32 $0x40, s11;
	[tilespmem:v2+s9+$0x0] =	vst.idx.add.f32.msk $0xffff, v1  }
0x1a: {  	v2 =	vld [tilespmem:s12+$0x0];
	_ =	sdelay $0x5  }
0x1b: {  	s10 =	sadd.s32 $0x1, s10  }
0x1c: {  	p0 =	sne.s32 s10, s5  }
.Ltmp2:
0x1d: {  	[tilespmem:v2+s9+$0x0] =	vst.idx.add.f32.msk $0xffff, v1;
	(pc) =	sbr.rel @p0 .LBB2_1-.Ltmp2, $4  }
0x1e: {  	[hbm4b:s4+s6] =	stream.strided.scatter [tilespmem:s9], [sflag:$0x1], $0x2780, s7, s6, $0x38;
	[tilespmem:$0x4F00] =	vst v63  }
0x1f: {  	_ =	swait.ge [sflag:s8], $0x2780  }
0x20: {  	[sflag:s8] =	ssyncset.done $0x0  }
0x21: {  	[sflag:s8] =	ssyncadd.s32 $0xFFFFD880  }
0x22: {  	_ =	sfence.sel $0x180000  }
0x23: {  	[bflag:$0x0] =	sbarrier.arrive $0xFFFF  }
0x24: {  	p0 =	sne.s32 s0, $0x0;
	_ =	strace $0x90000047  }
0x25: {  	s0 =	sadd.s32 @!p0 $0x100000, s1;
	[bflag:$0x2] =	sbarrier.arrive $0xFFFF  }
0x26: {  	[sflag:s0] =	ssyncadd.tile.s32 @!p0 $0x1;
	_ =	shalt  }
.Lfunc_end2:
_tile_overlayer_lowered:
.L_overlay_start_2:
0x27: {  	(tag) =	ssettag $0x2  }
0x28: {  	s0 =	rddreg [dreg:$0x0];
	s2 =	stileid.u32  }
0x29: {  	s1 =	rddreg [dreg:$0x1];
	p0 =	sne.s32 s2, $0x0  }
0x2a: {  	s3 =	rddreg [dreg:$0x2];
	[bflag:$0x3] =	sbarrier.arrive $0xFFFF;
	s2 =	simm.s32 @!p0 $0x1C01  }
0x2b: {  	[timem:s3], [sflag:s2] =	dma.local @!p0 [hbm:s0], s1  }
0x2c: {  	s0 =	simm.s32 @!p0 $0x1  }
0x2d: {  	_ =	swait.ge @!p0 [sflag:s0], s1  }
0x2e: {  	s1 =	ssub.s32 @!p0 $0x0, s1;
	[sflag:s0] =	ssyncset.done @!p0 $0x0  }
0x2f: {  	[sflag:s0] =	ssyncadd.s32 @!p0 s1  }
0x30: {  	[bflag:$0x3] =	sbarrier.arrive $0xFFFF  }
0x31: {  	_ =	shalt  }

// kernel: kernel.13.cloned.1.call-start
scs
__scs_entry_jumppad:
0x0: {  	(pc) =	sbr.rel $0x88, $3  }
0x1: {  	(tag) =	ssettag $0x0;
	lr =	simm.s32 $0x1  }
0x2: {  	[smem:$0x3F98] =	sst lr;
	_ =	strace $0xD0000000  }
0x3: {  	_ = 	snop  }
0x4: {  	_ = 	snop  }
0x5: {  	_ = 	snop  }
0x6: {  	_ = 	snop  }
0x7: {  	_ = 	snop  }
__scs_overlays_trampoline_lowered:
0x8: {  	[smem:$0x3FA7] =	sst s0  }
0x9: {  	[smem:$0x3FA8] =	sst s1  }
0xa: {  	[smem:$0x3FA9] =	sst s2  }
0xb: {  	[smem:$0x3FAA] =	sst s3  }
0xc: {  	[smem:$0x3FAB] =	sst s4  }
0xd: {  	[smem:$0x3FAC] =	sst s5  }
0xe: {  	[smem:$0x3FAD] =	sst s6  }
0xf: {  	[smem:$0x3FAE] =	sst s7  }
0x10: {  	[smem:$0x3FAF] =	sst s8  }
0x11: {  	[smem:$0x3FB0] =	sst s9;
	s0 =	simm.s32 @!p0 $0x0  }
0x12: {  	s1 =	sld [smem:$0x3F96];
	s0 =	simm.s32 @p0 $0x1  }
0x13: {  	[smem:$0x3FB1] =	sst s0;
	s0 =	simm.s32 @!p1 $0x0  }
0x14: {  	s2 =	sld [smem:$0x3F95];
	s0 =	simm.s32 @p1 $0x1  }
0x15: {  	[smem:$0x3FB2] =	sst s0;
	s0 =	simm.s32 @!p2 $0x0  }
0x16: {  	s3 =	sld [smem:$0x3FDB];
	s0 =	simm.s32 @p2 $0x1  }
0x17: {  	s4 =	simm.s32 $0x1BF5;
	[smem:$0x3FB4] =	sst s0  }
0x18: {  	s0 =	sld [smem:$0x3F97];
	_ =	swait.ge [sflag:s4], $0x0  }
0x19: {  	s7 =	sld [smem:$0x3F98]  }
0x1a: {  	s8 =	sadd.s32 $0xFFFFE003, lr  }
0x1b: {  	s9 =	sadd.s32 $0xFFFFFEF7, lr;
	s5 =	simm.s32 $0xFFFFFFFF;
	p2 =	slt.u32 s8, $0xFFFFF086  }
0x1c: {  	p1 =	slt.u32 s9, $0xF7A;
	s5 =	simm.s32 @!p2 $0x0  }
0x1d: {  	s5 =	simm.s32 @p1 $0x1;
	p0 =	seq.s32 s7, s2  }
0x1e: {  	s7 =	smul.u32 @!p0 $0xF7A, s2;
	p2 =	seq.s32 @!p0 s5, $0x0  }
0x1f: {  	s9 =	smul.u32 $0xF7A, s1;
	s8 =	simm.s32 @!p0 $0x1BF5;
	p2 =	por !p2, p0  }
0x20: {  	[sflag:s8] =	ssyncset.s32 @!p0 $0xFFFFF086;
	s6 =	sadd.s32 @!p0 s3, s7;
	s7 =	simm.s32 @!p0 $0x108  }
0x21: {  	s3 =	sadd.s32 s3, s9;
	s6 =	sadd.s32 @!p0 $0x88, s6;
	s7 =	simm.s32 @p2 $0x1082  }
0x22: {  	[simem:s7], [sflag:s8] =	dma.local @!p0 [hbm:s6], $0xF7A  }
0x23: {  	s9 =	sor.u32 $0xD0000000, s2;
	s6 =	simm.s32 $0x108;
	_ =	swait.ge @!p0 [sflag:s8], $0x0  }
0x24: {  	s3 =	sadd.s32 $0x88, s3;
	s6 =	simm.s32 @!p1 $0x1082;
	[sflag:s4] =	ssyncset.s32 $0xFFFFF086  }
0x25: {  	[simem:s6], [sflag:s4] =	dma.local [hbm:s3], $0xF7A  }
0x26: {  	[smem:$0x3F98] =	sst s1;
	(tag) =	ssettag s2;
	_ =	strace s9  }
0x27: {  	s1 =	sld [smem:$0x3FA8]  }
0x28: {  	s2 =	sld [smem:$0x3FA9]  }
0x29: {  	s4 =	sld [smem:$0x3FAB]  }
0x2a: {  	p0 =	seq.s32 s5, $0x0;
	s5 =	sld [smem:$0x3FAC]  }
0x2b: {  	s6 =	sld [smem:$0x3FAD]  }
0x2c: {  	s7 =	sld [smem:$0x3FAE]  }
0x2d: {  	s3 =	simm.s32 $0x108;
	s8 =	sld [smem:$0x3FAF]  }
0x2e: {  	s3 =	simm.s32 @!p0 $0x1082;
	s9 =	sld [smem:$0x3FB0]  }
0x2f: {  	lr =	sadd.s32 s0, s3;
	s0 =	sld [smem:$0x3FA7]  }
0x30: {  	s3 =	sld [smem:$0x3FAA]  }
0x31: {  	[smem:$0x3FB3] =	sst s10  }
0x32: {  	s10 =	sld [smem:$0x3FB1];
	_ =	sdelay $0x3  }
0x33: {  	p0 =	seq.s32 s10, $0x1;
	s10 =	sld [smem:$0x3FB3];
	_ =	sdelay $0x3  }
0x34: {  	[smem:$0x3FB3] =	sst s10  }
0x35: {  	s10 =	sld [smem:$0x3FB2];
	_ =	sdelay $0x3  }
0x36: {  	p1 =	seq.s32 s10, $0x1;
	s10 =	sld [smem:$0x3FB3];
	_ =	sdelay $0x3  }
0x37: {  	[smem:$0x3FB3] =	sst s10  }
0x38: {  	s10 =	sld [smem:$0x3FB4]  }
0x39: {  	_ = 	snop;
	(pc) =	sbr.ind lr, $3  }
0x3a: {  	_ = 	snop  }
0x3b: {  	_ = 	snop  }
0x3c: {  	p2 =	seq.s32 s10, $0x1;
	s10 =	sld [smem:$0x3FB3]  }
0x3d: {  	_ =	shalt  }
0x3e: {  	_ =	shalt  }
0x3f: {  	_ =	shalt  }
0x40: {  	_ =	shalt  }
0x41: {  	_ =	shalt  }
0x42: {  	_ =	shalt  }
0x43: {  	_ =	shalt  }
0x44: {  	_ =	shalt  }
0x45: {  	_ =	shalt  }
0x46: {  	_ =	shalt  }
0x47: {  	_ =	shalt  }
0x48: {  	_ =	shalt  }
0x49: {  	_ =	shalt  }
0x4a: {  	_ =	shalt  }
0x4b: {  	_ =	shalt  }
0x4c: {  	_ =	shalt  }
0x4d: {  	_ =	shalt  }
0x4e: {  	_ =	shalt  }
0x4f: {  	_ =	shalt  }
0x50: {  	_ =	shalt  }
0x51: {  	_ =	shalt  }
0x52: {  	_ =	shalt  }
0x53: {  	_ =	shalt  }
0x54: {  	_ =	shalt  }
0x55: {  	_ =	shalt  }
0x56: {  	_ =	shalt  }
0x57: {  	_ =	shalt  }
0x58: {  	_ =	shalt  }
0x59: {  	_ =	shalt  }
0x5a: {  	_ =	shalt  }
0x5b: {  	_ =	shalt  }
0x5c: {  	_ =	shalt  }
0x5d: {  	_ =	shalt  }
0x5e: {  	_ =	shalt  }
0x5f: {  	_ =	shalt  }
0x60: {  	_ =	shalt  }
0x61: {  	_ =	shalt  }
0x62: {  	_ =	shalt  }
0x63: {  	_ =	shalt  }
0x64: {  	_ =	shalt  }
0x65: {  	_ =	shalt  }
0x66: {  	_ =	shalt  }
0x67: {  	_ =	shalt  }
0x68: {  	_ =	shalt  }
0x69: {  	_ =	shalt  }
0x6a: {  	_ =	shalt  }
0x6b: {  	_ =	shalt  }
0x6c: {  	_ =	shalt  }
0x6d: {  	_ =	shalt  }
0x6e: {  	_ =	shalt  }
0x6f: {  	_ =	shalt  }
0x70: {  	_ =	shalt  }
0x71: {  	_ =	shalt  }
0x72: {  	_ =	shalt  }
0x73: {  	_ =	shalt  }
0x74: {  	_ =	shalt  }
0x75: {  	_ =	shalt  }
0x76: {  	_ =	shalt  }
0x77: {  	_ =	shalt  }
0x78: {  	_ =	shalt  }
0x79: {  	_ =	shalt  }
0x7a: {  	_ =	shalt  }
0x7b: {  	_ =	shalt  }
0x7c: {  	_ =	shalt  }
0x7d: {  	_ =	shalt  }
0x7e: {  	_ =	shalt  }
0x7f: {  	_ =	shalt  }
0x80: {  	_ =	shalt  }
0x81: {  	_ =	shalt  }
0x82: {  	_ =	shalt  }
0x83: {  	_ =	shalt  }
0x84: {  	_ =	shalt  }
0x85: {  	_ =	shalt  }
0x86: {  	_ =	shalt  }
0x87: {  	_ =	shalt  }
.Lfunc_end0:
.L_simem_size_0:
called_computation.1_lowered:
.L_overlay_start_0:
0x88: {  	s2 =	sld [smem:$0x3FD9]  }
0x89: {  	s3 =	sld [smem:$0x3FFE];
	_ =	sdelay $0x1  }
0x8a: {  	s1 =	srdreg.scid  }
0x8b: {  	s0 =	sand.u32 $0x1, s1  }
0x8c: {  	s16 =	sshll.u32 s0, $0xA;
	s2 =	sadd.s32 s3, s2  }
0x8d: {  	s2 =	sadd.s32 s2, s16  }
0x8e: {  	[smem:$0x3FBF] =	sst s2  }
0x8f: {  	_ = 	snop  }
0x90: {  	(tm) =	ssettm $0x1  }
0x91: {  	s17 =	sld [smem:$0x3FFB];
	_ =	sdelay $0x3  }
0x92: {  	_ =	strace s17  }
0x93: {  	s2 =	sld [smem:$0x3FFC];
	_ =	sdelay $0x3  }
0x94: {  	_ =	strace s2  }
0x95: {  	s2 =	sld [smem:$0x3FFD];
	_ =	sdelay $0x3  }
0x96: {  	_ =	strace s2  }
0x97: {  	_ =	strace $0x8FFFFFFF  }
0x98: {  	s18 =	sld [smem:$0x3FDB];
	_ =	sdelay $0x1  }
0x99: {  	s19 =	simm.s32 $_scs_section_size  }
0x9a: {  	s4 =	simm.s32 $_size__tile_overlayer_lowered;
	s5 =	simm.s32 $_tile_overlayer_lowered  }
0x9b: {  	s22 =	simm.s32 $0x1BFF;
	s21 =	sshll.u32 s5, $0x1;
	s2 =	sadd.s32 s19, s18  }
0x9c: {  	s6 =	simm.s32 $0x0;
	s20 =	sshll.u32 s4, $0x1;
	s4 =	sadd.s32 s21, s2  }
0x9d: {  	[timem:s6], [sflag:s22] =	dma.local [hbm:s4], s20  }
0x9e: {  	_ =	swait.ge [sflag:s22], s20  }
0x9f: {  	s3 =	ssub.s32 $0x0, s20;
	[sflag:s22] =	ssyncset.done $0x0  }
0xa0: {  	[sflag:s22] =	ssyncadd.s32 s3;
	_ =	sdelay $0x1  }
0xa1: {  	s23 =	simm.s32 $0x1B8B  }
0xa2: {  	_ =	swait.ge [sflag:s23], $0x1  }
0xa3: {  	[sflag:s23] =	ssyncset.done $0x0  }
0xa4: {  	s25 =	simm.s32 $0x1B8E;
	s24 =	sld [smem:$0x3FFE];
	[sflag:s23] =	ssyncadd.s32 $0xFFFFFFFF  }
0xa5: {  	s26 =	simm.s32 $execute0_lowered;
	[smem:$0x3FD2] =	sst s25  }
0xa6: {  	s4 =	sshll.u32 s26, $0x1;
	_ =	strace $0x80000049;
	[dreg:$0x1] =	wrdreg $0xFFFFFFFF  }
0xa7: {  	s28 =	simm.s32 $_size_execute0_lowered;
	s2 =	sadd.s32 s2, s4;
	[dreg:$0x0] =	wrdreg $0x0  }
0xa8: {  	s4 =	sshll.u32 s28, $0x1;
	[dreg:$0x2] =	wrdreg s2  }
0xa9: {  	[dreg:$0x3] =	wrdreg s4  }
0xaa: {  	[dreg:$0x4] =	wrdreg $0xC0  }
0xab: {  	_ =	task [dreg:s6], $0x5FFFF  }
0xac: {  	[dreg:$0x1] =	wrdreg $0xFFFFFFFF  }
0xad: {  	[dreg:$0x0] =	wrdreg $0x60  }
0xae: {  	[dreg:$0x2] =	wrdreg s24  }
0xaf: {  	[dreg:$0x3] =	wrdreg $0x41000  }
0xb0: {  	[dreg:$0x4] =	wrdreg $0x9  }
0xb1: {  	_ =	task.clear_ibuf [dreg:s6], $0x5FFFF;
	_ =	strace $0x90000049  }
0xb2: {  	s29 =	simm.s32 $0x9;
	_ =	strace $0x8000004B  }
0xb3: {  	_ =	swait.ge [sflag:s29], $0x1  }
0xb4: {  	[sflag:s29] =	ssyncadd.s32 $0xFFFFFFFF  }
0xb5: {  	_ =	strace $0x9000004B  }
0xb6: {  	_ =	sfence  }
0xb7: {  	s30 =	sld [smem:$0x0];
	_ =	sdelay $0x2  }
0xb8: {  	s31 =	sshll.u32 s1, $0xD;
	s1 =	sshrl.u32 s1, $0x2  }
0xb9: {  	s3 =	sand.u32 $0x4000, s31;
	s1 =	sadd.s32 s1, s30  }
0xba: {  	s0 =	sor.u32 s3, s0;
	s1 =	sshll.u32 s1, $0x11  }
0xbb: {  	s0 =	sor.u32 s1, s0  }
0xbc: {  	s0 =	sadd.s32 $0x8F2B, s0  }
0xbd: {  	[sflag:s0] =	ssyncadd.remote.s32 $0x1  }
0xbe: {  	_ =	sfence.sel $0xFFFF  }
0xbf: {  	[dreg:$0x0] =	wrdreg $0xFFFFFFFF;
	(pc) =	sbr.abs _section_cstart, $3  }
0xc0: {  	[dreg:$0x1] =	wrdreg $0xFFFFFFFF  }
0xc1: {  	_ =	task.clear_ibuf [dreg:s6], $0x2FFFF;
	_ =	strace $0x9FFFFFFF  }
0xc2: {  	(tm) =	ssettm $0x7FFFFFFF  }
0xc3: {  	_ =	shalt  }
tec
execute0_lowered:
.L_overlay_start_1:
0x0: {  	(tag) =	ssettag $0x1  }
0x1: {  	s0 =	srdreg.scid;
	s5 =	rddreg [dreg:$0x0]  }
0x2: {  	s2 =	rddreg [dreg:$0x1];
	s19 =	simm.s32 $0x2;
	s20 =	simm.s32 $0x80  }
0x3: {  	s21 =	simm.s32 $0x1;
	s6 =	sand.u32 $0x1, s0;
	s0 =	stileid.u32  }
0x4: {  	s22 =	simm.s32 $0x0;
	s14 =	sadd.s32 $0x51A00, s5;
	s9 =	smul.u32 $0x50000, s0  }
0x5: {  	s1 =	sshll.u32 s6, $0x4;
	s7 =	sshll.u32 s0, $0x7;
	s10 =	smul.u32 $0x14000, s0  }
0x6: {  	s24 =	ssub.s32 $0x2, s6;
	s12 =	smul.u32 $0x140000, s6;
	s3 =	sor.u32 s1, s0  }
0x7: {  	s1 =	rddreg [dreg:$0x2];
	s7 =	sand.u32 $0x380, s7;
	s25 =	sshrl.u32 s24, $0x1  }
0x8: {  	s4 =	sshrl.u32 s3, $0x3;
	s3 =	simm.s32 $0x0;
	s15 =	ssub.s32 s24, s25  }
0x9: {  	s26 =	sshrl.u32 s9, $0x2;
	s28 =	sadd.s32 $0x4000, s10;
	s13 =	sadd.s32 $0x8000, s10  }
0xa: {  	s16 =	sadd.s32 $0xC000, s10;
	s11 =	sadd.s32 s10, s12;
	s18 =	sadd.s32 $0x10000, s10  }
0xb: {  	s8 =	smul.u32 $0x13C00, s4;
	[smem:$0x7FF] =	sst s3;
	s4 =	sadd.s32 $0x2A800, s5  }
0xc: {  	s6 =	sadd.s32 s28, s2;
	s29 =	sshrl.u32 s11, $0x3;
	s30 =	sadd.s32 s12, s28  }
0xd: {  	s9 =	sadd.s32 s18, s2;
	s18 =	sadd.s32 s12, s18;
	s15 =	smax.u32 s15, $0x1  }
0xe: {  	_ =	strace $0x8000004A;
	s10 =	sadd.s32 s14, s29;
	s11 =	sshrl.u32 s30, $0x3  }
0xf: {  	s31 =	sshrl.u32 s18, $0x3;
	s18 =	simm.s32 $0x100;
	s7 =	sor.u32 s7, s8  }
0x10: {  	s8 =	sadd.s32 s16, s2;
	s16 =	sadd.s32 s12, s16;
	s7 =	sshrl.u32 s7, $0x3  }
0x11: {  	s17 =	sadd.s32 s7, s5;
	s7 =	sadd.s32 s13, s2;
	s13 =	sadd.s32 s12, s13  }
0x12: {  	s11 =	sadd.s32 s14, s11;
	s16 =	sshrl.u32 s16, $0x3;
	s13 =	sshrl.u32 s13, $0x3  }
0x13: {  	s5 =	sadd.s32 s26, s2;
	s12 =	sadd.s32 s14, s13;
	s13 =	sadd.s32 s14, s16  }
0x14: {  	v0 =	vimm.f32 $0.0e+00;
	s14 =	sadd.s32 s14, s31;
	s16 =	sadd.s32 $0x16C00, s17;
	s17 =	sadd.s32 $0x20A00, s17  }
.LBB2_1:
0x15: {  	s23 =	simm.s32 $0x0;
	s24 =	simm.s32 $0x200  }
.LBB2_2:
0x16: {  	p0 =	sne.s32 s24, $0xFE00;
	[tilespmem:s23+$0x170] =	vst v0  }
0x17: {  	[tilespmem:s23+$0x100] =	vst v0  }
0x18: {  	[tilespmem:s23+$0x110] =	vst v0  }
.Ltmp0:
0x19: {  	[tilespmem:s23+$0x120] =	vst v0;
	(pc) =	sbr.rel @p0 .LBB2_2-.Ltmp0, $4  }
0x1a: {  	[tilespmem:s23+$0x130] =	vst v0  }
0x1b: {  	[tilespmem:s23+$0x140] =	vst v0  }
0x1c: {  	[tilespmem:s23+$0x150] =	vst v0  }
0x1d: {  	[tilespmem:s23+$0x160] =	vst v0;
	s23 =	sshra.s32 s24, $0x2;
	s24 =	sadd.s32 $0x200, s24  }
0x1e: {  	[tilespmem:s23+$0x170] =	vst v0  }
0x1f: {  	[tilespmem:s23+$0x100] =	vst v0  }
0x20: {  	[tilespmem:s23+$0x110] =	vst v0  }
0x21: {  	[tilespmem:s23+$0x120] =	vst v0  }
0x22: {  	[tilespmem:s23+$0x130] =	vst v0  }
0x23: {  	[tilespmem:s23+$0x140] =	vst v0  }
0x24: {  	[tilespmem:s23+$0x150] =	vst v0  }
0x25: {  	[tilespmem:s23+$0x160] =	vst v0  }
0x26: {  	[spmem:s5] =	stream.linear.scatter [tilespmem:s18], [sflag:$0x2], $0x4000, $0x38;
	[tilespmem:$0x18100] =	vst v63  }
0x27: {  	_ =	swait.ge [sflag:s19], $0x4000  }
0x28: {  	[sflag:s19] =	ssyncset.done $0x0  }
0x29: {  	[sflag:s19] =	ssyncadd.s32 $0xFFFFC000  }
0x2a: {  	[spmem:s6] =	stream.linear.scatter [tilespmem:s18], [sflag:$0x2], $0x4000, $0x38;
	[tilespmem:$0x18100] =	vst v63  }
0x2b: {  	_ =	swait.ge [sflag:s19], $0x4000  }
0x2c: {  	[sflag:s19] =	ssyncset.done $0x0  }
0x2d: {  	[sflag:s19] =	ssyncadd.s32 $0xFFFFC000  }
0x2e: {  	[spmem:s7] =	stream.linear.scatter [tilespmem:s18], [sflag:$0x2], $0x4000, $0x38;
	[tilespmem:$0x18100] =	vst v63  }
0x2f: {  	_ =	swait.ge [sflag:s19], $0x4000  }
0x30: {  	[sflag:s19] =	ssyncset.done $0x0  }
0x31: {  	[sflag:s19] =	ssyncadd.s32 $0xFFFFC000  }
0x32: {  	[spmem:s8] =	stream.linear.scatter [tilespmem:s18], [sflag:$0x2], $0x4000, $0x38;
	[tilespmem:$0x18100] =	vst v63  }
0x33: {  	_ =	swait.ge [sflag:s19], $0x4000  }
0x34: {  	[sflag:s19] =	ssyncset.done $0x0  }
0x35: {  	[sflag:s19] =	ssyncadd.s32 $0xFFFFC000  }
0x36: {  	[spmem:s9] =	stream.linear.scatter [tilespmem:s18], [sflag:$0x2], $0x4000, $0x38;
	[tilespmem:$0x18100] =	vst v63  }
0x37: {  	_ =	swait.ge [sflag:s19], $0x4000  }
0x38: {  	[sflag:s19] =	ssyncset.done $0x0  }
0x39: {  	[sflag:s19] =	ssyncadd.s32 $0xFFFFC000  }
0x3a: {  	s30 =	sadd.s32 $0x0, s17;
	[bflag:$0x0] =	sbarrier.arrive $0xFFFF  }
0x3b: {  	[tilespmem:s3], [sflag:$0x2] =	stream.linear.gather [hbm4b:s30+s3], $0x80, $0x38;
	[tilespmem:$0x18100] =	vst v63  }
0x3c: {  	_ =	swait.ge [sflag:s19], $0x80  }
0x3d: {  	[sflag:s19] =	ssyncset.done $0x0  }
0x3e: {  	s31 =	sadd.s32 $0x0, s16;
	[sflag:s19] =	ssyncadd.s32 $0xFFFFFF80  }
0x3f: {  	[tilespmem:s20], [sflag:$0x2] =	stream.linear.gather [hbm4b:s31+s3], $0x80, $0x38;
	[tilespmem:$0x18100] =	vst v63  }
0x40: {  	_ =	swait.ge [sflag:s19], $0x80  }
0x41: {  	[sflag:s19] =	ssyncset.done $0x0  }
0x42: {  	[sflag:s19] =	ssyncadd.s32 $0xFFFFFF80  }
0x43: {  	[tilespmem:s18], [sflag:$0x1] =	stream.indirect.gather [hbm4b:s4+s20], $0x80, s3, s20, $0xb8;
	[tilespmem:$0x18100] =	vst v63  }
0x44: {  	_ =	swait.ge [sflag:s21], $0x4000  }
0x45: {  	[sflag:s21] =	ssyncset.done $0x0  }
0x46: {  	[sflag:s21] =	ssyncadd.s32 $0xFFFFC000  }
0x47: {  	[spmem:s2] =	stream.indirect.scatter.add.f32 [tilespmem:s18], [sflag:$0x2], $0x80, s20, s20, $0xb8;
	[tilespmem:$0x18100] =	vst v63  }
0x48: {  	_ =	swait.ge [sflag:s19], $0x4000  }
0x49: {  	s23 =	simm.s32 $0x80;
	s24 =	simm.s32 $0x100;
	[sflag:s19] =	ssyncset.done $0x0  }
.LBB2_4:
0x4a: {  	s25 =	sadd.s32 s23, s17  }
0x4b: {  	[sflag:s19] =	ssyncadd.s32 $0xFFFFC000;
	s26 =	smov.u32 s24;
	s28 =	sadd.s32 $0x80, s24  }
0x4c: {  	[tilespmem:s3], [sflag:$0x2] =	stream.linear.gather [hbm4b:s25+s3], $0x80, $0x38;
	[tilespmem:$0x18100] =	vst v63  }
0x4d: {  	p0 =	sne.s32 s24, $0x2700;
	_ =	swait.ge [sflag:s19], $0x80  }
0x4e: {  	[sflag:s19] =	ssyncset.done $0x0  }
0x4f: {  	s24 =	sadd.s32 s23, s16;
	s23 =	smov.u32 s26;
	[sflag:s19] =	ssyncadd.s32 $0xFFFFFF80  }
0x50: {  	[tilespmem:s20], [sflag:$0x2] =	stream.linear.gather [hbm4b:s24+s3], $0x80, $0x38;
	[tilespmem:$0x18100] =	vst v63  }
0x51: {  	_ =	swait.ge [sflag:s19], $0x80  }
0x52: {  	[sflag:s19] =	ssyncset.done $0x0  }
0x53: {  	[sflag:s19] =	ssyncadd.s32 $0xFFFFFF80  }
0x54: {  	[tilespmem:s18], [sflag:$0x1] =	stream.indirect.gather [hbm4b:s4+s20], $0x80, s3, s20, $0xb8;
	[tilespmem:$0x18100] =	vst v63  }
0x55: {  	_ =	swait.ge [sflag:s21], $0x4000  }
.Ltmp1:
0x56: {  	[sflag:s21] =	ssyncset.done $0x0;
	(pc) =	sbr.rel @p0 .LBB2_4-.Ltmp1, $4  }
0x57: {  	[sflag:s21] =	ssyncadd.s32 $0xFFFFC000  }
0x58: {  	[spmem:s2] =	stream.indirect.scatter.add.f32 [tilespmem:s18], [sflag:$0x2], $0x80, s20, s20, $0xb8;
	[tilespmem:$0x18100] =	vst v63  }
0x59: {  	_ =	swait.ge [sflag:s19], $0x4000  }
0x5a: {  	s24 =	smov.u32 s28;
	[sflag:s19] =	ssyncset.done $0x0  }
0x5b: {  	s24 =	sadd.s32 s23, s17;
	[sflag:s19] =	ssyncadd.s32 $0xFFFFC000  }
0x5c: {  	[tilespmem:s3], [sflag:$0x2] =	stream.linear.gather [hbm4b:s24+s3], $0x80, $0x38;
	[tilespmem:$0x18100] =	vst v63  }
0x5d: {  	_ =	swait.ge [sflag:s19], $0x80  }
0x5e: {  	[sflag:s19] =	ssyncset.done $0x0  }
0x5f: {  	s31 =	sadd.s32 s23, s16;
	[sflag:s19] =	ssyncadd.s32 $0xFFFFFF80  }
0x60: {  	[tilespmem:s20], [sflag:$0x2] =	stream.linear.gather [hbm4b:s31+s3], $0x80, $0x38;
	[tilespmem:$0x18100] =	vst v63  }
0x61: {  	_ =	swait.ge [sflag:s19], $0x80  }
0x62: {  	[sflag:s19] =	ssyncset.done $0x0  }
0x63: {  	[sflag:s19] =	ssyncadd.s32 $0xFFFFFF80  }
0x64: {  	[tilespmem:s18], [sflag:$0x1] =	stream.indirect.gather [hbm4b:s4+s20], $0x80, s3, s20, $0xb8;
	[tilespmem:$0x18100] =	vst v63  }
0x65: {  	_ =	swait.ge [sflag:s21], $0x4000  }
0x66: {  	[sflag:s21] =	ssyncset.done $0x0  }
0x67: {  	[sflag:s21] =	ssyncadd.s32 $0xFFFFC000  }
0x68: {  	[spmem:s2] =	stream.indirect.scatter.add.f32 [tilespmem:s18], [sflag:$0x2], $0x80, s20, s20, $0xb8;
	[tilespmem:$0x18100] =	vst v63  }
0x69: {  	_ =	swait.ge [sflag:s19], $0x4000  }
0x6a: {  	[sflag:s19] =	ssyncset.done $0x0  }
0x6b: {  	[sflag:s19] =	ssyncadd.s32 $0xFFFFC000  }
0x6c: {  	[bflag:$0x0] =	sbarrier.arrive $0xFFFF  }
0x6d: {  	[tilespmem:s18], [sflag:$0x2] =	stream.linear.gather [spmem:s5], $0x4000, $0x38;
	[tilespmem:$0x18100] =	vst v63  }
0x6e: {  	_ =	swait.ge [sflag:s19], $0x4000  }
0x6f: {  	[sflag:s19] =	ssyncset.done $0x0  }
0x70: {  	[sflag:s19] =	ssyncadd.s32 $0xFFFFC000  }
0x71: {  	[hbm4b:s10+s3] =	stream.linear.scatter [tilespmem:s18], [sflag:$0x2], $0x4000, $0x38;
	[tilespmem:$0x18100] =	vst v63  }
0x72: {  	_ =	swait.ge [sflag:s19], $0x4000  }
0x73: {  	[sflag:s19] =	ssyncset.done $0x0  }
0x74: {  	[sflag:s19] =	ssyncadd.s32 $0xFFFFC000  }
0x75: {  	[tilespmem:s18], [sflag:$0x2] =	stream.linear.gather [spmem:s6], $0x4000, $0x38;
	[tilespmem:$0x18100] =	vst v63  }
0x76: {  	_ =	swait.ge [sflag:s19], $0x4000  }
0x77: {  	[sflag:s19] =	ssyncset.done $0x0  }
0x78: {  	[sflag:s19] =	ssyncadd.s32 $0xFFFFC000  }
0x79: {  	[hbm4b:s11+s3] =	stream.linear.scatter [tilespmem:s18], [sflag:$0x2], $0x4000, $0x38;
	[tilespmem:$0x18100] =	vst v63  }
0x7a: {  	_ =	swait.ge [sflag:s19], $0x4000  }
0x7b: {  	[sflag:s19] =	ssyncset.done $0x0  }
0x7c: {  	[sflag:s19] =	ssyncadd.s32 $0xFFFFC000  }
0x7d: {  	[tilespmem:s18], [sflag:$0x2] =	stream.linear.gather [spmem:s7], $0x4000, $0x38;
	[tilespmem:$0x18100] =	vst v63  }
0x7e: {  	_ =	swait.ge [sflag:s19], $0x4000  }
0x7f: {  	[sflag:s19] =	ssyncset.done $0x0  }
0x80: {  	[sflag:s19] =	ssyncadd.s32 $0xFFFFC000  }
0x81: {  	[hbm4b:s12+s3] =	stream.linear.scatter [tilespmem:s18], [sflag:$0x2], $0x4000, $0x38;
	[tilespmem:$0x18100] =	vst v63  }
0x82: {  	_ =	swait.ge [sflag:s19], $0x4000  }
0x83: {  	[sflag:s19] =	ssyncset.done $0x0  }
0x84: {  	[sflag:s19] =	ssyncadd.s32 $0xFFFFC000  }
0x85: {  	[tilespmem:s18], [sflag:$0x2] =	stream.linear.gather [spmem:s8], $0x4000, $0x38;
	[tilespmem:$0x18100] =	vst v63  }
0x86: {  	_ =	swait.ge [sflag:s19], $0x4000  }
0x87: {  	[sflag:s19] =	ssyncset.done $0x0  }
0x88: {  	[sflag:s19] =	ssyncadd.s32 $0xFFFFC000  }
0x89: {  	[hbm4b:s13+s3] =	stream.linear.scatter [tilespmem:s18], [sflag:$0x2], $0x4000, $0x38;
	[tilespmem:$0x18100] =	vst v63  }
0x8a: {  	_ =	swait.ge [sflag:s19], $0x4000  }
0x8b: {  	[sflag:s19] =	ssyncset.done $0x0  }
0x8c: {  	[sflag:s19] =	ssyncadd.s32 $0xFFFFC000  }
0x8d: {  	[tilespmem:s18], [sflag:$0x2] =	stream.linear.gather [spmem:s9], $0x4000, $0x38;
	[tilespmem:$0x18100] =	vst v63  }
0x8e: {  	s22 =	sadd.s32 $0x1, s22;
	_ =	swait.ge [sflag:s19], $0x4000  }
0x8f: {  	p0 =	sne.s32 s22, s15;
	[sflag:s19] =	ssyncset.done $0x0  }
.Ltmp2:
0x90: {  	[sflag:s19] =	ssyncadd.s32 $0xFFFFC000;
	(pc) =	sbr.rel @p0 .LBB2_1-.Ltmp2, $4  }
0x91: {  	[hbm4b:s14+s3] =	stream.linear.scatter [tilespmem:s18], [sflag:$0x2], $0x4000, $0x38;
	[tilespmem:$0x18100] =	vst v63  }
0x92: {  	_ =	swait.ge [sflag:s19], $0x4000  }
0x93: {  	[sflag:s19] =	ssyncset.done $0x0  }
0x94: {  	[sflag:s19] =	ssyncadd.s32 $0xFFFFC000  }
0x95: {  	_ =	sfence.sel $0x180000  }
0x96: {  	[bflag:$0x0] =	sbarrier.arrive $0xFFFF  }
0x97: {  	p0 =	sne.s32 s0, $0x0;
	_ =	strace $0x9000004A  }
0x98: {  	s0 =	sadd.s32 @!p0 $0x100000, s1;
	[bflag:$0x2] =	sbarrier.arrive $0xFFFF  }
0x99: {  	[sflag:s0] =	ssyncadd.tile.s32 @!p0 $0x1;
	_ =	shalt  }
.Lfunc_end2:
_tile_overlayer_lowered:
.L_overlay_start_2:
0x9a: {  	(tag) =	ssettag $0x2  }
0x9b: {  	s0 =	rddreg [dreg:$0x0];
	s2 =	stileid.u32  }
0x9c: {  	s1 =	rddreg [dreg:$0x1];
	p0 =	sne.s32 s2, $0x0  }
0x9d: {  	s3 =	rddreg [dreg:$0x2];
	[bflag:$0x3] =	sbarrier.arrive $0xFFFF;
	s2 =	simm.s32 @!p0 $0x1C02  }
0x9e: {  	[timem:s3], [sflag:s2] =	dma.local @!p0 [hbm:s0], s1  }
0x9f: {  	s0 =	simm.s32 @!p0 $0x2  }
0xa0: {  	_ =	swait.ge @!p0 [sflag:s0], s1  }
0xa1: {  	s1 =	ssub.s32 @!p0 $0x0, s1;
	[sflag:s0] =	ssyncset.done @!p0 $0x0  }
0xa2: {  	[sflag:s0] =	ssyncadd.s32 @!p0 s1  }
0xa3: {  	[bflag:$0x3] =	sbarrier.arrive $0xFFFF  }
0xa4: {  	_ =	shalt  }

// kernel: kernel.16.cloned.1.call-start
scs
__scs_entry_jumppad:
0x0: {  	(pc) =	sbr.rel $0x88, $3  }
0x1: {  	(tag) =	ssettag $0x0;
	lr =	simm.s32 $0x1  }
0x2: {  	[smem:$0x3F98] =	sst lr;
	_ =	strace $0xD0000000  }
0x3: {  	_ = 	snop  }
0x4: {  	_ = 	snop  }
0x5: {  	_ = 	snop  }
0x6: {  	_ = 	snop  }
0x7: {  	_ = 	snop  }
__scs_overlays_trampoline_lowered:
0x8: {  	[smem:$0x3FA7] =	sst s0  }
0x9: {  	[smem:$0x3FA8] =	sst s1  }
0xa: {  	[smem:$0x3FA9] =	sst s2  }
0xb: {  	[smem:$0x3FAA] =	sst s3  }
0xc: {  	[smem:$0x3FAB] =	sst s4  }
0xd: {  	[smem:$0x3FAC] =	sst s5  }
0xe: {  	[smem:$0x3FAD] =	sst s6  }
0xf: {  	[smem:$0x3FAE] =	sst s7  }
0x10: {  	[smem:$0x3FAF] =	sst s8  }
0x11: {  	[smem:$0x3FB0] =	sst s9;
	s0 =	simm.s32 @!p0 $0x0  }
0x12: {  	s1 =	sld [smem:$0x3F96];
	s0 =	simm.s32 @p0 $0x1  }
0x13: {  	[smem:$0x3FB1] =	sst s0;
	s0 =	simm.s32 @!p1 $0x0  }
0x14: {  	s2 =	sld [smem:$0x3F95];
	s0 =	simm.s32 @p1 $0x1  }
0x15: {  	[smem:$0x3FB2] =	sst s0;
	s0 =	simm.s32 @!p2 $0x0  }
0x16: {  	s3 =	sld [smem:$0x3FDB];
	s0 =	simm.s32 @p2 $0x1  }
0x17: {  	s4 =	simm.s32 $0x1BF5;
	[smem:$0x3FB4] =	sst s0  }
0x18: {  	s0 =	sld [smem:$0x3F97];
	_ =	swait.ge [sflag:s4], $0x0  }
0x19: {  	s7 =	sld [smem:$0x3F98]  }
0x1a: {  	s8 =	sadd.s32 $0xFFFFE003, lr  }
0x1b: {  	s9 =	sadd.s32 $0xFFFFFEF7, lr;
	s5 =	simm.s32 $0xFFFFFFFF;
	p2 =	slt.u32 s8, $0xFFFFF086  }
0x1c: {  	p1 =	slt.u32 s9, $0xF7A;
	s5 =	simm.s32 @!p2 $0x0  }
0x1d: {  	s5 =	simm.s32 @p1 $0x1;
	p0 =	seq.s32 s7, s2  }
0x1e: {  	s7 =	smul.u32 @!p0 $0xF7A, s2;
	p2 =	seq.s32 @!p0 s5, $0x0  }
0x1f: {  	s9 =	smul.u32 $0xF7A, s1;
	s8 =	simm.s32 @!p0 $0x1BF5;
	p2 =	por !p2, p0  }
0x20: {  	[sflag:s8] =	ssyncset.s32 @!p0 $0xFFFFF086;
	s6 =	sadd.s32 @!p0 s3, s7;
	s7 =	simm.s32 @!p0 $0x108  }
0x21: {  	s3 =	sadd.s32 s3, s9;
	s6 =	sadd.s32 @!p0 $0x88, s6;
	s7 =	simm.s32 @p2 $0x1082  }
0x22: {  	[simem:s7], [sflag:s8] =	dma.local @!p0 [hbm:s6], $0xF7A  }
0x23: {  	s9 =	sor.u32 $0xD0000000, s2;
	s6 =	simm.s32 $0x108;
	_ =	swait.ge @!p0 [sflag:s8], $0x0  }
0x24: {  	s3 =	sadd.s32 $0x88, s3;
	s6 =	simm.s32 @!p1 $0x1082;
	[sflag:s4] =	ssyncset.s32 $0xFFFFF086  }
0x25: {  	[simem:s6], [sflag:s4] =	dma.local [hbm:s3], $0xF7A  }
0x26: {  	[smem:$0x3F98] =	sst s1;
	(tag) =	ssettag s2;
	_ =	strace s9  }
0x27: {  	s1 =	sld [smem:$0x3FA8]  }
0x28: {  	s2 =	sld [smem:$0x3FA9]  }
0x29: {  	s4 =	sld [smem:$0x3FAB]  }
0x2a: {  	p0 =	seq.s32 s5, $0x0;
	s5 =	sld [smem:$0x3FAC]  }
0x2b: {  	s6 =	sld [smem:$0x3FAD]  }
0x2c: {  	s7 =	sld [smem:$0x3FAE]  }
0x2d: {  	s3 =	simm.s32 $0x108;
	s8 =	sld [smem:$0x3FAF]  }
0x2e: {  	s3 =	simm.s32 @!p0 $0x1082;
	s9 =	sld [smem:$0x3FB0]  }
0x2f: {  	lr =	sadd.s32 s0, s3;
	s0 =	sld [smem:$0x3FA7]  }
0x30: {  	s3 =	sld [smem:$0x3FAA]  }
0x31: {  	[smem:$0x3FB3] =	sst s10  }
0x32: {  	s10 =	sld [smem:$0x3FB1];
	_ =	sdelay $0x3  }
0x33: {  	p0 =	seq.s32 s10, $0x1;
	s10 =	sld [smem:$0x3FB3];
	_ =	sdelay $0x3  }
0x34: {  	[smem:$0x3FB3] =	sst s10  }
0x35: {  	s10 =	sld [smem:$0x3FB2];
	_ =	sdelay $0x3  }
0x36: {  	p1 =	seq.s32 s10, $0x1;
	s10 =	sld [smem:$0x3FB3];
	_ =	sdelay $0x3  }
0x37: {  	[smem:$0x3FB3] =	sst s10  }
0x38: {  	s10 =	sld [smem:$0x3FB4]  }
0x39: {  	_ = 	snop;
	(pc) =	sbr.ind lr, $3  }
0x3a: {  	_ = 	snop  }
0x3b: {  	_ = 	snop  }
0x3c: {  	p2 =	seq.s32 s10, $0x1;
	s10 =	sld [smem:$0x3FB3]  }
0x3d: {  	_ =	shalt  }
0x3e: {  	_ =	shalt  }
0x3f: {  	_ =	shalt  }
0x40: {  	_ =	shalt  }
0x41: {  	_ =	shalt  }
0x42: {  	_ =	shalt  }
0x43: {  	_ =	shalt  }
0x44: {  	_ =	shalt  }
0x45: {  	_ =	shalt  }
0x46: {  	_ =	shalt  }
0x47: {  	_ =	shalt  }
0x48: {  	_ =	shalt  }
0x49: {  	_ =	shalt  }
0x4a: {  	_ =	shalt  }
0x4b: {  	_ =	shalt  }
0x4c: {  	_ =	shalt  }
0x4d: {  	_ =	shalt  }
0x4e: {  	_ =	shalt  }
0x4f: {  	_ =	shalt  }
0x50: {  	_ =	shalt  }
0x51: {  	_ =	shalt  }
0x52: {  	_ =	shalt  }
0x53: {  	_ =	shalt  }
0x54: {  	_ =	shalt  }
0x55: {  	_ =	shalt  }
0x56: {  	_ =	shalt  }
0x57: {  	_ =	shalt  }
0x58: {  	_ =	shalt  }
0x59: {  	_ =	shalt  }
0x5a: {  	_ =	shalt  }
0x5b: {  	_ =	shalt  }
0x5c: {  	_ =	shalt  }
0x5d: {  	_ =	shalt  }
0x5e: {  	_ =	shalt  }
0x5f: {  	_ =	shalt  }
0x60: {  	_ =	shalt  }
0x61: {  	_ =	shalt  }
0x62: {  	_ =	shalt  }
0x63: {  	_ =	shalt  }
0x64: {  	_ =	shalt  }
0x65: {  	_ =	shalt  }
0x66: {  	_ =	shalt  }
0x67: {  	_ =	shalt  }
0x68: {  	_ =	shalt  }
0x69: {  	_ =	shalt  }
0x6a: {  	_ =	shalt  }
0x6b: {  	_ =	shalt  }
0x6c: {  	_ =	shalt  }
0x6d: {  	_ =	shalt  }
0x6e: {  	_ =	shalt  }
0x6f: {  	_ =	shalt  }
0x70: {  	_ =	shalt  }
0x71: {  	_ =	shalt  }
0x72: {  	_ =	shalt  }
0x73: {  	_ =	shalt  }
0x74: {  	_ =	shalt  }
0x75: {  	_ =	shalt  }
0x76: {  	_ =	shalt  }
0x77: {  	_ =	shalt  }
0x78: {  	_ =	shalt  }
0x79: {  	_ =	shalt  }
0x7a: {  	_ =	shalt  }
0x7b: {  	_ =	shalt  }
0x7c: {  	_ =	shalt  }
0x7d: {  	_ =	shalt  }
0x7e: {  	_ =	shalt  }
0x7f: {  	_ =	shalt  }
0x80: {  	_ =	shalt  }
0x81: {  	_ =	shalt  }
0x82: {  	_ =	shalt  }
0x83: {  	_ =	shalt  }
0x84: {  	_ =	shalt  }
0x85: {  	_ =	shalt  }
0x86: {  	_ =	shalt  }
0x87: {  	_ =	shalt  }
.Lfunc_end0:
.L_simem_size_0:
called_computation.2_lowered:
.L_overlay_start_0:
0x88: {  	s2 =	sld [smem:$0x3FD9]  }
0x89: {  	s3 =	sld [smem:$0x3FFE];
	_ =	sdelay $0x1  }
0x8a: {  	s1 =	srdreg.scid  }
0x8b: {  	s0 =	sand.u32 $0x1, s1  }
0x8c: {  	s16 =	sshll.u32 s0, $0xA;
	s2 =	sadd.s32 s3, s2  }
0x8d: {  	s2 =	sadd.s32 s2, s16  }
0x8e: {  	[smem:$0x3FBF] =	sst s2  }
0x8f: {  	_ = 	snop  }
0x90: {  	(tm) =	ssettm $0x1  }
0x91: {  	s17 =	sld [smem:$0x3FFB];
	_ =	sdelay $0x3  }
0x92: {  	_ =	strace s17  }
0x93: {  	s2 =	sld [smem:$0x3FFC];
	_ =	sdelay $0x3  }
0x94: {  	_ =	strace s2  }
0x95: {  	s2 =	sld [smem:$0x3FFD];
	_ =	sdelay $0x3  }
0x96: {  	_ =	strace s2  }
0x97: {  	_ =	strace $0x8FFFFFFF  }
0x98: {  	s18 =	sld [smem:$0x3FDB];
	_ =	sdelay $0x1  }
0x99: {  	s19 =	simm.s32 $_scs_section_size  }
0x9a: {  	s4 =	simm.s32 $_size__tile_overlayer_lowered;
	s5 =	simm.s32 $_tile_overlayer_lowered  }
0x9b: {  	s22 =	simm.s32 $0x1BFF;
	s21 =	sshll.u32 s5, $0x1;
	s2 =	sadd.s32 s19, s18  }
0x9c: {  	s6 =	simm.s32 $0x0;
	s20 =	sshll.u32 s4, $0x1;
	s4 =	sadd.s32 s21, s2  }
0x9d: {  	[timem:s6], [sflag:s22] =	dma.local [hbm:s4], s20  }
0x9e: {  	_ =	swait.ge [sflag:s22], s20  }
0x9f: {  	s3 =	ssub.s32 $0x0, s20;
	[sflag:s22] =	ssyncset.done $0x0  }
0xa0: {  	[sflag:s22] =	ssyncadd.s32 s3;
	_ =	sdelay $0x1  }
0xa1: {  	s23 =	simm.s32 $0x1B8B  }
0xa2: {  	_ =	swait.ge [sflag:s23], $0x1  }
0xa3: {  	[sflag:s23] =	ssyncset.done $0x0  }
0xa4: {  	s25 =	simm.s32 $0x1B8E;
	s24 =	sld [smem:$0x3FFE];
	[sflag:s23] =	ssyncadd.s32 $0xFFFFFFFF  }
0xa5: {  	s26 =	simm.s32 $execute0_lowered;
	[smem:$0x3FD2] =	sst s25  }
0xa6: {  	s4 =	sshll.u32 s26, $0x1;
	_ =	strace $0x8000004C;
	[dreg:$0x1] =	wrdreg $0xFFFFFFFF  }
0xa7: {  	s28 =	simm.s32 $_size_execute0_lowered;
	s2 =	sadd.s32 s2, s4;
	[dreg:$0x0] =	wrdreg $0x0  }
0xa8: {  	s4 =	sshll.u32 s28, $0x1;
	[dreg:$0x2] =	wrdreg s2  }
0xa9: {  	[dreg:$0x3] =	wrdreg s4  }
0xaa: {  	[dreg:$0x4] =	wrdreg $0xC0  }
0xab: {  	_ =	task [dreg:s6], $0x5FFFF  }
0xac: {  	[dreg:$0x1] =	wrdreg $0xFFFFFFFF  }
0xad: {  	[dreg:$0x0] =	wrdreg $0x60  }
0xae: {  	[dreg:$0x2] =	wrdreg s24  }
0xaf: {  	[dreg:$0x3] =	wrdreg $0x41000  }
0xb0: {  	[dreg:$0x4] =	wrdreg $0x9  }
0xb1: {  	_ =	task.clear_ibuf [dreg:s6], $0x5FFFF;
	_ =	strace $0x9000004C  }
0xb2: {  	s29 =	simm.s32 $0x9;
	_ =	strace $0x8000004E  }
0xb3: {  	_ =	swait.ge [sflag:s29], $0x1  }
0xb4: {  	[sflag:s29] =	ssyncadd.s32 $0xFFFFFFFF  }
0xb5: {  	_ =	strace $0x9000004E  }
0xb6: {  	_ =	sfence  }
0xb7: {  	s30 =	sld [smem:$0x0];
	_ =	sdelay $0x2  }
0xb8: {  	s31 =	sshll.u32 s1, $0xD;
	s1 =	sshrl.u32 s1, $0x2  }
0xb9: {  	s3 =	sand.u32 $0x4000, s31;
	s1 =	sadd.s32 s1, s30  }
0xba: {  	s0 =	sor.u32 s3, s0;
	s1 =	sshll.u32 s1, $0x11  }
0xbb: {  	s0 =	sor.u32 s1, s0  }
0xbc: {  	s0 =	sadd.s32 $0x8F2B, s0  }
0xbd: {  	[sflag:s0] =	ssyncadd.remote.s32 $0x1  }
0xbe: {  	_ =	sfence.sel $0xFFFF  }
0xbf: {  	[dreg:$0x0] =	wrdreg $0xFFFFFFFF;
	(pc) =	sbr.abs _section_cstart, $3  }
0xc0: {  	[dreg:$0x1] =	wrdreg $0xFFFFFFFF  }
0xc1: {  	_ =	task.clear_ibuf [dreg:s6], $0x2FFFF;
	_ =	strace $0x9FFFFFFF  }
0xc2: {  	(tm) =	ssettm $0x7FFFFFFF  }
0xc3: {  	_ =	shalt  }
tec
execute0_lowered:
.L_overlay_start_1:
0x0: {  	(tag) =	ssettag $0x1  }
0x1: {  	s0 =	srdreg.scid;
	s5 =	rddreg [dreg:$0x0]  }
0x2: {  	s2 =	rddreg [dreg:$0x1];
	s19 =	simm.s32 $0x2;
	s20 =	simm.s32 $0x80  }
0x3: {  	s21 =	simm.s32 $0x1;
	s6 =	sand.u32 $0x1, s0;
	s0 =	stileid.u32  }
0x4: {  	s22 =	simm.s32 $0x0;
	s14 =	sadd.s32 $0x51A00, s5;
	s9 =	smul.u32 $0x50000, s0  }
0x5: {  	s1 =	sshll.u32 s6, $0x4;
	s7 =	sshll.u32 s0, $0x7;
	s10 =	smul.u32 $0x14000, s0  }
0x6: {  	s24 =	ssub.s32 $0x2, s6;
	s12 =	smul.u32 $0x140000, s6;
	s3 =	sor.u32 s1, s0  }
0x7: {  	s1 =	rddreg [dreg:$0x2];
	s7 =	sand.u32 $0x380, s7;
	s25 =	sshrl.u32 s24, $0x1  }
0x8: {  	s4 =	sshrl.u32 s3, $0x3;
	s3 =	simm.s32 $0x0;
	s15 =	ssub.s32 s24, s25  }
0x9: {  	s26 =	sshrl.u32 s9, $0x2;
	s28 =	sadd.s32 $0x4000, s10;
	s13 =	sadd.s32 $0x8000, s10  }
0xa: {  	s16 =	sadd.s32 $0xC000, s10;
	s11 =	sadd.s32 s10, s12;
	s18 =	sadd.s32 $0x10000, s10  }
0xb: {  	s8 =	smul.u32 $0x13C00, s4;
	[smem:$0x7FF] =	sst s3;
	s4 =	sadd.s32 $0x2A800, s5  }
0xc: {  	s6 =	sadd.s32 s28, s2;
	s29 =	sshrl.u32 s11, $0x3;
	s30 =	sadd.s32 s12, s28  }
0xd: {  	s9 =	sadd.s32 s18, s2;
	s18 =	sadd.s32 s12, s18;
	s15 =	smax.u32 s15, $0x1  }
0xe: {  	_ =	strace $0x8000004D;
	s10 =	sadd.s32 s14, s29;
	s11 =	sshrl.u32 s30, $0x3  }
0xf: {  	s31 =	sshrl.u32 s18, $0x3;
	s18 =	simm.s32 $0x100;
	s7 =	sor.u32 s7, s8  }
0x10: {  	s8 =	sadd.s32 s16, s2;
	s16 =	sadd.s32 s12, s16;
	s7 =	sshrl.u32 s7, $0x3  }
0x11: {  	s17 =	sadd.s32 s7, s5;
	s7 =	sadd.s32 s13, s2;
	s13 =	sadd.s32 s12, s13  }
0x12: {  	s11 =	sadd.s32 s14, s11;
	s16 =	sshrl.u32 s16, $0x3;
	s13 =	sshrl.u32 s13, $0x3  }
0x13: {  	s5 =	sadd.s32 s26, s2;
	s12 =	sadd.s32 s14, s13;
	s13 =	sadd.s32 s14, s16  }
0x14: {  	v0 =	vimm.f32 $0.0e+00;
	s14 =	sadd.s32 s14, s31;
	s16 =	sadd.s32 $0x16C00, s17;
	s17 =	sadd.s32 $0x20A00, s17  }
.LBB2_1:
0x15: {  	s23 =	simm.s32 $0x0;
	s24 =	simm.s32 $0x200  }
.LBB2_2:
0x16: {  	p0 =	sne.s32 s24, $0xFE00;
	[tilespmem:s23+$0x170] =	vst v0  }
0x17: {  	[tilespmem:s23+$0x100] =	vst v0  }
0x18: {  	[tilespmem:s23+$0x110] =	vst v0  }
.Ltmp0:
0x19: {  	[tilespmem:s23+$0x120] =	vst v0;
	(pc) =	sbr.rel @p0 .LBB2_2-.Ltmp0, $4  }
0x1a: {  	[tilespmem:s23+$0x130] =	vst v0  }
0x1b: {  	[tilespmem:s23+$0x140] =	vst v0  }
0x1c: {  	[tilespmem:s23+$0x150] =	vst v0  }
0x1d: {  	[tilespmem:s23+$0x160] =	vst v0;
	s23 =	sshra.s32 s24, $0x2;
	s24 =	sadd.s32 $0x200, s24  }
0x1e: {  	[tilespmem:s23+$0x170] =	vst v0  }
0x1f: {  	[tilespmem:s23+$0x100] =	vst v0  }
0x20: {  	[tilespmem:s23+$0x110] =	vst v0  }
0x21: {  	[tilespmem:s23+$0x120] =	vst v0  }
0x22: {  	[tilespmem:s23+$0x130] =	vst v0  }
0x23: {  	[tilespmem:s23+$0x140] =	vst v0  }
0x24: {  	[tilespmem:s23+$0x150] =	vst v0  }
0x25: {  	[tilespmem:s23+$0x160] =	vst v0  }
0x26: {  	[spmem:s5] =	stream.linear.scatter [tilespmem:s18], [sflag:$0x2], $0x4000, $0x38;
	[tilespmem:$0x18100] =	vst v63  }
0x27: {  	_ =	swait.ge [sflag:s19], $0x4000  }
0x28: {  	[sflag:s19] =	ssyncset.done $0x0  }
0x29: {  	[sflag:s19] =	ssyncadd.s32 $0xFFFFC000  }
0x2a: {  	[spmem:s6] =	stream.linear.scatter [tilespmem:s18], [sflag:$0x2], $0x4000, $0x38;
	[tilespmem:$0x18100] =	vst v63  }
0x2b: {  	_ =	swait.ge [sflag:s19], $0x4000  }
0x2c: {  	[sflag:s19] =	ssyncset.done $0x0  }
0x2d: {  	[sflag:s19] =	ssyncadd.s32 $0xFFFFC000  }
0x2e: {  	[spmem:s7] =	stream.linear.scatter [tilespmem:s18], [sflag:$0x2], $0x4000, $0x38;
	[tilespmem:$0x18100] =	vst v63  }
0x2f: {  	_ =	swait.ge [sflag:s19], $0x4000  }
0x30: {  	[sflag:s19] =	ssyncset.done $0x0  }
0x31: {  	[sflag:s19] =	ssyncadd.s32 $0xFFFFC000  }
0x32: {  	[spmem:s8] =	stream.linear.scatter [tilespmem:s18], [sflag:$0x2], $0x4000, $0x38;
	[tilespmem:$0x18100] =	vst v63  }
0x33: {  	_ =	swait.ge [sflag:s19], $0x4000  }
0x34: {  	[sflag:s19] =	ssyncset.done $0x0  }
0x35: {  	[sflag:s19] =	ssyncadd.s32 $0xFFFFC000  }
0x36: {  	[spmem:s9] =	stream.linear.scatter [tilespmem:s18], [sflag:$0x2], $0x4000, $0x38;
	[tilespmem:$0x18100] =	vst v63  }
0x37: {  	_ =	swait.ge [sflag:s19], $0x4000  }
0x38: {  	[sflag:s19] =	ssyncset.done $0x0  }
0x39: {  	[sflag:s19] =	ssyncadd.s32 $0xFFFFC000  }
0x3a: {  	s30 =	sadd.s32 $0x0, s17;
	[bflag:$0x0] =	sbarrier.arrive $0xFFFF  }
0x3b: {  	[tilespmem:s3], [sflag:$0x2] =	stream.linear.gather [hbm4b:s30+s3], $0x80, $0x38;
	[tilespmem:$0x18100] =	vst v63  }
0x3c: {  	_ =	swait.ge [sflag:s19], $0x80  }
0x3d: {  	[sflag:s19] =	ssyncset.done $0x0  }
0x3e: {  	s31 =	sadd.s32 $0x0, s16;
	[sflag:s19] =	ssyncadd.s32 $0xFFFFFF80  }
0x3f: {  	[tilespmem:s20], [sflag:$0x2] =	stream.linear.gather [hbm4b:s31+s3], $0x80, $0x38;
	[tilespmem:$0x18100] =	vst v63  }
0x40: {  	_ =	swait.ge [sflag:s19], $0x80  }
0x41: {  	[sflag:s19] =	ssyncset.done $0x0  }
0x42: {  	[sflag:s19] =	ssyncadd.s32 $0xFFFFFF80  }
0x43: {  	[tilespmem:s18], [sflag:$0x1] =	stream.indirect.gather [hbm4b:s4+s20], $0x80, s3, s20, $0xb8;
	[tilespmem:$0x18100] =	vst v63  }
0x44: {  	_ =	swait.ge [sflag:s21], $0x4000  }
0x45: {  	[sflag:s21] =	ssyncset.done $0x0  }
0x46: {  	[sflag:s21] =	ssyncadd.s32 $0xFFFFC000  }
0x47: {  	[spmem:s2] =	stream.indirect.scatter.add.f32 [tilespmem:s18], [sflag:$0x2], $0x80, s20, s20, $0xb8;
	[tilespmem:$0x18100] =	vst v63  }
0x48: {  	_ =	swait.ge [sflag:s19], $0x4000  }
0x49: {  	s23 =	simm.s32 $0x80;
	s24 =	simm.s32 $0x100;
	[sflag:s19] =	ssyncset.done $0x0  }
.LBB2_4:
0x4a: {  	s25 =	sadd.s32 s23, s17  }
0x4b: {  	[sflag:s19] =	ssyncadd.s32 $0xFFFFC000;
	s26 =	smov.u32 s24;
	s28 =	sadd.s32 $0x80, s24  }
0x4c: {  	[tilespmem:s3], [sflag:$0x2] =	stream.linear.gather [hbm4b:s25+s3], $0x80, $0x38;
	[tilespmem:$0x18100] =	vst v63  }
0x4d: {  	p0 =	sne.s32 s24, $0x2700;
	_ =	swait.ge [sflag:s19], $0x80  }
0x4e: {  	[sflag:s19] =	ssyncset.done $0x0  }
0x4f: {  	s24 =	sadd.s32 s23, s16;
	s23 =	smov.u32 s26;
	[sflag:s19] =	ssyncadd.s32 $0xFFFFFF80  }
0x50: {  	[tilespmem:s20], [sflag:$0x2] =	stream.linear.gather [hbm4b:s24+s3], $0x80, $0x38;
	[tilespmem:$0x18100] =	vst v63  }
0x51: {  	_ =	swait.ge [sflag:s19], $0x80  }
0x52: {  	[sflag:s19] =	ssyncset.done $0x0  }
0x53: {  	[sflag:s19] =	ssyncadd.s32 $0xFFFFFF80  }
0x54: {  	[tilespmem:s18], [sflag:$0x1] =	stream.indirect.gather [hbm4b:s4+s20], $0x80, s3, s20, $0xb8;
	[tilespmem:$0x18100] =	vst v63  }
0x55: {  	_ =	swait.ge [sflag:s21], $0x4000  }
.Ltmp1:
0x56: {  	[sflag:s21] =	ssyncset.done $0x0;
	(pc) =	sbr.rel @p0 .LBB2_4-.Ltmp1, $4  }
0x57: {  	[sflag:s21] =	ssyncadd.s32 $0xFFFFC000  }
0x58: {  	[spmem:s2] =	stream.indirect.scatter.add.f32 [tilespmem:s18], [sflag:$0x2], $0x80, s20, s20, $0xb8;
	[tilespmem:$0x18100] =	vst v63  }
0x59: {  	_ =	swait.ge [sflag:s19], $0x4000  }
0x5a: {  	s24 =	smov.u32 s28;
	[sflag:s19] =	ssyncset.done $0x0  }
0x5b: {  	s24 =	sadd.s32 s23, s17;
	[sflag:s19] =	ssyncadd.s32 $0xFFFFC000  }
0x5c: {  	[tilespmem:s3], [sflag:$0x2] =	stream.linear.gather [hbm4b:s24+s3], $0x80, $0x38;
	[tilespmem:$0x18100] =	vst v63  }
0x5d: {  	_ =	swait.ge [sflag:s19], $0x80  }
0x5e: {  	[sflag:s19] =	ssyncset.done $0x0  }
0x5f: {  	s31 =	sadd.s32 s23, s16;
	[sflag:s19] =	ssyncadd.s32 $0xFFFFFF80  }
0x60: {  	[tilespmem:s20], [sflag:$0x2] =	stream.linear.gather [hbm4b:s31+s3], $0x80, $0x38;
	[tilespmem:$0x18100] =	vst v63  }
0x61: {  	_ =	swait.ge [sflag:s19], $0x80  }
0x62: {  	[sflag:s19] =	ssyncset.done $0x0  }
0x63: {  	[sflag:s19] =	ssyncadd.s32 $0xFFFFFF80  }
0x64: {  	[tilespmem:s18], [sflag:$0x1] =	stream.indirect.gather [hbm4b:s4+s20], $0x80, s3, s20, $0xb8;
	[tilespmem:$0x18100] =	vst v63  }
0x65: {  	_ =	swait.ge [sflag:s21], $0x4000  }
0x66: {  	[sflag:s21] =	ssyncset.done $0x0  }
0x67: {  	[sflag:s21] =	ssyncadd.s32 $0xFFFFC000  }
0x68: {  	[spmem:s2] =	stream.indirect.scatter.add.f32 [tilespmem:s18], [sflag:$0x2], $0x80, s20, s20, $0xb8;
	[tilespmem:$0x18100] =	vst v63  }
0x69: {  	_ =	swait.ge [sflag:s19], $0x4000  }
0x6a: {  	[sflag:s19] =	ssyncset.done $0x0  }
0x6b: {  	[sflag:s19] =	ssyncadd.s32 $0xFFFFC000  }
0x6c: {  	[bflag:$0x0] =	sbarrier.arrive $0xFFFF  }
0x6d: {  	[tilespmem:s18], [sflag:$0x2] =	stream.linear.gather [spmem:s5], $0x4000, $0x38;
	[tilespmem:$0x18100] =	vst v63  }
0x6e: {  	_ =	swait.ge [sflag:s19], $0x4000  }
0x6f: {  	[sflag:s19] =	ssyncset.done $0x0  }
0x70: {  	[sflag:s19] =	ssyncadd.s32 $0xFFFFC000  }
0x71: {  	[hbm4b:s10+s3] =	stream.linear.scatter [tilespmem:s18], [sflag:$0x2], $0x4000, $0x38;
	[tilespmem:$0x18100] =	vst v63  }
0x72: {  	_ =	swait.ge [sflag:s19], $0x4000  }
0x73: {  	[sflag:s19] =	ssyncset.done $0x0  }
0x74: {  	[sflag:s19] =	ssyncadd.s32 $0xFFFFC000  }
0x75: {  	[tilespmem:s18], [sflag:$0x2] =	stream.linear.gather [spmem:s6], $0x4000, $0x38;
	[tilespmem:$0x18100] =	vst v63  }
0x76: {  	_ =	swait.ge [sflag:s19], $0x4000  }
0x77: {  	[sflag:s19] =	ssyncset.done $0x0  }
0x78: {  	[sflag:s19] =	ssyncadd.s32 $0xFFFFC000  }
0x79: {  	[hbm4b:s11+s3] =	stream.linear.scatter [tilespmem:s18], [sflag:$0x2], $0x4000, $0x38;
	[tilespmem:$0x18100] =	vst v63  }
0x7a: {  	_ =	swait.ge [sflag:s19], $0x4000  }
0x7b: {  	[sflag:s19] =	ssyncset.done $0x0  }
0x7c: {  	[sflag:s19] =	ssyncadd.s32 $0xFFFFC000  }
0x7d: {  	[tilespmem:s18], [sflag:$0x2] =	stream.linear.gather [spmem:s7], $0x4000, $0x38;
	[tilespmem:$0x18100] =	vst v63  }
0x7e: {  	_ =	swait.ge [sflag:s19], $0x4000  }
0x7f: {  	[sflag:s19] =	ssyncset.done $0x0  }
0x80: {  	[sflag:s19] =	ssyncadd.s32 $0xFFFFC000  }
0x81: {  	[hbm4b:s12+s3] =	stream.linear.scatter [tilespmem:s18], [sflag:$0x2], $0x4000, $0x38;
	[tilespmem:$0x18100] =	vst v63  }
0x82: {  	_ =	swait.ge [sflag:s19], $0x4000  }
0x83: {  	[sflag:s19] =	ssyncset.done $0x0  }
0x84: {  	[sflag:s19] =	ssyncadd.s32 $0xFFFFC000  }
0x85: {  	[tilespmem:s18], [sflag:$0x2] =	stream.linear.gather [spmem:s8], $0x4000, $0x38;
	[tilespmem:$0x18100] =	vst v63  }
0x86: {  	_ =	swait.ge [sflag:s19], $0x4000  }
0x87: {  	[sflag:s19] =	ssyncset.done $0x0  }
0x88: {  	[sflag:s19] =	ssyncadd.s32 $0xFFFFC000  }
0x89: {  	[hbm4b:s13+s3] =	stream.linear.scatter [tilespmem:s18], [sflag:$0x2], $0x4000, $0x38;
	[tilespmem:$0x18100] =	vst v63  }
0x8a: {  	_ =	swait.ge [sflag:s19], $0x4000  }
0x8b: {  	[sflag:s19] =	ssyncset.done $0x0  }
0x8c: {  	[sflag:s19] =	ssyncadd.s32 $0xFFFFC000  }
0x8d: {  	[tilespmem:s18], [sflag:$0x2] =	stream.linear.gather [spmem:s9], $0x4000, $0x38;
	[tilespmem:$0x18100] =	vst v63  }
0x8e: {  	s22 =	sadd.s32 $0x1, s22;
	_ =	swait.ge [sflag:s19], $0x4000  }
0x8f: {  	p0 =	sne.s32 s22, s15;
	[sflag:s19] =	ssyncset.done $0x0  }
.Ltmp2:
0x90: {  	[sflag:s19] =	ssyncadd.s32 $0xFFFFC000;
	(pc) =	sbr.rel @p0 .LBB2_1-.Ltmp2, $4  }
0x91: {  	[hbm4b:s14+s3] =	stream.linear.scatter [tilespmem:s18], [sflag:$0x2], $0x4000, $0x38;
	[tilespmem:$0x18100] =	vst v63  }
0x92: {  	_ =	swait.ge [sflag:s19], $0x4000  }
0x93: {  	[sflag:s19] =	ssyncset.done $0x0  }
0x94: {  	[sflag:s19] =	ssyncadd.s32 $0xFFFFC000  }
0x95: {  	_ =	sfence.sel $0x180000  }
0x96: {  	[bflag:$0x0] =	sbarrier.arrive $0xFFFF  }
0x97: {  	p0 =	sne.s32 s0, $0x0;
	_ =	strace $0x9000004D  }
0x98: {  	s0 =	sadd.s32 @!p0 $0x100000, s1;
	[bflag:$0x2] =	sbarrier.arrive $0xFFFF  }
0x99: {  	[sflag:s0] =	ssyncadd.tile.s32 @!p0 $0x1;
	_ =	shalt  }
.Lfunc_end2:
_tile_overlayer_lowered:
.L_overlay_start_2:
0x9a: {  	(tag) =	ssettag $0x2  }
0x9b: {  	s0 =	rddreg [dreg:$0x0];
	s2 =	stileid.u32  }
0x9c: {  	s1 =	rddreg [dreg:$0x1];
	p0 =	sne.s32 s2, $0x0  }
0x9d: {  	s3 =	rddreg [dreg:$0x2];
	[bflag:$0x3] =	sbarrier.arrive $0xFFFF;
	s2 =	simm.s32 @!p0 $0x1C02  }
0x9e: {  	[timem:s3], [sflag:s2] =	dma.local @!p0 [hbm:s0], s1  }
0x9f: {  	s0 =	simm.s32 @!p0 $0x2  }
0xa0: {  	_ =	swait.ge @!p0 [sflag:s0], s1  }
0xa1: {  	s1 =	ssub.s32 @!p0 $0x0, s1;
	[sflag:s0] =	ssyncset.done @!p0 $0x0  }
0xa2: {  	[sflag:s0] =	ssyncadd.s32 @!p0 s1  }
0xa3: {  	[bflag:$0x3] =	sbarrier.arrive $0xFFFF  }
0xa4: {  	_ =	shalt  }

// kernel: kernel.19.cloned.1.call-start
scs
__scs_entry_jumppad:
0x0: {  	(pc) =	sbr.rel $0x88, $3  }
0x1: {  	(tag) =	ssettag $0x0;
	lr =	simm.s32 $0x1  }
0x2: {  	[smem:$0x3F98] =	sst lr;
	_ =	strace $0xD0000000  }
0x3: {  	_ = 	snop  }
0x4: {  	_ = 	snop  }
0x5: {  	_ = 	snop  }
0x6: {  	_ = 	snop  }
0x7: {  	_ = 	snop  }
__scs_overlays_trampoline_lowered:
0x8: {  	[smem:$0x3FA7] =	sst s0  }
0x9: {  	[smem:$0x3FA8] =	sst s1  }
0xa: {  	[smem:$0x3FA9] =	sst s2  }
0xb: {  	[smem:$0x3FAA] =	sst s3  }
0xc: {  	[smem:$0x3FAB] =	sst s4  }
0xd: {  	[smem:$0x3FAC] =	sst s5  }
0xe: {  	[smem:$0x3FAD] =	sst s6  }
0xf: {  	[smem:$0x3FAE] =	sst s7  }
0x10: {  	[smem:$0x3FAF] =	sst s8  }
0x11: {  	[smem:$0x3FB0] =	sst s9;
	s0 =	simm.s32 @!p0 $0x0  }
0x12: {  	s1 =	sld [smem:$0x3F96];
	s0 =	simm.s32 @p0 $0x1  }
0x13: {  	[smem:$0x3FB1] =	sst s0;
	s0 =	simm.s32 @!p1 $0x0  }
0x14: {  	s2 =	sld [smem:$0x3F95];
	s0 =	simm.s32 @p1 $0x1  }
0x15: {  	[smem:$0x3FB2] =	sst s0;
	s0 =	simm.s32 @!p2 $0x0  }
0x16: {  	s3 =	sld [smem:$0x3FDB];
	s0 =	simm.s32 @p2 $0x1  }
0x17: {  	s4 =	simm.s32 $0x1BF5;
	[smem:$0x3FB4] =	sst s0  }
0x18: {  	s0 =	sld [smem:$0x3F97];
	_ =	swait.ge [sflag:s4], $0x0  }
0x19: {  	s7 =	sld [smem:$0x3F98]  }
0x1a: {  	s8 =	sadd.s32 $0xFFFFE003, lr  }
0x1b: {  	s9 =	sadd.s32 $0xFFFFFEF7, lr;
	s5 =	simm.s32 $0xFFFFFFFF;
	p2 =	slt.u32 s8, $0xFFFFF086  }
0x1c: {  	p1 =	slt.u32 s9, $0xF7A;
	s5 =	simm.s32 @!p2 $0x0  }
0x1d: {  	s5 =	simm.s32 @p1 $0x1;
	p0 =	seq.s32 s7, s2  }
0x1e: {  	s7 =	smul.u32 @!p0 $0xF7A, s2;
	p2 =	seq.s32 @!p0 s5, $0x0  }
0x1f: {  	s9 =	smul.u32 $0xF7A, s1;
	s8 =	simm.s32 @!p0 $0x1BF5;
	p2 =	por !p2, p0  }
0x20: {  	[sflag:s8] =	ssyncset.s32 @!p0 $0xFFFFF086;
	s6 =	sadd.s32 @!p0 s3, s7;
	s7 =	simm.s32 @!p0 $0x108  }
0x21: {  	s3 =	sadd.s32 s3, s9;
	s6 =	sadd.s32 @!p0 $0x88, s6;
	s7 =	simm.s32 @p2 $0x1082  }
0x22: {  	[simem:s7], [sflag:s8] =	dma.local @!p0 [hbm:s6], $0xF7A  }
0x23: {  	s9 =	sor.u32 $0xD0000000, s2;
	s6 =	simm.s32 $0x108;
	_ =	swait.ge @!p0 [sflag:s8], $0x0  }
0x24: {  	s3 =	sadd.s32 $0x88, s3;
	s6 =	simm.s32 @!p1 $0x1082;
	[sflag:s4] =	ssyncset.s32 $0xFFFFF086  }
0x25: {  	[simem:s6], [sflag:s4] =	dma.local [hbm:s3], $0xF7A  }
0x26: {  	[smem:$0x3F98] =	sst s1;
	(tag) =	ssettag s2;
	_ =	strace s9  }
0x27: {  	s1 =	sld [smem:$0x3FA8]  }
0x28: {  	s2 =	sld [smem:$0x3FA9]  }
0x29: {  	s4 =	sld [smem:$0x3FAB]  }
0x2a: {  	p0 =	seq.s32 s5, $0x0;
	s5 =	sld [smem:$0x3FAC]  }
0x2b: {  	s6 =	sld [smem:$0x3FAD]  }
0x2c: {  	s7 =	sld [smem:$0x3FAE]  }
0x2d: {  	s3 =	simm.s32 $0x108;
	s8 =	sld [smem:$0x3FAF]  }
0x2e: {  	s3 =	simm.s32 @!p0 $0x1082;
	s9 =	sld [smem:$0x3FB0]  }
0x2f: {  	lr =	sadd.s32 s0, s3;
	s0 =	sld [smem:$0x3FA7]  }
0x30: {  	s3 =	sld [smem:$0x3FAA]  }
0x31: {  	[smem:$0x3FB3] =	sst s10  }
0x32: {  	s10 =	sld [smem:$0x3FB1];
	_ =	sdelay $0x3  }
0x33: {  	p0 =	seq.s32 s10, $0x1;
	s10 =	sld [smem:$0x3FB3];
	_ =	sdelay $0x3  }
0x34: {  	[smem:$0x3FB3] =	sst s10  }
0x35: {  	s10 =	sld [smem:$0x3FB2];
	_ =	sdelay $0x3  }
0x36: {  	p1 =	seq.s32 s10, $0x1;
	s10 =	sld [smem:$0x3FB3];
	_ =	sdelay $0x3  }
0x37: {  	[smem:$0x3FB3] =	sst s10  }
0x38: {  	s10 =	sld [smem:$0x3FB4]  }
0x39: {  	_ = 	snop;
	(pc) =	sbr.ind lr, $3  }
0x3a: {  	_ = 	snop  }
0x3b: {  	_ = 	snop  }
0x3c: {  	p2 =	seq.s32 s10, $0x1;
	s10 =	sld [smem:$0x3FB3]  }
0x3d: {  	_ =	shalt  }
0x3e: {  	_ =	shalt  }
0x3f: {  	_ =	shalt  }
0x40: {  	_ =	shalt  }
0x41: {  	_ =	shalt  }
0x42: {  	_ =	shalt  }
0x43: {  	_ =	shalt  }
0x44: {  	_ =	shalt  }
0x45: {  	_ =	shalt  }
0x46: {  	_ =	shalt  }
0x47: {  	_ =	shalt  }
0x48: {  	_ =	shalt  }
0x49: {  	_ =	shalt  }
0x4a: {  	_ =	shalt  }
0x4b: {  	_ =	shalt  }
0x4c: {  	_ =	shalt  }
0x4d: {  	_ =	shalt  }
0x4e: {  	_ =	shalt  }
0x4f: {  	_ =	shalt  }
0x50: {  	_ =	shalt  }
0x51: {  	_ =	shalt  }
0x52: {  	_ =	shalt  }
0x53: {  	_ =	shalt  }
0x54: {  	_ =	shalt  }
0x55: {  	_ =	shalt  }
0x56: {  	_ =	shalt  }
0x57: {  	_ =	shalt  }
0x58: {  	_ =	shalt  }
0x59: {  	_ =	shalt  }
0x5a: {  	_ =	shalt  }
0x5b: {  	_ =	shalt  }
0x5c: {  	_ =	shalt  }
0x5d: {  	_ =	shalt  }
0x5e: {  	_ =	shalt  }
0x5f: {  	_ =	shalt  }
0x60: {  	_ =	shalt  }
0x61: {  	_ =	shalt  }
0x62: {  	_ =	shalt  }
0x63: {  	_ =	shalt  }
0x64: {  	_ =	shalt  }
0x65: {  	_ =	shalt  }
0x66: {  	_ =	shalt  }
0x67: {  	_ =	shalt  }
0x68: {  	_ =	shalt  }
0x69: {  	_ =	shalt  }
0x6a: {  	_ =	shalt  }
0x6b: {  	_ =	shalt  }
0x6c: {  	_ =	shalt  }
0x6d: {  	_ =	shalt  }
0x6e: {  	_ =	shalt  }
0x6f: {  	_ =	shalt  }
0x70: {  	_ =	shalt  }
0x71: {  	_ =	shalt  }
0x72: {  	_ =	shalt  }
0x73: {  	_ =	shalt  }
0x74: {  	_ =	shalt  }
0x75: {  	_ =	shalt  }
0x76: {  	_ =	shalt  }
0x77: {  	_ =	shalt  }
0x78: {  	_ =	shalt  }
0x79: {  	_ =	shalt  }
0x7a: {  	_ =	shalt  }
0x7b: {  	_ =	shalt  }
0x7c: {  	_ =	shalt  }
0x7d: {  	_ =	shalt  }
0x7e: {  	_ =	shalt  }
0x7f: {  	_ =	shalt  }
0x80: {  	_ =	shalt  }
0x81: {  	_ =	shalt  }
0x82: {  	_ =	shalt  }
0x83: {  	_ =	shalt  }
0x84: {  	_ =	shalt  }
0x85: {  	_ =	shalt  }
0x86: {  	_ =	shalt  }
0x87: {  	_ =	shalt  }
.Lfunc_end0:
.L_simem_size_0:
called_computation.3_lowered:
.L_overlay_start_0:
0x88: {  	s2 =	sld [smem:$0x3FD9]  }
0x89: {  	s3 =	sld [smem:$0x3FFE];
	_ =	sdelay $0x1  }
0x8a: {  	s1 =	srdreg.scid  }
0x8b: {  	s0 =	sand.u32 $0x1, s1  }
0x8c: {  	s16 =	sshll.u32 s0, $0xA;
	s2 =	sadd.s32 s3, s2  }
0x8d: {  	s2 =	sadd.s32 s2, s16  }
0x8e: {  	[smem:$0x3FBF] =	sst s2  }
0x8f: {  	_ = 	snop  }
0x90: {  	(tm) =	ssettm $0x1  }
0x91: {  	s17 =	sld [smem:$0x3FFB];
	_ =	sdelay $0x3  }
0x92: {  	_ =	strace s17  }
0x93: {  	s2 =	sld [smem:$0x3FFC];
	_ =	sdelay $0x3  }
0x94: {  	_ =	strace s2  }
0x95: {  	s2 =	sld [smem:$0x3FFD];
	_ =	sdelay $0x3  }
0x96: {  	_ =	strace s2  }
0x97: {  	_ =	strace $0x8FFFFFFF  }
0x98: {  	s18 =	sld [smem:$0x3FDB];
	_ =	sdelay $0x1  }
0x99: {  	s19 =	simm.s32 $_scs_section_size  }
0x9a: {  	s4 =	simm.s32 $_size__tile_overlayer_lowered;
	s5 =	simm.s32 $_tile_overlayer_lowered  }
0x9b: {  	s22 =	simm.s32 $0x1BFF;
	s21 =	sshll.u32 s5, $0x1;
	s2 =	sadd.s32 s19, s18  }
0x9c: {  	s6 =	simm.s32 $0x0;
	s20 =	sshll.u32 s4, $0x1;
	s4 =	sadd.s32 s21, s2  }
0x9d: {  	[timem:s6], [sflag:s22] =	dma.local [hbm:s4], s20  }
0x9e: {  	_ =	swait.ge [sflag:s22], s20  }
0x9f: {  	s3 =	ssub.s32 $0x0, s20;
	[sflag:s22] =	ssyncset.done $0x0  }
0xa0: {  	[sflag:s22] =	ssyncadd.s32 s3;
	_ =	sdelay $0x1  }
0xa1: {  	s23 =	simm.s32 $0x1B8B  }
0xa2: {  	_ =	swait.ge [sflag:s23], $0x1  }
0xa3: {  	[sflag:s23] =	ssyncset.done $0x0  }
0xa4: {  	s25 =	simm.s32 $0x1B8E;
	s24 =	sld [smem:$0x3FFE];
	[sflag:s23] =	ssyncadd.s32 $0xFFFFFFFF  }
0xa5: {  	s26 =	simm.s32 $execute0_lowered;
	[smem:$0x3FD2] =	sst s25  }
0xa6: {  	s4 =	sshll.u32 s26, $0x1;
	_ =	strace $0x8000004F;
	[dreg:$0x1] =	wrdreg $0xFFFFFFFF  }
0xa7: {  	s28 =	simm.s32 $_size_execute0_lowered;
	s2 =	sadd.s32 s2, s4;
	[dreg:$0x0] =	wrdreg $0x0  }
0xa8: {  	s4 =	sshll.u32 s28, $0x1;
	[dreg:$0x2] =	wrdreg s2  }
0xa9: {  	[dreg:$0x3] =	wrdreg s4  }
0xaa: {  	[dreg:$0x4] =	wrdreg $0xC0  }
0xab: {  	_ =	task [dreg:s6], $0x5FFFF  }
0xac: {  	[dreg:$0x1] =	wrdreg $0xFFFFFFFF  }
0xad: {  	[dreg:$0x0] =	wrdreg $0x60  }
0xae: {  	[dreg:$0x2] =	wrdreg s24  }
0xaf: {  	[dreg:$0x3] =	wrdreg $0x9  }
0xb0: {  	_ =	task.clear_ibuf [dreg:s6], $0x4FFFF;
	_ =	strace $0x9000004F  }
0xb1: {  	s29 =	simm.s32 $0x9;
	_ =	strace $0x80000051  }
0xb2: {  	_ =	swait.ge [sflag:s29], $0x1  }
0xb3: {  	[sflag:s29] =	ssyncadd.s32 $0xFFFFFFFF  }
0xb4: {  	_ =	strace $0x90000051  }
0xb5: {  	_ =	sfence  }
0xb6: {  	s30 =	sld [smem:$0x0];
	_ =	sdelay $0x2  }
0xb7: {  	s31 =	sshll.u32 s1, $0xD;
	s1 =	sshrl.u32 s1, $0x2  }
0xb8: {  	s3 =	sand.u32 $0x4000, s31;
	s1 =	sadd.s32 s1, s30  }
0xb9: {  	s0 =	sor.u32 s3, s0;
	s1 =	sshll.u32 s1, $0x11  }
0xba: {  	s0 =	sor.u32 s1, s0  }
0xbb: {  	s0 =	sadd.s32 $0x8F2B, s0  }
0xbc: {  	[sflag:s0] =	ssyncadd.remote.s32 $0x1  }
0xbd: {  	_ =	sfence.sel $0xFFFF  }
0xbe: {  	[dreg:$0x0] =	wrdreg $0xFFFFFFFF;
	(pc) =	sbr.abs _section_cstart, $3  }
0xbf: {  	[dreg:$0x1] =	wrdreg $0xFFFFFFFF  }
0xc0: {  	_ =	task.clear_ibuf [dreg:s6], $0x2FFFF;
	_ =	strace $0x9FFFFFFF  }
0xc1: {  	(tm) =	ssettm $0x7FFFFFFF  }
tec
execute0_lowered:
.L_overlay_start_1:
0x0: {  	(tag) =	ssettag $0x1  }
0x1: {  	s0 =	srdreg.scid  }
0x2: {  	s4 =	rddreg [dreg:$0x0];
	s2 =	simm.s32 $0x0;
	s9 =	simm.s32 $0x400  }
0x3: {  	s10 =	simm.s32 $0xA000;
	s11 =	simm.s32 $0xA180;
	s3 =	sand.u32 $0x1, s0  }
0x4: {  	v0 =	vlaneseq.u32;
	v1 =	vimm.s32 $0x7;
	vm1 =	vcmask $0x3B00;
	s12 =	simm.s32 $0x0;
	s0 =	stileid.u32;
	s1 =	sshll.u32 s3, $0x4  }
0x5: {  	vm0 =	vmmov $0x1;
	vm2 =	vcmask $0x70C;
	vm3 =	vcmask $0xB10;
	[smem:$0x7FF] =	sst s2;
	s7 =	sshll.u32 s0, $0x7;
	s5 =	sor.u32 s0, s1  }
0x6: {  	vm4 =	vcmask $0xF14;
	vm5 =	vcmask $0x1318;
	vm6 =	vcmask $0x171C;
	s3 =	ssub.s32 $0x2, s3;
	s6 =	sshrl.u32 s5, $0x3;
	s8 =	smul.u32 $0x1400, s5  }
0x7: {  	vm7 =	vcmask $0x1B20;
	vm8 =	vcmask $0x1F24;
	vm9 =	vcmask $0x2328;
	s1 =	rddreg [dreg:$0x1];
	s7 =	sand.u32 $0x380, s7;
	s6 =	smul.u32 $0xC00, s6  }
0x8: {  	vm10 =	vcmask $0x272C;
	vm11 =	vcmask $0x2B30;
	vm12 =	vcmask $0x2F34;
	_ =	strace $0x80000050;
	s31 =	sshrl.u32 s3, $0x1;
	s5 =	sshll.u32 s5, $0xC  }
0x9: {  	vm13 =	vcmask $0x3338;
	vm14 =	vcmask $0x373C;
	vm15 =	vmmov $0x7fff;
	s5 =	sadd.s32 s5, s4;
	s30 =	sadd.s32 s8, s4;
	s6 =	sor.u32 s7, s6  }
0xa: {  	v1 =	vsel vm1, $0x0, v1;
	v2 =	vor.u32 $0x10, v0;
	v3 =	vor.u32 $0x20, v0;
	s8 =	ssub.s32 s3, s31;
	s5 =	sadd.s32 $0x2B600, s5;
	s6 =	sshrl.u32 s6, $0x3  }
0xb: {  	v4 =	vor.u32 $0x30, v0;
	v5 =	vor.u32 $0x40, v0;
	v6 =	vor.u32 $0x50, v0;
	s3 =	sadd.s32 $0x3600, s30;
	s7 =	simm.s32 $0x1;
	s6 =	sadd.s32 s6, s4  }
0xc: {  	v7 =	vor.u32 $0x60, v0;
	v8 =	vor.u32 $0x70, v0;
	vm1 =	vcmask $0x308;
	s4 =	sadd.s32 $0x3000, s6;
	s6 =	smax.u32 s8, $0x1;
	s8 =	simm.s32 $0x80  }
.LBB2_1:
0xd: {  	[tilespmem:s2], [sflag:$0x1] =	stream.linear.gather [hbm4b:s3+s2], $0xA000, $0x38;
	[tilespmem:$0x12180] =	vst v63  }
0xe: {  	_ =	swait.ge [sflag:s7], $0xA000  }
0xf: {  	[sflag:s7] =	ssyncset.done $0x0  }
0x10: {  	[sflag:s7] =	ssyncadd.s32 $0xFFFF6000  }
0x11: {  	[tilespmem:s10], [sflag:$0x1] =	stream.strided.gather [hbm4b:s4+s8], $0x180, s9, s8, $0x38;
	[tilespmem:$0x12180] =	vst v63  }
0x12: {  	_ =	swait.ge [sflag:s7], $0x180  }
0x13: {  	[sflag:s7] =	ssyncset.done $0x0  }
0x14: {  	s13 =	simm.s32 $0x0;
	v10 =	vimm.f32 $-Inf;
	s14 =	simm.s32 $0x200;
	[sflag:s7] =	ssyncadd.s32 $0xFFFFFE80  }
.LBB2_2:
0x15: {  	p0 =	sne.s32 s14, $0x1FE00;
	[tilespmem:s13+$0xA1F0] =	vst v10  }
0x16: {  	[tilespmem:s13+$0xA180] =	vst v10  }
0x17: {  	[tilespmem:s13+$0xA190] =	vst v10  }
.Ltmp0:
0x18: {  	[tilespmem:s13+$0xA1A0] =	vst v10;
	(pc) =	sbr.rel @p0 .LBB2_2-.Ltmp0, $4  }
0x19: {  	[tilespmem:s13+$0xA1B0] =	vst v10  }
0x1a: {  	[tilespmem:s13+$0xA1C0] =	vst v10  }
0x1b: {  	[tilespmem:s13+$0xA1D0] =	vst v10  }
0x1c: {  	[tilespmem:s13+$0xA1E0] =	vst v10;
	s13 =	sshra.s32 s14, $0x2;
	s14 =	sadd.s32 $0x200, s14  }
0x1d: {  	[tilespmem:s13+$0xA1F0] =	vst v10  }
0x1e: {  	[tilespmem:s13+$0xA180] =	vst v10  }
0x1f: {  	[tilespmem:s13+$0xA190] =	vst v10  }
0x20: {  	[tilespmem:s13+$0xA1A0] =	vst v10  }
0x21: {  	[tilespmem:s13+$0xA1B0] =	vst v10  }
0x22: {  	[tilespmem:s13+$0xA1C0] =	vst v10  }
0x23: {  	[tilespmem:s13+$0xA1D0] =	vst v10;
	v11 =	vmov v10;
	v12 =	vmov v10  }
0x24: {  	[tilespmem:s13+$0xA1E0] =	vst v10;
	s16 =	simm.s32 $0xFFFFFFFF;
	s13 =	simm.s32 $0xF;
	s14 =	simm.s32 $0xA000;
	v13 =	vmovc v10;
	v14 =	vmovc v10;
	v15 =	vmov v10;
	v16 =	vmov v10;
	v17 =	vmov v10  }
.LBB2_4:
0x25: {  	v9 =	vld [tilespmem:s14+$0x0];
	_ =	sdelay $0x4  }
0x26: {  	v18 =	vnsel vm0, $0x0, v9  }
0x27: {  	(xrf0) =	vadd.scan.msk.s32 $0xffff, v18;
	_ =	sdelay $0x5  }
0x28: {  	v18, _, _ =	vpop (xrf0)  }
0x29: {  	(v2sf) =	vpush v18, $0xF;
	_ =	sdelay $0x3  }
0x2a: {  	s15 =	sshll.u32 s13, $0x7  }
0x2b: {  	s17 =	sadd.s32 $0xFFFFF880, s15  }
0x2c: {  	v19 =	vor.u32 s17, v0;
	_ =	sdelay $0x3  }
0x2d: {  	v18 =	vshll.u32 v18, v1  }
0x2e: {  	v19 =	vld.idx.msk [tilespmem:v19+s2+$0x0], $0xffff;
	v18 =	vbroadcast v18, $0xF;
	_ =	sdelay $0x1  }
0x2f: {  	v20 =	vor.u32 v0, v18  }
0x30: {  	v21 =	vor.u32 s17, v2  }
0x31: {  	s18 =	spop (v2sf)  }
0x32: {  	v17 =	vmax.f32 v17, v19;
	p0 =	seq.s32 s18, s16  }
0x33: {  	v17 =	vpsel p0, v17, v19  }
0x34: {  	[tilespmem:v20+s11+$0x0] =	vst.idx.msk $0xffff, v17  }
0x35: {  	v19 =	vld.idx.msk [tilespmem:v21+s2+$0x0], $0xffff;
	_ =	sdelay $0x1  }
0x36: {  	v62 =	vor.u32 v2, v18  }
0x37: {  	v63 =	vor.u32 s17, v3;
	_ =	sdelay $0x1  }
0x38: {  	v16 =	vmax.f32 v16, v19  }
0x39: {  	v16 =	vpsel p0, v16, v19  }
0x3a: {  	[tilespmem:v62+s11+$0x0] =	vst.idx.msk $0xffff, v16  }
0x3b: {  	v19 =	vld.idx.msk [tilespmem:v63+s2+$0x0], $0xffff;
	_ =	sdelay $0x1  }
0x3c: {  	v24 =	vor.u32 v3, v18  }
0x3d: {  	v25 =	vor.u32 s17, v4;
	_ =	sdelay $0x1  }
0x3e: {  	v15 =	vmax.f32 v15, v19  }
0x3f: {  	v15 =	vpsel p0, v15, v19  }
0x40: {  	[tilespmem:v24+s11+$0x0] =	vst.idx.msk $0xffff, v15  }
0x41: {  	v19 =	vld.idx.msk [tilespmem:v25+s2+$0x0], $0xffff;
	_ =	sdelay $0x1  }
0x42: {  	v26 =	vor.u32 v4, v18  }
0x43: {  	v27 =	vor.u32 s17, v5;
	_ =	sdelay $0x1  }
0x44: {  	v14 =	vmax.f32 v14, v19  }
0x45: {  	v14 =	vpsel p0, v14, v19  }
0x46: {  	[tilespmem:v26+s11+$0x0] =	vst.idx.msk $0xffff, v14  }
0x47: {  	v19 =	vld.idx.msk [tilespmem:v27+s2+$0x0], $0xffff;
	_ =	sdelay $0x1  }
0x48: {  	v28 =	vor.u32 v5, v18  }
0x49: {  	v29 =	vor.u32 s17, v6;
	_ =	sdelay $0x1  }
0x4a: {  	v13 =	vmax.f32 v13, v19  }
0x4b: {  	v13 =	vpsel p0, v13, v19  }
0x4c: {  	[tilespmem:v28+s11+$0x0] =	vst.idx.msk $0xffff, v13  }
0x4d: {  	v19 =	vld.idx.msk [tilespmem:v29+s2+$0x0], $0xffff;
	_ =	sdelay $0x1  }
0x4e: {  	v30 =	vor.u32 v6, v18  }
0x4f: {  	v31 =	vor.u32 s17, v7;
	_ =	sdelay $0x1  }
0x50: {  	v22 =	vsel vm1, $0x0, v9;
	v12 =	vmax.f32 v12, v19  }
0x51: {  	(xrf0) =	vadd.scan.msk.s32 $0xffff, v22;
	v12 =	vpsel p0, v12, v19  }
0x52: {  	[tilespmem:v30+s11+$0x0] =	vst.idx.msk $0xffff, v12  }
0x53: {  	v19 =	vld.idx.msk [tilespmem:v31+s2+$0x0], $0xffff;
	_ =	sdelay $0x1  }
0x54: {  	v32 =	vor.u32 v7, v18  }
0x55: {  	v33 =	vor.u32 s17, v8  }
0x56: {  	v22, _, _ =	vpop (xrf0)  }
0x57: {  	(v2sf) =	vpush v22, $0xF;
	v11 =	vmax.f32 v11, v19  }
0x58: {  	v11 =	vpsel p0, v11, v19  }
0x59: {  	[tilespmem:v32+s11+$0x0] =	vst.idx.msk $0xffff, v11  }
0x5a: {  	v19 =	vld.idx.msk [tilespmem:v33+s2+$0x0], $0xffff;
	_ =	sdelay $0x1  }
0x5b: {  	s28 =	sadd.s32 $0xFFFFF900, s15;
	v18 =	vor.u32 v8, v18  }
0x5c: {  	v34 =	vor.u32 s28, v0;
	_ =	sdelay $0x1  }
0x5d: {  	v10 =	vmax.f32 v10, v19  }
0x5e: {  	v10 =	vpsel p0, v10, v19  }
0x5f: {  	[tilespmem:v18+s11+$0x0] =	vst.idx.msk $0xffff, v10;
	v18 =	vshll.u32 v22, v1  }
0x60: {  	v19 =	vld.idx.msk [tilespmem:v34+s2+$0x0], $0xffff;
	v18 =	vbroadcast v18, $0xF;
	_ =	sdelay $0x1  }
0x61: {  	v35 =	vor.u32 v0, v18  }
0x62: {  	v36 =	vor.u32 s28, v2  }
0x63: {  	s29 =	spop (v2sf)  }
0x64: {  	p4 =	seq.s32 s29, s18;
	v17 =	vmax.f32 v17, v19  }
0x65: {  	v17 =	vpsel p4, v17, v19  }
0x66: {  	[tilespmem:v35+s11+$0x0] =	vst.idx.msk $0xffff, v17  }
0x67: {  	v19 =	vld.idx.msk [tilespmem:v36+s2+$0x0], $0xffff;
	_ =	sdelay $0x1  }
0x68: {  	v37 =	vor.u32 v2, v18  }
0x69: {  	v38 =	vor.u32 s28, v3;
	_ =	sdelay $0x1  }
0x6a: {  	v16 =	vmax.f32 v16, v19  }
0x6b: {  	v16 =	vpsel p4, v16, v19  }
0x6c: {  	[tilespmem:v37+s11+$0x0] =	vst.idx.msk $0xffff, v16  }
0x6d: {  	v19 =	vld.idx.msk [tilespmem:v38+s2+$0x0], $0xffff;
	_ =	sdelay $0x1  }
0x6e: {  	v39 =	vor.u32 v3, v18  }
0x6f: {  	v40 =	vor.u32 s28, v4;
	_ =	sdelay $0x1  }
0x70: {  	v15 =	vmax.f32 v15, v19  }
0x71: {  	v15 =	vpsel p4, v15, v19  }
0x72: {  	[tilespmem:v39+s11+$0x0] =	vst.idx.msk $0xffff, v15  }
0x73: {  	v19 =	vld.idx.msk [tilespmem:v40+s2+$0x0], $0xffff;
	_ =	sdelay $0x1  }
0x74: {  	v41 =	vor.u32 v4, v18  }
0x75: {  	v42 =	vor.u32 s28, v5;
	_ =	sdelay $0x1  }
0x76: {  	v14 =	vmax.f32 v14, v19  }
0x77: {  	v14 =	vpsel p4, v14, v19  }
0x78: {  	[tilespmem:v41+s11+$0x0] =	vst.idx.msk $0xffff, v14  }
0x79: {  	v19 =	vld.idx.msk [tilespmem:v42+s2+$0x0], $0xffff;
	_ =	sdelay $0x1  }
0x7a: {  	v43 =	vor.u32 v5, v18  }
0x7b: {  	v44 =	vor.u32 s28, v6;
	_ =	sdelay $0x1  }
0x7c: {  	v13 =	vmax.f32 v13, v19  }
0x7d: {  	v13 =	vpsel p4, v13, v19  }
0x7e: {  	[tilespmem:v43+s11+$0x0] =	vst.idx.msk $0xffff, v13  }
0x7f: {  	v19 =	vld.idx.msk [tilespmem:v44+s2+$0x0], $0xffff;
	_ =	sdelay $0x1  }
0x80: {  	v45 =	vor.u32 v6, v18  }
0x81: {  	v46 =	vor.u32 s28, v7;
	_ =	sdelay $0x1  }
0x82: {  	v47 =	vsel vm2, $0x0, v9;
	v12 =	vmax.f32 v12, v19  }
0x83: {  	(xrf0) =	vadd.scan.msk.s32 $0xffff, v47;
	v12 =	vpsel p4, v12, v19  }
0x84: {  	[tilespmem:v45+s11+$0x0] =	vst.idx.msk $0xffff, v12  }
0x85: {  	v19 =	vld.idx.msk [tilespmem:v46+s2+$0x0], $0xffff;
	_ =	sdelay $0x1  }
0x86: {  	v48 =	vor.u32 v7, v18  }
0x87: {  	v49 =	vor.u32 s28, v8  }
0x88: {  	v22, _, _ =	vpop (xrf0)  }
0x89: {  	(v2sf) =	vpush v22, $0xF;
	v11 =	vmax.f32 v11, v19  }
0x8a: {  	v11 =	vpsel p4, v11, v19  }
0x8b: {  	[tilespmem:v48+s11+$0x0] =	vst.idx.msk $0xffff, v11  }
0x8c: {  	v19 =	vld.idx.msk [tilespmem:v49+s2+$0x0], $0xffff;
	_ =	sdelay $0x1  }
0x8d: {  	s30 =	sadd.s32 $0xFFFFF980, s15;
	v18 =	vor.u32 v8, v18  }
0x8e: {  	v50 =	vor.u32 s30, v0;
	_ =	sdelay $0x1  }
0x8f: {  	v10 =	vmax.f32 v10, v19  }
0x90: {  	v10 =	vpsel p4, v10, v19  }
0x91: {  	[tilespmem:v18+s11+$0x0] =	vst.idx.msk $0xffff, v10;
	v18 =	vshll.u32 v22, v1  }
0x92: {  	v19 =	vld.idx.msk [tilespmem:v50+s2+$0x0], $0xffff;
	v18 =	vbroadcast v18, $0xF;
	_ =	sdelay $0x1  }
0x93: {  	v51 =	vor.u32 v0, v18  }
0x94: {  	v52 =	vor.u32 s30, v2  }
0x95: {  	s31 =	spop (v2sf)  }
0x96: {  	p5 =	seq.s32 s31, s29;
	v17 =	vmax.f32 v17, v19  }
0x97: {  	v17 =	vpsel p5, v17, v19  }
0x98: {  	[tilespmem:v51+s11+$0x0] =	vst.idx.msk $0xffff, v17  }
0x99: {  	v19 =	vld.idx.msk [tilespmem:v52+s2+$0x0], $0xffff;
	_ =	sdelay $0x1  }
0x9a: {  	v53 =	vor.u32 v2, v18  }
0x9b: {  	v54 =	vor.u32 s30, v3;
	_ =	sdelay $0x1  }
0x9c: {  	v16 =	vmax.f32 v16, v19  }
0x9d: {  	v16 =	vpsel p5, v16, v19  }
0x9e: {  	[tilespmem:v53+s11+$0x0] =	vst.idx.msk $0xffff, v16  }
0x9f: {  	v19 =	vld.idx.msk [tilespmem:v54+s2+$0x0], $0xffff;
	_ =	sdelay $0x1  }
0xa0: {  	v55 =	vor.u32 v3, v18  }
0xa1: {  	v56 =	vor.u32 s30, v4;
	_ =	sdelay $0x1  }
0xa2: {  	v15 =	vmax.f32 v15, v19  }
0xa3: {  	v15 =	vpsel p5, v15, v19  }
0xa4: {  	[tilespmem:v55+s11+$0x0] =	vst.idx.msk $0xffff, v15  }
0xa5: {  	v19 =	vld.idx.msk [tilespmem:v56+s2+$0x0], $0xffff;
	_ =	sdelay $0x1  }
0xa6: {  	v57 =	vor.u32 v4, v18  }
0xa7: {  	v58 =	vor.u32 s30, v5;
	_ =	sdelay $0x1  }
0xa8: {  	v14 =	vmax.f32 v14, v19  }
0xa9: {  	v14 =	vpsel p5, v14, v19  }
0xaa: {  	[tilespmem:v57+s11+$0x0] =	vst.idx.msk $0xffff, v14  }
0xab: {  	v19 =	vld.idx.msk [tilespmem:v58+s2+$0x0], $0xffff;
	_ =	sdelay $0x1  }
0xac: {  	v59 =	vor.u32 v5, v18  }
0xad: {  	v60 =	vor.u32 s30, v6;
	_ =	sdelay $0x1  }
0xae: {  	v13 =	vmax.f32 v13, v19  }
0xaf: {  	v13 =	vpsel p5, v13, v19  }
0xb0: {  	[tilespmem:v59+s11+$0x0] =	vst.idx.msk $0xffff, v13  }
0xb1: {  	v19 =	vld.idx.msk [tilespmem:v60+s2+$0x0], $0xffff;
	_ =	sdelay $0x1  }
0xb2: {  	v61 =	vor.u32 v6, v18  }
0xb3: {  	v62 =	vor.u32 s30, v7;
	_ =	sdelay $0x1  }
0xb4: {  	v63 =	vsel vm3, $0x0, v9;
	v12 =	vmax.f32 v12, v19  }
0xb5: {  	(xrf0) =	vadd.scan.msk.s32 $0xffff, v63;
	v12 =	vpsel p5, v12, v19  }
0xb6: {  	[tilespmem:v61+s11+$0x0] =	vst.idx.msk $0xffff, v12  }
0xb7: {  	v19 =	vld.idx.msk [tilespmem:v62+s2+$0x0], $0xffff;
	_ =	sdelay $0x1  }
0xb8: {  	v24 =	vor.u32 v7, v18  }
0xb9: {  	v25 =	vor.u32 s30, v8  }
0xba: {  	v22, _, _ =	vpop (xrf0)  }
0xbb: {  	(v2sf) =	vpush v22, $0xF;
	v11 =	vmax.f32 v11, v19  }
0xbc: {  	v11 =	vpsel p5, v11, v19  }
0xbd: {  	[tilespmem:v24+s11+$0x0] =	vst.idx.msk $0xffff, v11  }
0xbe: {  	v19 =	vld.idx.msk [tilespmem:v25+s2+$0x0], $0xffff;
	_ =	sdelay $0x1  }
0xbf: {  	s19 =	sadd.s32 $0xFFFFFA00, s15;
	v18 =	vor.u32 v8, v18  }
0xc0: {  	v26 =	vor.u32 s19, v0;
	_ =	sdelay $0x1  }
0xc1: {  	v10 =	vmax.f32 v10, v19  }
0xc2: {  	v10 =	vpsel p5, v10, v19  }
0xc3: {  	[tilespmem:v18+s11+$0x0] =	vst.idx.msk $0xffff, v10;
	v18 =	vshll.u32 v22, v1  }
0xc4: {  	v19 =	vld.idx.msk [tilespmem:v26+s2+$0x0], $0xffff;
	v18 =	vbroadcast v18, $0xF;
	_ =	sdelay $0x1  }
0xc5: {  	v27 =	vor.u32 v0, v18  }
0xc6: {  	v28 =	vor.u32 s19, v2  }
0xc7: {  	s20 =	spop (v2sf)  }
0xc8: {  	p6 =	seq.s32 s20, s31;
	v17 =	vmax.f32 v17, v19  }
0xc9: {  	v17 =	vpsel p6, v17, v19  }
0xca: {  	[tilespmem:v27+s11+$0x0] =	vst.idx.msk $0xffff, v17  }
0xcb: {  	v19 =	vld.idx.msk [tilespmem:v28+s2+$0x0], $0xffff;
	_ =	sdelay $0x1  }
0xcc: {  	v29 =	vor.u32 v2, v18  }
0xcd: {  	v30 =	vor.u32 s19, v3;
	_ =	sdelay $0x1  }
0xce: {  	v16 =	vmax.f32 v16, v19  }
0xcf: {  	v16 =	vpsel p6, v16, v19  }
0xd0: {  	[tilespmem:v29+s11+$0x0] =	vst.idx.msk $0xffff, v16  }
0xd1: {  	v19 =	vld.idx.msk [tilespmem:v30+s2+$0x0], $0xffff;
	_ =	sdelay $0x1  }
0xd2: {  	v31 =	vor.u32 v3, v18  }
0xd3: {  	v32 =	vor.u32 s19, v4;
	_ =	sdelay $0x1  }
0xd4: {  	v15 =	vmax.f32 v15, v19  }
0xd5: {  	v15 =	vpsel p6, v15, v19  }
0xd6: {  	[tilespmem:v31+s11+$0x0] =	vst.idx.msk $0xffff, v15  }
0xd7: {  	v19 =	vld.idx.msk [tilespmem:v32+s2+$0x0], $0xffff;
	_ =	sdelay $0x1  }
0xd8: {  	v33 =	vor.u32 v4, v18  }
0xd9: {  	v34 =	vor.u32 s19, v5;
	_ =	sdelay $0x1  }
0xda: {  	v14 =	vmax.f32 v14, v19  }
0xdb: {  	v14 =	vpsel p6, v14, v19  }
0xdc: {  	[tilespmem:v33+s11+$0x0] =	vst.idx.msk $0xffff, v14  }
0xdd: {  	v19 =	vld.idx.msk [tilespmem:v34+s2+$0x0], $0xffff;
	_ =	sdelay $0x1  }
0xde: {  	v35 =	vor.u32 v5, v18  }
0xdf: {  	v36 =	vor.u32 s19, v6;
	_ =	sdelay $0x1  }
0xe0: {  	v13 =	vmax.f32 v13, v19  }
0xe1: {  	v13 =	vpsel p6, v13, v19  }
0xe2: {  	[tilespmem:v35+s11+$0x0] =	vst.idx.msk $0xffff, v13  }
0xe3: {  	v19 =	vld.idx.msk [tilespmem:v36+s2+$0x0], $0xffff;
	_ =	sdelay $0x1  }
0xe4: {  	v37 =	vor.u32 v6, v18  }
0xe5: {  	v38 =	vor.u32 s19, v7;
	_ =	sdelay $0x1  }
0xe6: {  	v39 =	vsel vm4, $0x0, v9;
	v12 =	vmax.f32 v12, v19  }
0xe7: {  	(xrf0) =	vadd.scan.msk.s32 $0xffff, v39;
	v12 =	vpsel p6, v12, v19  }
0xe8: {  	[tilespmem:v37+s11+$0x0] =	vst.idx.msk $0xffff, v12  }
0xe9: {  	v19 =	vld.idx.msk [tilespmem:v38+s2+$0x0], $0xffff;
	_ =	sdelay $0x1  }
0xea: {  	v40 =	vor.u32 v7, v18  }
0xeb: {  	v41 =	vor.u32 s19, v8  }
0xec: {  	v22, _, _ =	vpop (xrf0)  }
0xed: {  	(v2sf) =	vpush v22, $0xF;
	v11 =	vmax.f32 v11, v19  }
0xee: {  	v11 =	vpsel p6, v11, v19  }
0xef: {  	[tilespmem:v40+s11+$0x0] =	vst.idx.msk $0xffff, v11  }
0xf0: {  	v19 =	vld.idx.msk [tilespmem:v41+s2+$0x0], $0xffff;
	_ =	sdelay $0x1  }
0xf1: {  	s21 =	sadd.s32 $0xFFFFFA80, s15;
	v18 =	vor.u32 v8, v18  }
0xf2: {  	v42 =	vor.u32 s21, v0;
	_ =	sdelay $0x1  }
0xf3: {  	v10 =	vmax.f32 v10, v19  }
0xf4: {  	v10 =	vpsel p6, v10, v19  }
0xf5: {  	[tilespmem:v18+s11+$0x0] =	vst.idx.msk $0xffff, v10;
	v18 =	vshll.u32 v22, v1  }
0xf6: {  	v19 =	vld.idx.msk [tilespmem:v42+s2+$0x0], $0xffff;
	v18 =	vbroadcast v18, $0xF;
	_ =	sdelay $0x1  }
0xf7: {  	v43 =	vor.u32 v0, v18  }
0xf8: {  	v44 =	vor.u32 s21, v2  }
0xf9: {  	s22 =	spop (v2sf)  }
0xfa: {  	p1 =	seq.s32 s22, s20;
	v17 =	vmax.f32 v17, v19  }
0xfb: {  	v17 =	vpsel p1, v17, v19  }
0xfc: {  	[tilespmem:v43+s11+$0x0] =	vst.idx.msk $0xffff, v17  }
0xfd: {  	v19 =	vld.idx.msk [tilespmem:v44+s2+$0x0], $0xffff;
	_ =	sdelay $0x1  }
0xfe: {  	v45 =	vor.u32 v2, v18  }
0xff: {  	v46 =	vor.u32 s21, v3;
	_ =	sdelay $0x1  }
0x100: {  	v16 =	vmax.f32 v16, v19  }
0x101: {  	v16 =	vpsel p1, v16, v19  }
0x102: {  	[tilespmem:v45+s11+$0x0] =	vst.idx.msk $0xffff, v16  }
0x103: {  	v19 =	vld.idx.msk [tilespmem:v46+s2+$0x0], $0xffff;
	_ =	sdelay $0x1  }
0x104: {  	v47 =	vor.u32 v3, v18  }
0x105: {  	v48 =	vor.u32 s21, v4;
	_ =	sdelay $0x1  }
0x106: {  	v15 =	vmax.f32 v15, v19  }
0x107: {  	v15 =	vpsel p1, v15, v19  }
0x108: {  	[tilespmem:v47+s11+$0x0] =	vst.idx.msk $0xffff, v15  }
0x109: {  	v19 =	vld.idx.msk [tilespmem:v48+s2+$0x0], $0xffff;
	_ =	sdelay $0x1  }
0x10a: {  	v49 =	vor.u32 v4, v18  }
0x10b: {  	v50 =	vor.u32 s21, v5;
	_ =	sdelay $0x1  }
0x10c: {  	v14 =	vmax.f32 v14, v19  }
0x10d: {  	v14 =	vpsel p1, v14, v19  }
0x10e: {  	[tilespmem:v49+s11+$0x0] =	vst.idx.msk $0xffff, v14  }
0x10f: {  	v19 =	vld.idx.msk [tilespmem:v50+s2+$0x0], $0xffff;
	_ =	sdelay $0x1  }
0x110: {  	v51 =	vor.u32 v5, v18  }
0x111: {  	v52 =	vor.u32 s21, v6;
	_ =	sdelay $0x1  }
0x112: {  	v13 =	vmax.f32 v13, v19  }
0x113: {  	v13 =	vpsel p1, v13, v19  }
0x114: {  	[tilespmem:v51+s11+$0x0] =	vst.idx.msk $0xffff, v13  }
0x115: {  	v19 =	vld.idx.msk [tilespmem:v52+s2+$0x0], $0xffff;
	_ =	sdelay $0x1  }
0x116: {  	v53 =	vor.u32 v6, v18  }
0x117: {  	v54 =	vor.u32 s21, v7;
	_ =	sdelay $0x1  }
0x118: {  	v55 =	vsel vm5, $0x0, v9;
	v12 =	vmax.f32 v12, v19  }
0x119: {  	(xrf0) =	vadd.scan.msk.s32 $0xffff, v55;
	v12 =	vpsel p1, v12, v19  }
0x11a: {  	[tilespmem:v53+s11+$0x0] =	vst.idx.msk $0xffff, v12  }
0x11b: {  	v19 =	vld.idx.msk [tilespmem:v54+s2+$0x0], $0xffff;
	_ =	sdelay $0x1  }
0x11c: {  	v56 =	vor.u32 v7, v18  }
0x11d: {  	v57 =	vor.u32 s21, v8  }
0x11e: {  	v22, _, _ =	vpop (xrf0)  }
0x11f: {  	(v2sf) =	vpush v22, $0xF;
	v11 =	vmax.f32 v11, v19  }
0x120: {  	v11 =	vpsel p1, v11, v19  }
0x121: {  	[tilespmem:v56+s11+$0x0] =	vst.idx.msk $0xffff, v11  }
0x122: {  	v19 =	vld.idx.msk [tilespmem:v57+s2+$0x0], $0xffff;
	_ =	sdelay $0x1  }
0x123: {  	s23 =	sadd.s32 $0xFFFFFB00, s15;
	v18 =	vor.u32 v8, v18  }
0x124: {  	v58 =	vor.u32 s23, v0;
	_ =	sdelay $0x1  }
0x125: {  	v10 =	vmax.f32 v10, v19  }
0x126: {  	v10 =	vpsel p1, v10, v19  }
0x127: {  	[tilespmem:v18+s11+$0x0] =	vst.idx.msk $0xffff, v10;
	v18 =	vshll.u32 v22, v1  }
0x128: {  	v19 =	vld.idx.msk [tilespmem:v58+s2+$0x0], $0xffff;
	v18 =	vbroadcast v18, $0xF;
	_ =	sdelay $0x1  }
0x129: {  	v59 =	vor.u32 v0, v18  }
0x12a: {  	v60 =	vor.u32 s23, v2  }
0x12b: {  	s24 =	spop (v2sf)  }
0x12c: {  	p2 =	seq.s32 s24, s22;
	v17 =	vmax.f32 v17, v19  }
0x12d: {  	v17 =	vpsel p2, v17, v19  }
0x12e: {  	[tilespmem:v59+s11+$0x0] =	vst.idx.msk $0xffff, v17  }
0x12f: {  	v19 =	vld.idx.msk [tilespmem:v60+s2+$0x0], $0xffff;
	_ =	sdelay $0x1  }
0x130: {  	v61 =	vor.u32 v2, v18  }
0x131: {  	v62 =	vor.u32 s23, v3;
	_ =	sdelay $0x1  }
0x132: {  	v16 =	vmax.f32 v16, v19  }
0x133: {  	v16 =	vpsel p2, v16, v19  }
0x134: {  	[tilespmem:v61+s11+$0x0] =	vst.idx.msk $0xffff, v16  }
0x135: {  	v19 =	vld.idx.msk [tilespmem:v62+s2+$0x0], $0xffff;
	_ =	sdelay $0x1  }
0x136: {  	v63 =	vor.u32 v3, v18  }
0x137: {  	v24 =	vor.u32 s23, v4;
	_ =	sdelay $0x1  }
0x138: {  	v15 =	vmax.f32 v15, v19  }
0x139: {  	v15 =	vpsel p2, v15, v19  }
0x13a: {  	[tilespmem:v63+s11+$0x0] =	vst.idx.msk $0xffff, v15  }
0x13b: {  	v19 =	vld.idx.msk [tilespmem:v24+s2+$0x0], $0xffff;
	_ =	sdelay $0x1  }
0x13c: {  	v25 =	vor.u32 v4, v18  }
0x13d: {  	v26 =	vor.u32 s23, v5;
	_ =	sdelay $0x1  }
0x13e: {  	v14 =	vmax.f32 v14, v19  }
0x13f: {  	v14 =	vpsel p2, v14, v19  }
0x140: {  	[tilespmem:v25+s11+$0x0] =	vst.idx.msk $0xffff, v14  }
0x141: {  	v19 =	vld.idx.msk [tilespmem:v26+s2+$0x0], $0xffff;
	_ =	sdelay $0x1  }
0x142: {  	v27 =	vor.u32 v5, v18  }
0x143: {  	v28 =	vor.u32 s23, v6;
	_ =	sdelay $0x1  }
0x144: {  	v13 =	vmax.f32 v13, v19  }
0x145: {  	v13 =	vpsel p2, v13, v19  }
0x146: {  	[tilespmem:v27+s11+$0x0] =	vst.idx.msk $0xffff, v13  }
0x147: {  	v19 =	vld.idx.msk [tilespmem:v28+s2+$0x0], $0xffff;
	_ =	sdelay $0x1  }
0x148: {  	v29 =	vor.u32 v6, v18  }
0x149: {  	v30 =	vor.u32 s23, v7;
	_ =	sdelay $0x1  }
0x14a: {  	v31 =	vsel vm6, $0x0, v9;
	v12 =	vmax.f32 v12, v19  }
0x14b: {  	(xrf0) =	vadd.scan.msk.s32 $0xffff, v31;
	v12 =	vpsel p2, v12, v19  }
0x14c: {  	[tilespmem:v29+s11+$0x0] =	vst.idx.msk $0xffff, v12  }
0x14d: {  	v19 =	vld.idx.msk [tilespmem:v30+s2+$0x0], $0xffff;
	_ =	sdelay $0x1  }
0x14e: {  	v32 =	vor.u32 v7, v18  }
0x14f: {  	v33 =	vor.u32 s23, v8  }
0x150: {  	v22, _, _ =	vpop (xrf0)  }
0x151: {  	(v2sf) =	vpush v22, $0xF;
	v11 =	vmax.f32 v11, v19  }
0x152: {  	v11 =	vpsel p2, v11, v19  }
0x153: {  	[tilespmem:v32+s11+$0x0] =	vst.idx.msk $0xffff, v11  }
0x154: {  	v19 =	vld.idx.msk [tilespmem:v33+s2+$0x0], $0xffff;
	_ =	sdelay $0x1  }
0x155: {  	s25 =	sadd.s32 $0xFFFFFB80, s15;
	v18 =	vor.u32 v8, v18  }
0x156: {  	v34 =	vor.u32 s25, v0;
	_ =	sdelay $0x1  }
0x157: {  	v10 =	vmax.f32 v10, v19  }
0x158: {  	v10 =	vpsel p2, v10, v19  }
0x159: {  	[tilespmem:v18+s11+$0x0] =	vst.idx.msk $0xffff, v10;
	v18 =	vshll.u32 v22, v1  }
0x15a: {  	v19 =	vld.idx.msk [tilespmem:v34+s2+$0x0], $0xffff;
	v18 =	vbroadcast v18, $0xF;
	_ =	sdelay $0x1  }
0x15b: {  	v35 =	vor.u32 v0, v18  }
0x15c: {  	v36 =	vor.u32 s25, v2  }
0x15d: {  	s26 =	spop (v2sf)  }
0x15e: {  	p3 =	seq.s32 s26, s24;
	v17 =	vmax.f32 v17, v19  }
0x15f: {  	v17 =	vpsel p3, v17, v19  }
0x160: {  	[tilespmem:v35+s11+$0x0] =	vst.idx.msk $0xffff, v17  }
0x161: {  	v19 =	vld.idx.msk [tilespmem:v36+s2+$0x0], $0xffff;
	_ =	sdelay $0x1  }
0x162: {  	v37 =	vor.u32 v2, v18  }
0x163: {  	v38 =	vor.u32 s25, v3;
	_ =	sdelay $0x1  }
0x164: {  	v16 =	vmax.f32 v16, v19  }
0x165: {  	v16 =	vpsel p3, v16, v19  }
0x166: {  	[tilespmem:v37+s11+$0x0] =	vst.idx.msk $0xffff, v16  }
0x167: {  	v19 =	vld.idx.msk [tilespmem:v38+s2+$0x0], $0xffff;
	_ =	sdelay $0x1  }
0x168: {  	v39 =	vor.u32 v3, v18  }
0x169: {  	v40 =	vor.u32 s25, v4;
	_ =	sdelay $0x1  }
0x16a: {  	v15 =	vmax.f32 v15, v19  }
0x16b: {  	v15 =	vpsel p3, v15, v19  }
0x16c: {  	[tilespmem:v39+s11+$0x0] =	vst.idx.msk $0xffff, v15  }
0x16d: {  	v19 =	vld.idx.msk [tilespmem:v40+s2+$0x0], $0xffff;
	_ =	sdelay $0x1  }
0x16e: {  	v41 =	vor.u32 v4, v18  }
0x16f: {  	v42 =	vor.u32 s25, v5;
	_ =	sdelay $0x1  }
0x170: {  	v14 =	vmax.f32 v14, v19  }
0x171: {  	v14 =	vpsel p3, v14, v19  }
0x172: {  	[tilespmem:v41+s11+$0x0] =	vst.idx.msk $0xffff, v14  }
0x173: {  	v19 =	vld.idx.msk [tilespmem:v42+s2+$0x0], $0xffff;
	_ =	sdelay $0x1  }
0x174: {  	v43 =	vor.u32 v5, v18  }
0x175: {  	v44 =	vor.u32 s25, v6;
	_ =	sdelay $0x1  }
0x176: {  	v13 =	vmax.f32 v13, v19  }
0x177: {  	v13 =	vpsel p3, v13, v19  }
0x178: {  	[tilespmem:v43+s11+$0x0] =	vst.idx.msk $0xffff, v13  }
0x179: {  	v19 =	vld.idx.msk [tilespmem:v44+s2+$0x0], $0xffff;
	_ =	sdelay $0x1  }
0x17a: {  	v45 =	vor.u32 v6, v18  }
0x17b: {  	v46 =	vor.u32 s25, v7;
	_ =	sdelay $0x1  }
0x17c: {  	v47 =	vsel vm7, $0x0, v9;
	v12 =	vmax.f32 v12, v19  }
0x17d: {  	(xrf0) =	vadd.scan.msk.s32 $0xffff, v47;
	v12 =	vpsel p3, v12, v19  }
0x17e: {  	[tilespmem:v45+s11+$0x0] =	vst.idx.msk $0xffff, v12  }
0x17f: {  	v19 =	vld.idx.msk [tilespmem:v46+s2+$0x0], $0xffff;
	_ =	sdelay $0x1  }
0x180: {  	v48 =	vor.u32 v7, v18  }
0x181: {  	v49 =	vor.u32 s25, v8  }
0x182: {  	v22, _, _ =	vpop (xrf0)  }
0x183: {  	(v2sf) =	vpush v22, $0xF;
	v11 =	vmax.f32 v11, v19  }
0x184: {  	v11 =	vpsel p3, v11, v19  }
0x185: {  	[tilespmem:v48+s11+$0x0] =	vst.idx.msk $0xffff, v11  }
0x186: {  	v19 =	vld.idx.msk [tilespmem:v49+s2+$0x0], $0xffff;
	_ =	sdelay $0x1  }
0x187: {  	s28 =	sadd.s32 $0xFFFFFC00, s15;
	v18 =	vor.u32 v8, v18  }
0x188: {  	v50 =	vor.u32 s28, v0;
	_ =	sdelay $0x1  }
0x189: {  	v10 =	vmax.f32 v10, v19  }
0x18a: {  	v10 =	vpsel p3, v10, v19  }
0x18b: {  	[tilespmem:v18+s11+$0x0] =	vst.idx.msk $0xffff, v10;
	v18 =	vshll.u32 v22, v1  }
0x18c: {  	v19 =	vld.idx.msk [tilespmem:v50+s2+$0x0], $0xffff;
	v18 =	vbroadcast v18, $0xF;
	_ =	sdelay $0x1  }
0x18d: {  	v51 =	vor.u32 v0, v18  }
0x18e: {  	v52 =	vor.u32 s28, v2  }
0x18f: {  	s29 =	spop (v2sf)  }
0x190: {  	p4 =	seq.s32 s29, s26;
	v17 =	vmax.f32 v17, v19  }
0x191: {  	v17 =	vpsel p4, v17, v19  }
0x192: {  	[tilespmem:v51+s11+$0x0] =	vst.idx.msk $0xffff, v17  }
0x193: {  	v19 =	vld.idx.msk [tilespmem:v52+s2+$0x0], $0xffff;
	_ =	sdelay $0x1  }
0x194: {  	v53 =	vor.u32 v2, v18  }
0x195: {  	v54 =	vor.u32 s28, v3;
	_ =	sdelay $0x1  }
0x196: {  	v16 =	vmax.f32 v16, v19  }
0x197: {  	v16 =	vpsel p4, v16, v19  }
0x198: {  	[tilespmem:v53+s11+$0x0] =	vst.idx.msk $0xffff, v16  }
0x199: {  	v19 =	vld.idx.msk [tilespmem:v54+s2+$0x0], $0xffff;
	_ =	sdelay $0x1  }
0x19a: {  	v55 =	vor.u32 v3, v18  }
0x19b: {  	v56 =	vor.u32 s28, v4;
	_ =	sdelay $0x1  }
0x19c: {  	v15 =	vmax.f32 v15, v19  }
0x19d: {  	v15 =	vpsel p4, v15, v19  }
0x19e: {  	[tilespmem:v55+s11+$0x0] =	vst.idx.msk $0xffff, v15  }
0x19f: {  	v19 =	vld.idx.msk [tilespmem:v56+s2+$0x0], $0xffff;
	_ =	sdelay $0x1  }
0x1a0: {  	v57 =	vor.u32 v4, v18  }
0x1a1: {  	v58 =	vor.u32 s28, v5;
	_ =	sdelay $0x1  }
0x1a2: {  	v14 =	vmax.f32 v14, v19  }
0x1a3: {  	v14 =	vpsel p4, v14, v19  }
0x1a4: {  	[tilespmem:v57+s11+$0x0] =	vst.idx.msk $0xffff, v14  }
0x1a5: {  	v19 =	vld.idx.msk [tilespmem:v58+s2+$0x0], $0xffff;
	_ =	sdelay $0x1  }
0x1a6: {  	v59 =	vor.u32 v5, v18  }
0x1a7: {  	v60 =	vor.u32 s28, v6;
	_ =	sdelay $0x1  }
0x1a8: {  	v13 =	vmax.f32 v13, v19  }
0x1a9: {  	v13 =	vpsel p4, v13, v19  }
0x1aa: {  	[tilespmem:v59+s11+$0x0] =	vst.idx.msk $0xffff, v13  }
0x1ab: {  	v19 =	vld.idx.msk [tilespmem:v60+s2+$0x0], $0xffff;
	_ =	sdelay $0x1  }
0x1ac: {  	v61 =	vor.u32 v6, v18  }
0x1ad: {  	v62 =	vor.u32 s28, v7;
	_ =	sdelay $0x1  }
0x1ae: {  	v63 =	vsel vm8, $0x0, v9;
	v12 =	vmax.f32 v12, v19  }
0x1af: {  	(xrf0) =	vadd.scan.msk.s32 $0xffff, v63;
	v12 =	vpsel p4, v12, v19  }
0x1b0: {  	[tilespmem:v61+s11+$0x0] =	vst.idx.msk $0xffff, v12  }
0x1b1: {  	v19 =	vld.idx.msk [tilespmem:v62+s2+$0x0], $0xffff;
	_ =	sdelay $0x1  }
0x1b2: {  	v24 =	vor.u32 v7, v18  }
0x1b3: {  	v25 =	vor.u32 s28, v8  }
0x1b4: {  	v22, _, _ =	vpop (xrf0)  }
0x1b5: {  	(v2sf) =	vpush v22, $0xF;
	v11 =	vmax.f32 v11, v19  }
0x1b6: {  	v11 =	vpsel p4, v11, v19  }
0x1b7: {  	[tilespmem:v24+s11+$0x0] =	vst.idx.msk $0xffff, v11  }
0x1b8: {  	v19 =	vld.idx.msk [tilespmem:v25+s2+$0x0], $0xffff;
	_ =	sdelay $0x1  }
0x1b9: {  	s30 =	sadd.s32 $0xFFFFFC80, s15;
	v18 =	vor.u32 v8, v18  }
0x1ba: {  	v26 =	vor.u32 s30, v0;
	_ =	sdelay $0x1  }
0x1bb: {  	v10 =	vmax.f32 v10, v19  }
0x1bc: {  	v10 =	vpsel p4, v10, v19  }
0x1bd: {  	[tilespmem:v18+s11+$0x0] =	vst.idx.msk $0xffff, v10;
	v18 =	vshll.u32 v22, v1  }
0x1be: {  	v19 =	vld.idx.msk [tilespmem:v26+s2+$0x0], $0xffff;
	v18 =	vbroadcast v18, $0xF;
	_ =	sdelay $0x1  }
0x1bf: {  	v27 =	vor.u32 v0, v18  }
0x1c0: {  	v28 =	vor.u32 s30, v2  }
0x1c1: {  	s31 =	spop (v2sf)  }
0x1c2: {  	p5 =	seq.s32 s31, s29;
	v17 =	vmax.f32 v17, v19  }
0x1c3: {  	v17 =	vpsel p5, v17, v19  }
0x1c4: {  	[tilespmem:v27+s11+$0x0] =	vst.idx.msk $0xffff, v17  }
0x1c5: {  	v19 =	vld.idx.msk [tilespmem:v28+s2+$0x0], $0xffff;
	_ =	sdelay $0x1  }
0x1c6: {  	v29 =	vor.u32 v2, v18  }
0x1c7: {  	v30 =	vor.u32 s30, v3;
	_ =	sdelay $0x1  }
0x1c8: {  	v16 =	vmax.f32 v16, v19  }
0x1c9: {  	v16 =	vpsel p5, v16, v19  }
0x1ca: {  	[tilespmem:v29+s11+$0x0] =	vst.idx.msk $0xffff, v16  }
0x1cb: {  	v19 =	vld.idx.msk [tilespmem:v30+s2+$0x0], $0xffff;
	_ =	sdelay $0x1  }
0x1cc: {  	v31 =	vor.u32 v3, v18  }
0x1cd: {  	v32 =	vor.u32 s30, v4;
	_ =	sdelay $0x1  }
0x1ce: {  	v15 =	vmax.f32 v15, v19  }
0x1cf: {  	v15 =	vpsel p5, v15, v19  }
0x1d0: {  	[tilespmem:v31+s11+$0x0] =	vst.idx.msk $0xffff, v15  }
0x1d1: {  	v19 =	vld.idx.msk [tilespmem:v32+s2+$0x0], $0xffff;
	_ =	sdelay $0x1  }
0x1d2: {  	v33 =	vor.u32 v4, v18  }
0x1d3: {  	v34 =	vor.u32 s30, v5;
	_ =	sdelay $0x1  }
0x1d4: {  	v14 =	vmax.f32 v14, v19  }
0x1d5: {  	v14 =	vpsel p5, v14, v19  }
0x1d6: {  	[tilespmem:v33+s11+$0x0] =	vst.idx.msk $0xffff, v14  }
0x1d7: {  	v19 =	vld.idx.msk [tilespmem:v34+s2+$0x0], $0xffff;
	_ =	sdelay $0x1  }
0x1d8: {  	v35 =	vor.u32 v5, v18  }
0x1d9: {  	v36 =	vor.u32 s30, v6;
	_ =	sdelay $0x1  }
0x1da: {  	v13 =	vmax.f32 v13, v19  }
0x1db: {  	v13 =	vpsel p5, v13, v19  }
0x1dc: {  	[tilespmem:v35+s11+$0x0] =	vst.idx.msk $0xffff, v13  }
0x1dd: {  	v19 =	vld.idx.msk [tilespmem:v36+s2+$0x0], $0xffff;
	_ =	sdelay $0x1  }
0x1de: {  	v37 =	vor.u32 v6, v18  }
0x1df: {  	v38 =	vor.u32 s30, v7;
	_ =	sdelay $0x1  }
0x1e0: {  	v39 =	vsel vm9, $0x0, v9;
	v12 =	vmax.f32 v12, v19  }
0x1e1: {  	(xrf0) =	vadd.scan.msk.s32 $0xffff, v39;
	v12 =	vpsel p5, v12, v19  }
0x1e2: {  	[tilespmem:v37+s11+$0x0] =	vst.idx.msk $0xffff, v12  }
0x1e3: {  	v19 =	vld.idx.msk [tilespmem:v38+s2+$0x0], $0xffff;
	_ =	sdelay $0x1  }
0x1e4: {  	v40 =	vor.u32 v7, v18  }
0x1e5: {  	v41 =	vor.u32 s30, v8  }
0x1e6: {  	v22, _, _ =	vpop (xrf0)  }
0x1e7: {  	(v2sf) =	vpush v22, $0xF;
	v11 =	vmax.f32 v11, v19  }
0x1e8: {  	v11 =	vpsel p5, v11, v19  }
0x1e9: {  	[tilespmem:v40+s11+$0x0] =	vst.idx.msk $0xffff, v11  }
0x1ea: {  	v19 =	vld.idx.msk [tilespmem:v41+s2+$0x0], $0xffff;
	_ =	sdelay $0x1  }
0x1eb: {  	s19 =	sadd.s32 $0xFFFFFD00, s15;
	v18 =	vor.u32 v8, v18  }
0x1ec: {  	v42 =	vor.u32 s19, v0;
	_ =	sdelay $0x1  }
0x1ed: {  	v10 =	vmax.f32 v10, v19  }
0x1ee: {  	v10 =	vpsel p5, v10, v19  }
0x1ef: {  	[tilespmem:v18+s11+$0x0] =	vst.idx.msk $0xffff, v10;
	v18 =	vshll.u32 v22, v1  }
0x1f0: {  	v19 =	vld.idx.msk [tilespmem:v42+s2+$0x0], $0xffff;
	v18 =	vbroadcast v18, $0xF;
	_ =	sdelay $0x1  }
0x1f1: {  	v43 =	vor.u32 v0, v18  }
0x1f2: {  	v44 =	vor.u32 s19, v2  }
0x1f3: {  	s20 =	spop (v2sf)  }
0x1f4: {  	p6 =	seq.s32 s20, s31;
	v17 =	vmax.f32 v17, v19  }
0x1f5: {  	v17 =	vpsel p6, v17, v19  }
0x1f6: {  	[tilespmem:v43+s11+$0x0] =	vst.idx.msk $0xffff, v17  }
0x1f7: {  	v19 =	vld.idx.msk [tilespmem:v44+s2+$0x0], $0xffff;
	_ =	sdelay $0x1  }
0x1f8: {  	v45 =	vor.u32 v2, v18  }
0x1f9: {  	v46 =	vor.u32 s19, v3;
	_ =	sdelay $0x1  }
0x1fa: {  	v16 =	vmax.f32 v16, v19  }
0x1fb: {  	v16 =	vpsel p6, v16, v19  }
0x1fc: {  	[tilespmem:v45+s11+$0x0] =	vst.idx.msk $0xffff, v16  }
0x1fd: {  	v19 =	vld.idx.msk [tilespmem:v46+s2+$0x0], $0xffff;
	_ =	sdelay $0x1  }
0x1fe: {  	v47 =	vor.u32 v3, v18  }
0x1ff: {  	v48 =	vor.u32 s19, v4;
	_ =	sdelay $0x1  }
0x200: {  	v15 =	vmax.f32 v15, v19  }
0x201: {  	v15 =	vpsel p6, v15, v19  }
0x202: {  	[tilespmem:v47+s11+$0x0] =	vst.idx.msk $0xffff, v15  }
0x203: {  	v19 =	vld.idx.msk [tilespmem:v48+s2+$0x0], $0xffff;
	_ =	sdelay $0x1  }
0x204: {  	v49 =	vor.u32 v4, v18  }
0x205: {  	v50 =	vor.u32 s19, v5;
	_ =	sdelay $0x1  }
0x206: {  	v14 =	vmax.f32 v14, v19  }
0x207: {  	v14 =	vpsel p6, v14, v19  }
0x208: {  	[tilespmem:v49+s11+$0x0] =	vst.idx.msk $0xffff, v14  }
0x209: {  	v19 =	vld.idx.msk [tilespmem:v50+s2+$0x0], $0xffff;
	_ =	sdelay $0x1  }
0x20a: {  	v51 =	vor.u32 v5, v18  }
0x20b: {  	v52 =	vor.u32 s19, v6;
	_ =	sdelay $0x1  }
0x20c: {  	v13 =	vmax.f32 v13, v19  }
0x20d: {  	v13 =	vpsel p6, v13, v19  }
0x20e: {  	[tilespmem:v51+s11+$0x0] =	vst.idx.msk $0xffff, v13  }
0x20f: {  	v19 =	vld.idx.msk [tilespmem:v52+s2+$0x0], $0xffff;
	_ =	sdelay $0x1  }
0x210: {  	v53 =	vor.u32 v6, v18  }
0x211: {  	v54 =	vor.u32 s19, v7;
	_ =	sdelay $0x1  }
0x212: {  	v55 =	vsel vm10, $0x0, v9;
	v12 =	vmax.f32 v12, v19  }
0x213: {  	(xrf0) =	vadd.scan.msk.s32 $0xffff, v55;
	v12 =	vpsel p6, v12, v19  }
0x214: {  	[tilespmem:v53+s11+$0x0] =	vst.idx.msk $0xffff, v12  }
0x215: {  	v19 =	vld.idx.msk [tilespmem:v54+s2+$0x0], $0xffff;
	_ =	sdelay $0x1  }
0x216: {  	v56 =	vor.u32 v7, v18  }
0x217: {  	v57 =	vor.u32 s19, v8  }
0x218: {  	v22, _, _ =	vpop (xrf0)  }
0x219: {  	(v2sf) =	vpush v22, $0xF;
	v11 =	vmax.f32 v11, v19  }
0x21a: {  	v11 =	vpsel p6, v11, v19  }
0x21b: {  	[tilespmem:v56+s11+$0x0] =	vst.idx.msk $0xffff, v11  }
0x21c: {  	v19 =	vld.idx.msk [tilespmem:v57+s2+$0x0], $0xffff;
	_ =	sdelay $0x1  }
0x21d: {  	s21 =	sadd.s32 $0xFFFFFD80, s15;
	v18 =	vor.u32 v8, v18  }
0x21e: {  	v58 =	vor.u32 s21, v0;
	_ =	sdelay $0x1  }
0x21f: {  	v10 =	vmax.f32 v10, v19  }
0x220: {  	v10 =	vpsel p6, v10, v19  }
0x221: {  	[tilespmem:v18+s11+$0x0] =	vst.idx.msk $0xffff, v10;
	v18 =	vshll.u32 v22, v1  }
0x222: {  	v19 =	vld.idx.msk [tilespmem:v58+s2+$0x0], $0xffff;
	v18 =	vbroadcast v18, $0xF;
	_ =	sdelay $0x1  }
0x223: {  	v59 =	vor.u32 v0, v18  }
0x224: {  	v60 =	vor.u32 s21, v2  }
0x225: {  	s22 =	spop (v2sf)  }
0x226: {  	p1 =	seq.s32 s22, s20;
	v17 =	vmax.f32 v17, v19  }
0x227: {  	v17 =	vpsel p1, v17, v19  }
0x228: {  	[tilespmem:v59+s11+$0x0] =	vst.idx.msk $0xffff, v17  }
0x229: {  	v19 =	vld.idx.msk [tilespmem:v60+s2+$0x0], $0xffff;
	_ =	sdelay $0x1  }
0x22a: {  	v61 =	vor.u32 v2, v18  }
0x22b: {  	v62 =	vor.u32 s21, v3;
	_ =	sdelay $0x1  }
0x22c: {  	v16 =	vmax.f32 v16, v19  }
0x22d: {  	v16 =	vpsel p1, v16, v19  }
0x22e: {  	[tilespmem:v61+s11+$0x0] =	vst.idx.msk $0xffff, v16  }
0x22f: {  	v19 =	vld.idx.msk [tilespmem:v62+s2+$0x0], $0xffff;
	_ =	sdelay $0x1  }
0x230: {  	v63 =	vor.u32 v3, v18  }
0x231: {  	v24 =	vor.u32 s21, v4;
	_ =	sdelay $0x1  }
0x232: {  	v15 =	vmax.f32 v15, v19  }
0x233: {  	v15 =	vpsel p1, v15, v19  }
0x234: {  	[tilespmem:v63+s11+$0x0] =	vst.idx.msk $0xffff, v15  }
0x235: {  	v19 =	vld.idx.msk [tilespmem:v24+s2+$0x0], $0xffff;
	_ =	sdelay $0x1  }
0x236: {  	v25 =	vor.u32 v4, v18  }
0x237: {  	v26 =	vor.u32 s21, v5;
	_ =	sdelay $0x1  }
0x238: {  	v14 =	vmax.f32 v14, v19  }
0x239: {  	v14 =	vpsel p1, v14, v19  }
0x23a: {  	[tilespmem:v25+s11+$0x0] =	vst.idx.msk $0xffff, v14  }
0x23b: {  	v19 =	vld.idx.msk [tilespmem:v26+s2+$0x0], $0xffff;
	_ =	sdelay $0x1  }
0x23c: {  	v27 =	vor.u32 v5, v18  }
0x23d: {  	v28 =	vor.u32 s21, v6;
	_ =	sdelay $0x1  }
0x23e: {  	v13 =	vmax.f32 v13, v19  }
0x23f: {  	v13 =	vpsel p1, v13, v19  }
0x240: {  	[tilespmem:v27+s11+$0x0] =	vst.idx.msk $0xffff, v13  }
0x241: {  	v19 =	vld.idx.msk [tilespmem:v28+s2+$0x0], $0xffff;
	_ =	sdelay $0x1  }
0x242: {  	v29 =	vor.u32 v6, v18  }
0x243: {  	v30 =	vor.u32 s21, v7;
	_ =	sdelay $0x1  }
0x244: {  	v31 =	vsel vm11, $0x0, v9;
	v12 =	vmax.f32 v12, v19  }
0x245: {  	(xrf0) =	vadd.scan.msk.s32 $0xffff, v31;
	v12 =	vpsel p1, v12, v19  }
0x246: {  	[tilespmem:v29+s11+$0x0] =	vst.idx.msk $0xffff, v12  }
0x247: {  	v19 =	vld.idx.msk [tilespmem:v30+s2+$0x0], $0xffff;
	_ =	sdelay $0x1  }
0x248: {  	v32 =	vor.u32 v7, v18  }
0x249: {  	v33 =	vor.u32 s21, v8  }
0x24a: {  	v22, _, _ =	vpop (xrf0)  }
0x24b: {  	(v2sf) =	vpush v22, $0xF;
	v11 =	vmax.f32 v11, v19  }
0x24c: {  	v11 =	vpsel p1, v11, v19  }
0x24d: {  	[tilespmem:v32+s11+$0x0] =	vst.idx.msk $0xffff, v11  }
0x24e: {  	v19 =	vld.idx.msk [tilespmem:v33+s2+$0x0], $0xffff;
	_ =	sdelay $0x1  }
0x24f: {  	s23 =	sadd.s32 $0xFFFFFE00, s15;
	v18 =	vor.u32 v8, v18  }
0x250: {  	v34 =	vor.u32 s23, v0;
	_ =	sdelay $0x1  }
0x251: {  	v10 =	vmax.f32 v10, v19  }
0x252: {  	v10 =	vpsel p1, v10, v19  }
0x253: {  	[tilespmem:v18+s11+$0x0] =	vst.idx.msk $0xffff, v10;
	v18 =	vshll.u32 v22, v1  }
0x254: {  	v19 =	vld.idx.msk [tilespmem:v34+s2+$0x0], $0xffff;
	v18 =	vbroadcast v18, $0xF;
	_ =	sdelay $0x1  }
0x255: {  	v35 =	vor.u32 v0, v18  }
0x256: {  	v36 =	vor.u32 s23, v2  }
0x257: {  	s24 =	spop (v2sf)  }
0x258: {  	p2 =	seq.s32 s24, s22;
	v17 =	vmax.f32 v17, v19  }
0x259: {  	v17 =	vpsel p2, v17, v19  }
0x25a: {  	[tilespmem:v35+s11+$0x0] =	vst.idx.msk $0xffff, v17  }
0x25b: {  	v19 =	vld.idx.msk [tilespmem:v36+s2+$0x0], $0xffff;
	_ =	sdelay $0x1  }
0x25c: {  	v37 =	vor.u32 v2, v18  }
0x25d: {  	v38 =	vor.u32 s23, v3;
	_ =	sdelay $0x1  }
0x25e: {  	v16 =	vmax.f32 v16, v19  }
0x25f: {  	v16 =	vpsel p2, v16, v19  }
0x260: {  	[tilespmem:v37+s11+$0x0] =	vst.idx.msk $0xffff, v16  }
0x261: {  	v19 =	vld.idx.msk [tilespmem:v38+s2+$0x0], $0xffff;
	_ =	sdelay $0x1  }
0x262: {  	v39 =	vor.u32 v3, v18  }
0x263: {  	v40 =	vor.u32 s23, v4;
	_ =	sdelay $0x1  }
0x264: {  	v15 =	vmax.f32 v15, v19  }
0x265: {  	v15 =	vpsel p2, v15, v19  }
0x266: {  	[tilespmem:v39+s11+$0x0] =	vst.idx.msk $0xffff, v15  }
0x267: {  	v19 =	vld.idx.msk [tilespmem:v40+s2+$0x0], $0xffff;
	_ =	sdelay $0x1  }
0x268: {  	v41 =	vor.u32 v4, v18  }
0x269: {  	v42 =	vor.u32 s23, v5;
	_ =	sdelay $0x1  }
0x26a: {  	v14 =	vmax.f32 v14, v19  }
0x26b: {  	v14 =	vpsel p2, v14, v19  }
0x26c: {  	[tilespmem:v41+s11+$0x0] =	vst.idx.msk $0xffff, v14  }
0x26d: {  	v19 =	vld.idx.msk [tilespmem:v42+s2+$0x0], $0xffff;
	_ =	sdelay $0x1  }
0x26e: {  	v43 =	vor.u32 v5, v18  }
0x26f: {  	v44 =	vor.u32 s23, v6;
	_ =	sdelay $0x1  }
0x270: {  	v13 =	vmax.f32 v13, v19  }
0x271: {  	v13 =	vpsel p2, v13, v19  }
0x272: {  	[tilespmem:v43+s11+$0x0] =	vst.idx.msk $0xffff, v13  }
0x273: {  	v19 =	vld.idx.msk [tilespmem:v44+s2+$0x0], $0xffff;
	_ =	sdelay $0x1  }
0x274: {  	v45 =	vor.u32 v6, v18  }
0x275: {  	v46 =	vor.u32 s23, v7;
	_ =	sdelay $0x1  }
0x276: {  	v47 =	vsel vm12, $0x0, v9;
	v12 =	vmax.f32 v12, v19  }
0x277: {  	(xrf0) =	vadd.scan.msk.s32 $0xffff, v47;
	v12 =	vpsel p2, v12, v19  }
0x278: {  	[tilespmem:v45+s11+$0x0] =	vst.idx.msk $0xffff, v12  }
0x279: {  	v19 =	vld.idx.msk [tilespmem:v46+s2+$0x0], $0xffff;
	_ =	sdelay $0x1  }
0x27a: {  	v48 =	vor.u32 v7, v18  }
0x27b: {  	v49 =	vor.u32 s23, v8  }
0x27c: {  	v22, _, _ =	vpop (xrf0)  }
0x27d: {  	(v2sf) =	vpush v22, $0xF;
	v11 =	vmax.f32 v11, v19  }
0x27e: {  	v11 =	vpsel p2, v11, v19  }
0x27f: {  	[tilespmem:v48+s11+$0x0] =	vst.idx.msk $0xffff, v11  }
0x280: {  	v19 =	vld.idx.msk [tilespmem:v49+s2+$0x0], $0xffff;
	_ =	sdelay $0x1  }
0x281: {  	s25 =	sadd.s32 $0xFFFFFE80, s15;
	v18 =	vor.u32 v8, v18  }
0x282: {  	v50 =	vor.u32 s25, v0;
	_ =	sdelay $0x1  }
0x283: {  	v10 =	vmax.f32 v10, v19  }
0x284: {  	v10 =	vpsel p2, v10, v19  }
0x285: {  	[tilespmem:v18+s11+$0x0] =	vst.idx.msk $0xffff, v10;
	v18 =	vshll.u32 v22, v1  }
0x286: {  	v19 =	vld.idx.msk [tilespmem:v50+s2+$0x0], $0xffff;
	v18 =	vbroadcast v18, $0xF;
	_ =	sdelay $0x1  }
0x287: {  	v51 =	vor.u32 v0, v18  }
0x288: {  	v52 =	vor.u32 s25, v2  }
0x289: {  	s26 =	spop (v2sf)  }
0x28a: {  	p3 =	seq.s32 s26, s24;
	v17 =	vmax.f32 v17, v19  }
0x28b: {  	v17 =	vpsel p3, v17, v19  }
0x28c: {  	[tilespmem:v51+s11+$0x0] =	vst.idx.msk $0xffff, v17  }
0x28d: {  	v19 =	vld.idx.msk [tilespmem:v52+s2+$0x0], $0xffff;
	_ =	sdelay $0x1  }
0x28e: {  	v53 =	vor.u32 v2, v18  }
0x28f: {  	v54 =	vor.u32 s25, v3;
	_ =	sdelay $0x1  }
0x290: {  	v16 =	vmax.f32 v16, v19  }
0x291: {  	v16 =	vpsel p3, v16, v19  }
0x292: {  	[tilespmem:v53+s11+$0x0] =	vst.idx.msk $0xffff, v16  }
0x293: {  	v19 =	vld.idx.msk [tilespmem:v54+s2+$0x0], $0xffff;
	_ =	sdelay $0x1  }
0x294: {  	v55 =	vor.u32 v3, v18  }
0x295: {  	v56 =	vor.u32 s25, v4;
	_ =	sdelay $0x1  }
0x296: {  	v15 =	vmax.f32 v15, v19  }
0x297: {  	v15 =	vpsel p3, v15, v19  }
0x298: {  	[tilespmem:v55+s11+$0x0] =	vst.idx.msk $0xffff, v15  }
0x299: {  	v19 =	vld.idx.msk [tilespmem:v56+s2+$0x0], $0xffff;
	_ =	sdelay $0x1  }
0x29a: {  	v57 =	vor.u32 v4, v18  }
0x29b: {  	v58 =	vor.u32 s25, v5;
	_ =	sdelay $0x1  }
0x29c: {  	v14 =	vmax.f32 v14, v19  }
0x29d: {  	v14 =	vpsel p3, v14, v19  }
0x29e: {  	[tilespmem:v57+s11+$0x0] =	vst.idx.msk $0xffff, v14  }
0x29f: {  	v19 =	vld.idx.msk [tilespmem:v58+s2+$0x0], $0xffff;
	_ =	sdelay $0x1  }
0x2a0: {  	v59 =	vor.u32 v5, v18  }
0x2a1: {  	v60 =	vor.u32 s25, v6;
	_ =	sdelay $0x1  }
0x2a2: {  	v13 =	vmax.f32 v13, v19  }
0x2a3: {  	v13 =	vpsel p3, v13, v19  }
0x2a4: {  	[tilespmem:v59+s11+$0x0] =	vst.idx.msk $0xffff, v13  }
0x2a5: {  	v19 =	vld.idx.msk [tilespmem:v60+s2+$0x0], $0xffff;
	_ =	sdelay $0x1  }
0x2a6: {  	v61 =	vor.u32 v6, v18  }
0x2a7: {  	v62 =	vor.u32 s25, v7;
	_ =	sdelay $0x1  }
0x2a8: {  	v63 =	vsel vm13, $0x0, v9;
	v12 =	vmax.f32 v12, v19  }
0x2a9: {  	(xrf0) =	vadd.scan.msk.s32 $0xffff, v63;
	v12 =	vpsel p3, v12, v19  }
0x2aa: {  	[tilespmem:v61+s11+$0x0] =	vst.idx.msk $0xffff, v12  }
0x2ab: {  	v19 =	vld.idx.msk [tilespmem:v62+s2+$0x0], $0xffff;
	_ =	sdelay $0x1  }
0x2ac: {  	v24 =	vor.u32 v7, v18  }
0x2ad: {  	v25 =	vor.u32 s25, v8  }
0x2ae: {  	v22, _, _ =	vpop (xrf0)  }
0x2af: {  	(v2sf) =	vpush v22, $0xF;
	v11 =	vmax.f32 v11, v19  }
0x2b0: {  	v11 =	vpsel p3, v11, v19  }
0x2b1: {  	[tilespmem:v24+s11+$0x0] =	vst.idx.msk $0xffff, v11  }
0x2b2: {  	v19 =	vld.idx.msk [tilespmem:v25+s2+$0x0], $0xffff;
	_ =	sdelay $0x1  }
0x2b3: {  	s28 =	sadd.s32 $0xFFFFFF00, s15;
	v18 =	vor.u32 v8, v18  }
0x2b4: {  	v26 =	vor.u32 s28, v0;
	_ =	sdelay $0x1  }
0x2b5: {  	v10 =	vmax.f32 v10, v19  }
0x2b6: {  	v10 =	vpsel p3, v10, v19  }
0x2b7: {  	[tilespmem:v18+s11+$0x0] =	vst.idx.msk $0xffff, v10;
	v18 =	vshll.u32 v22, v1  }
0x2b8: {  	v19 =	vld.idx.msk [tilespmem:v26+s2+$0x0], $0xffff;
	v18 =	vbroadcast v18, $0xF;
	_ =	sdelay $0x1  }
0x2b9: {  	v27 =	vor.u32 v0, v18  }
0x2ba: {  	v28 =	vor.u32 s28, v2  }
0x2bb: {  	s29 =	spop (v2sf)  }
0x2bc: {  	p4 =	seq.s32 s29, s26;
	v17 =	vmax.f32 v17, v19  }
0x2bd: {  	v17 =	vpsel p4, v17, v19  }
0x2be: {  	[tilespmem:v27+s11+$0x0] =	vst.idx.msk $0xffff, v17  }
0x2bf: {  	v19 =	vld.idx.msk [tilespmem:v28+s2+$0x0], $0xffff;
	_ =	sdelay $0x1  }
0x2c0: {  	v29 =	vor.u32 v2, v18  }
0x2c1: {  	v30 =	vor.u32 s28, v3;
	_ =	sdelay $0x1  }
0x2c2: {  	v16 =	vmax.f32 v16, v19  }
0x2c3: {  	v16 =	vpsel p4, v16, v19  }
0x2c4: {  	[tilespmem:v29+s11+$0x0] =	vst.idx.msk $0xffff, v16  }
0x2c5: {  	v19 =	vld.idx.msk [tilespmem:v30+s2+$0x0], $0xffff;
	_ =	sdelay $0x1  }
0x2c6: {  	v31 =	vor.u32 v3, v18  }
0x2c7: {  	v32 =	vor.u32 s28, v4;
	_ =	sdelay $0x1  }
0x2c8: {  	v15 =	vmax.f32 v15, v19  }
0x2c9: {  	v15 =	vpsel p4, v15, v19  }
0x2ca: {  	[tilespmem:v31+s11+$0x0] =	vst.idx.msk $0xffff, v15  }
0x2cb: {  	v19 =	vld.idx.msk [tilespmem:v32+s2+$0x0], $0xffff;
	_ =	sdelay $0x1  }
0x2cc: {  	v33 =	vor.u32 v4, v18  }
0x2cd: {  	v34 =	vor.u32 s28, v5;
	_ =	sdelay $0x1  }
0x2ce: {  	v14 =	vmax.f32 v14, v19  }
0x2cf: {  	v14 =	vpsel p4, v14, v19  }
0x2d0: {  	[tilespmem:v33+s11+$0x0] =	vst.idx.msk $0xffff, v14  }
0x2d1: {  	v19 =	vld.idx.msk [tilespmem:v34+s2+$0x0], $0xffff;
	_ =	sdelay $0x1  }
0x2d2: {  	v35 =	vor.u32 v5, v18  }
0x2d3: {  	v36 =	vor.u32 s28, v6;
	_ =	sdelay $0x1  }
0x2d4: {  	v13 =	vmax.f32 v13, v19  }
0x2d5: {  	v13 =	vpsel p4, v13, v19  }
0x2d6: {  	[tilespmem:v35+s11+$0x0] =	vst.idx.msk $0xffff, v13  }
0x2d7: {  	v19 =	vld.idx.msk [tilespmem:v36+s2+$0x0], $0xffff;
	_ =	sdelay $0x1  }
0x2d8: {  	v37 =	vor.u32 v6, v18  }
0x2d9: {  	v38 =	vor.u32 s28, v7;
	_ =	sdelay $0x1  }
0x2da: {  	v39 =	vsel vm14, $0x0, v9;
	v12 =	vmax.f32 v12, v19  }
0x2db: {  	(xrf0) =	vadd.scan.msk.s32 $0xffff, v39;
	v12 =	vpsel p4, v12, v19  }
0x2dc: {  	[tilespmem:v37+s11+$0x0] =	vst.idx.msk $0xffff, v12  }
0x2dd: {  	v19 =	vld.idx.msk [tilespmem:v38+s2+$0x0], $0xffff;
	_ =	sdelay $0x1  }
0x2de: {  	v40 =	vor.u32 v7, v18  }
0x2df: {  	v41 =	vor.u32 s28, v8  }
0x2e0: {  	v22, _, _ =	vpop (xrf0)  }
0x2e1: {  	(v2sf) =	vpush v22, $0xF;
	v11 =	vmax.f32 v11, v19  }
0x2e2: {  	v11 =	vpsel p4, v11, v19  }
0x2e3: {  	[tilespmem:v40+s11+$0x0] =	vst.idx.msk $0xffff, v11  }
0x2e4: {  	v19 =	vld.idx.msk [tilespmem:v41+s2+$0x0], $0xffff;
	_ =	sdelay $0x1  }
0x2e5: {  	s30 =	sadd.s32 $0xFFFFFF80, s15;
	v18 =	vor.u32 v8, v18  }
0x2e6: {  	v42 =	vor.u32 s30, v0;
	_ =	sdelay $0x1  }
0x2e7: {  	v10 =	vmax.f32 v10, v19  }
0x2e8: {  	v10 =	vpsel p4, v10, v19  }
0x2e9: {  	[tilespmem:v18+s11+$0x0] =	vst.idx.msk $0xffff, v10;
	v18 =	vshll.u32 v22, v1  }
0x2ea: {  	v19 =	vld.idx.msk [tilespmem:v42+s2+$0x0], $0xffff;
	v18 =	vbroadcast v18, $0xF;
	_ =	sdelay $0x1  }
0x2eb: {  	v43 =	vor.u32 v0, v18  }
0x2ec: {  	v44 =	vor.u32 s30, v2  }
0x2ed: {  	s31 =	spop (v2sf)  }
0x2ee: {  	p5 =	seq.s32 s31, s29;
	v17 =	vmax.f32 v17, v19  }
0x2ef: {  	v17 =	vpsel p5, v17, v19  }
0x2f0: {  	[tilespmem:v43+s11+$0x0] =	vst.idx.msk $0xffff, v17  }
0x2f1: {  	v19 =	vld.idx.msk [tilespmem:v44+s2+$0x0], $0xffff;
	_ =	sdelay $0x1  }
0x2f2: {  	v45 =	vor.u32 v2, v18  }
0x2f3: {  	v46 =	vor.u32 s30, v3;
	_ =	sdelay $0x1  }
0x2f4: {  	v16 =	vmax.f32 v16, v19  }
0x2f5: {  	v16 =	vpsel p5, v16, v19  }
0x2f6: {  	[tilespmem:v45+s11+$0x0] =	vst.idx.msk $0xffff, v16  }
0x2f7: {  	v19 =	vld.idx.msk [tilespmem:v46+s2+$0x0], $0xffff;
	_ =	sdelay $0x1  }
0x2f8: {  	v47 =	vor.u32 v3, v18  }
0x2f9: {  	v48 =	vor.u32 s30, v4;
	_ =	sdelay $0x1  }
0x2fa: {  	v15 =	vmax.f32 v15, v19  }
0x2fb: {  	v15 =	vpsel p5, v15, v19  }
0x2fc: {  	[tilespmem:v47+s11+$0x0] =	vst.idx.msk $0xffff, v15  }
0x2fd: {  	v19 =	vld.idx.msk [tilespmem:v48+s2+$0x0], $0xffff;
	_ =	sdelay $0x1  }
0x2fe: {  	v49 =	vor.u32 v4, v18  }
0x2ff: {  	v50 =	vor.u32 s30, v5;
	_ =	sdelay $0x1  }
0x300: {  	v14 =	vmax.f32 v14, v19  }
0x301: {  	v14 =	vpsel p5, v14, v19  }
0x302: {  	[tilespmem:v49+s11+$0x0] =	vst.idx.msk $0xffff, v14  }
0x303: {  	v19 =	vld.idx.msk [tilespmem:v50+s2+$0x0], $0xffff;
	_ =	sdelay $0x1  }
0x304: {  	v51 =	vor.u32 v5, v18  }
0x305: {  	v52 =	vor.u32 s30, v6;
	_ =	sdelay $0x1  }
0x306: {  	v13 =	vmax.f32 v13, v19  }
0x307: {  	v13 =	vpsel p5, v13, v19  }
0x308: {  	[tilespmem:v51+s11+$0x0] =	vst.idx.msk $0xffff, v13  }
0x309: {  	v19 =	vld.idx.msk [tilespmem:v52+s2+$0x0], $0xffff;
	_ =	sdelay $0x1  }
0x30a: {  	v53 =	vor.u32 v6, v18  }
0x30b: {  	v54 =	vor.u32 s30, v7;
	_ =	sdelay $0x1  }
0x30c: {  	v9 =	vsel vm15, $0x0, v9;
	v12 =	vmax.f32 v12, v19  }
0x30d: {  	(xrf0) =	vadd.scan.msk.s32 $0xffff, v9;
	v12 =	vpsel p5, v12, v19  }
0x30e: {  	[tilespmem:v53+s11+$0x0] =	vst.idx.msk $0xffff, v12  }
0x30f: {  	v9 =	vld.idx.msk [tilespmem:v54+s2+$0x0], $0xffff;
	_ =	sdelay $0x1  }
0x310: {  	v19 =	vor.u32 v7, v18  }
0x311: {  	v55 =	vor.u32 s30, v8  }
0x312: {  	v56, _, _ =	vpop (xrf0)  }
0x313: {  	(v2sf) =	vpush v56, $0xF;
	v11 =	vmax.f32 v11, v9  }
0x314: {  	v9 =	vpsel p5, v11, v9  }
0x315: {  	[tilespmem:v19+s11+$0x0] =	vst.idx.msk $0xffff, v9  }
0x316: {  	v11 =	vld.idx.msk [tilespmem:v55+s2+$0x0], $0xffff;
	_ =	sdelay $0x1  }
0x317: {  	v18 =	vor.u32 v8, v18  }
0x318: {  	v19 =	vor.u32 s15, v0;
	_ =	sdelay $0x1  }
0x319: {  	v10 =	vmax.f32 v10, v11  }
0x31a: {  	v10 =	vpsel p5, v10, v11  }
0x31b: {  	v11 =	vshll.u32 v56, v1;
	[tilespmem:v18+s11+$0x0] =	vst.idx.msk $0xffff, v10  }
0x31c: {  	v18 =	vld.idx.msk [tilespmem:v19+s2+$0x0], $0xffff;
	v19 =	vbroadcast v11, $0xF;
	_ =	sdelay $0x1  }
0x31d: {  	v11 =	vor.u32 v0, v19  }
0x31e: {  	v57 =	vor.u32 s15, v2  }
0x31f: {  	s16 =	spop (v2sf)  }
0x320: {  	p6 =	seq.s32 s16, s31;
	v17 =	vmax.f32 v17, v18  }
0x321: {  	v17 =	vpsel p6, v17, v18  }
0x322: {  	[tilespmem:v11+s11+$0x0] =	vst.idx.msk $0xffff, v17  }
0x323: {  	v11 =	vld.idx.msk [tilespmem:v57+s2+$0x0], $0xffff;
	_ =	sdelay $0x1  }
0x324: {  	v18 =	vor.u32 v2, v19  }
0x325: {  	v58 =	vor.u32 s15, v3;
	_ =	sdelay $0x1  }
0x326: {  	v16 =	vmax.f32 v16, v11  }
0x327: {  	v16 =	vpsel p6, v16, v11  }
0x328: {  	[tilespmem:v18+s11+$0x0] =	vst.idx.msk $0xffff, v16  }
0x329: {  	v11 =	vld.idx.msk [tilespmem:v58+s2+$0x0], $0xffff;
	_ =	sdelay $0x1  }
0x32a: {  	v18 =	vor.u32 v3, v19  }
0x32b: {  	v59 =	vor.u32 s15, v4;
	_ =	sdelay $0x1  }
0x32c: {  	v15 =	vmax.f32 v15, v11  }
0x32d: {  	v15 =	vpsel p6, v15, v11  }
0x32e: {  	[tilespmem:v18+s11+$0x0] =	vst.idx.msk $0xffff, v15  }
0x32f: {  	v11 =	vld.idx.msk [tilespmem:v59+s2+$0x0], $0xffff;
	_ =	sdelay $0x1  }
0x330: {  	v18 =	vor.u32 v4, v19  }
0x331: {  	v60 =	vor.u32 s15, v5;
	_ =	sdelay $0x1  }
0x332: {  	v14 =	vmax.f32 v14, v11  }
0x333: {  	v14 =	vpsel p6, v14, v11  }
0x334: {  	[tilespmem:v18+s11+$0x0] =	vst.idx.msk $0xffff, v14  }
0x335: {  	v11 =	vld.idx.msk [tilespmem:v60+s2+$0x0], $0xffff;
	_ =	sdelay $0x1  }
0x336: {  	v18 =	vor.u32 v5, v19  }
0x337: {  	v61 =	vor.u32 s15, v6;
	_ =	sdelay $0x1  }
0x338: {  	v13 =	vmax.f32 v13, v11  }
0x339: {  	v13 =	vpsel p6, v13, v11  }
0x33a: {  	[tilespmem:v18+s11+$0x0] =	vst.idx.msk $0xffff, v13  }
0x33b: {  	v11 =	vld.idx.msk [tilespmem:v61+s2+$0x0], $0xffff;
	_ =	sdelay $0x1  }
0x33c: {  	v18 =	vor.u32 v6, v19  }
0x33d: {  	v62 =	vor.u32 s15, v7;
	_ =	sdelay $0x1  }
0x33e: {  	v12 =	vmax.f32 v12, v11  }
0x33f: {  	v12 =	vpsel p6, v12, v11  }
0x340: {  	[tilespmem:v18+s11+$0x0] =	vst.idx.msk $0xffff, v12  }
0x341: {  	v11 =	vld.idx.msk [tilespmem:v62+s2+$0x0], $0xffff;
	_ =	sdelay $0x1  }
0x342: {  	v18 =	vor.u32 v7, v19  }
0x343: {  	v63 =	vor.u32 s15, v8;
	_ =	sdelay $0x1  }
0x344: {  	v9 =	vmax.f32 v9, v11  }
0x345: {  	v11 =	vpsel p6, v9, v11  }
0x346: {  	[tilespmem:v18+s11+$0x0] =	vst.idx.msk $0xffff, v11  }
0x347: {  	v9 =	vld.idx.msk [tilespmem:v63+s2+$0x0], $0xffff;
	_ =	sdelay $0x1  }
0x348: {  	p0 =	sne.s32 s13, $0x13F;
	v18 =	vor.u32 v8, v19  }
.Ltmp1:
0x349: {  	_ = 	snop;
	(pc) =	sbr.rel @p0 .LBB2_4-.Ltmp1, $4  }
0x34a: {  	_ = 	snop  }
0x34b: {  	v10 =	vmax.f32 v10, v9  }
0x34c: {  	v10 =	vpsel p6, v10, v9  }
0x34d: {  	s14 =	sadd.s32 $0x10, s14;
	s13 =	sadd.s32 $0x10, s13;
	[tilespmem:v18+s11+$0x0] =	vst.idx.msk $0xffff, v10  }
0x34e: {  	s12 =	sadd.s32 $0x1, s12  }
0x34f: {  	p0 =	sne.s32 s12, s6  }
.Ltmp2:
0x350: {  	_ = 	snop;
	(pc) =	sbr.rel @p0 .LBB2_1-.Ltmp2, $4  }
0x351: {  	[hbm4b:s5+s2] =	stream.linear.scatter [tilespmem:s11], [sflag:$0x1], $0x8000, $0x38;
	[tilespmem:$0x12180] =	vst v63  }
0x352: {  	_ =	swait.ge [sflag:s7], $0x8000  }
0x353: {  	[sflag:s7] =	ssyncset.done $0x0  }
0x354: {  	[sflag:s7] =	ssyncadd.s32 $0xFFFF8000  }
0x355: {  	_ =	sfence.sel $0x180000  }
0x356: {  	[bflag:$0x0] =	sbarrier.arrive $0xFFFF  }
0x357: {  	p0 =	sne.s32 s0, $0x0;
	_ =	strace $0x90000050  }
0x358: {  	s0 =	sadd.s32 @!p0 $0x100000, s1;
	[bflag:$0x2] =	sbarrier.arrive $0xFFFF  }
0x359: {  	[sflag:s0] =	ssyncadd.tile.s32 @!p0 $0x1;
	_ =	shalt  }
.Lfunc_end2:
_tile_overlayer_lowered:
.L_overlay_start_2:
0x35a: {  	(tag) =	ssettag $0x2  }
0x35b: {  	s0 =	rddreg [dreg:$0x0];
	s2 =	stileid.u32  }
0x35c: {  	s1 =	rddreg [dreg:$0x1];
	p0 =	sne.s32 s2, $0x0  }
0x35d: {  	s3 =	rddreg [dreg:$0x2];
	[bflag:$0x3] =	sbarrier.arrive $0xFFFF;
	s2 =	simm.s32 @!p0 $0x1C01  }
0x35e: {  	[timem:s3], [sflag:s2] =	dma.local @!p0 [hbm:s0], s1  }
0x35f: {  	s0 =	simm.s32 @!p0 $0x1  }
0x360: {  	_ =	swait.ge @!p0 [sflag:s0], s1  }
0x361: {  	s1 =	ssub.s32 @!p0 $0x0, s1;
	[sflag:s0] =	ssyncset.done @!p0 $0x0  }
0x362: {  	[sflag:s0] =	ssyncadd.s32 @!p0 s1  }
0x363: {  	[bflag:$0x3] =	sbarrier.arrive $0xFFFF  }
0x364: {  	_ =	shalt  }

</sc_bundles>
